<compile_context>
chip_gen: v7x
topology: tpu7x:2x2x1
jax: 0.10.2.dev20260603
libtpu: 0.0.44.dev20260713+nightly
codegen_flags: <defaults>
</compile_context>

<pallas_src>
import functools

import jax
import jax.numpy as jnp
from jax import lax
from jax.experimental import pallas as pl
from jax.experimental.pallas import tpu as pltpu
from jax.experimental.pallas import tpu_sc as plsc

VOCAB = 100000
EMBED = 64
HIDDEN = 256
NUM_CLASSES = 10
PAD = VOCAB - 1
BATCH = 1024
SEQ = 200
N = BATCH * SEQ

NW = 32
NSPLIT = 2
NT = N // NSPLIT
NPAIR = NT // 2
CP = 64

BT = 4096
BP = BT // 2


def _sc_gather(idx_vec, table, tok0):
    mesh = plsc.VectorSubcoreMesh(core_axis_name="c", subcore_axis_name="s")
    row_ty = jax.ShapeDtypeStruct((NPAIR, 2 * EMBED), jnp.float32)
    per_w = NPAIR // NW
    n_chunks = per_w // CP
    assert per_w % CP == 0

    @functools.partial(
        pl.kernel,
        mesh=mesh,
        out_type=row_ty,
        compiler_params=pltpu.CompilerParams(
            use_tc_tiling_on_sc=False, needs_layout_passes=False),
        scratch_types=[
            pltpu.VMEM((2 * CP,), jnp.int32),
            pltpu.VMEM((2 * CP,), jnp.int32),
            pltpu.VMEM((2 * CP, EMBED), jnp.float32),
            pltpu.VMEM((2 * CP, EMBED), jnp.float32),
            pltpu.SemaphoreType.DMA,
            pltpu.SemaphoreType.DMA,
        ],
    )
    def gather_kernel(ixs, tbl, out,
                      idx0, idx1, rows0, rows1, sem0, sem1):
        info = plsc.get_sparse_core_info()
        nc = info.num_cores
        wid = lax.axis_index("s") * nc + lax.axis_index("c")
        lo_base = tok0 + wid * per_w
        hi_base = lo_base + NT // 2
        dst_base = wid * per_w
        idx_bufs = (idx0, idx1)
        row_bufs = (rows0, rows1)
        sems = (sem0, sem1)
        lane = lax.iota(jnp.int32, 16)

        def fixup(idxb, rowsb):
            def group(g, _):
                iv = idxb[pl.ds(g * 16, 16)]
                hit = (iv == PAD)
                any_hit = lax.reduce_max(hit.astype(jnp.int32), axes=(0,))

                @pl.when(any_hit > 0)
                def _():
                    rowv = g * 16 + lane

                    def word(w, _):
                        colv = jnp.zeros((16,), jnp.int32) + w
                        plsc.store_scatter(rowsb, [rowv, colv],
                                           jnp.zeros((16,), jnp.float32),
                                           mask=hit)
                        return 0
                    lax.fori_loop(0, EMBED, word, 0)
                return 0
            lax.fori_loop(0, (2 * CP) // 16, group, 0)

        def load_and_fire(b, c):
            pltpu.sync_copy(ixs.at[pl.ds(lo_base + c * CP, CP)],
                            idx_bufs[b].at[pl.ds(0, CP)])
            pltpu.sync_copy(ixs.at[pl.ds(hi_base + c * CP, CP)],
                            idx_bufs[b].at[pl.ds(CP, CP)])
            pltpu.async_copy(tbl.at[idx_bufs[b]], row_bufs[b], sems[b])

        def drain(b, c):
            pltpu.make_async_copy(tbl.at[idx_bufs[b]], row_bufs[b],
                                  sems[b]).wait()
            fixup(idx_bufs[b], row_bufs[b])
            r0 = dst_base + c * CP
            pltpu.sync_copy(row_bufs[b].at[pl.ds(0, CP), :],
                            out.at[pl.ds(r0, CP), pl.ds(0, EMBED)])
            pltpu.sync_copy(row_bufs[b].at[pl.ds(CP, CP), :],
                            out.at[pl.ds(r0, CP), pl.ds(EMBED, EMBED)])

        for b in range(2):
            load_and_fire(b, b)

        def pair(jj, _):
            for b in range(2):
                j = jj * 2 + b
                drain(b, j)

                @pl.when(j + 2 < n_chunks)
                def _():
                    load_and_fire(b, j + 2)
            return 0

        lax.fori_loop(0, n_chunks // 2, pair, 0)
        if n_chunks % 2:
            drain(0, n_chunks - 1)

    return gather_kernel(idx_vec, table)


def _mlp_kernel(gw_ref, gb_ref, gt_ref, w1_ref, b1_ref, w2_ref, b2_ref,
                olo_ref, ohi_ref):
    xcat = jnp.concatenate(
        [gw_ref[...], gb_ref[...], gt_ref[...]], axis=1
    ).astype(jnp.bfloat16)
    h = jnp.dot(xcat, w1_ref[...], preferred_element_type=jnp.float32)
    h = jnp.maximum(h + b1_ref[...], 0.0).astype(jnp.bfloat16)
    o = jnp.dot(h, w2_ref[...], preferred_element_type=jnp.float32)
    o = o + b2_ref[...]
    ot = jnp.transpose(o, (1, 0))
    olo_ref[...] = ot[0:NUM_CLASSES, :]
    ohi_ref[...] = ot[16:16 + NUM_CLASSES, :]


def _tc_mlp(gw, gb, gt, fc1_w, fc1_b, fc2_w, fc2_b):
    nb = NPAIR // BP
    w1 = fc1_w.T.astype(jnp.bfloat16)
    z = jnp.zeros((EMBED, HIDDEN), dtype=jnp.bfloat16)
    wd = []
    for s in range(3):
        ws = w1[s * EMBED:(s + 1) * EMBED]
        wd.append(jnp.block([[ws, z], [z, ws]]))
    wcat = jnp.concatenate(wd, axis=0)
    w2 = fc2_w.T.astype(jnp.bfloat16)
    w2p = jnp.zeros((2 * HIDDEN, 32), dtype=jnp.bfloat16)
    w2p = w2p.at[:HIDDEN, :NUM_CLASSES].set(w2)
    w2p = w2p.at[HIDDEN:, 16:16 + NUM_CLASSES].set(w2)
    b1d = jnp.concatenate([fc1_b, fc1_b]).reshape(1, 2 * HIDDEN)
    b2p = jnp.zeros((1, 32), dtype=jnp.float32)
    b2p = b2p.at[0, :NUM_CLASSES].set(fc2_b)
    b2p = b2p.at[0, 16:16 + NUM_CLASSES].set(fc2_b)

    g_spec = pl.BlockSpec((BP, 2 * EMBED), lambda i: (i, 0))
    o_spec = pl.BlockSpec((NUM_CLASSES, BP), lambda i: (0, i))
    o_ty = jax.ShapeDtypeStruct((NUM_CLASSES, NPAIR), jnp.float32)
    return pl.pallas_call(
        _mlp_kernel,
        grid=(nb,),
        in_specs=[
            g_spec, g_spec, g_spec,
            pl.BlockSpec((3 * 2 * EMBED, 2 * HIDDEN), lambda i: (0, 0)),
            pl.BlockSpec((1, 2 * HIDDEN), lambda i: (0, 0)),
            pl.BlockSpec((2 * HIDDEN, 32), lambda i: (0, 0)),
            pl.BlockSpec((1, 32), lambda i: (0, 0)),
        ],
        out_specs=(o_spec, o_spec),
        out_shape=(o_ty, o_ty),
    )(gw, gb, gt, wcat, b1d, w2p, b2p)


def kernel(x, emb_word, emb_bigram, emb_trigram, fc1_w, fc1_b, fc2_w, fc2_b):
    xt = jnp.transpose(x, (0, 2, 1))
    iw = xt[0].reshape(N)
    ib = xt[1].reshape(N)
    it = xt[2].reshape(N)
    emb_word, emb_bigram, emb_trigram = (
        lax.optimization_barrier(t.reshape(-1)).reshape(VOCAB, EMBED)
        for t in (emb_word, emb_bigram, emb_trigram))
    panels = []
    for k in range(NSPLIT):
        gw = _sc_gather(iw, emb_word, k * NT)
        gb = _sc_gather(ib, emb_bigram, k * NT)
        gt = _sc_gather(it, emb_trigram, k * NT)
        olo, ohi = _tc_mlp(gw, gb, gt, fc1_w, fc1_b, fc2_w, fc2_b)
        panels += [olo, ohi]
    o_np = jnp.concatenate(panels, axis=1)
    return o_np.reshape(NUM_CLASSES, SEQ, BATCH).transpose(2, 1, 0)

# --- scband reference (transcript-rebuilt; emitter-appended) ---
"""Pipeline reference for scband-fast-text-9560597201139 (READ-ONLY COPY).

The authoritative reference and input builder live on the scoring server;
editing this copy changes nothing except your own understanding.
"""

import jax, jax.numpy as jnp
import numpy as np

VOCAB = 100000
EMBED = 64
HIDDEN = 256
NUM_CLASSES = 10
PAD = VOCAB - 1
BATCH = 1024
SEQ = 200


def setup_inputs(seed: int = 0) -> dict:
    key = jax.random.key(seed)
    ks = jax.random.split(key, 8)
    x = jax.random.randint(ks[0], (3, BATCH, SEQ), 0, VOCAB, dtype=jnp.int32)
    emb_word = 0.02 * jax.random.normal(ks[1], (VOCAB, EMBED), dtype=jnp.float32)
    emb_bigram = 0.02 * jax.random.normal(ks[2], (VOCAB, EMBED), dtype=jnp.float32)
    emb_trigram = 0.02 * jax.random.normal(ks[3], (VOCAB, EMBED), dtype=jnp.float32)
    fc1_w = 0.02 * jax.random.normal(ks[4], (HIDDEN, 3 * EMBED), dtype=jnp.float32)
    fc1_b = jnp.zeros((HIDDEN,), dtype=jnp.float32)
    fc2_w = 0.02 * jax.random.normal(ks[5], (NUM_CLASSES, HIDDEN), dtype=jnp.float32)
    fc2_b = jnp.zeros((NUM_CLASSES,), dtype=jnp.float32)
    return {"x": x, "emb_word": emb_word, "emb_bigram": emb_bigram,
            "emb_trigram": emb_trigram, "fc1_w": fc1_w, "fc1_b": fc1_b,
            "fc2_w": fc2_w, "fc2_b": fc2_b}


def reference(x, emb_word, emb_bigram, emb_trigram, fc1_w, fc1_b, fc2_w, fc2_b):
    # padding_idx semantics: padding row is forced to zero
    ew = emb_word.at[PAD].set(0.0)
    eb = emb_bigram.at[PAD].set(0.0)
    et = emb_trigram.at[PAD].set(0.0)
    embed_bow = jnp.take(ew, x[0], axis=0)
    embed_bigram = jnp.take(eb, x[1], axis=0)
    embed_trigram = jnp.take(et, x[2], axis=0)
    out = jnp.concatenate((embed_bow, embed_bigram, embed_trigram), axis=-1)
    # dropout is identity in eval mode
    out = out @ fc1_w.T + fc1_b
    out = jax.nn.relu(out)
    out = out @ fc2_w.T + fc2_b
    return out

if __name__ == "__main__":
    import jax
    _d = setup_inputs()
    print(jax.jit(kernel)(*tuple(_d.values())))

</pallas_src>

<mosaic_0001>
#map = affine_map<(d0, d1) -> (0)>
#map1 = affine_map<(d0, d1) -> (0, 0)>
module attributes {stable_mosaic.version = 14 : i64} {
  func.func @gather_kernel(%arg0: i32, %arg1: i32, %arg2: memref<204800xi32, #tpu.memory_space<hbm>>, %arg3: memref<100000x64xf32, #tpu.memory_space<hbm>>, %arg4: memref<51200x128xf32, #tpu.memory_space<hbm>>, %arg5: memref<128xi32, #tpu.memory_space<vmem>>, %arg6: memref<128xi32, #tpu.memory_space<vmem>>, %arg7: memref<128x64xf32, #tpu.memory_space<vmem>>, %arg8: memref<128x64xf32, #tpu.memory_space<vmem>>, %arg9: memref<!tpu.dma_semaphore, #tpu.memory_space<semaphore_mem>>, %arg10: memref<!tpu.dma_semaphore, #tpu.memory_space<semaphore_mem>>) attributes {dimension_semantics = [#tpu.dimension_semantics<core_parallel>, #tpu.dimension_semantics<subcore_parallel>], iteration_bounds = array<i64: 2, 16>, scalar_prefetch = 0 : i64, scratch_operands = 6 : i64, tpu.core_type = #tpu.core_type<sc_vector_subcore>, window_params = [{transform_indices = #map}, {transform_indices = #map1}, {transform_indices = #map1}]} {
    %mul3A = arith.constant 2 : i32
    %mul3A_0 = arith.muli %arg1, %mul3A : i32
    %add3A = arith.addi %mul3A_0, %arg0 : i32
    %mul3A_1 = arith.constant 1600 : i32
    %mul3A_2 = arith.muli %add3A, %mul3A_1 : i32
    %add3A_3 = arith.constant 0 : i32
    %add3A_4 = arith.addi %add3A_3, %mul3A_2 : i32
    %add3A_5 = arith.constant 51200 : i32
    %add3A_6 = arith.addi %add3A_4, %add3A_5 : i32
    %mul3A_7 = arith.constant 1600 : i32
    %mul3A_8 = arith.muli %add3A, %mul3A_7 : i32
    %iota3A = tpu.iota {dimensions = array<i32: 0>} : vector<16xi32>
    %add3A_9 = arith.constant 0 : i32
    %add3A_10 = arith.addi %add3A_4, %add3A_9 : i32
    "tpu.region"() ({
      %run_scoped3A = tpu.sem_alloc : memref<!tpu.dma_semaphore, #tpu.memory_space<semaphore_mem>>
      %dma_start3A_39 = arith.constant 0 : i32
      %dma_start3A_40 = tpu.memref_slice %arg5[%dma_start3A_39] : memref<128xi32, #tpu.memory_space<vmem>> -> memref<64xi32, #tpu.memory_space<vmem>>
      %dma_start3A_41 = tpu.memref_slice %arg2[%add3A_10] : memref<204800xi32, #tpu.memory_space<hbm>> -> memref<64xi32, #tpu.memory_space<hbm>>
      %dma_start3A_42 = arith.constant 0 : i32
      %dma_start3A_43 = tpu.memref_slice %arg5[%dma_start3A_42] : memref<128xi32, #tpu.memory_space<vmem>> -> memref<64xi32, #tpu.memory_space<vmem>>
      %dma_start3A_44 = tpu.memref_slice %arg2[%add3A_10] : memref<204800xi32, #tpu.memory_space<hbm>> -> memref<64xi32, #tpu.memory_space<hbm>>
      tpu.enqueue_dma source(%dma_start3A_44 : memref<64xi32, #tpu.memory_space<hbm>>) target(%dma_start3A_43 : memref<64xi32, #tpu.memory_space<vmem>>) target_semaphore(%run_scoped3A : memref<!tpu.dma_semaphore, #tpu.memory_space<semaphore_mem>>)
      %dma_wait3A_45 = arith.constant 0 : i32
      %dma_wait3A_46 = tpu.memref_slice %arg5[%dma_wait3A_45] : memref<128xi32, #tpu.memory_space<vmem>> -> memref<64xi32, #tpu.memory_space<vmem>>
      %dma_wait3A_47 = tpu.memref_slice %arg2[%add3A_10] : memref<204800xi32, #tpu.memory_space<hbm>> -> memref<64xi32, #tpu.memory_space<hbm>>
      %dma_wait3A_48 = arith.constant 0 : i32
      %dma_wait3A_49 = tpu.memref_slice %arg5[%dma_wait3A_48] : memref<128xi32, #tpu.memory_space<vmem>> -> memref<64xi32, #tpu.memory_space<vmem>>
      %dma_wait3A_50 = tpu.memref_slice %arg2[%add3A_10] : memref<204800xi32, #tpu.memory_space<hbm>> -> memref<64xi32, #tpu.memory_space<hbm>>
      tpu.wait_dma2 semaphore(%run_scoped3A : memref<!tpu.dma_semaphore, #tpu.memory_space<semaphore_mem>>) src(%dma_wait3A_50 : memref<64xi32, #tpu.memory_space<hbm>>) dst(%dma_wait3A_49 : memref<64xi32, #tpu.memory_space<vmem>>)
      tpu.yield
    }) : () -> ()
    %add3A_11 = arith.constant 0 : i32
    %add3A_12 = arith.addi %add3A_6, %add3A_11 : i32
    "tpu.region"() ({
      %run_scoped3A = tpu.sem_alloc : memref<!tpu.dma_semaphore, #tpu.memory_space<semaphore_mem>>
      %dma_start3A_39 = arith.constant 64 : i32
      %dma_start3A_40 = tpu.memref_slice %arg5[%dma_start3A_39] : memref<128xi32, #tpu.memory_space<vmem>> -> memref<64xi32, #tpu.memory_space<vmem>>
      %dma_start3A_41 = tpu.memref_slice %arg2[%add3A_12] : memref<204800xi32, #tpu.memory_space<hbm>> -> memref<64xi32, #tpu.memory_space<hbm>>
      %dma_start3A_42 = arith.constant 64 : i32
      %dma_start3A_43 = tpu.memref_slice %arg5[%dma_start3A_42] : memref<128xi32, #tpu.memory_space<vmem>> -> memref<64xi32, #tpu.memory_space<vmem>>
      %dma_start3A_44 = tpu.memref_slice %arg2[%add3A_12] : memref<204800xi32, #tpu.memory_space<hbm>> -> memref<64xi32, #tpu.memory_space<hbm>>
      tpu.enqueue_dma source(%dma_start3A_44 : memref<64xi32, #tpu.memory_space<hbm>>) target(%dma_start3A_43 : memref<64xi32, #tpu.memory_space<vmem>>) target_semaphore(%run_scoped3A : memref<!tpu.dma_semaphore, #tpu.memory_space<semaphore_mem>>)
      %dma_wait3A_45 = arith.constant 64 : i32
      %dma_wait3A_46 = tpu.memref_slice %arg5[%dma_wait3A_45] : memref<128xi32, #tpu.memory_space<vmem>> -> memref<64xi32, #tpu.memory_space<vmem>>
      %dma_wait3A_47 = tpu.memref_slice %arg2[%add3A_12] : memref<204800xi32, #tpu.memory_space<hbm>> -> memref<64xi32, #tpu.memory_space<hbm>>
      %dma_wait3A_48 = arith.constant 64 : i32
      %dma_wait3A_49 = tpu.memref_slice %arg5[%dma_wait3A_48] : memref<128xi32, #tpu.memory_space<vmem>> -> memref<64xi32, #tpu.memory_space<vmem>>
      %dma_wait3A_50 = tpu.memref_slice %arg2[%add3A_12] : memref<204800xi32, #tpu.memory_space<hbm>> -> memref<64xi32, #tpu.memory_space<hbm>>
      tpu.wait_dma2 semaphore(%run_scoped3A : memref<!tpu.dma_semaphore, #tpu.memory_space<semaphore_mem>>) src(%dma_wait3A_50 : memref<64xi32, #tpu.memory_space<hbm>>) dst(%dma_wait3A_49 : memref<64xi32, #tpu.memory_space<vmem>>)
      tpu.yield
    }) : () -> ()
    %dma_start3A = arith.constant 0 : i32
    %dma_start3A_13 = arith.constant 0 : i32
    %dma_start3A_14 = tpu.memref_slice %arg3[%dma_start3A, %dma_start3A_13] : memref<100000x64xf32, #tpu.memory_space<hbm>> -> memref<100000x64xf32, #tpu.memory_space<hbm>>
    tpu.enqueue_indirect_dma source(%dma_start3A_14 : memref<100000x64xf32, #tpu.memory_space<hbm>>) target(%arg7 : memref<128x64xf32, #tpu.memory_space<vmem>>) offsets(%arg5 : memref<128xi32, #tpu.memory_space<vmem>>) semaphore(%arg9 : memref<!tpu.dma_semaphore, #tpu.memory_space<semaphore_mem>>)
    %add3A_15 = arith.constant 64 : i32
    %add3A_16 = arith.addi %add3A_4, %add3A_15 : i32
    "tpu.region"() ({
      %run_scoped3A = tpu.sem_alloc : memref<!tpu.dma_semaphore, #tpu.memory_space<semaphore_mem>>
      %dma_start3A_39 = arith.constant 0 : i32
      %dma_start3A_40 = tpu.memref_slice %arg6[%dma_start3A_39] : memref<128xi32, #tpu.memory_space<vmem>> -> memref<64xi32, #tpu.memory_space<vmem>>
      %dma_start3A_41 = tpu.memref_slice %arg2[%add3A_16] : memref<204800xi32, #tpu.memory_space<hbm>> -> memref<64xi32, #tpu.memory_space<hbm>>
      %dma_start3A_42 = arith.constant 0 : i32
      %dma_start3A_43 = tpu.memref_slice %arg6[%dma_start3A_42] : memref<128xi32, #tpu.memory_space<vmem>> -> memref<64xi32, #tpu.memory_space<vmem>>
      %dma_start3A_44 = tpu.memref_slice %arg2[%add3A_16] : memref<204800xi32, #tpu.memory_space<hbm>> -> memref<64xi32, #tpu.memory_space<hbm>>
      tpu.enqueue_dma source(%dma_start3A_44 : memref<64xi32, #tpu.memory_space<hbm>>) target(%dma_start3A_43 : memref<64xi32, #tpu.memory_space<vmem>>) target_semaphore(%run_scoped3A : memref<!tpu.dma_semaphore, #tpu.memory_space<semaphore_mem>>)
      %dma_wait3A_45 = arith.constant 0 : i32
      %dma_wait3A_46 = tpu.memref_slice %arg6[%dma_wait3A_45] : memref<128xi32, #tpu.memory_space<vmem>> -> memref<64xi32, #tpu.memory_space<vmem>>
      %dma_wait3A_47 = tpu.memref_slice %arg2[%add3A_16] : memref<204800xi32, #tpu.memory_space<hbm>> -> memref<64xi32, #tpu.memory_space<hbm>>
      %dma_wait3A_48 = arith.constant 0 : i32
      %dma_wait3A_49 = tpu.memref_slice %arg6[%dma_wait3A_48] : memref<128xi32, #tpu.memory_space<vmem>> -> memref<64xi32, #tpu.memory_space<vmem>>
      %dma_wait3A_50 = tpu.memref_slice %arg2[%add3A_16] : memref<204800xi32, #tpu.memory_space<hbm>> -> memref<64xi32, #tpu.memory_space<hbm>>
      tpu.wait_dma2 semaphore(%run_scoped3A : memref<!tpu.dma_semaphore, #tpu.memory_space<semaphore_mem>>) src(%dma_wait3A_50 : memref<64xi32, #tpu.memory_space<hbm>>) dst(%dma_wait3A_49 : memref<64xi32, #tpu.memory_space<vmem>>)
      tpu.yield
    }) : () -> ()
    %add3A_17 = arith.constant 64 : i32
    %add3A_18 = arith.addi %add3A_6, %add3A_17 : i32
    "tpu.region"() ({
      %run_scoped3A = tpu.sem_alloc : memref<!tpu.dma_semaphore, #tpu.memory_space<semaphore_mem>>
      %dma_start3A_39 = arith.constant 64 : i32
      %dma_start3A_40 = tpu.memref_slice %arg6[%dma_start3A_39] : memref<128xi32, #tpu.memory_space<vmem>> -> memref<64xi32, #tpu.memory_space<vmem>>
      %dma_start3A_41 = tpu.memref_slice %arg2[%add3A_18] : memref<204800xi32, #tpu.memory_space<hbm>> -> memref<64xi32, #tpu.memory_space<hbm>>
      %dma_start3A_42 = arith.constant 64 : i32
      %dma_start3A_43 = tpu.memref_slice %arg6[%dma_start3A_42] : memref<128xi32, #tpu.memory_space<vmem>> -> memref<64xi32, #tpu.memory_space<vmem>>
      %dma_start3A_44 = tpu.memref_slice %arg2[%add3A_18] : memref<204800xi32, #tpu.memory_space<hbm>> -> memref<64xi32, #tpu.memory_space<hbm>>
      tpu.enqueue_dma source(%dma_start3A_44 : memref<64xi32, #tpu.memory_space<hbm>>) target(%dma_start3A_43 : memref<64xi32, #tpu.memory_space<vmem>>) target_semaphore(%run_scoped3A : memref<!tpu.dma_semaphore, #tpu.memory_space<semaphore_mem>>)
      %dma_wait3A_45 = arith.constant 64 : i32
      %dma_wait3A_46 = tpu.memref_slice %arg6[%dma_wait3A_45] : memref<128xi32, #tpu.memory_space<vmem>> -> memref<64xi32, #tpu.memory_space<vmem>>
      %dma_wait3A_47 = tpu.memref_slice %arg2[%add3A_18] : memref<204800xi32, #tpu.memory_space<hbm>> -> memref<64xi32, #tpu.memory_space<hbm>>
      %dma_wait3A_48 = arith.constant 64 : i32
      %dma_wait3A_49 = tpu.memref_slice %arg6[%dma_wait3A_48] : memref<128xi32, #tpu.memory_space<vmem>> -> memref<64xi32, #tpu.memory_space<vmem>>
      %dma_wait3A_50 = tpu.memref_slice %arg2[%add3A_18] : memref<204800xi32, #tpu.memory_space<hbm>> -> memref<64xi32, #tpu.memory_space<hbm>>
      tpu.wait_dma2 semaphore(%run_scoped3A : memref<!tpu.dma_semaphore, #tpu.memory_space<semaphore_mem>>) src(%dma_wait3A_50 : memref<64xi32, #tpu.memory_space<hbm>>) dst(%dma_wait3A_49 : memref<64xi32, #tpu.memory_space<vmem>>)
      tpu.yield
    }) : () -> ()
    %dma_start3A_19 = arith.constant 0 : i32
    %dma_start3A_20 = arith.constant 0 : i32
    %dma_start3A_21 = tpu.memref_slice %arg3[%dma_start3A_19, %dma_start3A_20] : memref<100000x64xf32, #tpu.memory_space<hbm>> -> memref<100000x64xf32, #tpu.memory_space<hbm>>
    tpu.enqueue_indirect_dma source(%dma_start3A_21 : memref<100000x64xf32, #tpu.memory_space<hbm>>) target(%arg8 : memref<128x64xf32, #tpu.memory_space<vmem>>) offsets(%arg6 : memref<128xi32, #tpu.memory_space<vmem>>) semaphore(%arg10 : memref<!tpu.dma_semaphore, #tpu.memory_space<semaphore_mem>>)
    %scan3A = arith.constant 0 : i32
    %scan3A_22 = arith.constant 0 : i32
    %scan3A_23 = arith.constant 12 : i32
    %scan3A_24 = arith.addi %scan3A_22, %scan3A_23 : i32
    %scan3A_25 = arith.constant 1 : i32
    %scan3A_26 = scf.for %scan3A_39 = %scan3A_22 to %scan3A_24 step %scan3A_25 iter_args(%scan3A_40 = %scan3A) -> (i32)  : i32 {
      %mul3A_41 = arith.constant 2 : i32
      %mul3A_42 = arith.muli %scan3A_39, %mul3A_41 : i32
      %add3A_43 = arith.constant 0 : i32
      %add3A_44 = arith.addi %mul3A_42, %add3A_43 : i32
      %dma_wait3A_45 = arith.constant 0 : i32
      %dma_wait3A_46 = arith.constant 0 : i32
      %dma_wait3A_47 = tpu.memref_slice %arg3[%dma_wait3A_45, %dma_wait3A_46] : memref<100000x64xf32, #tpu.memory_space<hbm>> -> memref<100000x64xf32, #tpu.memory_space<hbm>>
      tpu.wait_indirect_dma semaphore(%arg9 : memref<!tpu.dma_semaphore, #tpu.memory_space<semaphore_mem>>) src(%dma_wait3A_47 : memref<100000x64xf32, #tpu.memory_space<hbm>>) dst(%arg7 : memref<128x64xf32, #tpu.memory_space<vmem>>)
      %scan3A_48 = arith.constant 0 : i32
      %scan3A_49 = arith.constant 0 : i32
      %scan3A_50 = arith.constant 8 : i32
      %scan3A_51 = arith.addi %scan3A_49, %scan3A_50 : i32
      %scan3A_52 = arith.constant 1 : i32
      %scan3A_53 = scf.for %scan3A_87 = %scan3A_49 to %scan3A_51 step %scan3A_52 iter_args(%scan3A_88 = %scan3A_48) -> (i32)  : i32 {
        %mul3A_89 = arith.constant 16 : i32
        %mul3A_90 = arith.muli %scan3A_87, %mul3A_89 : i32
        %get3A = arith.index_cast %mul3A_90 : i32 to index
        %get3A_91 = tpu.vector_load %arg5[%get3A] {strides = array<i32>} : memref<128xi32, #tpu.memory_space<vmem>>, vector<16xi32>,
        %eq3A = arith.constant 99999 : i32
        %eq3A_92 = vector.broadcast %eq3A : i32 to vector<16xi32>
        %eq3A_93 = arith.cmpi eq, %get3A_91, %eq3A_92 : vector<16xi32>
        %convert_element_type3A_94 = arith.extui %eq3A_93 : vector<16xi1> to vector<16xi32>
        %reduce_max3A = arith.constant true
        %reduce_max3A_95 = vector.broadcast %reduce_max3A : i1 to vector<16xi1>
        %reduce_max3A_96 = arith.constant -2147483648 : i32
        %reduce_max3A_97 = vector.broadcast %reduce_max3A_96 : i32 to vector<16xi32>
        %reduce_max3A_98 = arith.xori %convert_element_type3A_94, %reduce_max3A_97 : vector<16xi32>
        %reduce_max3A_99 = tpu.scan <max>, %reduce_max3A_98 masked %reduce_max3A_95 : vector<16xi32>, vector<16xi1> -> vector<16xi32>
        %reduce_max3A_100 = arith.xori %reduce_max3A_99, %reduce_max3A_97 : vector<16xi32>
        %reduce_max3A_101 = vector.extract %reduce_max3A_100[15] : i32 from vector<16xi32>
        %gt3A = arith.constant 0 : i32
        %gt3A_102 = arith.cmpi sgt, %reduce_max3A_101, %gt3A : i32
        %convert_element_type3A_103 = arith.extui %gt3A_102 : i1 to i32
        %cond3A_104 = arith.constant 0 : i32
        %cond3A_105 = arith.cmpi ne, %convert_element_type3A_103, %cond3A_104 : i32
        scf.if %cond3A_105 {
          %mul3A_107 = arith.constant 16 : i32
          %mul3A_108 = arith.muli %scan3A_87, %mul3A_107 : i32
          %add3A_109 = vector.broadcast %mul3A_108 : i32 to vector<16xi32>
          %add3A_110 = arith.addi %add3A_109, %iota3A : vector<16xi32>
          %scan3A_111 = arith.constant 0 : i32
          %scan3A_112 = arith.constant 0 : i32
          %scan3A_113 = arith.constant 64 : i32
          %scan3A_114 = arith.addi %scan3A_112, %scan3A_113 : i32
          %scan3A_115 = arith.constant 1 : i32
          %scan3A_116 = scf.for %scan3A_118 = %scan3A_112 to %scan3A_114 step %scan3A_115 iter_args(%scan3A_119 = %scan3A_111) -> (i32)  : i32 {
            %broadcast_in_dim3A = arith.constant 0 : i32
            %broadcast_in_dim3A_120 = vector.broadcast %broadcast_in_dim3A : i32 to vector<16xi32>
            %add3A_121 = vector.broadcast %scan3A_118 : i32 to vector<16xi32>
            %add3A_122 = arith.addi %broadcast_in_dim3A_120, %add3A_121 : vector<16xi32>
            %broadcast_in_dim3A_123 = arith.constant 0.000000e+00 : f32
            %broadcast_in_dim3A_124 = vector.broadcast %broadcast_in_dim3A_123 : f32 to vector<16xf32>
            tpu.vector_store_idx %arg7[%add3A_110, %add3A_122], %broadcast_in_dim3A_124 masked %eq3A_93 : memref<128x64xf32, #tpu.memory_space<vmem>>[vector<16xi32>, vector<16xi32>], vector<16xf32>, vector<16xi1>
            %scan3A_125 = arith.constant 0 : i32
            scf.yield %scan3A_125 : i32
          }
          %scan3A_117 = arith.constant 64 : i32
        } else {
        }
        %scan3A_106 = arith.constant 0 : i32
        scf.yield %scan3A_106 : i32
      }
      %scan3A_54 = arith.constant 8 : i32
      %mul3A_55 = arith.constant 64 : i32
      %mul3A_56 = arith.muli %add3A_44, %mul3A_55 : i32
      %add3A_57 = arith.addi %mul3A_8, %mul3A_56 : i32
      "tpu.region"() ({
        %run_scoped3A = tpu.sem_alloc : memref<!tpu.dma_semaphore, #tpu.memory_space<semaphore_mem>>
        %dma_start3A_87 = arith.constant 0 : i32
        %dma_start3A_88 = arith.constant 0 : i32
        %dma_start3A_89 = tpu.memref_slice %arg7[%dma_start3A_87, %dma_start3A_88] : memref<128x64xf32, #tpu.memory_space<vmem>> -> memref<64x64xf32, #tpu.memory_space<vmem>>
        %dma_start3A_90 = arith.constant 0 : i32
        %dma_start3A_91 = tpu.memref_slice %arg4[%add3A_57, %dma_start3A_90] : memref<51200x128xf32, #tpu.memory_space<hbm>> -> memref<64x64xf32, #tpu.memory_space<hbm>>
        %dma_start3A_92 = arith.constant 0 : i32
        %dma_start3A_93 = tpu.memref_slice %arg4[%add3A_57, %dma_start3A_92] : memref<51200x128xf32, #tpu.memory_space<hbm>> -> memref<64x64xf32, #tpu.memory_space<hbm>>
        %dma_start3A_94 = arith.constant 0 : i32
        %dma_start3A_95 = arith.constant 0 : i32
        %dma_start3A_96 = tpu.memref_slice %arg7[%dma_start3A_94, %dma_start3A_95] : memref<128x64xf32, #tpu.memory_space<vmem>> -> memref<64x64xf32, #tpu.memory_space<vmem>>
        tpu.enqueue_dma source(%dma_start3A_96 : memref<64x64xf32, #tpu.memory_space<vmem>>) target(%dma_start3A_93 : memref<64x64xf32, #tpu.memory_space<hbm>>) target_semaphore(%run_scoped3A : memref<!tpu.dma_semaphore, #tpu.memory_space<semaphore_mem>>)
        %dma_wait3A_97 = arith.constant 0 : i32
        %dma_wait3A_98 = arith.constant 0 : i32
        %dma_wait3A_99 = tpu.memref_slice %arg7[%dma_wait3A_97, %dma_wait3A_98] : memref<128x64xf32, #tpu.memory_space<vmem>> -> memref<64x64xf32, #tpu.memory_space<vmem>>
        %dma_wait3A_100 = arith.constant 0 : i32
        %dma_wait3A_101 = tpu.memref_slice %arg4[%add3A_57, %dma_wait3A_100] : memref<51200x128xf32, #tpu.memory_space<hbm>> -> memref<64x64xf32, #tpu.memory_space<hbm>>
        %dma_wait3A_102 = arith.constant 0 : i32
        %dma_wait3A_103 = tpu.memref_slice %arg4[%add3A_57, %dma_wait3A_102] : memref<51200x128xf32, #tpu.memory_space<hbm>> -> memref<64x64xf32, #tpu.memory_space<hbm>>
        %dma_wait3A_104 = arith.constant 0 : i32
        %dma_wait3A_105 = arith.constant 0 : i32
        %dma_wait3A_106 = tpu.memref_slice %arg7[%dma_wait3A_104, %dma_wait3A_105] : memref<128x64xf32, #tpu.memory_space<vmem>> -> memref<64x64xf32, #tpu.memory_space<vmem>>
        tpu.wait_dma2 semaphore(%run_scoped3A : memref<!tpu.dma_semaphore, #tpu.memory_space<semaphore_mem>>) src(%dma_wait3A_106 : memref<64x64xf32, #tpu.memory_space<vmem>>) dst(%dma_wait3A_103 : memref<64x64xf32, #tpu.memory_space<hbm>>)
        tpu.yield
      }) : () -> ()
      "tpu.region"() ({
        %run_scoped3A = tpu.sem_alloc : memref<!tpu.dma_semaphore, #tpu.memory_space<semaphore_mem>>
        %dma_start3A_87 = arith.constant 64 : i32
        %dma_start3A_88 = arith.constant 0 : i32
        %dma_start3A_89 = tpu.memref_slice %arg7[%dma_start3A_87, %dma_start3A_88] : memref<128x64xf32, #tpu.memory_space<vmem>> -> memref<64x64xf32, #tpu.memory_space<vmem>>
        %dma_start3A_90 = arith.constant 64 : i32
        %dma_start3A_91 = tpu.memref_slice %arg4[%add3A_57, %dma_start3A_90] : memref<51200x128xf32, #tpu.memory_space<hbm>> -> memref<64x64xf32, #tpu.memory_space<hbm>>
        %dma_start3A_92 = arith.constant 64 : i32
        %dma_start3A_93 = tpu.memref_slice %arg4[%add3A_57, %dma_start3A_92] : memref<51200x128xf32, #tpu.memory_space<hbm>> -> memref<64x64xf32, #tpu.memory_space<hbm>>
        %dma_start3A_94 = arith.constant 64 : i32
        %dma_start3A_95 = arith.constant 0 : i32
        %dma_start3A_96 = tpu.memref_slice %arg7[%dma_start3A_94, %dma_start3A_95] : memref<128x64xf32, #tpu.memory_space<vmem>> -> memref<64x64xf32, #tpu.memory_space<vmem>>
        tpu.enqueue_dma source(%dma_start3A_96 : memref<64x64xf32, #tpu.memory_space<vmem>>) target(%dma_start3A_93 : memref<64x64xf32, #tpu.memory_space<hbm>>) target_semaphore(%run_scoped3A : memref<!tpu.dma_semaphore, #tpu.memory_space<semaphore_mem>>)
        %dma_wait3A_97 = arith.constant 64 : i32
        %dma_wait3A_98 = arith.constant 0 : i32
        %dma_wait3A_99 = tpu.memref_slice %arg7[%dma_wait3A_97, %dma_wait3A_98] : memref<128x64xf32, #tpu.memory_space<vmem>> -> memref<64x64xf32, #tpu.memory_space<vmem>>
        %dma_wait3A_100 = arith.constant 64 : i32
        %dma_wait3A_101 = tpu.memref_slice %arg4[%add3A_57, %dma_wait3A_100] : memref<51200x128xf32, #tpu.memory_space<hbm>> -> memref<64x64xf32, #tpu.memory_space<hbm>>
        %dma_wait3A_102 = arith.constant 64 : i32
        %dma_wait3A_103 = tpu.memref_slice %arg4[%add3A_57, %dma_wait3A_102] : memref<51200x128xf32, #tpu.memory_space<hbm>> -> memref<64x64xf32, #tpu.memory_space<hbm>>
        %dma_wait3A_104 = arith.constant 64 : i32
        %dma_wait3A_105 = arith.constant 0 : i32
        %dma_wait3A_106 = tpu.memref_slice %arg7[%dma_wait3A_104, %dma_wait3A_105] : memref<128x64xf32, #tpu.memory_space<vmem>> -> memref<64x64xf32, #tpu.memory_space<vmem>>
        tpu.wait_dma2 semaphore(%run_scoped3A : memref<!tpu.dma_semaphore, #tpu.memory_space<semaphore_mem>>) src(%dma_wait3A_106 : memref<64x64xf32, #tpu.memory_space<vmem>>) dst(%dma_wait3A_103 : memref<64x64xf32, #tpu.memory_space<hbm>>)
        tpu.yield
      }) : () -> ()
      %add3A_58 = arith.constant 2 : i32
      %add3A_59 = arith.addi %add3A_44, %add3A_58 : i32
      %lt3A = arith.constant 25 : i32
      %lt3A_60 = arith.cmpi slt, %add3A_59, %lt3A : i32
      %convert_element_type3A = arith.extui %lt3A_60 : i1 to i32
      %cond3A = arith.constant 0 : i32
      %cond3A_61 = arith.cmpi ne, %convert_element_type3A, %cond3A : i32
      scf.if %cond3A_61 {
        %add3A_87 = arith.constant 2 : i32
        %add3A_88 = arith.addi %add3A_44, %add3A_87 : i32
        %mul3A_89 = arith.constant 64 : i32
        %mul3A_90 = arith.muli %add3A_88, %mul3A_89 : i32
        %add3A_91 = arith.addi %add3A_4, %mul3A_90 : i32
        "tpu.region"() ({
          %run_scoped3A = tpu.sem_alloc : memref<!tpu.dma_semaphore, #tpu.memory_space<semaphore_mem>>
          %dma_start3A_98 = arith.constant 0 : i32
          %dma_start3A_99 = tpu.memref_slice %arg5[%dma_start3A_98] : memref<128xi32, #tpu.memory_space<vmem>> -> memref<64xi32, #tpu.memory_space<vmem>>
          %dma_start3A_100 = tpu.memref_slice %arg2[%add3A_91] : memref<204800xi32, #tpu.memory_space<hbm>> -> memref<64xi32, #tpu.memory_space<hbm>>
          %dma_start3A_101 = arith.constant 0 : i32
          %dma_start3A_102 = tpu.memref_slice %arg5[%dma_start3A_101] : memref<128xi32, #tpu.memory_space<vmem>> -> memref<64xi32, #tpu.memory_space<vmem>>
          %dma_start3A_103 = tpu.memref_slice %arg2[%add3A_91] : memref<204800xi32, #tpu.memory_space<hbm>> -> memref<64xi32, #tpu.memory_space<hbm>>
          tpu.enqueue_dma source(%dma_start3A_103 : memref<64xi32, #tpu.memory_space<hbm>>) target(%dma_start3A_102 : memref<64xi32, #tpu.memory_space<vmem>>) target_semaphore(%run_scoped3A : memref<!tpu.dma_semaphore, #tpu.memory_space<semaphore_mem>>)
          %dma_wait3A_104 = arith.constant 0 : i32
          %dma_wait3A_105 = tpu.memref_slice %arg5[%dma_wait3A_104] : memref<128xi32, #tpu.memory_space<vmem>> -> memref<64xi32, #tpu.memory_space<vmem>>
          %dma_wait3A_106 = tpu.memref_slice %arg2[%add3A_91] : memref<204800xi32, #tpu.memory_space<hbm>> -> memref<64xi32, #tpu.memory_space<hbm>>
          %dma_wait3A_107 = arith.constant 0 : i32
          %dma_wait3A_108 = tpu.memref_slice %arg5[%dma_wait3A_107] : memref<128xi32, #tpu.memory_space<vmem>> -> memref<64xi32, #tpu.memory_space<vmem>>
          %dma_wait3A_109 = tpu.memref_slice %arg2[%add3A_91] : memref<204800xi32, #tpu.memory_space<hbm>> -> memref<64xi32, #tpu.memory_space<hbm>>
          tpu.wait_dma2 semaphore(%run_scoped3A : memref<!tpu.dma_semaphore, #tpu.memory_space<semaphore_mem>>) src(%dma_wait3A_109 : memref<64xi32, #tpu.memory_space<hbm>>) dst(%dma_wait3A_108 : memref<64xi32, #tpu.memory_space<vmem>>)
          tpu.yield
        }) : () -> ()
        %mul3A_92 = arith.constant 64 : i32
        %mul3A_93 = arith.muli %add3A_88, %mul3A_92 : i32
        %add3A_94 = arith.addi %add3A_6, %mul3A_93 : i32
        "tpu.region"() ({
          %run_scoped3A = tpu.sem_alloc : memref<!tpu.dma_semaphore, #tpu.memory_space<semaphore_mem>>
          %dma_start3A_98 = arith.constant 64 : i32
          %dma_start3A_99 = tpu.memref_slice %arg5[%dma_start3A_98] : memref<128xi32, #tpu.memory_space<vmem>> -> memref<64xi32, #tpu.memory_space<vmem>>
          %dma_start3A_100 = tpu.memref_slice %arg2[%add3A_94] : memref<204800xi32, #tpu.memory_space<hbm>> -> memref<64xi32, #tpu.memory_space<hbm>>
          %dma_start3A_101 = arith.constant 64 : i32
          %dma_start3A_102 = tpu.memref_slice %arg5[%dma_start3A_101] : memref<128xi32, #tpu.memory_space<vmem>> -> memref<64xi32, #tpu.memory_space<vmem>>
          %dma_start3A_103 = tpu.memref_slice %arg2[%add3A_94] : memref<204800xi32, #tpu.memory_space<hbm>> -> memref<64xi32, #tpu.memory_space<hbm>>
          tpu.enqueue_dma source(%dma_start3A_103 : memref<64xi32, #tpu.memory_space<hbm>>) target(%dma_start3A_102 : memref<64xi32, #tpu.memory_space<vmem>>) target_semaphore(%run_scoped3A : memref<!tpu.dma_semaphore, #tpu.memory_space<semaphore_mem>>)
          %dma_wait3A_104 = arith.constant 64 : i32
          %dma_wait3A_105 = tpu.memref_slice %arg5[%dma_wait3A_104] : memref<128xi32, #tpu.memory_space<vmem>> -> memref<64xi32, #tpu.memory_space<vmem>>
          %dma_wait3A_106 = tpu.memref_slice %arg2[%add3A_94] : memref<204800xi32, #tpu.memory_space<hbm>> -> memref<64xi32, #tpu.memory_space<hbm>>
          %dma_wait3A_107 = arith.constant 64 : i32
          %dma_wait3A_108 = tpu.memref_slice %arg5[%dma_wait3A_107] : memref<128xi32, #tpu.memory_space<vmem>> -> memref<64xi32, #tpu.memory_space<vmem>>
          %dma_wait3A_109 = tpu.memref_slice %arg2[%add3A_94] : memref<204800xi32, #tpu.memory_space<hbm>> -> memref<64xi32, #tpu.memory_space<hbm>>
          tpu.wait_dma2 semaphore(%run_scoped3A : memref<!tpu.dma_semaphore, #tpu.memory_space<semaphore_mem>>) src(%dma_wait3A_109 : memref<64xi32, #tpu.memory_space<hbm>>) dst(%dma_wait3A_108 : memref<64xi32, #tpu.memory_space<vmem>>)
          tpu.yield
        }) : () -> ()
        %dma_start3A_95 = arith.constant 0 : i32
        %dma_start3A_96 = arith.constant 0 : i32
        %dma_start3A_97 = tpu.memref_slice %arg3[%dma_start3A_95, %dma_start3A_96] : memref<100000x64xf32, #tpu.memory_space<hbm>> -> memref<100000x64xf32, #tpu.memory_space<hbm>>
        tpu.enqueue_indirect_dma source(%dma_start3A_97 : memref<100000x64xf32, #tpu.memory_space<hbm>>) target(%arg7 : memref<128x64xf32, #tpu.memory_space<vmem>>) offsets(%arg5 : memref<128xi32, #tpu.memory_space<vmem>>) semaphore(%arg9 : memref<!tpu.dma_semaphore, #tpu.memory_space<semaphore_mem>>)
      } else {
      }
      %mul3A_62 = arith.constant 2 : i32
      %mul3A_63 = arith.muli %scan3A_39, %mul3A_62 : i32
      %add3A_64 = arith.constant 1 : i32
      %add3A_65 = arith.addi %mul3A_63, %add3A_64 : i32
      %dma_wait3A_66 = arith.constant 0 : i32
      %dma_wait3A_67 = arith.constant 0 : i32
      %dma_wait3A_68 = tpu.memref_slice %arg3[%dma_wait3A_66, %dma_wait3A_67] : memref<100000x64xf32, #tpu.memory_space<hbm>> -> memref<100000x64xf32, #tpu.memory_space<hbm>>
      tpu.wait_indirect_dma semaphore(%arg10 : memref<!tpu.dma_semaphore, #tpu.memory_space<semaphore_mem>>) src(%dma_wait3A_68 : memref<100000x64xf32, #tpu.memory_space<hbm>>) dst(%arg8 : memref<128x64xf32, #tpu.memory_space<vmem>>)
      %scan3A_69 = arith.constant 0 : i32
      %scan3A_70 = arith.constant 0 : i32
      %scan3A_71 = arith.constant 8 : i32
      %scan3A_72 = arith.addi %scan3A_70, %scan3A_71 : i32
      %scan3A_73 = arith.constant 1 : i32
      %scan3A_74 = scf.for %scan3A_87 = %scan3A_70 to %scan3A_72 step %scan3A_73 iter_args(%scan3A_88 = %scan3A_69) -> (i32)  : i32 {
        %mul3A_89 = arith.constant 16 : i32
        %mul3A_90 = arith.muli %scan3A_87, %mul3A_89 : i32
        %get3A = arith.index_cast %mul3A_90 : i32 to index
        %get3A_91 = tpu.vector_load %arg6[%get3A] {strides = array<i32>} : memref<128xi32, #tpu.memory_space<vmem>>, vector<16xi32>,
        %eq3A = arith.constant 99999 : i32
        %eq3A_92 = vector.broadcast %eq3A : i32 to vector<16xi32>
        %eq3A_93 = arith.cmpi eq, %get3A_91, %eq3A_92 : vector<16xi32>
        %convert_element_type3A_94 = arith.extui %eq3A_93 : vector<16xi1> to vector<16xi32>
        %reduce_max3A = arith.constant true
        %reduce_max3A_95 = vector.broadcast %reduce_max3A : i1 to vector<16xi1>
        %reduce_max3A_96 = arith.constant -2147483648 : i32
        %reduce_max3A_97 = vector.broadcast %reduce_max3A_96 : i32 to vector<16xi32>
        %reduce_max3A_98 = arith.xori %convert_element_type3A_94, %reduce_max3A_97 : vector<16xi32>
        %reduce_max3A_99 = tpu.scan <max>, %reduce_max3A_98 masked %reduce_max3A_95 : vector<16xi32>, vector<16xi1> -> vector<16xi32>
        %reduce_max3A_100 = arith.xori %reduce_max3A_99, %reduce_max3A_97 : vector<16xi32>
        %reduce_max3A_101 = vector.extract %reduce_max3A_100[15] : i32 from vector<16xi32>
        %gt3A = arith.constant 0 : i32
        %gt3A_102 = arith.cmpi sgt, %reduce_max3A_101, %gt3A : i32
        %convert_element_type3A_103 = arith.extui %gt3A_102 : i1 to i32
        %cond3A_104 = arith.constant 0 : i32
        %cond3A_105 = arith.cmpi ne, %convert_element_type3A_103, %cond3A_104 : i32
        scf.if %cond3A_105 {
          %mul3A_107 = arith.constant 16 : i32
          %mul3A_108 = arith.muli %scan3A_87, %mul3A_107 : i32
          %add3A_109 = vector.broadcast %mul3A_108 : i32 to vector<16xi32>
          %add3A_110 = arith.addi %add3A_109, %iota3A : vector<16xi32>
          %scan3A_111 = arith.constant 0 : i32
          %scan3A_112 = arith.constant 0 : i32
          %scan3A_113 = arith.constant 64 : i32
          %scan3A_114 = arith.addi %scan3A_112, %scan3A_113 : i32
          %scan3A_115 = arith.constant 1 : i32
          %scan3A_116 = scf.for %scan3A_118 = %scan3A_112 to %scan3A_114 step %scan3A_115 iter_args(%scan3A_119 = %scan3A_111) -> (i32)  : i32 {
            %broadcast_in_dim3A = arith.constant 0 : i32
            %broadcast_in_dim3A_120 = vector.broadcast %broadcast_in_dim3A : i32 to vector<16xi32>
            %add3A_121 = vector.broadcast %scan3A_118 : i32 to vector<16xi32>
            %add3A_122 = arith.addi %broadcast_in_dim3A_120, %add3A_121 : vector<16xi32>
            %broadcast_in_dim3A_123 = arith.constant 0.000000e+00 : f32
            %broadcast_in_dim3A_124 = vector.broadcast %broadcast_in_dim3A_123 : f32 to vector<16xf32>
            tpu.vector_store_idx %arg8[%add3A_110, %add3A_122], %broadcast_in_dim3A_124 masked %eq3A_93 : memref<128x64xf32, #tpu.memory_space<vmem>>[vector<16xi32>, vector<16xi32>], vector<16xf32>, vector<16xi1>
            %scan3A_125 = arith.constant 0 : i32
            scf.yield %scan3A_125 : i32
          }
          %scan3A_117 = arith.constant 64 : i32
        } else {
        }
        %scan3A_106 = arith.constant 0 : i32
        scf.yield %scan3A_106 : i32
      }
      %scan3A_75 = arith.constant 8 : i32
      %mul3A_76 = arith.constant 64 : i32
      %mul3A_77 = arith.muli %add3A_65, %mul3A_76 : i32
      %add3A_78 = arith.addi %mul3A_8, %mul3A_77 : i32
      "tpu.region"() ({
        %run_scoped3A = tpu.sem_alloc : memref<!tpu.dma_semaphore, #tpu.memory_space<semaphore_mem>>
        %dma_start3A_87 = arith.constant 0 : i32
        %dma_start3A_88 = arith.constant 0 : i32
        %dma_start3A_89 = tpu.memref_slice %arg8[%dma_start3A_87, %dma_start3A_88] : memref<128x64xf32, #tpu.memory_space<vmem>> -> memref<64x64xf32, #tpu.memory_space<vmem>>
        %dma_start3A_90 = arith.constant 0 : i32
        %dma_start3A_91 = tpu.memref_slice %arg4[%add3A_78, %dma_start3A_90] : memref<51200x128xf32, #tpu.memory_space<hbm>> -> memref<64x64xf32, #tpu.memory_space<hbm>>
        %dma_start3A_92 = arith.constant 0 : i32
        %dma_start3A_93 = tpu.memref_slice %arg4[%add3A_78, %dma_start3A_92] : memref<51200x128xf32, #tpu.memory_space<hbm>> -> memref<64x64xf32, #tpu.memory_space<hbm>>
        %dma_start3A_94 = arith.constant 0 : i32
        %dma_start3A_95 = arith.constant 0 : i32
        %dma_start3A_96 = tpu.memref_slice %arg8[%dma_start3A_94, %dma_start3A_95] : memref<128x64xf32, #tpu.memory_space<vmem>> -> memref<64x64xf32, #tpu.memory_space<vmem>>
        tpu.enqueue_dma source(%dma_start3A_96 : memref<64x64xf32, #tpu.memory_space<vmem>>) target(%dma_start3A_93 : memref<64x64xf32, #tpu.memory_space<hbm>>) target_semaphore(%run_scoped3A : memref<!tpu.dma_semaphore, #tpu.memory_space<semaphore_mem>>)
        %dma_wait3A_97 = arith.constant 0 : i32
        %dma_wait3A_98 = arith.constant 0 : i32
        %dma_wait3A_99 = tpu.memref_slice %arg8[%dma_wait3A_97, %dma_wait3A_98] : memref<128x64xf32, #tpu.memory_space<vmem>> -> memref<64x64xf32, #tpu.memory_space<vmem>>
        %dma_wait3A_100 = arith.constant 0 : i32
        %dma_wait3A_101 = tpu.memref_slice %arg4[%add3A_78, %dma_wait3A_100] : memref<51200x128xf32, #tpu.memory_space<hbm>> -> memref<64x64xf32, #tpu.memory_space<hbm>>
        %dma_wait3A_102 = arith.constant 0 : i32
        %dma_wait3A_103 = tpu.memref_slice %arg4[%add3A_78, %dma_wait3A_102] : memref<51200x128xf32, #tpu.memory_space<hbm>> -> memref<64x64xf32, #tpu.memory_space<hbm>>
        %dma_wait3A_104 = arith.constant 0 : i32
        %dma_wait3A_105 = arith.constant 0 : i32
        %dma_wait3A_106 = tpu.memref_slice %arg8[%dma_wait3A_104, %dma_wait3A_105] : memref<128x64xf32, #tpu.memory_space<vmem>> -> memref<64x64xf32, #tpu.memory_space<vmem>>
        tpu.wait_dma2 semaphore(%run_scoped3A : memref<!tpu.dma_semaphore, #tpu.memory_space<semaphore_mem>>) src(%dma_wait3A_106 : memref<64x64xf32, #tpu.memory_space<vmem>>) dst(%dma_wait3A_103 : memref<64x64xf32, #tpu.memory_space<hbm>>)
        tpu.yield
      }) : () -> ()
      "tpu.region"() ({
        %run_scoped3A = tpu.sem_alloc : memref<!tpu.dma_semaphore, #tpu.memory_space<semaphore_mem>>
        %dma_start3A_87 = arith.constant 64 : i32
        %dma_start3A_88 = arith.constant 0 : i32
        %dma_start3A_89 = tpu.memref_slice %arg8[%dma_start3A_87, %dma_start3A_88] : memref<128x64xf32, #tpu.memory_space<vmem>> -> memref<64x64xf32, #tpu.memory_space<vmem>>
        %dma_start3A_90 = arith.constant 64 : i32
        %dma_start3A_91 = tpu.memref_slice %arg4[%add3A_78, %dma_start3A_90] : memref<51200x128xf32, #tpu.memory_space<hbm>> -> memref<64x64xf32, #tpu.memory_space<hbm>>
        %dma_start3A_92 = arith.constant 64 : i32
        %dma_start3A_93 = tpu.memref_slice %arg4[%add3A_78, %dma_start3A_92] : memref<51200x128xf32, #tpu.memory_space<hbm>> -> memref<64x64xf32, #tpu.memory_space<hbm>>
        %dma_start3A_94 = arith.constant 64 : i32
        %dma_start3A_95 = arith.constant 0 : i32
        %dma_start3A_96 = tpu.memref_slice %arg8[%dma_start3A_94, %dma_start3A_95] : memref<128x64xf32, #tpu.memory_space<vmem>> -> memref<64x64xf32, #tpu.memory_space<vmem>>
        tpu.enqueue_dma source(%dma_start3A_96 : memref<64x64xf32, #tpu.memory_space<vmem>>) target(%dma_start3A_93 : memref<64x64xf32, #tpu.memory_space<hbm>>) target_semaphore(%run_scoped3A : memref<!tpu.dma_semaphore, #tpu.memory_space<semaphore_mem>>)
        %dma_wait3A_97 = arith.constant 64 : i32
        %dma_wait3A_98 = arith.constant 0 : i32
        %dma_wait3A_99 = tpu.memref_slice %arg8[%dma_wait3A_97, %dma_wait3A_98] : memref<128x64xf32, #tpu.memory_space<vmem>> -> memref<64x64xf32, #tpu.memory_space<vmem>>
        %dma_wait3A_100 = arith.constant 64 : i32
        %dma_wait3A_101 = tpu.memref_slice %arg4[%add3A_78, %dma_wait3A_100] : memref<51200x128xf32, #tpu.memory_space<hbm>> -> memref<64x64xf32, #tpu.memory_space<hbm>>
        %dma_wait3A_102 = arith.constant 64 : i32
        %dma_wait3A_103 = tpu.memref_slice %arg4[%add3A_78, %dma_wait3A_102] : memref<51200x128xf32, #tpu.memory_space<hbm>> -> memref<64x64xf32, #tpu.memory_space<hbm>>
        %dma_wait3A_104 = arith.constant 64 : i32
        %dma_wait3A_105 = arith.constant 0 : i32
        %dma_wait3A_106 = tpu.memref_slice %arg8[%dma_wait3A_104, %dma_wait3A_105] : memref<128x64xf32, #tpu.memory_space<vmem>> -> memref<64x64xf32, #tpu.memory_space<vmem>>
        tpu.wait_dma2 semaphore(%run_scoped3A : memref<!tpu.dma_semaphore, #tpu.memory_space<semaphore_mem>>) src(%dma_wait3A_106 : memref<64x64xf32, #tpu.memory_space<vmem>>) dst(%dma_wait3A_103 : memref<64x64xf32, #tpu.memory_space<hbm>>)
        tpu.yield
      }) : () -> ()
      %add3A_79 = arith.constant 2 : i32
      %add3A_80 = arith.addi %add3A_65, %add3A_79 : i32
      %lt3A_81 = arith.constant 25 : i32
      %lt3A_82 = arith.cmpi slt, %add3A_80, %lt3A_81 : i32
      %convert_element_type3A_83 = arith.extui %lt3A_82 : i1 to i32
      %cond3A_84 = arith.constant 0 : i32
      %cond3A_85 = arith.cmpi ne, %convert_element_type3A_83, %cond3A_84 : i32
      scf.if %cond3A_85 {
        %add3A_87 = arith.constant 2 : i32
        %add3A_88 = arith.addi %add3A_65, %add3A_87 : i32
        %mul3A_89 = arith.constant 64 : i32
        %mul3A_90 = arith.muli %add3A_88, %mul3A_89 : i32
        %add3A_91 = arith.addi %add3A_4, %mul3A_90 : i32
        "tpu.region"() ({
          %run_scoped3A = tpu.sem_alloc : memref<!tpu.dma_semaphore, #tpu.memory_space<semaphore_mem>>
          %dma_start3A_98 = arith.constant 0 : i32
          %dma_start3A_99 = tpu.memref_slice %arg6[%dma_start3A_98] : memref<128xi32, #tpu.memory_space<vmem>> -> memref<64xi32, #tpu.memory_space<vmem>>
          %dma_start3A_100 = tpu.memref_slice %arg2[%add3A_91] : memref<204800xi32, #tpu.memory_space<hbm>> -> memref<64xi32, #tpu.memory_space<hbm>>
          %dma_start3A_101 = arith.constant 0 : i32
          %dma_start3A_102 = tpu.memref_slice %arg6[%dma_start3A_101] : memref<128xi32, #tpu.memory_space<vmem>> -> memref<64xi32, #tpu.memory_space<vmem>>
          %dma_start3A_103 = tpu.memref_slice %arg2[%add3A_91] : memref<204800xi32, #tpu.memory_space<hbm>> -> memref<64xi32, #tpu.memory_space<hbm>>
          tpu.enqueue_dma source(%dma_start3A_103 : memref<64xi32, #tpu.memory_space<hbm>>) target(%dma_start3A_102 : memref<64xi32, #tpu.memory_space<vmem>>) target_semaphore(%run_scoped3A : memref<!tpu.dma_semaphore, #tpu.memory_space<semaphore_mem>>)
          %dma_wait3A_104 = arith.constant 0 : i32
          %dma_wait3A_105 = tpu.memref_slice %arg6[%dma_wait3A_104] : memref<128xi32, #tpu.memory_space<vmem>> -> memref<64xi32, #tpu.memory_space<vmem>>
          %dma_wait3A_106 = tpu.memref_slice %arg2[%add3A_91] : memref<204800xi32, #tpu.memory_space<hbm>> -> memref<64xi32, #tpu.memory_space<hbm>>
          %dma_wait3A_107 = arith.constant 0 : i32
          %dma_wait3A_108 = tpu.memref_slice %arg6[%dma_wait3A_107] : memref<128xi32, #tpu.memory_space<vmem>> -> memref<64xi32, #tpu.memory_space<vmem>>
          %dma_wait3A_109 = tpu.memref_slice %arg2[%add3A_91] : memref<204800xi32, #tpu.memory_space<hbm>> -> memref<64xi32, #tpu.memory_space<hbm>>
          tpu.wait_dma2 semaphore(%run_scoped3A : memref<!tpu.dma_semaphore, #tpu.memory_space<semaphore_mem>>) src(%dma_wait3A_109 : memref<64xi32, #tpu.memory_space<hbm>>) dst(%dma_wait3A_108 : memref<64xi32, #tpu.memory_space<vmem>>)
          tpu.yield
        }) : () -> ()
        %mul3A_92 = arith.constant 64 : i32
        %mul3A_93 = arith.muli %add3A_88, %mul3A_92 : i32
        %add3A_94 = arith.addi %add3A_6, %mul3A_93 : i32
        "tpu.region"() ({
          %run_scoped3A = tpu.sem_alloc : memref<!tpu.dma_semaphore, #tpu.memory_space<semaphore_mem>>
          %dma_start3A_98 = arith.constant 64 : i32
          %dma_start3A_99 = tpu.memref_slice %arg6[%dma_start3A_98] : memref<128xi32, #tpu.memory_space<vmem>> -> memref<64xi32, #tpu.memory_space<vmem>>
          %dma_start3A_100 = tpu.memref_slice %arg2[%add3A_94] : memref<204800xi32, #tpu.memory_space<hbm>> -> memref<64xi32, #tpu.memory_space<hbm>>
          %dma_start3A_101 = arith.constant 64 : i32
          %dma_start3A_102 = tpu.memref_slice %arg6[%dma_start3A_101] : memref<128xi32, #tpu.memory_space<vmem>> -> memref<64xi32, #tpu.memory_space<vmem>>
          %dma_start3A_103 = tpu.memref_slice %arg2[%add3A_94] : memref<204800xi32, #tpu.memory_space<hbm>> -> memref<64xi32, #tpu.memory_space<hbm>>
          tpu.enqueue_dma source(%dma_start3A_103 : memref<64xi32, #tpu.memory_space<hbm>>) target(%dma_start3A_102 : memref<64xi32, #tpu.memory_space<vmem>>) target_semaphore(%run_scoped3A : memref<!tpu.dma_semaphore, #tpu.memory_space<semaphore_mem>>)
          %dma_wait3A_104 = arith.constant 64 : i32
          %dma_wait3A_105 = tpu.memref_slice %arg6[%dma_wait3A_104] : memref<128xi32, #tpu.memory_space<vmem>> -> memref<64xi32, #tpu.memory_space<vmem>>
          %dma_wait3A_106 = tpu.memref_slice %arg2[%add3A_94] : memref<204800xi32, #tpu.memory_space<hbm>> -> memref<64xi32, #tpu.memory_space<hbm>>
          %dma_wait3A_107 = arith.constant 64 : i32
          %dma_wait3A_108 = tpu.memref_slice %arg6[%dma_wait3A_107] : memref<128xi32, #tpu.memory_space<vmem>> -> memref<64xi32, #tpu.memory_space<vmem>>
          %dma_wait3A_109 = tpu.memref_slice %arg2[%add3A_94] : memref<204800xi32, #tpu.memory_space<hbm>> -> memref<64xi32, #tpu.memory_space<hbm>>
          tpu.wait_dma2 semaphore(%run_scoped3A : memref<!tpu.dma_semaphore, #tpu.memory_space<semaphore_mem>>) src(%dma_wait3A_109 : memref<64xi32, #tpu.memory_space<hbm>>) dst(%dma_wait3A_108 : memref<64xi32, #tpu.memory_space<vmem>>)
          tpu.yield
        }) : () -> ()
        %dma_start3A_95 = arith.constant 0 : i32
        %dma_start3A_96 = arith.constant 0 : i32
        %dma_start3A_97 = tpu.memref_slice %arg3[%dma_start3A_95, %dma_start3A_96] : memref<100000x64xf32, #tpu.memory_space<hbm>> -> memref<100000x64xf32, #tpu.memory_space<hbm>>
        tpu.enqueue_indirect_dma source(%dma_start3A_97 : memref<100000x64xf32, #tpu.memory_space<hbm>>) target(%arg8 : memref<128x64xf32, #tpu.memory_space<vmem>>) offsets(%arg6 : memref<128xi32, #tpu.memory_space<vmem>>) semaphore(%arg10 : memref<!tpu.dma_semaphore, #tpu.memory_space<semaphore_mem>>)
      } else {
      }
      %scan3A_86 = arith.constant 0 : i32
      scf.yield %scan3A_86 : i32
    }
    %scan3A_27 = arith.constant 12 : i32
    %dma_wait3A = arith.constant 0 : i32
    %dma_wait3A_28 = arith.constant 0 : i32
    %dma_wait3A_29 = tpu.memref_slice %arg3[%dma_wait3A, %dma_wait3A_28] : memref<100000x64xf32, #tpu.memory_space<hbm>> -> memref<100000x64xf32, #tpu.memory_space<hbm>>
    tpu.wait_indirect_dma semaphore(%arg9 : memref<!tpu.dma_semaphore, #tpu.memory_space<semaphore_mem>>) src(%dma_wait3A_29 : memref<100000x64xf32, #tpu.memory_space<hbm>>) dst(%arg7 : memref<128x64xf32, #tpu.memory_space<vmem>>)
    %scan3A_30 = arith.constant 0 : i32
    %scan3A_31 = arith.constant 0 : i32
    %scan3A_32 = arith.constant 8 : i32
    %scan3A_33 = arith.addi %scan3A_31, %scan3A_32 : i32
    %scan3A_34 = arith.constant 1 : i32
    %scan3A_35 = scf.for %scan3A_39 = %scan3A_31 to %scan3A_33 step %scan3A_34 iter_args(%scan3A_40 = %scan3A_30) -> (i32)  : i32 {
      %mul3A_41 = arith.constant 16 : i32
      %mul3A_42 = arith.muli %scan3A_39, %mul3A_41 : i32
      %get3A = arith.index_cast %mul3A_42 : i32 to index
      %get3A_43 = tpu.vector_load %arg5[%get3A] {strides = array<i32>} : memref<128xi32, #tpu.memory_space<vmem>>, vector<16xi32>,
      %eq3A = arith.constant 99999 : i32
      %eq3A_44 = vector.broadcast %eq3A : i32 to vector<16xi32>
      %eq3A_45 = arith.cmpi eq, %get3A_43, %eq3A_44 : vector<16xi32>
      %convert_element_type3A = arith.extui %eq3A_45 : vector<16xi1> to vector<16xi32>
      %reduce_max3A = arith.constant true
      %reduce_max3A_46 = vector.broadcast %reduce_max3A : i1 to vector<16xi1>
      %reduce_max3A_47 = arith.constant -2147483648 : i32
      %reduce_max3A_48 = vector.broadcast %reduce_max3A_47 : i32 to vector<16xi32>
      %reduce_max3A_49 = arith.xori %convert_element_type3A, %reduce_max3A_48 : vector<16xi32>
      %reduce_max3A_50 = tpu.scan <max>, %reduce_max3A_49 masked %reduce_max3A_46 : vector<16xi32>, vector<16xi1> -> vector<16xi32>
      %reduce_max3A_51 = arith.xori %reduce_max3A_50, %reduce_max3A_48 : vector<16xi32>
      %reduce_max3A_52 = vector.extract %reduce_max3A_51[15] : i32 from vector<16xi32>
      %gt3A = arith.constant 0 : i32
      %gt3A_53 = arith.cmpi sgt, %reduce_max3A_52, %gt3A : i32
      %convert_element_type3A_54 = arith.extui %gt3A_53 : i1 to i32
      %cond3A = arith.constant 0 : i32
      %cond3A_55 = arith.cmpi ne, %convert_element_type3A_54, %cond3A : i32
      scf.if %cond3A_55 {
        %mul3A_57 = arith.constant 16 : i32
        %mul3A_58 = arith.muli %scan3A_39, %mul3A_57 : i32
        %add3A_59 = vector.broadcast %mul3A_58 : i32 to vector<16xi32>
        %add3A_60 = arith.addi %add3A_59, %iota3A : vector<16xi32>
        %scan3A_61 = arith.constant 0 : i32
        %scan3A_62 = arith.constant 0 : i32
        %scan3A_63 = arith.constant 64 : i32
        %scan3A_64 = arith.addi %scan3A_62, %scan3A_63 : i32
        %scan3A_65 = arith.constant 1 : i32
        %scan3A_66 = scf.for %scan3A_68 = %scan3A_62 to %scan3A_64 step %scan3A_65 iter_args(%scan3A_69 = %scan3A_61) -> (i32)  : i32 {
          %broadcast_in_dim3A = arith.constant 0 : i32
          %broadcast_in_dim3A_70 = vector.broadcast %broadcast_in_dim3A : i32 to vector<16xi32>
          %add3A_71 = vector.broadcast %scan3A_68 : i32 to vector<16xi32>
          %add3A_72 = arith.addi %broadcast_in_dim3A_70, %add3A_71 : vector<16xi32>
          %broadcast_in_dim3A_73 = arith.constant 0.000000e+00 : f32
          %broadcast_in_dim3A_74 = vector.broadcast %broadcast_in_dim3A_73 : f32 to vector<16xf32>
          tpu.vector_store_idx %arg7[%add3A_60, %add3A_72], %broadcast_in_dim3A_74 masked %eq3A_45 : memref<128x64xf32, #tpu.memory_space<vmem>>[vector<16xi32>, vector<16xi32>], vector<16xf32>, vector<16xi1>
          %scan3A_75 = arith.constant 0 : i32
          scf.yield %scan3A_75 : i32
        }
        %scan3A_67 = arith.constant 64 : i32
      } else {
      }
      %scan3A_56 = arith.constant 0 : i32
      scf.yield %scan3A_56 : i32
    }
    %scan3A_36 = arith.constant 8 : i32
    %add3A_37 = arith.constant 1536 : i32
    %add3A_38 = arith.addi %mul3A_8, %add3A_37 : i32
    "tpu.region"() ({
      %run_scoped3A = tpu.sem_alloc : memref<!tpu.dma_semaphore, #tpu.memory_space<semaphore_mem>>
      %dma_start3A_39 = arith.constant 0 : i32
      %dma_start3A_40 = arith.constant 0 : i32
      %dma_start3A_41 = tpu.memref_slice %arg7[%dma_start3A_39, %dma_start3A_40] : memref<128x64xf32, #tpu.memory_space<vmem>> -> memref<64x64xf32, #tpu.memory_space<vmem>>
      %dma_start3A_42 = arith.constant 0 : i32
      %dma_start3A_43 = tpu.memref_slice %arg4[%add3A_38, %dma_start3A_42] : memref<51200x128xf32, #tpu.memory_space<hbm>> -> memref<64x64xf32, #tpu.memory_space<hbm>>
      %dma_start3A_44 = arith.constant 0 : i32
      %dma_start3A_45 = tpu.memref_slice %arg4[%add3A_38, %dma_start3A_44] : memref<51200x128xf32, #tpu.memory_space<hbm>> -> memref<64x64xf32, #tpu.memory_space<hbm>>
      %dma_start3A_46 = arith.constant 0 : i32
      %dma_start3A_47 = arith.constant 0 : i32
      %dma_start3A_48 = tpu.memref_slice %arg7[%dma_start3A_46, %dma_start3A_47] : memref<128x64xf32, #tpu.memory_space<vmem>> -> memref<64x64xf32, #tpu.memory_space<vmem>>
      tpu.enqueue_dma source(%dma_start3A_48 : memref<64x64xf32, #tpu.memory_space<vmem>>) target(%dma_start3A_45 : memref<64x64xf32, #tpu.memory_space<hbm>>) target_semaphore(%run_scoped3A : memref<!tpu.dma_semaphore, #tpu.memory_space<semaphore_mem>>)
      %dma_wait3A_49 = arith.constant 0 : i32
      %dma_wait3A_50 = arith.constant 0 : i32
      %dma_wait3A_51 = tpu.memref_slice %arg7[%dma_wait3A_49, %dma_wait3A_50] : memref<128x64xf32, #tpu.memory_space<vmem>> -> memref<64x64xf32, #tpu.memory_space<vmem>>
      %dma_wait3A_52 = arith.constant 0 : i32
      %dma_wait3A_53 = tpu.memref_slice %arg4[%add3A_38, %dma_wait3A_52] : memref<51200x128xf32, #tpu.memory_space<hbm>> -> memref<64x64xf32, #tpu.memory_space<hbm>>
      %dma_wait3A_54 = arith.constant 0 : i32
      %dma_wait3A_55 = tpu.memref_slice %arg4[%add3A_38, %dma_wait3A_54] : memref<51200x128xf32, #tpu.memory_space<hbm>> -> memref<64x64xf32, #tpu.memory_space<hbm>>
      %dma_wait3A_56 = arith.constant 0 : i32
      %dma_wait3A_57 = arith.constant 0 : i32
      %dma_wait3A_58 = tpu.memref_slice %arg7[%dma_wait3A_56, %dma_wait3A_57] : memref<128x64xf32, #tpu.memory_space<vmem>> -> memref<64x64xf32, #tpu.memory_space<vmem>>
      tpu.wait_dma2 semaphore(%run_scoped3A : memref<!tpu.dma_semaphore, #tpu.memory_space<semaphore_mem>>) src(%dma_wait3A_58 : memref<64x64xf32, #tpu.memory_space<vmem>>) dst(%dma_wait3A_55 : memref<64x64xf32, #tpu.memory_space<hbm>>)
      tpu.yield
    }) : () -> ()
    "tpu.region"() ({
      %run_scoped3A = tpu.sem_alloc : memref<!tpu.dma_semaphore, #tpu.memory_space<semaphore_mem>>
      %dma_start3A_39 = arith.constant 64 : i32
      %dma_start3A_40 = arith.constant 0 : i32
      %dma_start3A_41 = tpu.memref_slice %arg7[%dma_start3A_39, %dma_start3A_40] : memref<128x64xf32, #tpu.memory_space<vmem>> -> memref<64x64xf32, #tpu.memory_space<vmem>>
      %dma_start3A_42 = arith.constant 64 : i32
      %dma_start3A_43 = tpu.memref_slice %arg4[%add3A_38, %dma_start3A_42] : memref<51200x128xf32, #tpu.memory_space<hbm>> -> memref<64x64xf32, #tpu.memory_space<hbm>>
      %dma_start3A_44 = arith.constant 64 : i32
      %dma_start3A_45 = tpu.memref_slice %arg4[%add3A_38, %dma_start3A_44] : memref<51200x128xf32, #tpu.memory_space<hbm>> -> memref<64x64xf32, #tpu.memory_space<hbm>>
      %dma_start3A_46 = arith.constant 64 : i32
      %dma_start3A_47 = arith.constant 0 : i32
      %dma_start3A_48 = tpu.memref_slice %arg7[%dma_start3A_46, %dma_start3A_47] : memref<128x64xf32, #tpu.memory_space<vmem>> -> memref<64x64xf32, #tpu.memory_space<vmem>>
      tpu.enqueue_dma source(%dma_start3A_48 : memref<64x64xf32, #tpu.memory_space<vmem>>) target(%dma_start3A_45 : memref<64x64xf32, #tpu.memory_space<hbm>>) target_semaphore(%run_scoped3A : memref<!tpu.dma_semaphore, #tpu.memory_space<semaphore_mem>>)
      %dma_wait3A_49 = arith.constant 64 : i32
      %dma_wait3A_50 = arith.constant 0 : i32
      %dma_wait3A_51 = tpu.memref_slice %arg7[%dma_wait3A_49, %dma_wait3A_50] : memref<128x64xf32, #tpu.memory_space<vmem>> -> memref<64x64xf32, #tpu.memory_space<vmem>>
      %dma_wait3A_52 = arith.constant 64 : i32
      %dma_wait3A_53 = tpu.memref_slice %arg4[%add3A_38, %dma_wait3A_52] : memref<51200x128xf32, #tpu.memory_space<hbm>> -> memref<64x64xf32, #tpu.memory_space<hbm>>
      %dma_wait3A_54 = arith.constant 64 : i32
      %dma_wait3A_55 = tpu.memref_slice %arg4[%add3A_38, %dma_wait3A_54] : memref<51200x128xf32, #tpu.memory_space<hbm>> -> memref<64x64xf32, #tpu.memory_space<hbm>>
      %dma_wait3A_56 = arith.constant 64 : i32
      %dma_wait3A_57 = arith.constant 0 : i32
      %dma_wait3A_58 = tpu.memref_slice %arg7[%dma_wait3A_56, %dma_wait3A_57] : memref<128x64xf32, #tpu.memory_space<vmem>> -> memref<64x64xf32, #tpu.memory_space<vmem>>
      tpu.wait_dma2 semaphore(%run_scoped3A : memref<!tpu.dma_semaphore, #tpu.memory_space<semaphore_mem>>) src(%dma_wait3A_58 : memref<64x64xf32, #tpu.memory_space<vmem>>) dst(%dma_wait3A_55 : memref<64x64xf32, #tpu.memory_space<hbm>>)
      tpu.yield
    }) : () -> ()
    return
  }
}

#map = affine_map<(d0, d1) -> (0)>
#map1 = affine_map<(d0, d1) -> (0, 0)>
module attributes {stable_mosaic.version = 14 : i64} {
  func.func @gather_kernel(%arg0: i32, %arg1: i32, %arg2: memref<204800xi32, #tpu.memory_space<hbm>>, %arg3: memref<100000x64xf32, #tpu.memory_space<hbm>>, %arg4: memref<51200x128xf32, #tpu.memory_space<hbm>>, %arg5: memref<128xi32, #tpu.memory_space<vmem>>, %arg6: memref<128xi32, #tpu.memory_space<vmem>>, %arg7: memref<128x64xf32, #tpu.memory_space<vmem>>, %arg8: memref<128x64xf32, #tpu.memory_space<vmem>>, %arg9: memref<!tpu.dma_semaphore, #tpu.memory_space<semaphore_mem>>, %arg10: memref<!tpu.dma_semaphore, #tpu.memory_space<semaphore_mem>>) attributes {dimension_semantics = [#tpu.dimension_semantics<core_parallel>, #tpu.dimension_semantics<subcore_parallel>], iteration_bounds = array<i64: 2, 16>, scalar_prefetch = 0 : i64, scratch_operands = 6 : i64, tpu.core_type = #tpu.core_type<sc_vector_subcore>, window_params = [{transform_indices = #map}, {transform_indices = #map1}, {transform_indices = #map1}]} {
    %mul3A = arith.constant 2 : i32
    %mul3A_0 = arith.muli %arg1, %mul3A : i32
    %add3A = arith.addi %mul3A_0, %arg0 : i32
    %mul3A_1 = arith.constant 1600 : i32
    %mul3A_2 = arith.muli %add3A, %mul3A_1 : i32
    %add3A_3 = arith.constant 102400 : i32
    %add3A_4 = arith.addi %add3A_3, %mul3A_2 : i32
    %add3A_5 = arith.constant 51200 : i32
    %add3A_6 = arith.addi %add3A_4, %add3A_5 : i32
    %mul3A_7 = arith.constant 1600 : i32
    %mul3A_8 = arith.muli %add3A, %mul3A_7 : i32
    %iota3A = tpu.iota {dimensions = array<i32: 0>} : vector<16xi32>
    %add3A_9 = arith.constant 0 : i32
    %add3A_10 = arith.addi %add3A_4, %add3A_9 : i32
    "tpu.region"() ({
      %run_scoped3A = tpu.sem_alloc : memref<!tpu.dma_semaphore, #tpu.memory_space<semaphore_mem>>
      %dma_start3A_39 = arith.constant 0 : i32
      %dma_start3A_40 = tpu.memref_slice %arg5[%dma_start3A_39] : memref<128xi32, #tpu.memory_space<vmem>> -> memref<64xi32, #tpu.memory_space<vmem>>
      %dma_start3A_41 = tpu.memref_slice %arg2[%add3A_10] : memref<204800xi32, #tpu.memory_space<hbm>> -> memref<64xi32, #tpu.memory_space<hbm>>
      %dma_start3A_42 = arith.constant 0 : i32
      %dma_start3A_43 = tpu.memref_slice %arg5[%dma_start3A_42] : memref<128xi32, #tpu.memory_space<vmem>> -> memref<64xi32, #tpu.memory_space<vmem>>
      %dma_start3A_44 = tpu.memref_slice %arg2[%add3A_10] : memref<204800xi32, #tpu.memory_space<hbm>> -> memref<64xi32, #tpu.memory_space<hbm>>
      tpu.enqueue_dma source(%dma_start3A_44 : memref<64xi32, #tpu.memory_space<hbm>>) target(%dma_start3A_43 : memref<64xi32, #tpu.memory_space<vmem>>) target_semaphore(%run_scoped3A : memref<!tpu.dma_semaphore, #tpu.memory_space<semaphore_mem>>)
      %dma_wait3A_45 = arith.constant 0 : i32
      %dma_wait3A_46 = tpu.memref_slice %arg5[%dma_wait3A_45] : memref<128xi32, #tpu.memory_space<vmem>> -> memref<64xi32, #tpu.memory_space<vmem>>
      %dma_wait3A_47 = tpu.memref_slice %arg2[%add3A_10] : memref<204800xi32, #tpu.memory_space<hbm>> -> memref<64xi32, #tpu.memory_space<hbm>>
      %dma_wait3A_48 = arith.constant 0 : i32
      %dma_wait3A_49 = tpu.memref_slice %arg5[%dma_wait3A_48] : memref<128xi32, #tpu.memory_space<vmem>> -> memref<64xi32, #tpu.memory_space<vmem>>
      %dma_wait3A_50 = tpu.memref_slice %arg2[%add3A_10] : memref<204800xi32, #tpu.memory_space<hbm>> -> memref<64xi32, #tpu.memory_space<hbm>>
      tpu.wait_dma2 semaphore(%run_scoped3A : memref<!tpu.dma_semaphore, #tpu.memory_space<semaphore_mem>>) src(%dma_wait3A_50 : memref<64xi32, #tpu.memory_space<hbm>>) dst(%dma_wait3A_49 : memref<64xi32, #tpu.memory_space<vmem>>)
      tpu.yield
    }) : () -> ()
    %add3A_11 = arith.constant 0 : i32
    %add3A_12 = arith.addi %add3A_6, %add3A_11 : i32
    "tpu.region"() ({
      %run_scoped3A = tpu.sem_alloc : memref<!tpu.dma_semaphore, #tpu.memory_space<semaphore_mem>>
      %dma_start3A_39 = arith.constant 64 : i32
      %dma_start3A_40 = tpu.memref_slice %arg5[%dma_start3A_39] : memref<128xi32, #tpu.memory_space<vmem>> -> memref<64xi32, #tpu.memory_space<vmem>>
      %dma_start3A_41 = tpu.memref_slice %arg2[%add3A_12] : memref<204800xi32, #tpu.memory_space<hbm>> -> memref<64xi32, #tpu.memory_space<hbm>>
      %dma_start3A_42 = arith.constant 64 : i32
      %dma_start3A_43 = tpu.memref_slice %arg5[%dma_start3A_42] : memref<128xi32, #tpu.memory_space<vmem>> -> memref<64xi32, #tpu.memory_space<vmem>>
      %dma_start3A_44 = tpu.memref_slice %arg2[%add3A_12] : memref<204800xi32, #tpu.memory_space<hbm>> -> memref<64xi32, #tpu.memory_space<hbm>>
      tpu.enqueue_dma source(%dma_start3A_44 : memref<64xi32, #tpu.memory_space<hbm>>) target(%dma_start3A_43 : memref<64xi32, #tpu.memory_space<vmem>>) target_semaphore(%run_scoped3A : memref<!tpu.dma_semaphore, #tpu.memory_space<semaphore_mem>>)
      %dma_wait3A_45 = arith.constant 64 : i32
      %dma_wait3A_46 = tpu.memref_slice %arg5[%dma_wait3A_45] : memref<128xi32, #tpu.memory_space<vmem>> -> memref<64xi32, #tpu.memory_space<vmem>>
      %dma_wait3A_47 = tpu.memref_slice %arg2[%add3A_12] : memref<204800xi32, #tpu.memory_space<hbm>> -> memref<64xi32, #tpu.memory_space<hbm>>
      %dma_wait3A_48 = arith.constant 64 : i32
      %dma_wait3A_49 = tpu.memref_slice %arg5[%dma_wait3A_48] : memref<128xi32, #tpu.memory_space<vmem>> -> memref<64xi32, #tpu.memory_space<vmem>>
      %dma_wait3A_50 = tpu.memref_slice %arg2[%add3A_12] : memref<204800xi32, #tpu.memory_space<hbm>> -> memref<64xi32, #tpu.memory_space<hbm>>
      tpu.wait_dma2 semaphore(%run_scoped3A : memref<!tpu.dma_semaphore, #tpu.memory_space<semaphore_mem>>) src(%dma_wait3A_50 : memref<64xi32, #tpu.memory_space<hbm>>) dst(%dma_wait3A_49 : memref<64xi32, #tpu.memory_space<vmem>>)
      tpu.yield
    }) : () -> ()
    %dma_start3A = arith.constant 0 : i32
    %dma_start3A_13 = arith.constant 0 : i32
    %dma_start3A_14 = tpu.memref_slice %arg3[%dma_start3A, %dma_start3A_13] : memref<100000x64xf32, #tpu.memory_space<hbm>> -> memref<100000x64xf32, #tpu.memory_space<hbm>>
    tpu.enqueue_indirect_dma source(%dma_start3A_14 : memref<100000x64xf32, #tpu.memory_space<hbm>>) target(%arg7 : memref<128x64xf32, #tpu.memory_space<vmem>>) offsets(%arg5 : memref<128xi32, #tpu.memory_space<vmem>>) semaphore(%arg9 : memref<!tpu.dma_semaphore, #tpu.memory_space<semaphore_mem>>)
    %add3A_15 = arith.constant 64 : i32
    %add3A_16 = arith.addi %add3A_4, %add3A_15 : i32
    "tpu.region"() ({
      %run_scoped3A = tpu.sem_alloc : memref<!tpu.dma_semaphore, #tpu.memory_space<semaphore_mem>>
      %dma_start3A_39 = arith.constant 0 : i32
      %dma_start3A_40 = tpu.memref_slice %arg6[%dma_start3A_39] : memref<128xi32, #tpu.memory_space<vmem>> -> memref<64xi32, #tpu.memory_space<vmem>>
      %dma_start3A_41 = tpu.memref_slice %arg2[%add3A_16] : memref<204800xi32, #tpu.memory_space<hbm>> -> memref<64xi32, #tpu.memory_space<hbm>>
      %dma_start3A_42 = arith.constant 0 : i32
      %dma_start3A_43 = tpu.memref_slice %arg6[%dma_start3A_42] : memref<128xi32, #tpu.memory_space<vmem>> -> memref<64xi32, #tpu.memory_space<vmem>>
      %dma_start3A_44 = tpu.memref_slice %arg2[%add3A_16] : memref<204800xi32, #tpu.memory_space<hbm>> -> memref<64xi32, #tpu.memory_space<hbm>>
      tpu.enqueue_dma source(%dma_start3A_44 : memref<64xi32, #tpu.memory_space<hbm>>) target(%dma_start3A_43 : memref<64xi32, #tpu.memory_space<vmem>>) target_semaphore(%run_scoped3A : memref<!tpu.dma_semaphore, #tpu.memory_space<semaphore_mem>>)
      %dma_wait3A_45 = arith.constant 0 : i32
      %dma_wait3A_46 = tpu.memref_slice %arg6[%dma_wait3A_45] : memref<128xi32, #tpu.memory_space<vmem>> -> memref<64xi32, #tpu.memory_space<vmem>>
      %dma_wait3A_47 = tpu.memref_slice %arg2[%add3A_16] : memref<204800xi32, #tpu.memory_space<hbm>> -> memref<64xi32, #tpu.memory_space<hbm>>
      %dma_wait3A_48 = arith.constant 0 : i32
      %dma_wait3A_49 = tpu.memref_slice %arg6[%dma_wait3A_48] : memref<128xi32, #tpu.memory_space<vmem>> -> memref<64xi32, #tpu.memory_space<vmem>>
      %dma_wait3A_50 = tpu.memref_slice %arg2[%add3A_16] : memref<204800xi32, #tpu.memory_space<hbm>> -> memref<64xi32, #tpu.memory_space<hbm>>
      tpu.wait_dma2 semaphore(%run_scoped3A : memref<!tpu.dma_semaphore, #tpu.memory_space<semaphore_mem>>) src(%dma_wait3A_50 : memref<64xi32, #tpu.memory_space<hbm>>) dst(%dma_wait3A_49 : memref<64xi32, #tpu.memory_space<vmem>>)
      tpu.yield
    }) : () -> ()
    %add3A_17 = arith.constant 64 : i32
    %add3A_18 = arith.addi %add3A_6, %add3A_17 : i32
    "tpu.region"() ({
      %run_scoped3A = tpu.sem_alloc : memref<!tpu.dma_semaphore, #tpu.memory_space<semaphore_mem>>
      %dma_start3A_39 = arith.constant 64 : i32
      %dma_start3A_40 = tpu.memref_slice %arg6[%dma_start3A_39] : memref<128xi32, #tpu.memory_space<vmem>> -> memref<64xi32, #tpu.memory_space<vmem>>
      %dma_start3A_41 = tpu.memref_slice %arg2[%add3A_18] : memref<204800xi32, #tpu.memory_space<hbm>> -> memref<64xi32, #tpu.memory_space<hbm>>
      %dma_start3A_42 = arith.constant 64 : i32
      %dma_start3A_43 = tpu.memref_slice %arg6[%dma_start3A_42] : memref<128xi32, #tpu.memory_space<vmem>> -> memref<64xi32, #tpu.memory_space<vmem>>
      %dma_start3A_44 = tpu.memref_slice %arg2[%add3A_18] : memref<204800xi32, #tpu.memory_space<hbm>> -> memref<64xi32, #tpu.memory_space<hbm>>
      tpu.enqueue_dma source(%dma_start3A_44 : memref<64xi32, #tpu.memory_space<hbm>>) target(%dma_start3A_43 : memref<64xi32, #tpu.memory_space<vmem>>) target_semaphore(%run_scoped3A : memref<!tpu.dma_semaphore, #tpu.memory_space<semaphore_mem>>)
      %dma_wait3A_45 = arith.constant 64 : i32
      %dma_wait3A_46 = tpu.memref_slice %arg6[%dma_wait3A_45] : memref<128xi32, #tpu.memory_space<vmem>> -> memref<64xi32, #tpu.memory_space<vmem>>
      %dma_wait3A_47 = tpu.memref_slice %arg2[%add3A_18] : memref<204800xi32, #tpu.memory_space<hbm>> -> memref<64xi32, #tpu.memory_space<hbm>>
      %dma_wait3A_48 = arith.constant 64 : i32
      %dma_wait3A_49 = tpu.memref_slice %arg6[%dma_wait3A_48] : memref<128xi32, #tpu.memory_space<vmem>> -> memref<64xi32, #tpu.memory_space<vmem>>
      %dma_wait3A_50 = tpu.memref_slice %arg2[%add3A_18] : memref<204800xi32, #tpu.memory_space<hbm>> -> memref<64xi32, #tpu.memory_space<hbm>>
      tpu.wait_dma2 semaphore(%run_scoped3A : memref<!tpu.dma_semaphore, #tpu.memory_space<semaphore_mem>>) src(%dma_wait3A_50 : memref<64xi32, #tpu.memory_space<hbm>>) dst(%dma_wait3A_49 : memref<64xi32, #tpu.memory_space<vmem>>)
      tpu.yield
    }) : () -> ()
    %dma_start3A_19 = arith.constant 0 : i32
    %dma_start3A_20 = arith.constant 0 : i32
    %dma_start3A_21 = tpu.memref_slice %arg3[%dma_start3A_19, %dma_start3A_20] : memref<100000x64xf32, #tpu.memory_space<hbm>> -> memref<100000x64xf32, #tpu.memory_space<hbm>>
    tpu.enqueue_indirect_dma source(%dma_start3A_21 : memref<100000x64xf32, #tpu.memory_space<hbm>>) target(%arg8 : memref<128x64xf32, #tpu.memory_space<vmem>>) offsets(%arg6 : memref<128xi32, #tpu.memory_space<vmem>>) semaphore(%arg10 : memref<!tpu.dma_semaphore, #tpu.memory_space<semaphore_mem>>)
    %scan3A = arith.constant 0 : i32
    %scan3A_22 = arith.constant 0 : i32
    %scan3A_23 = arith.constant 12 : i32
    %scan3A_24 = arith.addi %scan3A_22, %scan3A_23 : i32
    %scan3A_25 = arith.constant 1 : i32
    %scan3A_26 = scf.for %scan3A_39 = %scan3A_22 to %scan3A_24 step %scan3A_25 iter_args(%scan3A_40 = %scan3A) -> (i32)  : i32 {
      %mul3A_41 = arith.constant 2 : i32
      %mul3A_42 = arith.muli %scan3A_39, %mul3A_41 : i32
      %add3A_43 = arith.constant 0 : i32
      %add3A_44 = arith.addi %mul3A_42, %add3A_43 : i32
      %dma_wait3A_45 = arith.constant 0 : i32
      %dma_wait3A_46 = arith.constant 0 : i32
      %dma_wait3A_47 = tpu.memref_slice %arg3[%dma_wait3A_45, %dma_wait3A_46] : memref<100000x64xf32, #tpu.memory_space<hbm>> -> memref<100000x64xf32, #tpu.memory_space<hbm>>
      tpu.wait_indirect_dma semaphore(%arg9 : memref<!tpu.dma_semaphore, #tpu.memory_space<semaphore_mem>>) src(%dma_wait3A_47 : memref<100000x64xf32, #tpu.memory_space<hbm>>) dst(%arg7 : memref<128x64xf32, #tpu.memory_space<vmem>>)
      %scan3A_48 = arith.constant 0 : i32
      %scan3A_49 = arith.constant 0 : i32
      %scan3A_50 = arith.constant 8 : i32
      %scan3A_51 = arith.addi %scan3A_49, %scan3A_50 : i32
      %scan3A_52 = arith.constant 1 : i32
      %scan3A_53 = scf.for %scan3A_87 = %scan3A_49 to %scan3A_51 step %scan3A_52 iter_args(%scan3A_88 = %scan3A_48) -> (i32)  : i32 {
        %mul3A_89 = arith.constant 16 : i32
        %mul3A_90 = arith.muli %scan3A_87, %mul3A_89 : i32
        %get3A = arith.index_cast %mul3A_90 : i32 to index
        %get3A_91 = tpu.vector_load %arg5[%get3A] {strides = array<i32>} : memref<128xi32, #tpu.memory_space<vmem>>, vector<16xi32>,
        %eq3A = arith.constant 99999 : i32
        %eq3A_92 = vector.broadcast %eq3A : i32 to vector<16xi32>
        %eq3A_93 = arith.cmpi eq, %get3A_91, %eq3A_92 : vector<16xi32>
        %convert_element_type3A_94 = arith.extui %eq3A_93 : vector<16xi1> to vector<16xi32>
        %reduce_max3A = arith.constant true
        %reduce_max3A_95 = vector.broadcast %reduce_max3A : i1 to vector<16xi1>
        %reduce_max3A_96 = arith.constant -2147483648 : i32
        %reduce_max3A_97 = vector.broadcast %reduce_max3A_96 : i32 to vector<16xi32>
        %reduce_max3A_98 = arith.xori %convert_element_type3A_94, %reduce_max3A_97 : vector<16xi32>
        %reduce_max3A_99 = tpu.scan <max>, %reduce_max3A_98 masked %reduce_max3A_95 : vector<16xi32>, vector<16xi1> -> vector<16xi32>
        %reduce_max3A_100 = arith.xori %reduce_max3A_99, %reduce_max3A_97 : vector<16xi32>
        %reduce_max3A_101 = vector.extract %reduce_max3A_100[15] : i32 from vector<16xi32>
        %gt3A = arith.constant 0 : i32
        %gt3A_102 = arith.cmpi sgt, %reduce_max3A_101, %gt3A : i32
        %convert_element_type3A_103 = arith.extui %gt3A_102 : i1 to i32
        %cond3A_104 = arith.constant 0 : i32
        %cond3A_105 = arith.cmpi ne, %convert_element_type3A_103, %cond3A_104 : i32
        scf.if %cond3A_105 {
          %mul3A_107 = arith.constant 16 : i32
          %mul3A_108 = arith.muli %scan3A_87, %mul3A_107 : i32
          %add3A_109 = vector.broadcast %mul3A_108 : i32 to vector<16xi32>
          %add3A_110 = arith.addi %add3A_109, %iota3A : vector<16xi32>
          %scan3A_111 = arith.constant 0 : i32
          %scan3A_112 = arith.constant 0 : i32
          %scan3A_113 = arith.constant 64 : i32
          %scan3A_114 = arith.addi %scan3A_112, %scan3A_113 : i32
          %scan3A_115 = arith.constant 1 : i32
          %scan3A_116 = scf.for %scan3A_118 = %scan3A_112 to %scan3A_114 step %scan3A_115 iter_args(%scan3A_119 = %scan3A_111) -> (i32)  : i32 {
            %broadcast_in_dim3A = arith.constant 0 : i32
            %broadcast_in_dim3A_120 = vector.broadcast %broadcast_in_dim3A : i32 to vector<16xi32>
            %add3A_121 = vector.broadcast %scan3A_118 : i32 to vector<16xi32>
            %add3A_122 = arith.addi %broadcast_in_dim3A_120, %add3A_121 : vector<16xi32>
            %broadcast_in_dim3A_123 = arith.constant 0.000000e+00 : f32
            %broadcast_in_dim3A_124 = vector.broadcast %broadcast_in_dim3A_123 : f32 to vector<16xf32>
            tpu.vector_store_idx %arg7[%add3A_110, %add3A_122], %broadcast_in_dim3A_124 masked %eq3A_93 : memref<128x64xf32, #tpu.memory_space<vmem>>[vector<16xi32>, vector<16xi32>], vector<16xf32>, vector<16xi1>
            %scan3A_125 = arith.constant 0 : i32
            scf.yield %scan3A_125 : i32
          }
          %scan3A_117 = arith.constant 64 : i32
        } else {
        }
        %scan3A_106 = arith.constant 0 : i32
        scf.yield %scan3A_106 : i32
      }
      %scan3A_54 = arith.constant 8 : i32
      %mul3A_55 = arith.constant 64 : i32
      %mul3A_56 = arith.muli %add3A_44, %mul3A_55 : i32
      %add3A_57 = arith.addi %mul3A_8, %mul3A_56 : i32
      "tpu.region"() ({
        %run_scoped3A = tpu.sem_alloc : memref<!tpu.dma_semaphore, #tpu.memory_space<semaphore_mem>>
        %dma_start3A_87 = arith.constant 0 : i32
        %dma_start3A_88 = arith.constant 0 : i32
        %dma_start3A_89 = tpu.memref_slice %arg7[%dma_start3A_87, %dma_start3A_88] : memref<128x64xf32, #tpu.memory_space<vmem>> -> memref<64x64xf32, #tpu.memory_space<vmem>>
        %dma_start3A_90 = arith.constant 0 : i32
        %dma_start3A_91 = tpu.memref_slice %arg4[%add3A_57, %dma_start3A_90] : memref<51200x128xf32, #tpu.memory_space<hbm>> -> memref<64x64xf32, #tpu.memory_space<hbm>>
        %dma_start3A_92 = arith.constant 0 : i32
        %dma_start3A_93 = tpu.memref_slice %arg4[%add3A_57, %dma_start3A_92] : memref<51200x128xf32, #tpu.memory_space<hbm>> -> memref<64x64xf32, #tpu.memory_space<hbm>>
        %dma_start3A_94 = arith.constant 0 : i32
        %dma_start3A_95 = arith.constant 0 : i32
        %dma_start3A_96 = tpu.memref_slice %arg7[%dma_start3A_94, %dma_start3A_95] : memref<128x64xf32, #tpu.memory_space<vmem>> -> memref<64x64xf32, #tpu.memory_space<vmem>>
        tpu.enqueue_dma source(%dma_start3A_96 : memref<64x64xf32, #tpu.memory_space<vmem>>) target(%dma_start3A_93 : memref<64x64xf32, #tpu.memory_space<hbm>>) target_semaphore(%run_scoped3A : memref<!tpu.dma_semaphore, #tpu.memory_space<semaphore_mem>>)
        %dma_wait3A_97 = arith.constant 0 : i32
        %dma_wait3A_98 = arith.constant 0 : i32
        %dma_wait3A_99 = tpu.memref_slice %arg7[%dma_wait3A_97, %dma_wait3A_98] : memref<128x64xf32, #tpu.memory_space<vmem>> -> memref<64x64xf32, #tpu.memory_space<vmem>>
        %dma_wait3A_100 = arith.constant 0 : i32
        %dma_wait3A_101 = tpu.memref_slice %arg4[%add3A_57, %dma_wait3A_100] : memref<51200x128xf32, #tpu.memory_space<hbm>> -> memref<64x64xf32, #tpu.memory_space<hbm>>
        %dma_wait3A_102 = arith.constant 0 : i32
        %dma_wait3A_103 = tpu.memref_slice %arg4[%add3A_57, %dma_wait3A_102] : memref<51200x128xf32, #tpu.memory_space<hbm>> -> memref<64x64xf32, #tpu.memory_space<hbm>>
        %dma_wait3A_104 = arith.constant 0 : i32
        %dma_wait3A_105 = arith.constant 0 : i32
        %dma_wait3A_106 = tpu.memref_slice %arg7[%dma_wait3A_104, %dma_wait3A_105] : memref<128x64xf32, #tpu.memory_space<vmem>> -> memref<64x64xf32, #tpu.memory_space<vmem>>
        tpu.wait_dma2 semaphore(%run_scoped3A : memref<!tpu.dma_semaphore, #tpu.memory_space<semaphore_mem>>) src(%dma_wait3A_106 : memref<64x64xf32, #tpu.memory_space<vmem>>) dst(%dma_wait3A_103 : memref<64x64xf32, #tpu.memory_space<hbm>>)
        tpu.yield
      }) : () -> ()
      "tpu.region"() ({
        %run_scoped3A = tpu.sem_alloc : memref<!tpu.dma_semaphore, #tpu.memory_space<semaphore_mem>>
        %dma_start3A_87 = arith.constant 64 : i32
        %dma_start3A_88 = arith.constant 0 : i32
        %dma_start3A_89 = tpu.memref_slice %arg7[%dma_start3A_87, %dma_start3A_88] : memref<128x64xf32, #tpu.memory_space<vmem>> -> memref<64x64xf32, #tpu.memory_space<vmem>>
        %dma_start3A_90 = arith.constant 64 : i32
        %dma_start3A_91 = tpu.memref_slice %arg4[%add3A_57, %dma_start3A_90] : memref<51200x128xf32, #tpu.memory_space<hbm>> -> memref<64x64xf32, #tpu.memory_space<hbm>>
        %dma_start3A_92 = arith.constant 64 : i32
        %dma_start3A_93 = tpu.memref_slice %arg4[%add3A_57, %dma_start3A_92] : memref<51200x128xf32, #tpu.memory_space<hbm>> -> memref<64x64xf32, #tpu.memory_space<hbm>>
        %dma_start3A_94 = arith.constant 64 : i32
        %dma_start3A_95 = arith.constant 0 : i32
        %dma_start3A_96 = tpu.memref_slice %arg7[%dma_start3A_94, %dma_start3A_95] : memref<128x64xf32, #tpu.memory_space<vmem>> -> memref<64x64xf32, #tpu.memory_space<vmem>>
        tpu.enqueue_dma source(%dma_start3A_96 : memref<64x64xf32, #tpu.memory_space<vmem>>) target(%dma_start3A_93 : memref<64x64xf32, #tpu.memory_space<hbm>>) target_semaphore(%run_scoped3A : memref<!tpu.dma_semaphore, #tpu.memory_space<semaphore_mem>>)
        %dma_wait3A_97 = arith.constant 64 : i32
        %dma_wait3A_98 = arith.constant 0 : i32
        %dma_wait3A_99 = tpu.memref_slice %arg7[%dma_wait3A_97, %dma_wait3A_98] : memref<128x64xf32, #tpu.memory_space<vmem>> -> memref<64x64xf32, #tpu.memory_space<vmem>>
        %dma_wait3A_100 = arith.constant 64 : i32
        %dma_wait3A_101 = tpu.memref_slice %arg4[%add3A_57, %dma_wait3A_100] : memref<51200x128xf32, #tpu.memory_space<hbm>> -> memref<64x64xf32, #tpu.memory_space<hbm>>
        %dma_wait3A_102 = arith.constant 64 : i32
        %dma_wait3A_103 = tpu.memref_slice %arg4[%add3A_57, %dma_wait3A_102] : memref<51200x128xf32, #tpu.memory_space<hbm>> -> memref<64x64xf32, #tpu.memory_space<hbm>>
        %dma_wait3A_104 = arith.constant 64 : i32
        %dma_wait3A_105 = arith.constant 0 : i32
        %dma_wait3A_106 = tpu.memref_slice %arg7[%dma_wait3A_104, %dma_wait3A_105] : memref<128x64xf32, #tpu.memory_space<vmem>> -> memref<64x64xf32, #tpu.memory_space<vmem>>
        tpu.wait_dma2 semaphore(%run_scoped3A : memref<!tpu.dma_semaphore, #tpu.memory_space<semaphore_mem>>) src(%dma_wait3A_106 : memref<64x64xf32, #tpu.memory_space<vmem>>) dst(%dma_wait3A_103 : memref<64x64xf32, #tpu.memory_space<hbm>>)
        tpu.yield
      }) : () -> ()
      %add3A_58 = arith.constant 2 : i32
      %add3A_59 = arith.addi %add3A_44, %add3A_58 : i32
      %lt3A = arith.constant 25 : i32
      %lt3A_60 = arith.cmpi slt, %add3A_59, %lt3A : i32
      %convert_element_type3A = arith.extui %lt3A_60 : i1 to i32
      %cond3A = arith.constant 0 : i32
      %cond3A_61 = arith.cmpi ne, %convert_element_type3A, %cond3A : i32
      scf.if %cond3A_61 {
        %add3A_87 = arith.constant 2 : i32
        %add3A_88 = arith.addi %add3A_44, %add3A_87 : i32
        %mul3A_89 = arith.constant 64 : i32
        %mul3A_90 = arith.muli %add3A_88, %mul3A_89 : i32
        %add3A_91 = arith.addi %add3A_4, %mul3A_90 : i32
        "tpu.region"() ({
          %run_scoped3A = tpu.sem_alloc : memref<!tpu.dma_semaphore, #tpu.memory_space<semaphore_mem>>
          %dma_start3A_98 = arith.constant 0 : i32
          %dma_start3A_99 = tpu.memref_slice %arg5[%dma_start3A_98] : memref<128xi32, #tpu.memory_space<vmem>> -> memref<64xi32, #tpu.memory_space<vmem>>
          %dma_start3A_100 = tpu.memref_slice %arg2[%add3A_91] : memref<204800xi32, #tpu.memory_space<hbm>> -> memref<64xi32, #tpu.memory_space<hbm>>
          %dma_start3A_101 = arith.constant 0 : i32
          %dma_start3A_102 = tpu.memref_slice %arg5[%dma_start3A_101] : memref<128xi32, #tpu.memory_space<vmem>> -> memref<64xi32, #tpu.memory_space<vmem>>
          %dma_start3A_103 = tpu.memref_slice %arg2[%add3A_91] : memref<204800xi32, #tpu.memory_space<hbm>> -> memref<64xi32, #tpu.memory_space<hbm>>
          tpu.enqueue_dma source(%dma_start3A_103 : memref<64xi32, #tpu.memory_space<hbm>>) target(%dma_start3A_102 : memref<64xi32, #tpu.memory_space<vmem>>) target_semaphore(%run_scoped3A : memref<!tpu.dma_semaphore, #tpu.memory_space<semaphore_mem>>)
          %dma_wait3A_104 = arith.constant 0 : i32
          %dma_wait3A_105 = tpu.memref_slice %arg5[%dma_wait3A_104] : memref<128xi32, #tpu.memory_space<vmem>> -> memref<64xi32, #tpu.memory_space<vmem>>
          %dma_wait3A_106 = tpu.memref_slice %arg2[%add3A_91] : memref<204800xi32, #tpu.memory_space<hbm>> -> memref<64xi32, #tpu.memory_space<hbm>>
          %dma_wait3A_107 = arith.constant 0 : i32
          %dma_wait3A_108 = tpu.memref_slice %arg5[%dma_wait3A_107] : memref<128xi32, #tpu.memory_space<vmem>> -> memref<64xi32, #tpu.memory_space<vmem>>
          %dma_wait3A_109 = tpu.memref_slice %arg2[%add3A_91] : memref<204800xi32, #tpu.memory_space<hbm>> -> memref<64xi32, #tpu.memory_space<hbm>>
          tpu.wait_dma2 semaphore(%run_scoped3A : memref<!tpu.dma_semaphore, #tpu.memory_space<semaphore_mem>>) src(%dma_wait3A_109 : memref<64xi32, #tpu.memory_space<hbm>>) dst(%dma_wait3A_108 : memref<64xi32, #tpu.memory_space<vmem>>)
          tpu.yield
        }) : () -> ()
        %mul3A_92 = arith.constant 64 : i32
        %mul3A_93 = arith.muli %add3A_88, %mul3A_92 : i32
        %add3A_94 = arith.addi %add3A_6, %mul3A_93 : i32
        "tpu.region"() ({
          %run_scoped3A = tpu.sem_alloc : memref<!tpu.dma_semaphore, #tpu.memory_space<semaphore_mem>>
          %dma_start3A_98 = arith.constant 64 : i32
          %dma_start3A_99 = tpu.memref_slice %arg5[%dma_start3A_98] : memref<128xi32, #tpu.memory_space<vmem>> -> memref<64xi32, #tpu.memory_space<vmem>>
          %dma_start3A_100 = tpu.memref_slice %arg2[%add3A_94] : memref<204800xi32, #tpu.memory_space<hbm>> -> memref<64xi32, #tpu.memory_space<hbm>>
          %dma_start3A_101 = arith.constant 64 : i32
          %dma_start3A_102 = tpu.memref_slice %arg5[%dma_start3A_101] : memref<128xi32, #tpu.memory_space<vmem>> -> memref<64xi32, #tpu.memory_space<vmem>>
          %dma_start3A_103 = tpu.memref_slice %arg2[%add3A_94] : memref<204800xi32, #tpu.memory_space<hbm>> -> memref<64xi32, #tpu.memory_space<hbm>>
          tpu.enqueue_dma source(%dma_start3A_103 : memref<64xi32, #tpu.memory_space<hbm>>) target(%dma_start3A_102 : memref<64xi32, #tpu.memory_space<vmem>>) target_semaphore(%run_scoped3A : memref<!tpu.dma_semaphore, #tpu.memory_space<semaphore_mem>>)
          %dma_wait3A_104 = arith.constant 64 : i32
          %dma_wait3A_105 = tpu.memref_slice %arg5[%dma_wait3A_104] : memref<128xi32, #tpu.memory_space<vmem>> -> memref<64xi32, #tpu.memory_space<vmem>>
          %dma_wait3A_106 = tpu.memref_slice %arg2[%add3A_94] : memref<204800xi32, #tpu.memory_space<hbm>> -> memref<64xi32, #tpu.memory_space<hbm>>
          %dma_wait3A_107 = arith.constant 64 : i32
          %dma_wait3A_108 = tpu.memref_slice %arg5[%dma_wait3A_107] : memref<128xi32, #tpu.memory_space<vmem>> -> memref<64xi32, #tpu.memory_space<vmem>>
          %dma_wait3A_109 = tpu.memref_slice %arg2[%add3A_94] : memref<204800xi32, #tpu.memory_space<hbm>> -> memref<64xi32, #tpu.memory_space<hbm>>
          tpu.wait_dma2 semaphore(%run_scoped3A : memref<!tpu.dma_semaphore, #tpu.memory_space<semaphore_mem>>) src(%dma_wait3A_109 : memref<64xi32, #tpu.memory_space<hbm>>) dst(%dma_wait3A_108 : memref<64xi32, #tpu.memory_space<vmem>>)
          tpu.yield
        }) : () -> ()
        %dma_start3A_95 = arith.constant 0 : i32
        %dma_start3A_96 = arith.constant 0 : i32
        %dma_start3A_97 = tpu.memref_slice %arg3[%dma_start3A_95, %dma_start3A_96] : memref<100000x64xf32, #tpu.memory_space<hbm>> -> memref<100000x64xf32, #tpu.memory_space<hbm>>
        tpu.enqueue_indirect_dma source(%dma_start3A_97 : memref<100000x64xf32, #tpu.memory_space<hbm>>) target(%arg7 : memref<128x64xf32, #tpu.memory_space<vmem>>) offsets(%arg5 : memref<128xi32, #tpu.memory_space<vmem>>) semaphore(%arg9 : memref<!tpu.dma_semaphore, #tpu.memory_space<semaphore_mem>>)
      } else {
      }
      %mul3A_62 = arith.constant 2 : i32
      %mul3A_63 = arith.muli %scan3A_39, %mul3A_62 : i32
      %add3A_64 = arith.constant 1 : i32
      %add3A_65 = arith.addi %mul3A_63, %add3A_64 : i32
      %dma_wait3A_66 = arith.constant 0 : i32
      %dma_wait3A_67 = arith.constant 0 : i32
      %dma_wait3A_68 = tpu.memref_slice %arg3[%dma_wait3A_66, %dma_wait3A_67] : memref<100000x64xf32, #tpu.memory_space<hbm>> -> memref<100000x64xf32, #tpu.memory_space<hbm>>
      tpu.wait_indirect_dma semaphore(%arg10 : memref<!tpu.dma_semaphore, #tpu.memory_space<semaphore_mem>>) src(%dma_wait3A_68 : memref<100000x64xf32, #tpu.memory_space<hbm>>) dst(%arg8 : memref<128x64xf32, #tpu.memory_space<vmem>>)
      %scan3A_69 = arith.constant 0 : i32
      %scan3A_70 = arith.constant 0 : i32
      %scan3A_71 = arith.constant 8 : i32
      %scan3A_72 = arith.addi %scan3A_70, %scan3A_71 : i32
      %scan3A_73 = arith.constant 1 : i32
      %scan3A_74 = scf.for %scan3A_87 = %scan3A_70 to %scan3A_72 step %scan3A_73 iter_args(%scan3A_88 = %scan3A_69) -> (i32)  : i32 {
        %mul3A_89 = arith.constant 16 : i32
        %mul3A_90 = arith.muli %scan3A_87, %mul3A_89 : i32
        %get3A = arith.index_cast %mul3A_90 : i32 to index
        %get3A_91 = tpu.vector_load %arg6[%get3A] {strides = array<i32>} : memref<128xi32, #tpu.memory_space<vmem>>, vector<16xi32>,
        %eq3A = arith.constant 99999 : i32
        %eq3A_92 = vector.broadcast %eq3A : i32 to vector<16xi32>
        %eq3A_93 = arith.cmpi eq, %get3A_91, %eq3A_92 : vector<16xi32>
        %convert_element_type3A_94 = arith.extui %eq3A_93 : vector<16xi1> to vector<16xi32>
        %reduce_max3A = arith.constant true
        %reduce_max3A_95 = vector.broadcast %reduce_max3A : i1 to vector<16xi1>
        %reduce_max3A_96 = arith.constant -2147483648 : i32
        %reduce_max3A_97 = vector.broadcast %reduce_max3A_96 : i32 to vector<16xi32>
        %reduce_max3A_98 = arith.xori %convert_element_type3A_94, %reduce_max3A_97 : vector<16xi32>
        %reduce_max3A_99 = tpu.scan <max>, %reduce_max3A_98 masked %reduce_max3A_95 : vector<16xi32>, vector<16xi1> -> vector<16xi32>
        %reduce_max3A_100 = arith.xori %reduce_max3A_99, %reduce_max3A_97 : vector<16xi32>
        %reduce_max3A_101 = vector.extract %reduce_max3A_100[15] : i32 from vector<16xi32>
        %gt3A = arith.constant 0 : i32
        %gt3A_102 = arith.cmpi sgt, %reduce_max3A_101, %gt3A : i32
        %convert_element_type3A_103 = arith.extui %gt3A_102 : i1 to i32
        %cond3A_104 = arith.constant 0 : i32
        %cond3A_105 = arith.cmpi ne, %convert_element_type3A_103, %cond3A_104 : i32
        scf.if %cond3A_105 {
          %mul3A_107 = arith.constant 16 : i32
          %mul3A_108 = arith.muli %scan3A_87, %mul3A_107 : i32
          %add3A_109 = vector.broadcast %mul3A_108 : i32 to vector<16xi32>
          %add3A_110 = arith.addi %add3A_109, %iota3A : vector<16xi32>
          %scan3A_111 = arith.constant 0 : i32
          %scan3A_112 = arith.constant 0 : i32
          %scan3A_113 = arith.constant 64 : i32
          %scan3A_114 = arith.addi %scan3A_112, %scan3A_113 : i32
          %scan3A_115 = arith.constant 1 : i32
          %scan3A_116 = scf.for %scan3A_118 = %scan3A_112 to %scan3A_114 step %scan3A_115 iter_args(%scan3A_119 = %scan3A_111) -> (i32)  : i32 {
            %broadcast_in_dim3A = arith.constant 0 : i32
            %broadcast_in_dim3A_120 = vector.broadcast %broadcast_in_dim3A : i32 to vector<16xi32>
            %add3A_121 = vector.broadcast %scan3A_118 : i32 to vector<16xi32>
            %add3A_122 = arith.addi %broadcast_in_dim3A_120, %add3A_121 : vector<16xi32>
            %broadcast_in_dim3A_123 = arith.constant 0.000000e+00 : f32
            %broadcast_in_dim3A_124 = vector.broadcast %broadcast_in_dim3A_123 : f32 to vector<16xf32>
            tpu.vector_store_idx %arg8[%add3A_110, %add3A_122], %broadcast_in_dim3A_124 masked %eq3A_93 : memref<128x64xf32, #tpu.memory_space<vmem>>[vector<16xi32>, vector<16xi32>], vector<16xf32>, vector<16xi1>
            %scan3A_125 = arith.constant 0 : i32
            scf.yield %scan3A_125 : i32
          }
          %scan3A_117 = arith.constant 64 : i32
        } else {
        }
        %scan3A_106 = arith.constant 0 : i32
        scf.yield %scan3A_106 : i32
      }
      %scan3A_75 = arith.constant 8 : i32
      %mul3A_76 = arith.constant 64 : i32
      %mul3A_77 = arith.muli %add3A_65, %mul3A_76 : i32
      %add3A_78 = arith.addi %mul3A_8, %mul3A_77 : i32
      "tpu.region"() ({
        %run_scoped3A = tpu.sem_alloc : memref<!tpu.dma_semaphore, #tpu.memory_space<semaphore_mem>>
        %dma_start3A_87 = arith.constant 0 : i32
        %dma_start3A_88 = arith.constant 0 : i32
        %dma_start3A_89 = tpu.memref_slice %arg8[%dma_start3A_87, %dma_start3A_88] : memref<128x64xf32, #tpu.memory_space<vmem>> -> memref<64x64xf32, #tpu.memory_space<vmem>>
        %dma_start3A_90 = arith.constant 0 : i32
        %dma_start3A_91 = tpu.memref_slice %arg4[%add3A_78, %dma_start3A_90] : memref<51200x128xf32, #tpu.memory_space<hbm>> -> memref<64x64xf32, #tpu.memory_space<hbm>>
        %dma_start3A_92 = arith.constant 0 : i32
        %dma_start3A_93 = tpu.memref_slice %arg4[%add3A_78, %dma_start3A_92] : memref<51200x128xf32, #tpu.memory_space<hbm>> -> memref<64x64xf32, #tpu.memory_space<hbm>>
        %dma_start3A_94 = arith.constant 0 : i32
        %dma_start3A_95 = arith.constant 0 : i32
        %dma_start3A_96 = tpu.memref_slice %arg8[%dma_start3A_94, %dma_start3A_95] : memref<128x64xf32, #tpu.memory_space<vmem>> -> memref<64x64xf32, #tpu.memory_space<vmem>>
        tpu.enqueue_dma source(%dma_start3A_96 : memref<64x64xf32, #tpu.memory_space<vmem>>) target(%dma_start3A_93 : memref<64x64xf32, #tpu.memory_space<hbm>>) target_semaphore(%run_scoped3A : memref<!tpu.dma_semaphore, #tpu.memory_space<semaphore_mem>>)
        %dma_wait3A_97 = arith.constant 0 : i32
        %dma_wait3A_98 = arith.constant 0 : i32
        %dma_wait3A_99 = tpu.memref_slice %arg8[%dma_wait3A_97, %dma_wait3A_98] : memref<128x64xf32, #tpu.memory_space<vmem>> -> memref<64x64xf32, #tpu.memory_space<vmem>>
        %dma_wait3A_100 = arith.constant 0 : i32
        %dma_wait3A_101 = tpu.memref_slice %arg4[%add3A_78, %dma_wait3A_100] : memref<51200x128xf32, #tpu.memory_space<hbm>> -> memref<64x64xf32, #tpu.memory_space<hbm>>
        %dma_wait3A_102 = arith.constant 0 : i32
        %dma_wait3A_103 = tpu.memref_slice %arg4[%add3A_78, %dma_wait3A_102] : memref<51200x128xf32, #tpu.memory_space<hbm>> -> memref<64x64xf32, #tpu.memory_space<hbm>>
        %dma_wait3A_104 = arith.constant 0 : i32
        %dma_wait3A_105 = arith.constant 0 : i32
        %dma_wait3A_106 = tpu.memref_slice %arg8[%dma_wait3A_104, %dma_wait3A_105] : memref<128x64xf32, #tpu.memory_space<vmem>> -> memref<64x64xf32, #tpu.memory_space<vmem>>
        tpu.wait_dma2 semaphore(%run_scoped3A : memref<!tpu.dma_semaphore, #tpu.memory_space<semaphore_mem>>) src(%dma_wait3A_106 : memref<64x64xf32, #tpu.memory_space<vmem>>) dst(%dma_wait3A_103 : memref<64x64xf32, #tpu.memory_space<hbm>>)
        tpu.yield
      }) : () -> ()
      "tpu.region"() ({
        %run_scoped3A = tpu.sem_alloc : memref<!tpu.dma_semaphore, #tpu.memory_space<semaphore_mem>>
        %dma_start3A_87 = arith.constant 64 : i32
        %dma_start3A_88 = arith.constant 0 : i32
        %dma_start3A_89 = tpu.memref_slice %arg8[%dma_start3A_87, %dma_start3A_88] : memref<128x64xf32, #tpu.memory_space<vmem>> -> memref<64x64xf32, #tpu.memory_space<vmem>>
        %dma_start3A_90 = arith.constant 64 : i32
        %dma_start3A_91 = tpu.memref_slice %arg4[%add3A_78, %dma_start3A_90] : memref<51200x128xf32, #tpu.memory_space<hbm>> -> memref<64x64xf32, #tpu.memory_space<hbm>>
        %dma_start3A_92 = arith.constant 64 : i32
        %dma_start3A_93 = tpu.memref_slice %arg4[%add3A_78, %dma_start3A_92] : memref<51200x128xf32, #tpu.memory_space<hbm>> -> memref<64x64xf32, #tpu.memory_space<hbm>>
        %dma_start3A_94 = arith.constant 64 : i32
        %dma_start3A_95 = arith.constant 0 : i32
        %dma_start3A_96 = tpu.memref_slice %arg8[%dma_start3A_94, %dma_start3A_95] : memref<128x64xf32, #tpu.memory_space<vmem>> -> memref<64x64xf32, #tpu.memory_space<vmem>>
        tpu.enqueue_dma source(%dma_start3A_96 : memref<64x64xf32, #tpu.memory_space<vmem>>) target(%dma_start3A_93 : memref<64x64xf32, #tpu.memory_space<hbm>>) target_semaphore(%run_scoped3A : memref<!tpu.dma_semaphore, #tpu.memory_space<semaphore_mem>>)
        %dma_wait3A_97 = arith.constant 64 : i32
        %dma_wait3A_98 = arith.constant 0 : i32
        %dma_wait3A_99 = tpu.memref_slice %arg8[%dma_wait3A_97, %dma_wait3A_98] : memref<128x64xf32, #tpu.memory_space<vmem>> -> memref<64x64xf32, #tpu.memory_space<vmem>>
        %dma_wait3A_100 = arith.constant 64 : i32
        %dma_wait3A_101 = tpu.memref_slice %arg4[%add3A_78, %dma_wait3A_100] : memref<51200x128xf32, #tpu.memory_space<hbm>> -> memref<64x64xf32, #tpu.memory_space<hbm>>
        %dma_wait3A_102 = arith.constant 64 : i32
        %dma_wait3A_103 = tpu.memref_slice %arg4[%add3A_78, %dma_wait3A_102] : memref<51200x128xf32, #tpu.memory_space<hbm>> -> memref<64x64xf32, #tpu.memory_space<hbm>>
        %dma_wait3A_104 = arith.constant 64 : i32
        %dma_wait3A_105 = arith.constant 0 : i32
        %dma_wait3A_106 = tpu.memref_slice %arg8[%dma_wait3A_104, %dma_wait3A_105] : memref<128x64xf32, #tpu.memory_space<vmem>> -> memref<64x64xf32, #tpu.memory_space<vmem>>
        tpu.wait_dma2 semaphore(%run_scoped3A : memref<!tpu.dma_semaphore, #tpu.memory_space<semaphore_mem>>) src(%dma_wait3A_106 : memref<64x64xf32, #tpu.memory_space<vmem>>) dst(%dma_wait3A_103 : memref<64x64xf32, #tpu.memory_space<hbm>>)
        tpu.yield
      }) : () -> ()
      %add3A_79 = arith.constant 2 : i32
      %add3A_80 = arith.addi %add3A_65, %add3A_79 : i32
      %lt3A_81 = arith.constant 25 : i32
      %lt3A_82 = arith.cmpi slt, %add3A_80, %lt3A_81 : i32
      %convert_element_type3A_83 = arith.extui %lt3A_82 : i1 to i32
      %cond3A_84 = arith.constant 0 : i32
      %cond3A_85 = arith.cmpi ne, %convert_element_type3A_83, %cond3A_84 : i32
      scf.if %cond3A_85 {
        %add3A_87 = arith.constant 2 : i32
        %add3A_88 = arith.addi %add3A_65, %add3A_87 : i32
        %mul3A_89 = arith.constant 64 : i32
        %mul3A_90 = arith.muli %add3A_88, %mul3A_89 : i32
        %add3A_91 = arith.addi %add3A_4, %mul3A_90 : i32
        "tpu.region"() ({
          %run_scoped3A = tpu.sem_alloc : memref<!tpu.dma_semaphore, #tpu.memory_space<semaphore_mem>>
          %dma_start3A_98 = arith.constant 0 : i32
          %dma_start3A_99 = tpu.memref_slice %arg6[%dma_start3A_98] : memref<128xi32, #tpu.memory_space<vmem>> -> memref<64xi32, #tpu.memory_space<vmem>>
          %dma_start3A_100 = tpu.memref_slice %arg2[%add3A_91] : memref<204800xi32, #tpu.memory_space<hbm>> -> memref<64xi32, #tpu.memory_space<hbm>>
          %dma_start3A_101 = arith.constant 0 : i32
          %dma_start3A_102 = tpu.memref_slice %arg6[%dma_start3A_101] : memref<128xi32, #tpu.memory_space<vmem>> -> memref<64xi32, #tpu.memory_space<vmem>>
          %dma_start3A_103 = tpu.memref_slice %arg2[%add3A_91] : memref<204800xi32, #tpu.memory_space<hbm>> -> memref<64xi32, #tpu.memory_space<hbm>>
          tpu.enqueue_dma source(%dma_start3A_103 : memref<64xi32, #tpu.memory_space<hbm>>) target(%dma_start3A_102 : memref<64xi32, #tpu.memory_space<vmem>>) target_semaphore(%run_scoped3A : memref<!tpu.dma_semaphore, #tpu.memory_space<semaphore_mem>>)
          %dma_wait3A_104 = arith.constant 0 : i32
          %dma_wait3A_105 = tpu.memref_slice %arg6[%dma_wait3A_104] : memref<128xi32, #tpu.memory_space<vmem>> -> memref<64xi32, #tpu.memory_space<vmem>>
          %dma_wait3A_106 = tpu.memref_slice %arg2[%add3A_91] : memref<204800xi32, #tpu.memory_space<hbm>> -> memref<64xi32, #tpu.memory_space<hbm>>
          %dma_wait3A_107 = arith.constant 0 : i32
          %dma_wait3A_108 = tpu.memref_slice %arg6[%dma_wait3A_107] : memref<128xi32, #tpu.memory_space<vmem>> -> memref<64xi32, #tpu.memory_space<vmem>>
          %dma_wait3A_109 = tpu.memref_slice %arg2[%add3A_91] : memref<204800xi32, #tpu.memory_space<hbm>> -> memref<64xi32, #tpu.memory_space<hbm>>
          tpu.wait_dma2 semaphore(%run_scoped3A : memref<!tpu.dma_semaphore, #tpu.memory_space<semaphore_mem>>) src(%dma_wait3A_109 : memref<64xi32, #tpu.memory_space<hbm>>) dst(%dma_wait3A_108 : memref<64xi32, #tpu.memory_space<vmem>>)
          tpu.yield
        }) : () -> ()
        %mul3A_92 = arith.constant 64 : i32
        %mul3A_93 = arith.muli %add3A_88, %mul3A_92 : i32
        %add3A_94 = arith.addi %add3A_6, %mul3A_93 : i32
        "tpu.region"() ({
          %run_scoped3A = tpu.sem_alloc : memref<!tpu.dma_semaphore, #tpu.memory_space<semaphore_mem>>
          %dma_start3A_98 = arith.constant 64 : i32
          %dma_start3A_99 = tpu.memref_slice %arg6[%dma_start3A_98] : memref<128xi32, #tpu.memory_space<vmem>> -> memref<64xi32, #tpu.memory_space<vmem>>
          %dma_start3A_100 = tpu.memref_slice %arg2[%add3A_94] : memref<204800xi32, #tpu.memory_space<hbm>> -> memref<64xi32, #tpu.memory_space<hbm>>
          %dma_start3A_101 = arith.constant 64 : i32
          %dma_start3A_102 = tpu.memref_slice %arg6[%dma_start3A_101] : memref<128xi32, #tpu.memory_space<vmem>> -> memref<64xi32, #tpu.memory_space<vmem>>
          %dma_start3A_103 = tpu.memref_slice %arg2[%add3A_94] : memref<204800xi32, #tpu.memory_space<hbm>> -> memref<64xi32, #tpu.memory_space<hbm>>
          tpu.enqueue_dma source(%dma_start3A_103 : memref<64xi32, #tpu.memory_space<hbm>>) target(%dma_start3A_102 : memref<64xi32, #tpu.memory_space<vmem>>) target_semaphore(%run_scoped3A : memref<!tpu.dma_semaphore, #tpu.memory_space<semaphore_mem>>)
          %dma_wait3A_104 = arith.constant 64 : i32
          %dma_wait3A_105 = tpu.memref_slice %arg6[%dma_wait3A_104] : memref<128xi32, #tpu.memory_space<vmem>> -> memref<64xi32, #tpu.memory_space<vmem>>
          %dma_wait3A_106 = tpu.memref_slice %arg2[%add3A_94] : memref<204800xi32, #tpu.memory_space<hbm>> -> memref<64xi32, #tpu.memory_space<hbm>>
          %dma_wait3A_107 = arith.constant 64 : i32
          %dma_wait3A_108 = tpu.memref_slice %arg6[%dma_wait3A_107] : memref<128xi32, #tpu.memory_space<vmem>> -> memref<64xi32, #tpu.memory_space<vmem>>
          %dma_wait3A_109 = tpu.memref_slice %arg2[%add3A_94] : memref<204800xi32, #tpu.memory_space<hbm>> -> memref<64xi32, #tpu.memory_space<hbm>>
          tpu.wait_dma2 semaphore(%run_scoped3A : memref<!tpu.dma_semaphore, #tpu.memory_space<semaphore_mem>>) src(%dma_wait3A_109 : memref<64xi32, #tpu.memory_space<hbm>>) dst(%dma_wait3A_108 : memref<64xi32, #tpu.memory_space<vmem>>)
          tpu.yield
        }) : () -> ()
        %dma_start3A_95 = arith.constant 0 : i32
        %dma_start3A_96 = arith.constant 0 : i32
        %dma_start3A_97 = tpu.memref_slice %arg3[%dma_start3A_95, %dma_start3A_96] : memref<100000x64xf32, #tpu.memory_space<hbm>> -> memref<100000x64xf32, #tpu.memory_space<hbm>>
        tpu.enqueue_indirect_dma source(%dma_start3A_97 : memref<100000x64xf32, #tpu.memory_space<hbm>>) target(%arg8 : memref<128x64xf32, #tpu.memory_space<vmem>>) offsets(%arg6 : memref<128xi32, #tpu.memory_space<vmem>>) semaphore(%arg10 : memref<!tpu.dma_semaphore, #tpu.memory_space<semaphore_mem>>)
      } else {
      }
      %scan3A_86 = arith.constant 0 : i32
      scf.yield %scan3A_86 : i32
    }
    %scan3A_27 = arith.constant 12 : i32
    %dma_wait3A = arith.constant 0 : i32
    %dma_wait3A_28 = arith.constant 0 : i32
    %dma_wait3A_29 = tpu.memref_slice %arg3[%dma_wait3A, %dma_wait3A_28] : memref<100000x64xf32, #tpu.memory_space<hbm>> -> memref<100000x64xf32, #tpu.memory_space<hbm>>
    tpu.wait_indirect_dma semaphore(%arg9 : memref<!tpu.dma_semaphore, #tpu.memory_space<semaphore_mem>>) src(%dma_wait3A_29 : memref<100000x64xf32, #tpu.memory_space<hbm>>) dst(%arg7 : memref<128x64xf32, #tpu.memory_space<vmem>>)
    %scan3A_30 = arith.constant 0 : i32
    %scan3A_31 = arith.constant 0 : i32
    %scan3A_32 = arith.constant 8 : i32
    %scan3A_33 = arith.addi %scan3A_31, %scan3A_32 : i32
    %scan3A_34 = arith.constant 1 : i32
    %scan3A_35 = scf.for %scan3A_39 = %scan3A_31 to %scan3A_33 step %scan3A_34 iter_args(%scan3A_40 = %scan3A_30) -> (i32)  : i32 {
      %mul3A_41 = arith.constant 16 : i32
      %mul3A_42 = arith.muli %scan3A_39, %mul3A_41 : i32
      %get3A = arith.index_cast %mul3A_42 : i32 to index
      %get3A_43 = tpu.vector_load %arg5[%get3A] {strides = array<i32>} : memref<128xi32, #tpu.memory_space<vmem>>, vector<16xi32>,
      %eq3A = arith.constant 99999 : i32
      %eq3A_44 = vector.broadcast %eq3A : i32 to vector<16xi32>
      %eq3A_45 = arith.cmpi eq, %get3A_43, %eq3A_44 : vector<16xi32>
      %convert_element_type3A = arith.extui %eq3A_45 : vector<16xi1> to vector<16xi32>
      %reduce_max3A = arith.constant true
      %reduce_max3A_46 = vector.broadcast %reduce_max3A : i1 to vector<16xi1>
      %reduce_max3A_47 = arith.constant -2147483648 : i32
      %reduce_max3A_48 = vector.broadcast %reduce_max3A_47 : i32 to vector<16xi32>
      %reduce_max3A_49 = arith.xori %convert_element_type3A, %reduce_max3A_48 : vector<16xi32>
      %reduce_max3A_50 = tpu.scan <max>, %reduce_max3A_49 masked %reduce_max3A_46 : vector<16xi32>, vector<16xi1> -> vector<16xi32>
      %reduce_max3A_51 = arith.xori %reduce_max3A_50, %reduce_max3A_48 : vector<16xi32>
      %reduce_max3A_52 = vector.extract %reduce_max3A_51[15] : i32 from vector<16xi32>
      %gt3A = arith.constant 0 : i32
      %gt3A_53 = arith.cmpi sgt, %reduce_max3A_52, %gt3A : i32
      %convert_element_type3A_54 = arith.extui %gt3A_53 : i1 to i32
      %cond3A = arith.constant 0 : i32
      %cond3A_55 = arith.cmpi ne, %convert_element_type3A_54, %cond3A : i32
      scf.if %cond3A_55 {
        %mul3A_57 = arith.constant 16 : i32
        %mul3A_58 = arith.muli %scan3A_39, %mul3A_57 : i32
        %add3A_59 = vector.broadcast %mul3A_58 : i32 to vector<16xi32>
        %add3A_60 = arith.addi %add3A_59, %iota3A : vector<16xi32>
        %scan3A_61 = arith.constant 0 : i32
        %scan3A_62 = arith.constant 0 : i32
        %scan3A_63 = arith.constant 64 : i32
        %scan3A_64 = arith.addi %scan3A_62, %scan3A_63 : i32
        %scan3A_65 = arith.constant 1 : i32
        %scan3A_66 = scf.for %scan3A_68 = %scan3A_62 to %scan3A_64 step %scan3A_65 iter_args(%scan3A_69 = %scan3A_61) -> (i32)  : i32 {
          %broadcast_in_dim3A = arith.constant 0 : i32
          %broadcast_in_dim3A_70 = vector.broadcast %broadcast_in_dim3A : i32 to vector<16xi32>
          %add3A_71 = vector.broadcast %scan3A_68 : i32 to vector<16xi32>
          %add3A_72 = arith.addi %broadcast_in_dim3A_70, %add3A_71 : vector<16xi32>
          %broadcast_in_dim3A_73 = arith.constant 0.000000e+00 : f32
          %broadcast_in_dim3A_74 = vector.broadcast %broadcast_in_dim3A_73 : f32 to vector<16xf32>
          tpu.vector_store_idx %arg7[%add3A_60, %add3A_72], %broadcast_in_dim3A_74 masked %eq3A_45 : memref<128x64xf32, #tpu.memory_space<vmem>>[vector<16xi32>, vector<16xi32>], vector<16xf32>, vector<16xi1>
          %scan3A_75 = arith.constant 0 : i32
          scf.yield %scan3A_75 : i32
        }
        %scan3A_67 = arith.constant 64 : i32
      } else {
      }
      %scan3A_56 = arith.constant 0 : i32
      scf.yield %scan3A_56 : i32
    }
    %scan3A_36 = arith.constant 8 : i32
    %add3A_37 = arith.constant 1536 : i32
    %add3A_38 = arith.addi %mul3A_8, %add3A_37 : i32
    "tpu.region"() ({
      %run_scoped3A = tpu.sem_alloc : memref<!tpu.dma_semaphore, #tpu.memory_space<semaphore_mem>>
      %dma_start3A_39 = arith.constant 0 : i32
      %dma_start3A_40 = arith.constant 0 : i32
      %dma_start3A_41 = tpu.memref_slice %arg7[%dma_start3A_39, %dma_start3A_40] : memref<128x64xf32, #tpu.memory_space<vmem>> -> memref<64x64xf32, #tpu.memory_space<vmem>>
      %dma_start3A_42 = arith.constant 0 : i32
      %dma_start3A_43 = tpu.memref_slice %arg4[%add3A_38, %dma_start3A_42] : memref<51200x128xf32, #tpu.memory_space<hbm>> -> memref<64x64xf32, #tpu.memory_space<hbm>>
      %dma_start3A_44 = arith.constant 0 : i32
      %dma_start3A_45 = tpu.memref_slice %arg4[%add3A_38, %dma_start3A_44] : memref<51200x128xf32, #tpu.memory_space<hbm>> -> memref<64x64xf32, #tpu.memory_space<hbm>>
      %dma_start3A_46 = arith.constant 0 : i32
      %dma_start3A_47 = arith.constant 0 : i32
      %dma_start3A_48 = tpu.memref_slice %arg7[%dma_start3A_46, %dma_start3A_47] : memref<128x64xf32, #tpu.memory_space<vmem>> -> memref<64x64xf32, #tpu.memory_space<vmem>>
      tpu.enqueue_dma source(%dma_start3A_48 : memref<64x64xf32, #tpu.memory_space<vmem>>) target(%dma_start3A_45 : memref<64x64xf32, #tpu.memory_space<hbm>>) target_semaphore(%run_scoped3A : memref<!tpu.dma_semaphore, #tpu.memory_space<semaphore_mem>>)
      %dma_wait3A_49 = arith.constant 0 : i32
      %dma_wait3A_50 = arith.constant 0 : i32
      %dma_wait3A_51 = tpu.memref_slice %arg7[%dma_wait3A_49, %dma_wait3A_50] : memref<128x64xf32, #tpu.memory_space<vmem>> -> memref<64x64xf32, #tpu.memory_space<vmem>>
      %dma_wait3A_52 = arith.constant 0 : i32
      %dma_wait3A_53 = tpu.memref_slice %arg4[%add3A_38, %dma_wait3A_52] : memref<51200x128xf32, #tpu.memory_space<hbm>> -> memref<64x64xf32, #tpu.memory_space<hbm>>
      %dma_wait3A_54 = arith.constant 0 : i32
      %dma_wait3A_55 = tpu.memref_slice %arg4[%add3A_38, %dma_wait3A_54] : memref<51200x128xf32, #tpu.memory_space<hbm>> -> memref<64x64xf32, #tpu.memory_space<hbm>>
      %dma_wait3A_56 = arith.constant 0 : i32
      %dma_wait3A_57 = arith.constant 0 : i32
      %dma_wait3A_58 = tpu.memref_slice %arg7[%dma_wait3A_56, %dma_wait3A_57] : memref<128x64xf32, #tpu.memory_space<vmem>> -> memref<64x64xf32, #tpu.memory_space<vmem>>
      tpu.wait_dma2 semaphore(%run_scoped3A : memref<!tpu.dma_semaphore, #tpu.memory_space<semaphore_mem>>) src(%dma_wait3A_58 : memref<64x64xf32, #tpu.memory_space<vmem>>) dst(%dma_wait3A_55 : memref<64x64xf32, #tpu.memory_space<hbm>>)
      tpu.yield
    }) : () -> ()
    "tpu.region"() ({
      %run_scoped3A = tpu.sem_alloc : memref<!tpu.dma_semaphore, #tpu.memory_space<semaphore_mem>>
      %dma_start3A_39 = arith.constant 64 : i32
      %dma_start3A_40 = arith.constant 0 : i32
      %dma_start3A_41 = tpu.memref_slice %arg7[%dma_start3A_39, %dma_start3A_40] : memref<128x64xf32, #tpu.memory_space<vmem>> -> memref<64x64xf32, #tpu.memory_space<vmem>>
      %dma_start3A_42 = arith.constant 64 : i32
      %dma_start3A_43 = tpu.memref_slice %arg4[%add3A_38, %dma_start3A_42] : memref<51200x128xf32, #tpu.memory_space<hbm>> -> memref<64x64xf32, #tpu.memory_space<hbm>>
      %dma_start3A_44 = arith.constant 64 : i32
      %dma_start3A_45 = tpu.memref_slice %arg4[%add3A_38, %dma_start3A_44] : memref<51200x128xf32, #tpu.memory_space<hbm>> -> memref<64x64xf32, #tpu.memory_space<hbm>>
      %dma_start3A_46 = arith.constant 64 : i32
      %dma_start3A_47 = arith.constant 0 : i32
      %dma_start3A_48 = tpu.memref_slice %arg7[%dma_start3A_46, %dma_start3A_47] : memref<128x64xf32, #tpu.memory_space<vmem>> -> memref<64x64xf32, #tpu.memory_space<vmem>>
      tpu.enqueue_dma source(%dma_start3A_48 : memref<64x64xf32, #tpu.memory_space<vmem>>) target(%dma_start3A_45 : memref<64x64xf32, #tpu.memory_space<hbm>>) target_semaphore(%run_scoped3A : memref<!tpu.dma_semaphore, #tpu.memory_space<semaphore_mem>>)
      %dma_wait3A_49 = arith.constant 64 : i32
      %dma_wait3A_50 = arith.constant 0 : i32
      %dma_wait3A_51 = tpu.memref_slice %arg7[%dma_wait3A_49, %dma_wait3A_50] : memref<128x64xf32, #tpu.memory_space<vmem>> -> memref<64x64xf32, #tpu.memory_space<vmem>>
      %dma_wait3A_52 = arith.constant 64 : i32
      %dma_wait3A_53 = tpu.memref_slice %arg4[%add3A_38, %dma_wait3A_52] : memref<51200x128xf32, #tpu.memory_space<hbm>> -> memref<64x64xf32, #tpu.memory_space<hbm>>
      %dma_wait3A_54 = arith.constant 64 : i32
      %dma_wait3A_55 = tpu.memref_slice %arg4[%add3A_38, %dma_wait3A_54] : memref<51200x128xf32, #tpu.memory_space<hbm>> -> memref<64x64xf32, #tpu.memory_space<hbm>>
      %dma_wait3A_56 = arith.constant 64 : i32
      %dma_wait3A_57 = arith.constant 0 : i32
      %dma_wait3A_58 = tpu.memref_slice %arg7[%dma_wait3A_56, %dma_wait3A_57] : memref<128x64xf32, #tpu.memory_space<vmem>> -> memref<64x64xf32, #tpu.memory_space<vmem>>
      tpu.wait_dma2 semaphore(%run_scoped3A : memref<!tpu.dma_semaphore, #tpu.memory_space<semaphore_mem>>) src(%dma_wait3A_58 : memref<64x64xf32, #tpu.memory_space<vmem>>) dst(%dma_wait3A_55 : memref<64x64xf32, #tpu.memory_space<hbm>>)
      tpu.yield
    }) : () -> ()
    return
  }
}

#map = affine_map<(d0, d1) -> (0)>
#map1 = affine_map<(d0, d1) -> (0, 0)>
module attributes {stable_mosaic.version = 14 : i64} {
  func.func @gather_kernel(%arg0: i32, %arg1: i32, %arg2: memref<204800xi32, #tpu.memory_space<hbm>>, %arg3: memref<100000x64xf32, #tpu.memory_space<hbm>>, %arg4: memref<51200x128xf32, #tpu.memory_space<hbm>>, %arg5: memref<128xi32, #tpu.memory_space<vmem>>, %arg6: memref<128xi32, #tpu.memory_space<vmem>>, %arg7: memref<128x64xf32, #tpu.memory_space<vmem>>, %arg8: memref<128x64xf32, #tpu.memory_space<vmem>>, %arg9: memref<!tpu.dma_semaphore, #tpu.memory_space<semaphore_mem>>, %arg10: memref<!tpu.dma_semaphore, #tpu.memory_space<semaphore_mem>>) attributes {dimension_semantics = [#tpu.dimension_semantics<core_parallel>, #tpu.dimension_semantics<subcore_parallel>], iteration_bounds = array<i64: 2, 16>, scalar_prefetch = 0 : i64, scratch_operands = 6 : i64, tpu.core_type = #tpu.core_type<sc_vector_subcore>, window_params = [{transform_indices = #map}, {transform_indices = #map1}, {transform_indices = #map1}]} {
    %mul3A = arith.constant 2 : i32
    %mul3A_0 = arith.muli %arg1, %mul3A : i32
    %add3A = arith.addi %mul3A_0, %arg0 : i32
    %mul3A_1 = arith.constant 1600 : i32
    %mul3A_2 = arith.muli %add3A, %mul3A_1 : i32
    %add3A_3 = arith.constant 102400 : i32
    %add3A_4 = arith.addi %add3A_3, %mul3A_2 : i32
    %add3A_5 = arith.constant 51200 : i32
    %add3A_6 = arith.addi %add3A_4, %add3A_5 : i32
    %mul3A_7 = arith.constant 1600 : i32
    %mul3A_8 = arith.muli %add3A, %mul3A_7 : i32
    %iota3A = tpu.iota {dimensions = array<i32: 0>} : vector<16xi32>
    %add3A_9 = arith.constant 0 : i32
    %add3A_10 = arith.addi %add3A_4, %add3A_9 : i32
    "tpu.region"() ({
      %run_scoped3A = tpu.sem_alloc : memref<!tpu.dma_semaphore, #tpu.memory_space<semaphore_mem>>
      %dma_start3A_39 = arith.constant 0 : i32
      %dma_start3A_40 = tpu.memref_slice %arg5[%dma_start3A_39] : memref<128xi32, #tpu.memory_space<vmem>> -> memref<64xi32, #tpu.memory_space<vmem>>
      %dma_start3A_41 = tpu.memref_slice %arg2[%add3A_10] : memref<204800xi32, #tpu.memory_space<hbm>> -> memref<64xi32, #tpu.memory_space<hbm>>
      %dma_start3A_42 = arith.constant 0 : i32
      %dma_start3A_43 = tpu.memref_slice %arg5[%dma_start3A_42] : memref<128xi32, #tpu.memory_space<vmem>> -> memref<64xi32, #tpu.memory_space<vmem>>
      %dma_start3A_44 = tpu.memref_slice %arg2[%add3A_10] : memref<204800xi32, #tpu.memory_space<hbm>> -> memref<64xi32, #tpu.memory_space<hbm>>
      tpu.enqueue_dma source(%dma_start3A_44 : memref<64xi32, #tpu.memory_space<hbm>>) target(%dma_start3A_43 : memref<64xi32, #tpu.memory_space<vmem>>) target_semaphore(%run_scoped3A : memref<!tpu.dma_semaphore, #tpu.memory_space<semaphore_mem>>)
      %dma_wait3A_45 = arith.constant 0 : i32
      %dma_wait3A_46 = tpu.memref_slice %arg5[%dma_wait3A_45] : memref<128xi32, #tpu.memory_space<vmem>> -> memref<64xi32, #tpu.memory_space<vmem>>
      %dma_wait3A_47 = tpu.memref_slice %arg2[%add3A_10] : memref<204800xi32, #tpu.memory_space<hbm>> -> memref<64xi32, #tpu.memory_space<hbm>>
      %dma_wait3A_48 = arith.constant 0 : i32
      %dma_wait3A_49 = tpu.memref_slice %arg5[%dma_wait3A_48] : memref<128xi32, #tpu.memory_space<vmem>> -> memref<64xi32, #tpu.memory_space<vmem>>
      %dma_wait3A_50 = tpu.memref_slice %arg2[%add3A_10] : memref<204800xi32, #tpu.memory_space<hbm>> -> memref<64xi32, #tpu.memory_space<hbm>>
      tpu.wait_dma2 semaphore(%run_scoped3A : memref<!tpu.dma_semaphore, #tpu.memory_space<semaphore_mem>>) src(%dma_wait3A_50 : memref<64xi32, #tpu.memory_space<hbm>>) dst(%dma_wait3A_49 : memref<64xi32, #tpu.memory_space<vmem>>)
      tpu.yield
    }) : () -> ()
    %add3A_11 = arith.constant 0 : i32
    %add3A_12 = arith.addi %add3A_6, %add3A_11 : i32
    "tpu.region"() ({
      %run_scoped3A = tpu.sem_alloc : memref<!tpu.dma_semaphore, #tpu.memory_space<semaphore_mem>>
      %dma_start3A_39 = arith.constant 64 : i32
      %dma_start3A_40 = tpu.memref_slice %arg5[%dma_start3A_39] : memref<128xi32, #tpu.memory_space<vmem>> -> memref<64xi32, #tpu.memory_space<vmem>>
      %dma_start3A_41 = tpu.memref_slice %arg2[%add3A_12] : memref<204800xi32, #tpu.memory_space<hbm>> -> memref<64xi32, #tpu.memory_space<hbm>>
      %dma_start3A_42 = arith.constant 64 : i32
      %dma_start3A_43 = tpu.memref_slice %arg5[%dma_start3A_42] : memref<128xi32, #tpu.memory_space<vmem>> -> memref<64xi32, #tpu.memory_space<vmem>>
      %dma_start3A_44 = tpu.memref_slice %arg2[%add3A_12] : memref<204800xi32, #tpu.memory_space<hbm>> -> memref<64xi32, #tpu.memory_space<hbm>>
      tpu.enqueue_dma source(%dma_start3A_44 : memref<64xi32, #tpu.memory_space<hbm>>) target(%dma_start3A_43 : memref<64xi32, #tpu.memory_space<vmem>>) target_semaphore(%run_scoped3A : memref<!tpu.dma_semaphore, #tpu.memory_space<semaphore_mem>>)
      %dma_wait3A_45 = arith.constant 64 : i32
      %dma_wait3A_46 = tpu.memref_slice %arg5[%dma_wait3A_45] : memref<128xi32, #tpu.memory_space<vmem>> -> memref<64xi32, #tpu.memory_space<vmem>>
      %dma_wait3A_47 = tpu.memref_slice %arg2[%add3A_12] : memref<204800xi32, #tpu.memory_space<hbm>> -> memref<64xi32, #tpu.memory_space<hbm>>
      %dma_wait3A_48 = arith.constant 64 : i32
      %dma_wait3A_49 = tpu.memref_slice %arg5[%dma_wait3A_48] : memref<128xi32, #tpu.memory_space<vmem>> -> memref<64xi32, #tpu.memory_space<vmem>>
      %dma_wait3A_50 = tpu.memref_slice %arg2[%add3A_12] : memref<204800xi32, #tpu.memory_space<hbm>> -> memref<64xi32, #tpu.memory_space<hbm>>
      tpu.wait_dma2 semaphore(%run_scoped3A : memref<!tpu.dma_semaphore, #tpu.memory_space<semaphore_mem>>) src(%dma_wait3A_50 : memref<64xi32, #tpu.memory_space<hbm>>) dst(%dma_wait3A_49 : memref<64xi32, #tpu.memory_space<vmem>>)
      tpu.yield
    }) : () -> ()
    %dma_start3A = arith.constant 0 : i32
    %dma_start3A_13 = arith.constant 0 : i32
    %dma_start3A_14 = tpu.memref_slice %arg3[%dma_start3A, %dma_start3A_13] : memref<100000x64xf32, #tpu.memory_space<hbm>> -> memref<100000x64xf32, #tpu.memory_space<hbm>>
    tpu.enqueue_indirect_dma source(%dma_start3A_14 : memref<100000x64xf32, #tpu.memory_space<hbm>>) target(%arg7 : memref<128x64xf32, #tpu.memory_space<vmem>>) offsets(%arg5 : memref<128xi32, #tpu.memory_space<vmem>>) semaphore(%arg9 : memref<!tpu.dma_semaphore, #tpu.memory_space<semaphore_mem>>)
    %add3A_15 = arith.constant 64 : i32
    %add3A_16 = arith.addi %add3A_4, %add3A_15 : i32
    "tpu.region"() ({
      %run_scoped3A = tpu.sem_alloc : memref<!tpu.dma_semaphore, #tpu.memory_space<semaphore_mem>>
      %dma_start3A_39 = arith.constant 0 : i32
      %dma_start3A_40 = tpu.memref_slice %arg6[%dma_start3A_39] : memref<128xi32, #tpu.memory_space<vmem>> -> memref<64xi32, #tpu.memory_space<vmem>>
      %dma_start3A_41 = tpu.memref_slice %arg2[%add3A_16] : memref<204800xi32, #tpu.memory_space<hbm>> -> memref<64xi32, #tpu.memory_space<hbm>>
      %dma_start3A_42 = arith.constant 0 : i32
      %dma_start3A_43 = tpu.memref_slice %arg6[%dma_start3A_42] : memref<128xi32, #tpu.memory_space<vmem>> -> memref<64xi32, #tpu.memory_space<vmem>>
      %dma_start3A_44 = tpu.memref_slice %arg2[%add3A_16] : memref<204800xi32, #tpu.memory_space<hbm>> -> memref<64xi32, #tpu.memory_space<hbm>>
      tpu.enqueue_dma source(%dma_start3A_44 : memref<64xi32, #tpu.memory_space<hbm>>) target(%dma_start3A_43 : memref<64xi32, #tpu.memory_space<vmem>>) target_semaphore(%run_scoped3A : memref<!tpu.dma_semaphore, #tpu.memory_space<semaphore_mem>>)
      %dma_wait3A_45 = arith.constant 0 : i32
      %dma_wait3A_46 = tpu.memref_slice %arg6[%dma_wait3A_45] : memref<128xi32, #tpu.memory_space<vmem>> -> memref<64xi32, #tpu.memory_space<vmem>>
      %dma_wait3A_47 = tpu.memref_slice %arg2[%add3A_16] : memref<204800xi32, #tpu.memory_space<hbm>> -> memref<64xi32, #tpu.memory_space<hbm>>
      %dma_wait3A_48 = arith.constant 0 : i32
      %dma_wait3A_49 = tpu.memref_slice %arg6[%dma_wait3A_48] : memref<128xi32, #tpu.memory_space<vmem>> -> memref<64xi32, #tpu.memory_space<vmem>>
      %dma_wait3A_50 = tpu.memref_slice %arg2[%add3A_16] : memref<204800xi32, #tpu.memory_space<hbm>> -> memref<64xi32, #tpu.memory_space<hbm>>
      tpu.wait_dma2 semaphore(%run_scoped3A : memref<!tpu.dma_semaphore, #tpu.memory_space<semaphore_mem>>) src(%dma_wait3A_50 : memref<64xi32, #tpu.memory_space<hbm>>) dst(%dma_wait3A_49 : memref<64xi32, #tpu.memory_space<vmem>>)
      tpu.yield
    }) : () -> ()
    %add3A_17 = arith.constant 64 : i32
    %add3A_18 = arith.addi %add3A_6, %add3A_17 : i32
    "tpu.region"() ({
      %run_scoped3A = tpu.sem_alloc : memref<!tpu.dma_semaphore, #tpu.memory_space<semaphore_mem>>
      %dma_start3A_39 = arith.constant 64 : i32
      %dma_start3A_40 = tpu.memref_slice %arg6[%dma_start3A_39] : memref<128xi32, #tpu.memory_space<vmem>> -> memref<64xi32, #tpu.memory_space<vmem>>
      %dma_start3A_41 = tpu.memref_slice %arg2[%add3A_18] : memref<204800xi32, #tpu.memory_space<hbm>> -> memref<64xi32, #tpu.memory_space<hbm>>
      %dma_start3A_42 = arith.constant 64 : i32
      %dma_start3A_43 = tpu.memref_slice %arg6[%dma_start3A_42] : memref<128xi32, #tpu.memory_space<vmem>> -> memref<64xi32, #tpu.memory_space<vmem>>
      %dma_start3A_44 = tpu.memref_slice %arg2[%add3A_18] : memref<204800xi32, #tpu.memory_space<hbm>> -> memref<64xi32, #tpu.memory_space<hbm>>
      tpu.enqueue_dma source(%dma_start3A_44 : memref<64xi32, #tpu.memory_space<hbm>>) target(%dma_start3A_43 : memref<64xi32, #tpu.memory_space<vmem>>) target_semaphore(%run_scoped3A : memref<!tpu.dma_semaphore, #tpu.memory_space<semaphore_mem>>)
      %dma_wait3A_45 = arith.constant 64 : i32
      %dma_wait3A_46 = tpu.memref_slice %arg6[%dma_wait3A_45] : memref<128xi32, #tpu.memory_space<vmem>> -> memref<64xi32, #tpu.memory_space<vmem>>
      %dma_wait3A_47 = tpu.memref_slice %arg2[%add3A_18] : memref<204800xi32, #tpu.memory_space<hbm>> -> memref<64xi32, #tpu.memory_space<hbm>>
      %dma_wait3A_48 = arith.constant 64 : i32
      %dma_wait3A_49 = tpu.memref_slice %arg6[%dma_wait3A_48] : memref<128xi32, #tpu.memory_space<vmem>> -> memref<64xi32, #tpu.memory_space<vmem>>
      %dma_wait3A_50 = tpu.memref_slice %arg2[%add3A_18] : memref<204800xi32, #tpu.memory_space<hbm>> -> memref<64xi32, #tpu.memory_space<hbm>>
      tpu.wait_dma2 semaphore(%run_scoped3A : memref<!tpu.dma_semaphore, #tpu.memory_space<semaphore_mem>>) src(%dma_wait3A_50 : memref<64xi32, #tpu.memory_space<hbm>>) dst(%dma_wait3A_49 : memref<64xi32, #tpu.memory_space<vmem>>)
      tpu.yield
    }) : () -> ()
    %dma_start3A_19 = arith.constant 0 : i32
    %dma_start3A_20 = arith.constant 0 : i32
    %dma_start3A_21 = tpu.memref_slice %arg3[%dma_start3A_19, %dma_start3A_20] : memref<100000x64xf32, #tpu.memory_space<hbm>> -> memref<100000x64xf32, #tpu.memory_space<hbm>>
    tpu.enqueue_indirect_dma source(%dma_start3A_21 : memref<100000x64xf32, #tpu.memory_space<hbm>>) target(%arg8 : memref<128x64xf32, #tpu.memory_space<vmem>>) offsets(%arg6 : memref<128xi32, #tpu.memory_space<vmem>>) semaphore(%arg10 : memref<!tpu.dma_semaphore, #tpu.memory_space<semaphore_mem>>)
    %scan3A = arith.constant 0 : i32
    %scan3A_22 = arith.constant 0 : i32
    %scan3A_23 = arith.constant 12 : i32
    %scan3A_24 = arith.addi %scan3A_22, %scan3A_23 : i32
    %scan3A_25 = arith.constant 1 : i32
    %scan3A_26 = scf.for %scan3A_39 = %scan3A_22 to %scan3A_24 step %scan3A_25 iter_args(%scan3A_40 = %scan3A) -> (i32)  : i32 {
      %mul3A_41 = arith.constant 2 : i32
      %mul3A_42 = arith.muli %scan3A_39, %mul3A_41 : i32
      %add3A_43 = arith.constant 0 : i32
      %add3A_44 = arith.addi %mul3A_42, %add3A_43 : i32
      %dma_wait3A_45 = arith.constant 0 : i32
      %dma_wait3A_46 = arith.constant 0 : i32
      %dma_wait3A_47 = tpu.memref_slice %arg3[%dma_wait3A_45, %dma_wait3A_46] : memref<100000x64xf32, #tpu.memory_space<hbm>> -> memref<100000x64xf32, #tpu.memory_space<hbm>>
      tpu.wait_indirect_dma semaphore(%arg9 : memref<!tpu.dma_semaphore, #tpu.memory_space<semaphore_mem>>) src(%dma_wait3A_47 : memref<100000x64xf32, #tpu.memory_space<hbm>>) dst(%arg7 : memref<128x64xf32, #tpu.memory_space<vmem>>)
      %scan3A_48 = arith.constant 0 : i32
      %scan3A_49 = arith.constant 0 : i32
      %scan3A_50 = arith.constant 8 : i32
      %scan3A_51 = arith.addi %scan3A_49, %scan3A_50 : i32
      %scan3A_52 = arith.constant 1 : i32
      %scan3A_53 = scf.for %scan3A_87 = %scan3A_49 to %scan3A_51 step %scan3A_52 iter_args(%scan3A_88 = %scan3A_48) -> (i32)  : i32 {
        %mul3A_89 = arith.constant 16 : i32
        %mul3A_90 = arith.muli %scan3A_87, %mul3A_89 : i32
        %get3A = arith.index_cast %mul3A_90 : i32 to index
        %get3A_91 = tpu.vector_load %arg5[%get3A] {strides = array<i32>} : memref<128xi32, #tpu.memory_space<vmem>>, vector<16xi32>,
        %eq3A = arith.constant 99999 : i32
        %eq3A_92 = vector.broadcast %eq3A : i32 to vector<16xi32>
        %eq3A_93 = arith.cmpi eq, %get3A_91, %eq3A_92 : vector<16xi32>
        %convert_element_type3A_94 = arith.extui %eq3A_93 : vector<16xi1> to vector<16xi32>
        %reduce_max3A = arith.constant true
        %reduce_max3A_95 = vector.broadcast %reduce_max3A : i1 to vector<16xi1>
        %reduce_max3A_96 = arith.constant -2147483648 : i32
        %reduce_max3A_97 = vector.broadcast %reduce_max3A_96 : i32 to vector<16xi32>
        %reduce_max3A_98 = arith.xori %convert_element_type3A_94, %reduce_max3A_97 : vector<16xi32>
        %reduce_max3A_99 = tpu.scan <max>, %reduce_max3A_98 masked %reduce_max3A_95 : vector<16xi32>, vector<16xi1> -> vector<16xi32>
        %reduce_max3A_100 = arith.xori %reduce_max3A_99, %reduce_max3A_97 : vector<16xi32>
        %reduce_max3A_101 = vector.extract %reduce_max3A_100[15] : i32 from vector<16xi32>
        %gt3A = arith.constant 0 : i32
        %gt3A_102 = arith.cmpi sgt, %reduce_max3A_101, %gt3A : i32
        %convert_element_type3A_103 = arith.extui %gt3A_102 : i1 to i32
        %cond3A_104 = arith.constant 0 : i32
        %cond3A_105 = arith.cmpi ne, %convert_element_type3A_103, %cond3A_104 : i32
        scf.if %cond3A_105 {
          %mul3A_107 = arith.constant 16 : i32
          %mul3A_108 = arith.muli %scan3A_87, %mul3A_107 : i32
          %add3A_109 = vector.broadcast %mul3A_108 : i32 to vector<16xi32>
          %add3A_110 = arith.addi %add3A_109, %iota3A : vector<16xi32>
          %scan3A_111 = arith.constant 0 : i32
          %scan3A_112 = arith.constant 0 : i32
          %scan3A_113 = arith.constant 64 : i32
          %scan3A_114 = arith.addi %scan3A_112, %scan3A_113 : i32
          %scan3A_115 = arith.constant 1 : i32
          %scan3A_116 = scf.for %scan3A_118 = %scan3A_112 to %scan3A_114 step %scan3A_115 iter_args(%scan3A_119 = %scan3A_111) -> (i32)  : i32 {
            %broadcast_in_dim3A = arith.constant 0 : i32
            %broadcast_in_dim3A_120 = vector.broadcast %broadcast_in_dim3A : i32 to vector<16xi32>
            %add3A_121 = vector.broadcast %scan3A_118 : i32 to vector<16xi32>
            %add3A_122 = arith.addi %broadcast_in_dim3A_120, %add3A_121 : vector<16xi32>
            %broadcast_in_dim3A_123 = arith.constant 0.000000e+00 : f32
            %broadcast_in_dim3A_124 = vector.broadcast %broadcast_in_dim3A_123 : f32 to vector<16xf32>
            tpu.vector_store_idx %arg7[%add3A_110, %add3A_122], %broadcast_in_dim3A_124 masked %eq3A_93 : memref<128x64xf32, #tpu.memory_space<vmem>>[vector<16xi32>, vector<16xi32>], vector<16xf32>, vector<16xi1>
            %scan3A_125 = arith.constant 0 : i32
            scf.yield %scan3A_125 : i32
          }
          %scan3A_117 = arith.constant 64 : i32
        } else {
        }
        %scan3A_106 = arith.constant 0 : i32
        scf.yield %scan3A_106 : i32
      }
      %scan3A_54 = arith.constant 8 : i32
      %mul3A_55 = arith.constant 64 : i32
      %mul3A_56 = arith.muli %add3A_44, %mul3A_55 : i32
      %add3A_57 = arith.addi %mul3A_8, %mul3A_56 : i32
      "tpu.region"() ({
        %run_scoped3A = tpu.sem_alloc : memref<!tpu.dma_semaphore, #tpu.memory_space<semaphore_mem>>
        %dma_start3A_87 = arith.constant 0 : i32
        %dma_start3A_88 = arith.constant 0 : i32
        %dma_start3A_89 = tpu.memref_slice %arg7[%dma_start3A_87, %dma_start3A_88] : memref<128x64xf32, #tpu.memory_space<vmem>> -> memref<64x64xf32, #tpu.memory_space<vmem>>
        %dma_start3A_90 = arith.constant 0 : i32
        %dma_start3A_91 = tpu.memref_slice %arg4[%add3A_57, %dma_start3A_90] : memref<51200x128xf32, #tpu.memory_space<hbm>> -> memref<64x64xf32, #tpu.memory_space<hbm>>
        %dma_start3A_92 = arith.constant 0 : i32
        %dma_start3A_93 = tpu.memref_slice %arg4[%add3A_57, %dma_start3A_92] : memref<51200x128xf32, #tpu.memory_space<hbm>> -> memref<64x64xf32, #tpu.memory_space<hbm>>
        %dma_start3A_94 = arith.constant 0 : i32
        %dma_start3A_95 = arith.constant 0 : i32
        %dma_start3A_96 = tpu.memref_slice %arg7[%dma_start3A_94, %dma_start3A_95] : memref<128x64xf32, #tpu.memory_space<vmem>> -> memref<64x64xf32, #tpu.memory_space<vmem>>
        tpu.enqueue_dma source(%dma_start3A_96 : memref<64x64xf32, #tpu.memory_space<vmem>>) target(%dma_start3A_93 : memref<64x64xf32, #tpu.memory_space<hbm>>) target_semaphore(%run_scoped3A : memref<!tpu.dma_semaphore, #tpu.memory_space<semaphore_mem>>)
        %dma_wait3A_97 = arith.constant 0 : i32
        %dma_wait3A_98 = arith.constant 0 : i32
        %dma_wait3A_99 = tpu.memref_slice %arg7[%dma_wait3A_97, %dma_wait3A_98] : memref<128x64xf32, #tpu.memory_space<vmem>> -> memref<64x64xf32, #tpu.memory_space<vmem>>
        %dma_wait3A_100 = arith.constant 0 : i32
        %dma_wait3A_101 = tpu.memref_slice %arg4[%add3A_57, %dma_wait3A_100] : memref<51200x128xf32, #tpu.memory_space<hbm>> -> memref<64x64xf32, #tpu.memory_space<hbm>>
        %dma_wait3A_102 = arith.constant 0 : i32
        %dma_wait3A_103 = tpu.memref_slice %arg4[%add3A_57, %dma_wait3A_102] : memref<51200x128xf32, #tpu.memory_space<hbm>> -> memref<64x64xf32, #tpu.memory_space<hbm>>
        %dma_wait3A_104 = arith.constant 0 : i32
        %dma_wait3A_105 = arith.constant 0 : i32
        %dma_wait3A_106 = tpu.memref_slice %arg7[%dma_wait3A_104, %dma_wait3A_105] : memref<128x64xf32, #tpu.memory_space<vmem>> -> memref<64x64xf32, #tpu.memory_space<vmem>>
        tpu.wait_dma2 semaphore(%run_scoped3A : memref<!tpu.dma_semaphore, #tpu.memory_space<semaphore_mem>>) src(%dma_wait3A_106 : memref<64x64xf32, #tpu.memory_space<vmem>>) dst(%dma_wait3A_103 : memref<64x64xf32, #tpu.memory_space<hbm>>)
        tpu.yield
      }) : () -> ()
      "tpu.region"() ({
        %run_scoped3A = tpu.sem_alloc : memref<!tpu.dma_semaphore, #tpu.memory_space<semaphore_mem>>
        %dma_start3A_87 = arith.constant 64 : i32
        %dma_start3A_88 = arith.constant 0 : i32
        %dma_start3A_89 = tpu.memref_slice %arg7[%dma_start3A_87, %dma_start3A_88] : memref<128x64xf32, #tpu.memory_space<vmem>> -> memref<64x64xf32, #tpu.memory_space<vmem>>
        %dma_start3A_90 = arith.constant 64 : i32
        %dma_start3A_91 = tpu.memref_slice %arg4[%add3A_57, %dma_start3A_90] : memref<51200x128xf32, #tpu.memory_space<hbm>> -> memref<64x64xf32, #tpu.memory_space<hbm>>
        %dma_start3A_92 = arith.constant 64 : i32
        %dma_start3A_93 = tpu.memref_slice %arg4[%add3A_57, %dma_start3A_92] : memref<51200x128xf32, #tpu.memory_space<hbm>> -> memref<64x64xf32, #tpu.memory_space<hbm>>
        %dma_start3A_94 = arith.constant 64 : i32
        %dma_start3A_95 = arith.constant 0 : i32
        %dma_start3A_96 = tpu.memref_slice %arg7[%dma_start3A_94, %dma_start3A_95] : memref<128x64xf32, #tpu.memory_space<vmem>> -> memref<64x64xf32, #tpu.memory_space<vmem>>
        tpu.enqueue_dma source(%dma_start3A_96 : memref<64x64xf32, #tpu.memory_space<vmem>>) target(%dma_start3A_93 : memref<64x64xf32, #tpu.memory_space<hbm>>) target_semaphore(%run_scoped3A : memref<!tpu.dma_semaphore, #tpu.memory_space<semaphore_mem>>)
        %dma_wait3A_97 = arith.constant 64 : i32
        %dma_wait3A_98 = arith.constant 0 : i32
        %dma_wait3A_99 = tpu.memref_slice %arg7[%dma_wait3A_97, %dma_wait3A_98] : memref<128x64xf32, #tpu.memory_space<vmem>> -> memref<64x64xf32, #tpu.memory_space<vmem>>
        %dma_wait3A_100 = arith.constant 64 : i32
        %dma_wait3A_101 = tpu.memref_slice %arg4[%add3A_57, %dma_wait3A_100] : memref<51200x128xf32, #tpu.memory_space<hbm>> -> memref<64x64xf32, #tpu.memory_space<hbm>>
        %dma_wait3A_102 = arith.constant 64 : i32
        %dma_wait3A_103 = tpu.memref_slice %arg4[%add3A_57, %dma_wait3A_102] : memref<51200x128xf32, #tpu.memory_space<hbm>> -> memref<64x64xf32, #tpu.memory_space<hbm>>
        %dma_wait3A_104 = arith.constant 64 : i32
        %dma_wait3A_105 = arith.constant 0 : i32
        %dma_wait3A_106 = tpu.memref_slice %arg7[%dma_wait3A_104, %dma_wait3A_105] : memref<128x64xf32, #tpu.memory_space<vmem>> -> memref<64x64xf32, #tpu.memory_space<vmem>>
        tpu.wait_dma2 semaphore(%run_scoped3A : memref<!tpu.dma_semaphore, #tpu.memory_space<semaphore_mem>>) src(%dma_wait3A_106 : memref<64x64xf32, #tpu.memory_space<vmem>>) dst(%dma_wait3A_103 : memref<64x64xf32, #tpu.memory_space<hbm>>)
        tpu.yield
      }) : () -> ()
      %add3A_58 = arith.constant 2 : i32
      %add3A_59 = arith.addi %add3A_44, %add3A_58 : i32
      %lt3A = arith.constant 25 : i32
      %lt3A_60 = arith.cmpi slt, %add3A_59, %lt3A : i32
      %convert_element_type3A = arith.extui %lt3A_60 : i1 to i32
      %cond3A = arith.constant 0 : i32
      %cond3A_61 = arith.cmpi ne, %convert_element_type3A, %cond3A : i32
      scf.if %cond3A_61 {
        %add3A_87 = arith.constant 2 : i32
        %add3A_88 = arith.addi %add3A_44, %add3A_87 : i32
        %mul3A_89 = arith.constant 64 : i32
        %mul3A_90 = arith.muli %add3A_88, %mul3A_89 : i32
        %add3A_91 = arith.addi %add3A_4, %mul3A_90 : i32
        "tpu.region"() ({
          %run_scoped3A = tpu.sem_alloc : memref<!tpu.dma_semaphore, #tpu.memory_space<semaphore_mem>>
          %dma_start3A_98 = arith.constant 0 : i32
          %dma_start3A_99 = tpu.memref_slice %arg5[%dma_start3A_98] : memref<128xi32, #tpu.memory_space<vmem>> -> memref<64xi32, #tpu.memory_space<vmem>>
          %dma_start3A_100 = tpu.memref_slice %arg2[%add3A_91] : memref<204800xi32, #tpu.memory_space<hbm>> -> memref<64xi32, #tpu.memory_space<hbm>>
          %dma_start3A_101 = arith.constant 0 : i32
          %dma_start3A_102 = tpu.memref_slice %arg5[%dma_start3A_101] : memref<128xi32, #tpu.memory_space<vmem>> -> memref<64xi32, #tpu.memory_space<vmem>>
          %dma_start3A_103 = tpu.memref_slice %arg2[%add3A_91] : memref<204800xi32, #tpu.memory_space<hbm>> -> memref<64xi32, #tpu.memory_space<hbm>>
          tpu.enqueue_dma source(%dma_start3A_103 : memref<64xi32, #tpu.memory_space<hbm>>) target(%dma_start3A_102 : memref<64xi32, #tpu.memory_space<vmem>>) target_semaphore(%run_scoped3A : memref<!tpu.dma_semaphore, #tpu.memory_space<semaphore_mem>>)
          %dma_wait3A_104 = arith.constant 0 : i32
          %dma_wait3A_105 = tpu.memref_slice %arg5[%dma_wait3A_104] : memref<128xi32, #tpu.memory_space<vmem>> -> memref<64xi32, #tpu.memory_space<vmem>>
          %dma_wait3A_106 = tpu.memref_slice %arg2[%add3A_91] : memref<204800xi32, #tpu.memory_space<hbm>> -> memref<64xi32, #tpu.memory_space<hbm>>
          %dma_wait3A_107 = arith.constant 0 : i32
          %dma_wait3A_108 = tpu.memref_slice %arg5[%dma_wait3A_107] : memref<128xi32, #tpu.memory_space<vmem>> -> memref<64xi32, #tpu.memory_space<vmem>>
          %dma_wait3A_109 = tpu.memref_slice %arg2[%add3A_91] : memref<204800xi32, #tpu.memory_space<hbm>> -> memref<64xi32, #tpu.memory_space<hbm>>
          tpu.wait_dma2 semaphore(%run_scoped3A : memref<!tpu.dma_semaphore, #tpu.memory_space<semaphore_mem>>) src(%dma_wait3A_109 : memref<64xi32, #tpu.memory_space<hbm>>) dst(%dma_wait3A_108 : memref<64xi32, #tpu.memory_space<vmem>>)
          tpu.yield
        }) : () -> ()
        %mul3A_92 = arith.constant 64 : i32
        %mul3A_93 = arith.muli %add3A_88, %mul3A_92 : i32
        %add3A_94 = arith.addi %add3A_6, %mul3A_93 : i32
        "tpu.region"() ({
          %run_scoped3A = tpu.sem_alloc : memref<!tpu.dma_semaphore, #tpu.memory_space<semaphore_mem>>
          %dma_start3A_98 = arith.constant 64 : i32
          %dma_start3A_99 = tpu.memref_slice %arg5[%dma_start3A_98] : memref<128xi32, #tpu.memory_space<vmem>> -> memref<64xi32, #tpu.memory_space<vmem>>
          %dma_start3A_100 = tpu.memref_slice %arg2[%add3A_94] : memref<204800xi32, #tpu.memory_space<hbm>> -> memref<64xi32, #tpu.memory_space<hbm>>
          %dma_start3A_101 = arith.constant 64 : i32
          %dma_start3A_102 = tpu.memref_slice %arg5[%dma_start3A_101] : memref<128xi32, #tpu.memory_space<vmem>> -> memref<64xi32, #tpu.memory_space<vmem>>
          %dma_start3A_103 = tpu.memref_slice %arg2[%add3A_94] : memref<204800xi32, #tpu.memory_space<hbm>> -> memref<64xi32, #tpu.memory_space<hbm>>
          tpu.enqueue_dma source(%dma_start3A_103 : memref<64xi32, #tpu.memory_space<hbm>>) target(%dma_start3A_102 : memref<64xi32, #tpu.memory_space<vmem>>) target_semaphore(%run_scoped3A : memref<!tpu.dma_semaphore, #tpu.memory_space<semaphore_mem>>)
          %dma_wait3A_104 = arith.constant 64 : i32
          %dma_wait3A_105 = tpu.memref_slice %arg5[%dma_wait3A_104] : memref<128xi32, #tpu.memory_space<vmem>> -> memref<64xi32, #tpu.memory_space<vmem>>
          %dma_wait3A_106 = tpu.memref_slice %arg2[%add3A_94] : memref<204800xi32, #tpu.memory_space<hbm>> -> memref<64xi32, #tpu.memory_space<hbm>>
          %dma_wait3A_107 = arith.constant 64 : i32
          %dma_wait3A_108 = tpu.memref_slice %arg5[%dma_wait3A_107] : memref<128xi32, #tpu.memory_space<vmem>> -> memref<64xi32, #tpu.memory_space<vmem>>
          %dma_wait3A_109 = tpu.memref_slice %arg2[%add3A_94] : memref<204800xi32, #tpu.memory_space<hbm>> -> memref<64xi32, #tpu.memory_space<hbm>>
          tpu.wait_dma2 semaphore(%run_scoped3A : memref<!tpu.dma_semaphore, #tpu.memory_space<semaphore_mem>>) src(%dma_wait3A_109 : memref<64xi32, #tpu.memory_space<hbm>>) dst(%dma_wait3A_108 : memref<64xi32, #tpu.memory_space<vmem>>)
          tpu.yield
        }) : () -> ()
        %dma_start3A_95 = arith.constant 0 : i32
        %dma_start3A_96 = arith.constant 0 : i32
        %dma_start3A_97 = tpu.memref_slice %arg3[%dma_start3A_95, %dma_start3A_96] : memref<100000x64xf32, #tpu.memory_space<hbm>> -> memref<100000x64xf32, #tpu.memory_space<hbm>>
        tpu.enqueue_indirect_dma source(%dma_start3A_97 : memref<100000x64xf32, #tpu.memory_space<hbm>>) target(%arg7 : memref<128x64xf32, #tpu.memory_space<vmem>>) offsets(%arg5 : memref<128xi32, #tpu.memory_space<vmem>>) semaphore(%arg9 : memref<!tpu.dma_semaphore, #tpu.memory_space<semaphore_mem>>)
      } else {
      }
      %mul3A_62 = arith.constant 2 : i32
      %mul3A_63 = arith.muli %scan3A_39, %mul3A_62 : i32
      %add3A_64 = arith.constant 1 : i32
      %add3A_65 = arith.addi %mul3A_63, %add3A_64 : i32
      %dma_wait3A_66 = arith.constant 0 : i32
      %dma_wait3A_67 = arith.constant 0 : i32
      %dma_wait3A_68 = tpu.memref_slice %arg3[%dma_wait3A_66, %dma_wait3A_67] : memref<100000x64xf32, #tpu.memory_space<hbm>> -> memref<100000x64xf32, #tpu.memory_space<hbm>>
      tpu.wait_indirect_dma semaphore(%arg10 : memref<!tpu.dma_semaphore, #tpu.memory_space<semaphore_mem>>) src(%dma_wait3A_68 : memref<100000x64xf32, #tpu.memory_space<hbm>>) dst(%arg8 : memref<128x64xf32, #tpu.memory_space<vmem>>)
      %scan3A_69 = arith.constant 0 : i32
      %scan3A_70 = arith.constant 0 : i32
      %scan3A_71 = arith.constant 8 : i32
      %scan3A_72 = arith.addi %scan3A_70, %scan3A_71 : i32
      %scan3A_73 = arith.constant 1 : i32
      %scan3A_74 = scf.for %scan3A_87 = %scan3A_70 to %scan3A_72 step %scan3A_73 iter_args(%scan3A_88 = %scan3A_69) -> (i32)  : i32 {
        %mul3A_89 = arith.constant 16 : i32
        %mul3A_90 = arith.muli %scan3A_87, %mul3A_89 : i32
        %get3A = arith.index_cast %mul3A_90 : i32 to index
        %get3A_91 = tpu.vector_load %arg6[%get3A] {strides = array<i32>} : memref<128xi32, #tpu.memory_space<vmem>>, vector<16xi32>,
        %eq3A = arith.constant 99999 : i32
        %eq3A_92 = vector.broadcast %eq3A : i32 to vector<16xi32>
        %eq3A_93 = arith.cmpi eq, %get3A_91, %eq3A_92 : vector<16xi32>
        %convert_element_type3A_94 = arith.extui %eq3A_93 : vector<16xi1> to vector<16xi32>
        %reduce_max3A = arith.constant true
        %reduce_max3A_95 = vector.broadcast %reduce_max3A : i1 to vector<16xi1>
        %reduce_max3A_96 = arith.constant -2147483648 : i32
        %reduce_max3A_97 = vector.broadcast %reduce_max3A_96 : i32 to vector<16xi32>
        %reduce_max3A_98 = arith.xori %convert_element_type3A_94, %reduce_max3A_97 : vector<16xi32>
        %reduce_max3A_99 = tpu.scan <max>, %reduce_max3A_98 masked %reduce_max3A_95 : vector<16xi32>, vector<16xi1> -> vector<16xi32>
        %reduce_max3A_100 = arith.xori %reduce_max3A_99, %reduce_max3A_97 : vector<16xi32>
        %reduce_max3A_101 = vector.extract %reduce_max3A_100[15] : i32 from vector<16xi32>
        %gt3A = arith.constant 0 : i32
        %gt3A_102 = arith.cmpi sgt, %reduce_max3A_101, %gt3A : i32
        %convert_element_type3A_103 = arith.extui %gt3A_102 : i1 to i32
        %cond3A_104 = arith.constant 0 : i32
        %cond3A_105 = arith.cmpi ne, %convert_element_type3A_103, %cond3A_104 : i32
        scf.if %cond3A_105 {
          %mul3A_107 = arith.constant 16 : i32
          %mul3A_108 = arith.muli %scan3A_87, %mul3A_107 : i32
          %add3A_109 = vector.broadcast %mul3A_108 : i32 to vector<16xi32>
          %add3A_110 = arith.addi %add3A_109, %iota3A : vector<16xi32>
          %scan3A_111 = arith.constant 0 : i32
          %scan3A_112 = arith.constant 0 : i32
          %scan3A_113 = arith.constant 64 : i32
          %scan3A_114 = arith.addi %scan3A_112, %scan3A_113 : i32
          %scan3A_115 = arith.constant 1 : i32
          %scan3A_116 = scf.for %scan3A_118 = %scan3A_112 to %scan3A_114 step %scan3A_115 iter_args(%scan3A_119 = %scan3A_111) -> (i32)  : i32 {
            %broadcast_in_dim3A = arith.constant 0 : i32
            %broadcast_in_dim3A_120 = vector.broadcast %broadcast_in_dim3A : i32 to vector<16xi32>
            %add3A_121 = vector.broadcast %scan3A_118 : i32 to vector<16xi32>
            %add3A_122 = arith.addi %broadcast_in_dim3A_120, %add3A_121 : vector<16xi32>
            %broadcast_in_dim3A_123 = arith.constant 0.000000e+00 : f32
            %broadcast_in_dim3A_124 = vector.broadcast %broadcast_in_dim3A_123 : f32 to vector<16xf32>
            tpu.vector_store_idx %arg8[%add3A_110, %add3A_122], %broadcast_in_dim3A_124 masked %eq3A_93 : memref<128x64xf32, #tpu.memory_space<vmem>>[vector<16xi32>, vector<16xi32>], vector<16xf32>, vector<16xi1>
            %scan3A_125 = arith.constant 0 : i32
            scf.yield %scan3A_125 : i32
          }
          %scan3A_117 = arith.constant 64 : i32
        } else {
        }
        %scan3A_106 = arith.constant 0 : i32
        scf.yield %scan3A_106 : i32
      }
      %scan3A_75 = arith.constant 8 : i32
      %mul3A_76 = arith.constant 64 : i32
      %mul3A_77 = arith.muli %add3A_65, %mul3A_76 : i32
      %add3A_78 = arith.addi %mul3A_8, %mul3A_77 : i32
      "tpu.region"() ({
        %run_scoped3A = tpu.sem_alloc : memref<!tpu.dma_semaphore, #tpu.memory_space<semaphore_mem>>
        %dma_start3A_87 = arith.constant 0 : i32
        %dma_start3A_88 = arith.constant 0 : i32
        %dma_start3A_89 = tpu.memref_slice %arg8[%dma_start3A_87, %dma_start3A_88] : memref<128x64xf32, #tpu.memory_space<vmem>> -> memref<64x64xf32, #tpu.memory_space<vmem>>
        %dma_start3A_90 = arith.constant 0 : i32
        %dma_start3A_91 = tpu.memref_slice %arg4[%add3A_78, %dma_start3A_90] : memref<51200x128xf32, #tpu.memory_space<hbm>> -> memref<64x64xf32, #tpu.memory_space<hbm>>
        %dma_start3A_92 = arith.constant 0 : i32
        %dma_start3A_93 = tpu.memref_slice %arg4[%add3A_78, %dma_start3A_92] : memref<51200x128xf32, #tpu.memory_space<hbm>> -> memref<64x64xf32, #tpu.memory_space<hbm>>
        %dma_start3A_94 = arith.constant 0 : i32
        %dma_start3A_95 = arith.constant 0 : i32
        %dma_start3A_96 = tpu.memref_slice %arg8[%dma_start3A_94, %dma_start3A_95] : memref<128x64xf32, #tpu.memory_space<vmem>> -> memref<64x64xf32, #tpu.memory_space<vmem>>
        tpu.enqueue_dma source(%dma_start3A_96 : memref<64x64xf32, #tpu.memory_space<vmem>>) target(%dma_start3A_93 : memref<64x64xf32, #tpu.memory_space<hbm>>) target_semaphore(%run_scoped3A : memref<!tpu.dma_semaphore, #tpu.memory_space<semaphore_mem>>)
        %dma_wait3A_97 = arith.constant 0 : i32
        %dma_wait3A_98 = arith.constant 0 : i32
        %dma_wait3A_99 = tpu.memref_slice %arg8[%dma_wait3A_97, %dma_wait3A_98] : memref<128x64xf32, #tpu.memory_space<vmem>> -> memref<64x64xf32, #tpu.memory_space<vmem>>
        %dma_wait3A_100 = arith.constant 0 : i32
        %dma_wait3A_101 = tpu.memref_slice %arg4[%add3A_78, %dma_wait3A_100] : memref<51200x128xf32, #tpu.memory_space<hbm>> -> memref<64x64xf32, #tpu.memory_space<hbm>>
        %dma_wait3A_102 = arith.constant 0 : i32
        %dma_wait3A_103 = tpu.memref_slice %arg4[%add3A_78, %dma_wait3A_102] : memref<51200x128xf32, #tpu.memory_space<hbm>> -> memref<64x64xf32, #tpu.memory_space<hbm>>
        %dma_wait3A_104 = arith.constant 0 : i32
        %dma_wait3A_105 = arith.constant 0 : i32
        %dma_wait3A_106 = tpu.memref_slice %arg8[%dma_wait3A_104, %dma_wait3A_105] : memref<128x64xf32, #tpu.memory_space<vmem>> -> memref<64x64xf32, #tpu.memory_space<vmem>>
        tpu.wait_dma2 semaphore(%run_scoped3A : memref<!tpu.dma_semaphore, #tpu.memory_space<semaphore_mem>>) src(%dma_wait3A_106 : memref<64x64xf32, #tpu.memory_space<vmem>>) dst(%dma_wait3A_103 : memref<64x64xf32, #tpu.memory_space<hbm>>)
        tpu.yield
      }) : () -> ()
      "tpu.region"() ({
        %run_scoped3A = tpu.sem_alloc : memref<!tpu.dma_semaphore, #tpu.memory_space<semaphore_mem>>
        %dma_start3A_87 = arith.constant 64 : i32
        %dma_start3A_88 = arith.constant 0 : i32
        %dma_start3A_89 = tpu.memref_slice %arg8[%dma_start3A_87, %dma_start3A_88] : memref<128x64xf32, #tpu.memory_space<vmem>> -> memref<64x64xf32, #tpu.memory_space<vmem>>
        %dma_start3A_90 = arith.constant 64 : i32
        %dma_start3A_91 = tpu.memref_slice %arg4[%add3A_78, %dma_start3A_90] : memref<51200x128xf32, #tpu.memory_space<hbm>> -> memref<64x64xf32, #tpu.memory_space<hbm>>
        %dma_start3A_92 = arith.constant 64 : i32
        %dma_start3A_93 = tpu.memref_slice %arg4[%add3A_78, %dma_start3A_92] : memref<51200x128xf32, #tpu.memory_space<hbm>> -> memref<64x64xf32, #tpu.memory_space<hbm>>
        %dma_start3A_94 = arith.constant 64 : i32
        %dma_start3A_95 = arith.constant 0 : i32
        %dma_start3A_96 = tpu.memref_slice %arg8[%dma_start3A_94, %dma_start3A_95] : memref<128x64xf32, #tpu.memory_space<vmem>> -> memref<64x64xf32, #tpu.memory_space<vmem>>
        tpu.enqueue_dma source(%dma_start3A_96 : memref<64x64xf32, #tpu.memory_space<vmem>>) target(%dma_start3A_93 : memref<64x64xf32, #tpu.memory_space<hbm>>) target_semaphore(%run_scoped3A : memref<!tpu.dma_semaphore, #tpu.memory_space<semaphore_mem>>)
        %dma_wait3A_97 = arith.constant 64 : i32
        %dma_wait3A_98 = arith.constant 0 : i32
        %dma_wait3A_99 = tpu.memref_slice %arg8[%dma_wait3A_97, %dma_wait3A_98] : memref<128x64xf32, #tpu.memory_space<vmem>> -> memref<64x64xf32, #tpu.memory_space<vmem>>
        %dma_wait3A_100 = arith.constant 64 : i32
        %dma_wait3A_101 = tpu.memref_slice %arg4[%add3A_78, %dma_wait3A_100] : memref<51200x128xf32, #tpu.memory_space<hbm>> -> memref<64x64xf32, #tpu.memory_space<hbm>>
        %dma_wait3A_102 = arith.constant 64 : i32
        %dma_wait3A_103 = tpu.memref_slice %arg4[%add3A_78, %dma_wait3A_102] : memref<51200x128xf32, #tpu.memory_space<hbm>> -> memref<64x64xf32, #tpu.memory_space<hbm>>
        %dma_wait3A_104 = arith.constant 64 : i32
        %dma_wait3A_105 = arith.constant 0 : i32
        %dma_wait3A_106 = tpu.memref_slice %arg8[%dma_wait3A_104, %dma_wait3A_105] : memref<128x64xf32, #tpu.memory_space<vmem>> -> memref<64x64xf32, #tpu.memory_space<vmem>>
        tpu.wait_dma2 semaphore(%run_scoped3A : memref<!tpu.dma_semaphore, #tpu.memory_space<semaphore_mem>>) src(%dma_wait3A_106 : memref<64x64xf32, #tpu.memory_space<vmem>>) dst(%dma_wait3A_103 : memref<64x64xf32, #tpu.memory_space<hbm>>)
        tpu.yield
      }) : () -> ()
      %add3A_79 = arith.constant 2 : i32
      %add3A_80 = arith.addi %add3A_65, %add3A_79 : i32
      %lt3A_81 = arith.constant 25 : i32
      %lt3A_82 = arith.cmpi slt, %add3A_80, %lt3A_81 : i32
      %convert_element_type3A_83 = arith.extui %lt3A_82 : i1 to i32
      %cond3A_84 = arith.constant 0 : i32
      %cond3A_85 = arith.cmpi ne, %convert_element_type3A_83, %cond3A_84 : i32
      scf.if %cond3A_85 {
        %add3A_87 = arith.constant 2 : i32
        %add3A_88 = arith.addi %add3A_65, %add3A_87 : i32
        %mul3A_89 = arith.constant 64 : i32
        %mul3A_90 = arith.muli %add3A_88, %mul3A_89 : i32
        %add3A_91 = arith.addi %add3A_4, %mul3A_90 : i32
        "tpu.region"() ({
          %run_scoped3A = tpu.sem_alloc : memref<!tpu.dma_semaphore, #tpu.memory_space<semaphore_mem>>
          %dma_start3A_98 = arith.constant 0 : i32
          %dma_start3A_99 = tpu.memref_slice %arg6[%dma_start3A_98] : memref<128xi32, #tpu.memory_space<vmem>> -> memref<64xi32, #tpu.memory_space<vmem>>
          %dma_start3A_100 = tpu.memref_slice %arg2[%add3A_91] : memref<204800xi32, #tpu.memory_space<hbm>> -> memref<64xi32, #tpu.memory_space<hbm>>
          %dma_start3A_101 = arith.constant 0 : i32
          %dma_start3A_102 = tpu.memref_slice %arg6[%dma_start3A_101] : memref<128xi32, #tpu.memory_space<vmem>> -> memref<64xi32, #tpu.memory_space<vmem>>
          %dma_start3A_103 = tpu.memref_slice %arg2[%add3A_91] : memref<204800xi32, #tpu.memory_space<hbm>> -> memref<64xi32, #tpu.memory_space<hbm>>
          tpu.enqueue_dma source(%dma_start3A_103 : memref<64xi32, #tpu.memory_space<hbm>>) target(%dma_start3A_102 : memref<64xi32, #tpu.memory_space<vmem>>) target_semaphore(%run_scoped3A : memref<!tpu.dma_semaphore, #tpu.memory_space<semaphore_mem>>)
          %dma_wait3A_104 = arith.constant 0 : i32
          %dma_wait3A_105 = tpu.memref_slice %arg6[%dma_wait3A_104] : memref<128xi32, #tpu.memory_space<vmem>> -> memref<64xi32, #tpu.memory_space<vmem>>
          %dma_wait3A_106 = tpu.memref_slice %arg2[%add3A_91] : memref<204800xi32, #tpu.memory_space<hbm>> -> memref<64xi32, #tpu.memory_space<hbm>>
          %dma_wait3A_107 = arith.constant 0 : i32
          %dma_wait3A_108 = tpu.memref_slice %arg6[%dma_wait3A_107] : memref<128xi32, #tpu.memory_space<vmem>> -> memref<64xi32, #tpu.memory_space<vmem>>
          %dma_wait3A_109 = tpu.memref_slice %arg2[%add3A_91] : memref<204800xi32, #tpu.memory_space<hbm>> -> memref<64xi32, #tpu.memory_space<hbm>>
          tpu.wait_dma2 semaphore(%run_scoped3A : memref<!tpu.dma_semaphore, #tpu.memory_space<semaphore_mem>>) src(%dma_wait3A_109 : memref<64xi32, #tpu.memory_space<hbm>>) dst(%dma_wait3A_108 : memref<64xi32, #tpu.memory_space<vmem>>)
          tpu.yield
        }) : () -> ()
        %mul3A_92 = arith.constant 64 : i32
        %mul3A_93 = arith.muli %add3A_88, %mul3A_92 : i32
        %add3A_94 = arith.addi %add3A_6, %mul3A_93 : i32
        "tpu.region"() ({
          %run_scoped3A = tpu.sem_alloc : memref<!tpu.dma_semaphore, #tpu.memory_space<semaphore_mem>>
          %dma_start3A_98 = arith.constant 64 : i32
          %dma_start3A_99 = tpu.memref_slice %arg6[%dma_start3A_98] : memref<128xi32, #tpu.memory_space<vmem>> -> memref<64xi32, #tpu.memory_space<vmem>>
          %dma_start3A_100 = tpu.memref_slice %arg2[%add3A_94] : memref<204800xi32, #tpu.memory_space<hbm>> -> memref<64xi32, #tpu.memory_space<hbm>>
          %dma_start3A_101 = arith.constant 64 : i32
          %dma_start3A_102 = tpu.memref_slice %arg6[%dma_start3A_101] : memref<128xi32, #tpu.memory_space<vmem>> -> memref<64xi32, #tpu.memory_space<vmem>>
          %dma_start3A_103 = tpu.memref_slice %arg2[%add3A_94] : memref<204800xi32, #tpu.memory_space<hbm>> -> memref<64xi32, #tpu.memory_space<hbm>>
          tpu.enqueue_dma source(%dma_start3A_103 : memref<64xi32, #tpu.memory_space<hbm>>) target(%dma_start3A_102 : memref<64xi32, #tpu.memory_space<vmem>>) target_semaphore(%run_scoped3A : memref<!tpu.dma_semaphore, #tpu.memory_space<semaphore_mem>>)
          %dma_wait3A_104 = arith.constant 64 : i32
          %dma_wait3A_105 = tpu.memref_slice %arg6[%dma_wait3A_104] : memref<128xi32, #tpu.memory_space<vmem>> -> memref<64xi32, #tpu.memory_space<vmem>>
          %dma_wait3A_106 = tpu.memref_slice %arg2[%add3A_94] : memref<204800xi32, #tpu.memory_space<hbm>> -> memref<64xi32, #tpu.memory_space<hbm>>
          %dma_wait3A_107 = arith.constant 64 : i32
          %dma_wait3A_108 = tpu.memref_slice %arg6[%dma_wait3A_107] : memref<128xi32, #tpu.memory_space<vmem>> -> memref<64xi32, #tpu.memory_space<vmem>>
          %dma_wait3A_109 = tpu.memref_slice %arg2[%add3A_94] : memref<204800xi32, #tpu.memory_space<hbm>> -> memref<64xi32, #tpu.memory_space<hbm>>
          tpu.wait_dma2 semaphore(%run_scoped3A : memref<!tpu.dma_semaphore, #tpu.memory_space<semaphore_mem>>) src(%dma_wait3A_109 : memref<64xi32, #tpu.memory_space<hbm>>) dst(%dma_wait3A_108 : memref<64xi32, #tpu.memory_space<vmem>>)
          tpu.yield
        }) : () -> ()
        %dma_start3A_95 = arith.constant 0 : i32
        %dma_start3A_96 = arith.constant 0 : i32
        %dma_start3A_97 = tpu.memref_slice %arg3[%dma_start3A_95, %dma_start3A_96] : memref<100000x64xf32, #tpu.memory_space<hbm>> -> memref<100000x64xf32, #tpu.memory_space<hbm>>
        tpu.enqueue_indirect_dma source(%dma_start3A_97 : memref<100000x64xf32, #tpu.memory_space<hbm>>) target(%arg8 : memref<128x64xf32, #tpu.memory_space<vmem>>) offsets(%arg6 : memref<128xi32, #tpu.memory_space<vmem>>) semaphore(%arg10 : memref<!tpu.dma_semaphore, #tpu.memory_space<semaphore_mem>>)
      } else {
      }
      %scan3A_86 = arith.constant 0 : i32
      scf.yield %scan3A_86 : i32
    }
    %scan3A_27 = arith.constant 12 : i32
    %dma_wait3A = arith.constant 0 : i32
    %dma_wait3A_28 = arith.constant 0 : i32
    %dma_wait3A_29 = tpu.memref_slice %arg3[%dma_wait3A, %dma_wait3A_28] : memref<100000x64xf32, #tpu.memory_space<hbm>> -> memref<100000x64xf32, #tpu.memory_space<hbm>>
    tpu.wait_indirect_dma semaphore(%arg9 : memref<!tpu.dma_semaphore, #tpu.memory_space<semaphore_mem>>) src(%dma_wait3A_29 : memref<100000x64xf32, #tpu.memory_space<hbm>>) dst(%arg7 : memref<128x64xf32, #tpu.memory_space<vmem>>)
    %scan3A_30 = arith.constant 0 : i32
    %scan3A_31 = arith.constant 0 : i32
    %scan3A_32 = arith.constant 8 : i32
    %scan3A_33 = arith.addi %scan3A_31, %scan3A_32 : i32
    %scan3A_34 = arith.constant 1 : i32
    %scan3A_35 = scf.for %scan3A_39 = %scan3A_31 to %scan3A_33 step %scan3A_34 iter_args(%scan3A_40 = %scan3A_30) -> (i32)  : i32 {
      %mul3A_41 = arith.constant 16 : i32
      %mul3A_42 = arith.muli %scan3A_39, %mul3A_41 : i32
      %get3A = arith.index_cast %mul3A_42 : i32 to index
      %get3A_43 = tpu.vector_load %arg5[%get3A] {strides = array<i32>} : memref<128xi32, #tpu.memory_space<vmem>>, vector<16xi32>,
      %eq3A = arith.constant 99999 : i32
      %eq3A_44 = vector.broadcast %eq3A : i32 to vector<16xi32>
      %eq3A_45 = arith.cmpi eq, %get3A_43, %eq3A_44 : vector<16xi32>
      %convert_element_type3A = arith.extui %eq3A_45 : vector<16xi1> to vector<16xi32>
      %reduce_max3A = arith.constant true
      %reduce_max3A_46 = vector.broadcast %reduce_max3A : i1 to vector<16xi1>
      %reduce_max3A_47 = arith.constant -2147483648 : i32
      %reduce_max3A_48 = vector.broadcast %reduce_max3A_47 : i32 to vector<16xi32>
      %reduce_max3A_49 = arith.xori %convert_element_type3A, %reduce_max3A_48 : vector<16xi32>
      %reduce_max3A_50 = tpu.scan <max>, %reduce_max3A_49 masked %reduce_max3A_46 : vector<16xi32>, vector<16xi1> -> vector<16xi32>
      %reduce_max3A_51 = arith.xori %reduce_max3A_50, %reduce_max3A_48 : vector<16xi32>
      %reduce_max3A_52 = vector.extract %reduce_max3A_51[15] : i32 from vector<16xi32>
      %gt3A = arith.constant 0 : i32
      %gt3A_53 = arith.cmpi sgt, %reduce_max3A_52, %gt3A : i32
      %convert_element_type3A_54 = arith.extui %gt3A_53 : i1 to i32
      %cond3A = arith.constant 0 : i32
      %cond3A_55 = arith.cmpi ne, %convert_element_type3A_54, %cond3A : i32
      scf.if %cond3A_55 {
        %mul3A_57 = arith.constant 16 : i32
        %mul3A_58 = arith.muli %scan3A_39, %mul3A_57 : i32
        %add3A_59 = vector.broadcast %mul3A_58 : i32 to vector<16xi32>
        %add3A_60 = arith.addi %add3A_59, %iota3A : vector<16xi32>
        %scan3A_61 = arith.constant 0 : i32
        %scan3A_62 = arith.constant 0 : i32
        %scan3A_63 = arith.constant 64 : i32
        %scan3A_64 = arith.addi %scan3A_62, %scan3A_63 : i32
        %scan3A_65 = arith.constant 1 : i32
        %scan3A_66 = scf.for %scan3A_68 = %scan3A_62 to %scan3A_64 step %scan3A_65 iter_args(%scan3A_69 = %scan3A_61) -> (i32)  : i32 {
          %broadcast_in_dim3A = arith.constant 0 : i32
          %broadcast_in_dim3A_70 = vector.broadcast %broadcast_in_dim3A : i32 to vector<16xi32>
          %add3A_71 = vector.broadcast %scan3A_68 : i32 to vector<16xi32>
          %add3A_72 = arith.addi %broadcast_in_dim3A_70, %add3A_71 : vector<16xi32>
          %broadcast_in_dim3A_73 = arith.constant 0.000000e+00 : f32
          %broadcast_in_dim3A_74 = vector.broadcast %broadcast_in_dim3A_73 : f32 to vector<16xf32>
          tpu.vector_store_idx %arg7[%add3A_60, %add3A_72], %broadcast_in_dim3A_74 masked %eq3A_45 : memref<128x64xf32, #tpu.memory_space<vmem>>[vector<16xi32>, vector<16xi32>], vector<16xf32>, vector<16xi1>
          %scan3A_75 = arith.constant 0 : i32
          scf.yield %scan3A_75 : i32
        }
        %scan3A_67 = arith.constant 64 : i32
      } else {
      }
      %scan3A_56 = arith.constant 0 : i32
      scf.yield %scan3A_56 : i32
    }
    %scan3A_36 = arith.constant 8 : i32
    %add3A_37 = arith.constant 1536 : i32
    %add3A_38 = arith.addi %mul3A_8, %add3A_37 : i32
    "tpu.region"() ({
      %run_scoped3A = tpu.sem_alloc : memref<!tpu.dma_semaphore, #tpu.memory_space<semaphore_mem>>
      %dma_start3A_39 = arith.constant 0 : i32
      %dma_start3A_40 = arith.constant 0 : i32
      %dma_start3A_41 = tpu.memref_slice %arg7[%dma_start3A_39, %dma_start3A_40] : memref<128x64xf32, #tpu.memory_space<vmem>> -> memref<64x64xf32, #tpu.memory_space<vmem>>
      %dma_start3A_42 = arith.constant 0 : i32
      %dma_start3A_43 = tpu.memref_slice %arg4[%add3A_38, %dma_start3A_42] : memref<51200x128xf32, #tpu.memory_space<hbm>> -> memref<64x64xf32, #tpu.memory_space<hbm>>
      %dma_start3A_44 = arith.constant 0 : i32
      %dma_start3A_45 = tpu.memref_slice %arg4[%add3A_38, %dma_start3A_44] : memref<51200x128xf32, #tpu.memory_space<hbm>> -> memref<64x64xf32, #tpu.memory_space<hbm>>
      %dma_start3A_46 = arith.constant 0 : i32
      %dma_start3A_47 = arith.constant 0 : i32
      %dma_start3A_48 = tpu.memref_slice %arg7[%dma_start3A_46, %dma_start3A_47] : memref<128x64xf32, #tpu.memory_space<vmem>> -> memref<64x64xf32, #tpu.memory_space<vmem>>
      tpu.enqueue_dma source(%dma_start3A_48 : memref<64x64xf32, #tpu.memory_space<vmem>>) target(%dma_start3A_45 : memref<64x64xf32, #tpu.memory_space<hbm>>) target_semaphore(%run_scoped3A : memref<!tpu.dma_semaphore, #tpu.memory_space<semaphore_mem>>)
      %dma_wait3A_49 = arith.constant 0 : i32
      %dma_wait3A_50 = arith.constant 0 : i32
      %dma_wait3A_51 = tpu.memref_slice %arg7[%dma_wait3A_49, %dma_wait3A_50] : memref<128x64xf32, #tpu.memory_space<vmem>> -> memref<64x64xf32, #tpu.memory_space<vmem>>
      %dma_wait3A_52 = arith.constant 0 : i32
      %dma_wait3A_53 = tpu.memref_slice %arg4[%add3A_38, %dma_wait3A_52] : memref<51200x128xf32, #tpu.memory_space<hbm>> -> memref<64x64xf32, #tpu.memory_space<hbm>>
      %dma_wait3A_54 = arith.constant 0 : i32
      %dma_wait3A_55 = tpu.memref_slice %arg4[%add3A_38, %dma_wait3A_54] : memref<51200x128xf32, #tpu.memory_space<hbm>> -> memref<64x64xf32, #tpu.memory_space<hbm>>
      %dma_wait3A_56 = arith.constant 0 : i32
      %dma_wait3A_57 = arith.constant 0 : i32
      %dma_wait3A_58 = tpu.memref_slice %arg7[%dma_wait3A_56, %dma_wait3A_57] : memref<128x64xf32, #tpu.memory_space<vmem>> -> memref<64x64xf32, #tpu.memory_space<vmem>>
      tpu.wait_dma2 semaphore(%run_scoped3A : memref<!tpu.dma_semaphore, #tpu.memory_space<semaphore_mem>>) src(%dma_wait3A_58 : memref<64x64xf32, #tpu.memory_space<vmem>>) dst(%dma_wait3A_55 : memref<64x64xf32, #tpu.memory_space<hbm>>)
      tpu.yield
    }) : () -> ()
    "tpu.region"() ({
      %run_scoped3A = tpu.sem_alloc : memref<!tpu.dma_semaphore, #tpu.memory_space<semaphore_mem>>
      %dma_start3A_39 = arith.constant 64 : i32
      %dma_start3A_40 = arith.constant 0 : i32
      %dma_start3A_41 = tpu.memref_slice %arg7[%dma_start3A_39, %dma_start3A_40] : memref<128x64xf32, #tpu.memory_space<vmem>> -> memref<64x64xf32, #tpu.memory_space<vmem>>
      %dma_start3A_42 = arith.constant 64 : i32
      %dma_start3A_43 = tpu.memref_slice %arg4[%add3A_38, %dma_start3A_42] : memref<51200x128xf32, #tpu.memory_space<hbm>> -> memref<64x64xf32, #tpu.memory_space<hbm>>
      %dma_start3A_44 = arith.constant 64 : i32
      %dma_start3A_45 = tpu.memref_slice %arg4[%add3A_38, %dma_start3A_44] : memref<51200x128xf32, #tpu.memory_space<hbm>> -> memref<64x64xf32, #tpu.memory_space<hbm>>
      %dma_start3A_46 = arith.constant 64 : i32
      %dma_start3A_47 = arith.constant 0 : i32
      %dma_start3A_48 = tpu.memref_slice %arg7[%dma_start3A_46, %dma_start3A_47] : memref<128x64xf32, #tpu.memory_space<vmem>> -> memref<64x64xf32, #tpu.memory_space<vmem>>
      tpu.enqueue_dma source(%dma_start3A_48 : memref<64x64xf32, #tpu.memory_space<vmem>>) target(%dma_start3A_45 : memref<64x64xf32, #tpu.memory_space<hbm>>) target_semaphore(%run_scoped3A : memref<!tpu.dma_semaphore, #tpu.memory_space<semaphore_mem>>)
      %dma_wait3A_49 = arith.constant 64 : i32
      %dma_wait3A_50 = arith.constant 0 : i32
      %dma_wait3A_51 = tpu.memref_slice %arg7[%dma_wait3A_49, %dma_wait3A_50] : memref<128x64xf32, #tpu.memory_space<vmem>> -> memref<64x64xf32, #tpu.memory_space<vmem>>
      %dma_wait3A_52 = arith.constant 64 : i32
      %dma_wait3A_53 = tpu.memref_slice %arg4[%add3A_38, %dma_wait3A_52] : memref<51200x128xf32, #tpu.memory_space<hbm>> -> memref<64x64xf32, #tpu.memory_space<hbm>>
      %dma_wait3A_54 = arith.constant 64 : i32
      %dma_wait3A_55 = tpu.memref_slice %arg4[%add3A_38, %dma_wait3A_54] : memref<51200x128xf32, #tpu.memory_space<hbm>> -> memref<64x64xf32, #tpu.memory_space<hbm>>
      %dma_wait3A_56 = arith.constant 64 : i32
      %dma_wait3A_57 = arith.constant 0 : i32
      %dma_wait3A_58 = tpu.memref_slice %arg7[%dma_wait3A_56, %dma_wait3A_57] : memref<128x64xf32, #tpu.memory_space<vmem>> -> memref<64x64xf32, #tpu.memory_space<vmem>>
      tpu.wait_dma2 semaphore(%run_scoped3A : memref<!tpu.dma_semaphore, #tpu.memory_space<semaphore_mem>>) src(%dma_wait3A_58 : memref<64x64xf32, #tpu.memory_space<vmem>>) dst(%dma_wait3A_55 : memref<64x64xf32, #tpu.memory_space<hbm>>)
      tpu.yield
    }) : () -> ()
    return
  }
}

#map = affine_map<(d0, d1) -> (0)>
#map1 = affine_map<(d0, d1) -> (0, 0)>
module attributes {stable_mosaic.version = 14 : i64} {
  func.func @gather_kernel(%arg0: i32, %arg1: i32, %arg2: memref<204800xi32, #tpu.memory_space<hbm>>, %arg3: memref<100000x64xf32, #tpu.memory_space<hbm>>, %arg4: memref<51200x128xf32, #tpu.memory_space<hbm>>, %arg5: memref<128xi32, #tpu.memory_space<vmem>>, %arg6: memref<128xi32, #tpu.memory_space<vmem>>, %arg7: memref<128x64xf32, #tpu.memory_space<vmem>>, %arg8: memref<128x64xf32, #tpu.memory_space<vmem>>, %arg9: memref<!tpu.dma_semaphore, #tpu.memory_space<semaphore_mem>>, %arg10: memref<!tpu.dma_semaphore, #tpu.memory_space<semaphore_mem>>) attributes {dimension_semantics = [#tpu.dimension_semantics<core_parallel>, #tpu.dimension_semantics<subcore_parallel>], iteration_bounds = array<i64: 2, 16>, scalar_prefetch = 0 : i64, scratch_operands = 6 : i64, tpu.core_type = #tpu.core_type<sc_vector_subcore>, window_params = [{transform_indices = #map}, {transform_indices = #map1}, {transform_indices = #map1}]} {
    %mul3A = arith.constant 2 : i32
    %mul3A_0 = arith.muli %arg1, %mul3A : i32
    %add3A = arith.addi %mul3A_0, %arg0 : i32
    %mul3A_1 = arith.constant 1600 : i32
    %mul3A_2 = arith.muli %add3A, %mul3A_1 : i32
    %add3A_3 = arith.constant 102400 : i32
    %add3A_4 = arith.addi %add3A_3, %mul3A_2 : i32
    %add3A_5 = arith.constant 51200 : i32
    %add3A_6 = arith.addi %add3A_4, %add3A_5 : i32
    %mul3A_7 = arith.constant 1600 : i32
    %mul3A_8 = arith.muli %add3A, %mul3A_7 : i32
    %iota3A = tpu.iota {dimensions = array<i32: 0>} : vector<16xi32>
    %add3A_9 = arith.constant 0 : i32
    %add3A_10 = arith.addi %add3A_4, %add3A_9 : i32
    "tpu.region"() ({
      %run_scoped3A = tpu.sem_alloc : memref<!tpu.dma_semaphore, #tpu.memory_space<semaphore_mem>>
      %dma_start3A_39 = arith.constant 0 : i32
      %dma_start3A_40 = tpu.memref_slice %arg5[%dma_start3A_39] : memref<128xi32, #tpu.memory_space<vmem>> -> memref<64xi32, #tpu.memory_space<vmem>>
      %dma_start3A_41 = tpu.memref_slice %arg2[%add3A_10] : memref<204800xi32, #tpu.memory_space<hbm>> -> memref<64xi32, #tpu.memory_space<hbm>>
      %dma_start3A_42 = arith.constant 0 : i32
      %dma_start3A_43 = tpu.memref_slice %arg5[%dma_start3A_42] : memref<128xi32, #tpu.memory_space<vmem>> -> memref<64xi32, #tpu.memory_space<vmem>>
      %dma_start3A_44 = tpu.memref_slice %arg2[%add3A_10] : memref<204800xi32, #tpu.memory_space<hbm>> -> memref<64xi32, #tpu.memory_space<hbm>>
      tpu.enqueue_dma source(%dma_start3A_44 : memref<64xi32, #tpu.memory_space<hbm>>) target(%dma_start3A_43 : memref<64xi32, #tpu.memory_space<vmem>>) target_semaphore(%run_scoped3A : memref<!tpu.dma_semaphore, #tpu.memory_space<semaphore_mem>>)
      %dma_wait3A_45 = arith.constant 0 : i32
      %dma_wait3A_46 = tpu.memref_slice %arg5[%dma_wait3A_45] : memref<128xi32, #tpu.memory_space<vmem>> -> memref<64xi32, #tpu.memory_space<vmem>>
      %dma_wait3A_47 = tpu.memref_slice %arg2[%add3A_10] : memref<204800xi32, #tpu.memory_space<hbm>> -> memref<64xi32, #tpu.memory_space<hbm>>
      %dma_wait3A_48 = arith.constant 0 : i32
      %dma_wait3A_49 = tpu.memref_slice %arg5[%dma_wait3A_48] : memref<128xi32, #tpu.memory_space<vmem>> -> memref<64xi32, #tpu.memory_space<vmem>>
      %dma_wait3A_50 = tpu.memref_slice %arg2[%add3A_10] : memref<204800xi32, #tpu.memory_space<hbm>> -> memref<64xi32, #tpu.memory_space<hbm>>
      tpu.wait_dma2 semaphore(%run_scoped3A : memref<!tpu.dma_semaphore, #tpu.memory_space<semaphore_mem>>) src(%dma_wait3A_50 : memref<64xi32, #tpu.memory_space<hbm>>) dst(%dma_wait3A_49 : memref<64xi32, #tpu.memory_space<vmem>>)
      tpu.yield
    }) : () -> ()
    %add3A_11 = arith.constant 0 : i32
    %add3A_12 = arith.addi %add3A_6, %add3A_11 : i32
    "tpu.region"() ({
      %run_scoped3A = tpu.sem_alloc : memref<!tpu.dma_semaphore, #tpu.memory_space<semaphore_mem>>
      %dma_start3A_39 = arith.constant 64 : i32
      %dma_start3A_40 = tpu.memref_slice %arg5[%dma_start3A_39] : memref<128xi32, #tpu.memory_space<vmem>> -> memref<64xi32, #tpu.memory_space<vmem>>
      %dma_start3A_41 = tpu.memref_slice %arg2[%add3A_12] : memref<204800xi32, #tpu.memory_space<hbm>> -> memref<64xi32, #tpu.memory_space<hbm>>
      %dma_start3A_42 = arith.constant 64 : i32
      %dma_start3A_43 = tpu.memref_slice %arg5[%dma_start3A_42] : memref<128xi32, #tpu.memory_space<vmem>> -> memref<64xi32, #tpu.memory_space<vmem>>
      %dma_start3A_44 = tpu.memref_slice %arg2[%add3A_12] : memref<204800xi32, #tpu.memory_space<hbm>> -> memref<64xi32, #tpu.memory_space<hbm>>
      tpu.enqueue_dma source(%dma_start3A_44 : memref<64xi32, #tpu.memory_space<hbm>>) target(%dma_start3A_43 : memref<64xi32, #tpu.memory_space<vmem>>) target_semaphore(%run_scoped3A : memref<!tpu.dma_semaphore, #tpu.memory_space<semaphore_mem>>)
      %dma_wait3A_45 = arith.constant 64 : i32
      %dma_wait3A_46 = tpu.memref_slice %arg5[%dma_wait3A_45] : memref<128xi32, #tpu.memory_space<vmem>> -> memref<64xi32, #tpu.memory_space<vmem>>
      %dma_wait3A_47 = tpu.memref_slice %arg2[%add3A_12] : memref<204800xi32, #tpu.memory_space<hbm>> -> memref<64xi32, #tpu.memory_space<hbm>>
      %dma_wait3A_48 = arith.constant 64 : i32
      %dma_wait3A_49 = tpu.memref_slice %arg5[%dma_wait3A_48] : memref<128xi32, #tpu.memory_space<vmem>> -> memref<64xi32, #tpu.memory_space<vmem>>
      %dma_wait3A_50 = tpu.memref_slice %arg2[%add3A_12] : memref<204800xi32, #tpu.memory_space<hbm>> -> memref<64xi32, #tpu.memory_space<hbm>>
      tpu.wait_dma2 semaphore(%run_scoped3A : memref<!tpu.dma_semaphore, #tpu.memory_space<semaphore_mem>>) src(%dma_wait3A_50 : memref<64xi32, #tpu.memory_space<hbm>>) dst(%dma_wait3A_49 : memref<64xi32, #tpu.memory_space<vmem>>)
      tpu.yield
    }) : () -> ()
    %dma_start3A = arith.constant 0 : i32
    %dma_start3A_13 = arith.constant 0 : i32
    %dma_start3A_14 = tpu.memref_slice %arg3[%dma_start3A, %dma_start3A_13] : memref<100000x64xf32, #tpu.memory_space<hbm>> -> memref<100000x64xf32, #tpu.memory_space<hbm>>
    tpu.enqueue_indirect_dma source(%dma_start3A_14 : memref<100000x64xf32, #tpu.memory_space<hbm>>) target(%arg7 : memref<128x64xf32, #tpu.memory_space<vmem>>) offsets(%arg5 : memref<128xi32, #tpu.memory_space<vmem>>) semaphore(%arg9 : memref<!tpu.dma_semaphore, #tpu.memory_space<semaphore_mem>>)
    %add3A_15 = arith.constant 64 : i32
    %add3A_16 = arith.addi %add3A_4, %add3A_15 : i32
    "tpu.region"() ({
      %run_scoped3A = tpu.sem_alloc : memref<!tpu.dma_semaphore, #tpu.memory_space<semaphore_mem>>
      %dma_start3A_39 = arith.constant 0 : i32
      %dma_start3A_40 = tpu.memref_slice %arg6[%dma_start3A_39] : memref<128xi32, #tpu.memory_space<vmem>> -> memref<64xi32, #tpu.memory_space<vmem>>
      %dma_start3A_41 = tpu.memref_slice %arg2[%add3A_16] : memref<204800xi32, #tpu.memory_space<hbm>> -> memref<64xi32, #tpu.memory_space<hbm>>
      %dma_start3A_42 = arith.constant 0 : i32
      %dma_start3A_43 = tpu.memref_slice %arg6[%dma_start3A_42] : memref<128xi32, #tpu.memory_space<vmem>> -> memref<64xi32, #tpu.memory_space<vmem>>
      %dma_start3A_44 = tpu.memref_slice %arg2[%add3A_16] : memref<204800xi32, #tpu.memory_space<hbm>> -> memref<64xi32, #tpu.memory_space<hbm>>
      tpu.enqueue_dma source(%dma_start3A_44 : memref<64xi32, #tpu.memory_space<hbm>>) target(%dma_start3A_43 : memref<64xi32, #tpu.memory_space<vmem>>) target_semaphore(%run_scoped3A : memref<!tpu.dma_semaphore, #tpu.memory_space<semaphore_mem>>)
      %dma_wait3A_45 = arith.constant 0 : i32
      %dma_wait3A_46 = tpu.memref_slice %arg6[%dma_wait3A_45] : memref<128xi32, #tpu.memory_space<vmem>> -> memref<64xi32, #tpu.memory_space<vmem>>
      %dma_wait3A_47 = tpu.memref_slice %arg2[%add3A_16] : memref<204800xi32, #tpu.memory_space<hbm>> -> memref<64xi32, #tpu.memory_space<hbm>>
      %dma_wait3A_48 = arith.constant 0 : i32
      %dma_wait3A_49 = tpu.memref_slice %arg6[%dma_wait3A_48] : memref<128xi32, #tpu.memory_space<vmem>> -> memref<64xi32, #tpu.memory_space<vmem>>
      %dma_wait3A_50 = tpu.memref_slice %arg2[%add3A_16] : memref<204800xi32, #tpu.memory_space<hbm>> -> memref<64xi32, #tpu.memory_space<hbm>>
      tpu.wait_dma2 semaphore(%run_scoped3A : memref<!tpu.dma_semaphore, #tpu.memory_space<semaphore_mem>>) src(%dma_wait3A_50 : memref<64xi32, #tpu.memory_space<hbm>>) dst(%dma_wait3A_49 : memref<64xi32, #tpu.memory_space<vmem>>)
      tpu.yield
    }) : () -> ()
    %add3A_17 = arith.constant 64 : i32
    %add3A_18 = arith.addi %add3A_6, %add3A_17 : i32
    "tpu.region"() ({
      %run_scoped3A = tpu.sem_alloc : memref<!tpu.dma_semaphore, #tpu.memory_space<semaphore_mem>>
      %dma_start3A_39 = arith.constant 64 : i32
      %dma_start3A_40 = tpu.memref_slice %arg6[%dma_start3A_39] : memref<128xi32, #tpu.memory_space<vmem>> -> memref<64xi32, #tpu.memory_space<vmem>>
      %dma_start3A_41 = tpu.memref_slice %arg2[%add3A_18] : memref<204800xi32, #tpu.memory_space<hbm>> -> memref<64xi32, #tpu.memory_space<hbm>>
      %dma_start3A_42 = arith.constant 64 : i32
      %dma_start3A_43 = tpu.memref_slice %arg6[%dma_start3A_42] : memref<128xi32, #tpu.memory_space<vmem>> -> memref<64xi32, #tpu.memory_space<vmem>>
      %dma_start3A_44 = tpu.memref_slice %arg2[%add3A_18] : memref<204800xi32, #tpu.memory_space<hbm>> -> memref<64xi32, #tpu.memory_space<hbm>>
      tpu.enqueue_dma source(%dma_start3A_44 : memref<64xi32, #tpu.memory_space<hbm>>) target(%dma_start3A_43 : memref<64xi32, #tpu.memory_space<vmem>>) target_semaphore(%run_scoped3A : memref<!tpu.dma_semaphore, #tpu.memory_space<semaphore_mem>>)
      %dma_wait3A_45 = arith.constant 64 : i32
      %dma_wait3A_46 = tpu.memref_slice %arg6[%dma_wait3A_45] : memref<128xi32, #tpu.memory_space<vmem>> -> memref<64xi32, #tpu.memory_space<vmem>>
      %dma_wait3A_47 = tpu.memref_slice %arg2[%add3A_18] : memref<204800xi32, #tpu.memory_space<hbm>> -> memref<64xi32, #tpu.memory_space<hbm>>
      %dma_wait3A_48 = arith.constant 64 : i32
      %dma_wait3A_49 = tpu.memref_slice %arg6[%dma_wait3A_48] : memref<128xi32, #tpu.memory_space<vmem>> -> memref<64xi32, #tpu.memory_space<vmem>>
      %dma_wait3A_50 = tpu.memref_slice %arg2[%add3A_18] : memref<204800xi32, #tpu.memory_space<hbm>> -> memref<64xi32, #tpu.memory_space<hbm>>
      tpu.wait_dma2 semaphore(%run_scoped3A : memref<!tpu.dma_semaphore, #tpu.memory_space<semaphore_mem>>) src(%dma_wait3A_50 : memref<64xi32, #tpu.memory_space<hbm>>) dst(%dma_wait3A_49 : memref<64xi32, #tpu.memory_space<vmem>>)
      tpu.yield
    }) : () -> ()
    %dma_start3A_19 = arith.constant 0 : i32
    %dma_start3A_20 = arith.constant 0 : i32
    %dma_start3A_21 = tpu.memref_slice %arg3[%dma_start3A_19, %dma_start3A_20] : memref<100000x64xf32, #tpu.memory_space<hbm>> -> memref<100000x64xf32, #tpu.memory_space<hbm>>
    tpu.enqueue_indirect_dma source(%dma_start3A_21 : memref<100000x64xf32, #tpu.memory_space<hbm>>) target(%arg8 : memref<128x64xf32, #tpu.memory_space<vmem>>) offsets(%arg6 : memref<128xi32, #tpu.memory_space<vmem>>) semaphore(%arg10 : memref<!tpu.dma_semaphore, #tpu.memory_space<semaphore_mem>>)
    %scan3A = arith.constant 0 : i32
    %scan3A_22 = arith.constant 0 : i32
    %scan3A_23 = arith.constant 12 : i32
    %scan3A_24 = arith.addi %scan3A_22, %scan3A_23 : i32
    %scan3A_25 = arith.constant 1 : i32
    %scan3A_26 = scf.for %scan3A_39 = %scan3A_22 to %scan3A_24 step %scan3A_25 iter_args(%scan3A_40 = %scan3A) -> (i32)  : i32 {
      %mul3A_41 = arith.constant 2 : i32
      %mul3A_42 = arith.muli %scan3A_39, %mul3A_41 : i32
      %add3A_43 = arith.constant 0 : i32
      %add3A_44 = arith.addi %mul3A_42, %add3A_43 : i32
      %dma_wait3A_45 = arith.constant 0 : i32
      %dma_wait3A_46 = arith.constant 0 : i32
      %dma_wait3A_47 = tpu.memref_slice %arg3[%dma_wait3A_45, %dma_wait3A_46] : memref<100000x64xf32, #tpu.memory_space<hbm>> -> memref<100000x64xf32, #tpu.memory_space<hbm>>
      tpu.wait_indirect_dma semaphore(%arg9 : memref<!tpu.dma_semaphore, #tpu.memory_space<semaphore_mem>>) src(%dma_wait3A_47 : memref<100000x64xf32, #tpu.memory_space<hbm>>) dst(%arg7 : memref<128x64xf32, #tpu.memory_space<vmem>>)
      %scan3A_48 = arith.constant 0 : i32
      %scan3A_49 = arith.constant 0 : i32
      %scan3A_50 = arith.constant 8 : i32
      %scan3A_51 = arith.addi %scan3A_49, %scan3A_50 : i32
      %scan3A_52 = arith.constant 1 : i32
      %scan3A_53 = scf.for %scan3A_87 = %scan3A_49 to %scan3A_51 step %scan3A_52 iter_args(%scan3A_88 = %scan3A_48) -> (i32)  : i32 {
        %mul3A_89 = arith.constant 16 : i32
        %mul3A_90 = arith.muli %scan3A_87, %mul3A_89 : i32
        %get3A = arith.index_cast %mul3A_90 : i32 to index
        %get3A_91 = tpu.vector_load %arg5[%get3A] {strides = array<i32>} : memref<128xi32, #tpu.memory_space<vmem>>, vector<16xi32>,
        %eq3A = arith.constant 99999 : i32
        %eq3A_92 = vector.broadcast %eq3A : i32 to vector<16xi32>
        %eq3A_93 = arith.cmpi eq, %get3A_91, %eq3A_92 : vector<16xi32>
        %convert_element_type3A_94 = arith.extui %eq3A_93 : vector<16xi1> to vector<16xi32>
        %reduce_max3A = arith.constant true
        %reduce_max3A_95 = vector.broadcast %reduce_max3A : i1 to vector<16xi1>
        %reduce_max3A_96 = arith.constant -2147483648 : i32
        %reduce_max3A_97 = vector.broadcast %reduce_max3A_96 : i32 to vector<16xi32>
        %reduce_max3A_98 = arith.xori %convert_element_type3A_94, %reduce_max3A_97 : vector<16xi32>
        %reduce_max3A_99 = tpu.scan <max>, %reduce_max3A_98 masked %reduce_max3A_95 : vector<16xi32>, vector<16xi1> -> vector<16xi32>
        %reduce_max3A_100 = arith.xori %reduce_max3A_99, %reduce_max3A_97 : vector<16xi32>
        %reduce_max3A_101 = vector.extract %reduce_max3A_100[15] : i32 from vector<16xi32>
        %gt3A = arith.constant 0 : i32
        %gt3A_102 = arith.cmpi sgt, %reduce_max3A_101, %gt3A : i32
        %convert_element_type3A_103 = arith.extui %gt3A_102 : i1 to i32
        %cond3A_104 = arith.constant 0 : i32
        %cond3A_105 = arith.cmpi ne, %convert_element_type3A_103, %cond3A_104 : i32
        scf.if %cond3A_105 {
          %mul3A_107 = arith.constant 16 : i32
          %mul3A_108 = arith.muli %scan3A_87, %mul3A_107 : i32
          %add3A_109 = vector.broadcast %mul3A_108 : i32 to vector<16xi32>
          %add3A_110 = arith.addi %add3A_109, %iota3A : vector<16xi32>
          %scan3A_111 = arith.constant 0 : i32
          %scan3A_112 = arith.constant 0 : i32
          %scan3A_113 = arith.constant 64 : i32
          %scan3A_114 = arith.addi %scan3A_112, %scan3A_113 : i32
          %scan3A_115 = arith.constant 1 : i32
          %scan3A_116 = scf.for %scan3A_118 = %scan3A_112 to %scan3A_114 step %scan3A_115 iter_args(%scan3A_119 = %scan3A_111) -> (i32)  : i32 {
            %broadcast_in_dim3A = arith.constant 0 : i32
            %broadcast_in_dim3A_120 = vector.broadcast %broadcast_in_dim3A : i32 to vector<16xi32>
            %add3A_121 = vector.broadcast %scan3A_118 : i32 to vector<16xi32>
            %add3A_122 = arith.addi %broadcast_in_dim3A_120, %add3A_121 : vector<16xi32>
            %broadcast_in_dim3A_123 = arith.constant 0.000000e+00 : f32
            %broadcast_in_dim3A_124 = vector.broadcast %broadcast_in_dim3A_123 : f32 to vector<16xf32>
            tpu.vector_store_idx %arg7[%add3A_110, %add3A_122], %broadcast_in_dim3A_124 masked %eq3A_93 : memref<128x64xf32, #tpu.memory_space<vmem>>[vector<16xi32>, vector<16xi32>], vector<16xf32>, vector<16xi1>
            %scan3A_125 = arith.constant 0 : i32
            scf.yield %scan3A_125 : i32
          }
          %scan3A_117 = arith.constant 64 : i32
        } else {
        }
        %scan3A_106 = arith.constant 0 : i32
        scf.yield %scan3A_106 : i32
      }
      %scan3A_54 = arith.constant 8 : i32
      %mul3A_55 = arith.constant 64 : i32
      %mul3A_56 = arith.muli %add3A_44, %mul3A_55 : i32
      %add3A_57 = arith.addi %mul3A_8, %mul3A_56 : i32
      "tpu.region"() ({
        %run_scoped3A = tpu.sem_alloc : memref<!tpu.dma_semaphore, #tpu.memory_space<semaphore_mem>>
        %dma_start3A_87 = arith.constant 0 : i32
        %dma_start3A_88 = arith.constant 0 : i32
        %dma_start3A_89 = tpu.memref_slice %arg7[%dma_start3A_87, %dma_start3A_88] : memref<128x64xf32, #tpu.memory_space<vmem>> -> memref<64x64xf32, #tpu.memory_space<vmem>>
        %dma_start3A_90 = arith.constant 0 : i32
        %dma_start3A_91 = tpu.memref_slice %arg4[%add3A_57, %dma_start3A_90] : memref<51200x128xf32, #tpu.memory_space<hbm>> -> memref<64x64xf32, #tpu.memory_space<hbm>>
        %dma_start3A_92 = arith.constant 0 : i32
        %dma_start3A_93 = tpu.memref_slice %arg4[%add3A_57, %dma_start3A_92] : memref<51200x128xf32, #tpu.memory_space<hbm>> -> memref<64x64xf32, #tpu.memory_space<hbm>>
        %dma_start3A_94 = arith.constant 0 : i32
        %dma_start3A_95 = arith.constant 0 : i32
        %dma_start3A_96 = tpu.memref_slice %arg7[%dma_start3A_94, %dma_start3A_95] : memref<128x64xf32, #tpu.memory_space<vmem>> -> memref<64x64xf32, #tpu.memory_space<vmem>>
        tpu.enqueue_dma source(%dma_start3A_96 : memref<64x64xf32, #tpu.memory_space<vmem>>) target(%dma_start3A_93 : memref<64x64xf32, #tpu.memory_space<hbm>>) target_semaphore(%run_scoped3A : memref<!tpu.dma_semaphore, #tpu.memory_space<semaphore_mem>>)
        %dma_wait3A_97 = arith.constant 0 : i32
        %dma_wait3A_98 = arith.constant 0 : i32
        %dma_wait3A_99 = tpu.memref_slice %arg7[%dma_wait3A_97, %dma_wait3A_98] : memref<128x64xf32, #tpu.memory_space<vmem>> -> memref<64x64xf32, #tpu.memory_space<vmem>>
        %dma_wait3A_100 = arith.constant 0 : i32
        %dma_wait3A_101 = tpu.memref_slice %arg4[%add3A_57, %dma_wait3A_100] : memref<51200x128xf32, #tpu.memory_space<hbm>> -> memref<64x64xf32, #tpu.memory_space<hbm>>
        %dma_wait3A_102 = arith.constant 0 : i32
        %dma_wait3A_103 = tpu.memref_slice %arg4[%add3A_57, %dma_wait3A_102] : memref<51200x128xf32, #tpu.memory_space<hbm>> -> memref<64x64xf32, #tpu.memory_space<hbm>>
        %dma_wait3A_104 = arith.constant 0 : i32
        %dma_wait3A_105 = arith.constant 0 : i32
        %dma_wait3A_106 = tpu.memref_slice %arg7[%dma_wait3A_104, %dma_wait3A_105] : memref<128x64xf32, #tpu.memory_space<vmem>> -> memref<64x64xf32, #tpu.memory_space<vmem>>
        tpu.wait_dma2 semaphore(%run_scoped3A : memref<!tpu.dma_semaphore, #tpu.memory_space<semaphore_mem>>) src(%dma_wait3A_106 : memref<64x64xf32, #tpu.memory_space<vmem>>) dst(%dma_wait3A_103 : memref<64x64xf32, #tpu.memory_space<hbm>>)
        tpu.yield
      }) : () -> ()
      "tpu.region"() ({
        %run_scoped3A = tpu.sem_alloc : memref<!tpu.dma_semaphore, #tpu.memory_space<semaphore_mem>>
        %dma_start3A_87 = arith.constant 64 : i32
        %dma_start3A_88 = arith.constant 0 : i32
        %dma_start3A_89 = tpu.memref_slice %arg7[%dma_start3A_87, %dma_start3A_88] : memref<128x64xf32, #tpu.memory_space<vmem>> -> memref<64x64xf32, #tpu.memory_space<vmem>>
        %dma_start3A_90 = arith.constant 64 : i32
        %dma_start3A_91 = tpu.memref_slice %arg4[%add3A_57, %dma_start3A_90] : memref<51200x128xf32, #tpu.memory_space<hbm>> -> memref<64x64xf32, #tpu.memory_space<hbm>>
        %dma_start3A_92 = arith.constant 64 : i32
        %dma_start3A_93 = tpu.memref_slice %arg4[%add3A_57, %dma_start3A_92] : memref<51200x128xf32, #tpu.memory_space<hbm>> -> memref<64x64xf32, #tpu.memory_space<hbm>>
        %dma_start3A_94 = arith.constant 64 : i32
        %dma_start3A_95 = arith.constant 0 : i32
        %dma_start3A_96 = tpu.memref_slice %arg7[%dma_start3A_94, %dma_start3A_95] : memref<128x64xf32, #tpu.memory_space<vmem>> -> memref<64x64xf32, #tpu.memory_space<vmem>>
        tpu.enqueue_dma source(%dma_start3A_96 : memref<64x64xf32, #tpu.memory_space<vmem>>) target(%dma_start3A_93 : memref<64x64xf32, #tpu.memory_space<hbm>>) target_semaphore(%run_scoped3A : memref<!tpu.dma_semaphore, #tpu.memory_space<semaphore_mem>>)
        %dma_wait3A_97 = arith.constant 64 : i32
        %dma_wait3A_98 = arith.constant 0 : i32
        %dma_wait3A_99 = tpu.memref_slice %arg7[%dma_wait3A_97, %dma_wait3A_98] : memref<128x64xf32, #tpu.memory_space<vmem>> -> memref<64x64xf32, #tpu.memory_space<vmem>>
        %dma_wait3A_100 = arith.constant 64 : i32
        %dma_wait3A_101 = tpu.memref_slice %arg4[%add3A_57, %dma_wait3A_100] : memref<51200x128xf32, #tpu.memory_space<hbm>> -> memref<64x64xf32, #tpu.memory_space<hbm>>
        %dma_wait3A_102 = arith.constant 64 : i32
        %dma_wait3A_103 = tpu.memref_slice %arg4[%add3A_57, %dma_wait3A_102] : memref<51200x128xf32, #tpu.memory_space<hbm>> -> memref<64x64xf32, #tpu.memory_space<hbm>>
        %dma_wait3A_104 = arith.constant 64 : i32
        %dma_wait3A_105 = arith.constant 0 : i32
        %dma_wait3A_106 = tpu.memref_slice %arg7[%dma_wait3A_104, %dma_wait3A_105] : memref<128x64xf32, #tpu.memory_space<vmem>> -> memref<64x64xf32, #tpu.memory_space<vmem>>
        tpu.wait_dma2 semaphore(%run_scoped3A : memref<!tpu.dma_semaphore, #tpu.memory_space<semaphore_mem>>) src(%dma_wait3A_106 : memref<64x64xf32, #tpu.memory_space<vmem>>) dst(%dma_wait3A_103 : memref<64x64xf32, #tpu.memory_space<hbm>>)
        tpu.yield
      }) : () -> ()
      %add3A_58 = arith.constant 2 : i32
      %add3A_59 = arith.addi %add3A_44, %add3A_58 : i32
      %lt3A = arith.constant 25 : i32
      %lt3A_60 = arith.cmpi slt, %add3A_59, %lt3A : i32
      %convert_element_type3A = arith.extui %lt3A_60 : i1 to i32
      %cond3A = arith.constant 0 : i32
      %cond3A_61 = arith.cmpi ne, %convert_element_type3A, %cond3A : i32
      scf.if %cond3A_61 {
        %add3A_87 = arith.constant 2 : i32
        %add3A_88 = arith.addi %add3A_44, %add3A_87 : i32
        %mul3A_89 = arith.constant 64 : i32
        %mul3A_90 = arith.muli %add3A_88, %mul3A_89 : i32
        %add3A_91 = arith.addi %add3A_4, %mul3A_90 : i32
        "tpu.region"() ({
          %run_scoped3A = tpu.sem_alloc : memref<!tpu.dma_semaphore, #tpu.memory_space<semaphore_mem>>
          %dma_start3A_98 = arith.constant 0 : i32
          %dma_start3A_99 = tpu.memref_slice %arg5[%dma_start3A_98] : memref<128xi32, #tpu.memory_space<vmem>> -> memref<64xi32, #tpu.memory_space<vmem>>
          %dma_start3A_100 = tpu.memref_slice %arg2[%add3A_91] : memref<204800xi32, #tpu.memory_space<hbm>> -> memref<64xi32, #tpu.memory_space<hbm>>
          %dma_start3A_101 = arith.constant 0 : i32
          %dma_start3A_102 = tpu.memref_slice %arg5[%dma_start3A_101] : memref<128xi32, #tpu.memory_space<vmem>> -> memref<64xi32, #tpu.memory_space<vmem>>
          %dma_start3A_103 = tpu.memref_slice %arg2[%add3A_91] : memref<204800xi32, #tpu.memory_space<hbm>> -> memref<64xi32, #tpu.memory_space<hbm>>
          tpu.enqueue_dma source(%dma_start3A_103 : memref<64xi32, #tpu.memory_space<hbm>>) target(%dma_start3A_102 : memref<64xi32, #tpu.memory_space<vmem>>) target_semaphore(%run_scoped3A : memref<!tpu.dma_semaphore, #tpu.memory_space<semaphore_mem>>)
          %dma_wait3A_104 = arith.constant 0 : i32
          %dma_wait3A_105 = tpu.memref_slice %arg5[%dma_wait3A_104] : memref<128xi32, #tpu.memory_space<vmem>> -> memref<64xi32, #tpu.memory_space<vmem>>
          %dma_wait3A_106 = tpu.memref_slice %arg2[%add3A_91] : memref<204800xi32, #tpu.memory_space<hbm>> -> memref<64xi32, #tpu.memory_space<hbm>>
          %dma_wait3A_107 = arith.constant 0 : i32
          %dma_wait3A_108 = tpu.memref_slice %arg5[%dma_wait3A_107] : memref<128xi32, #tpu.memory_space<vmem>> -> memref<64xi32, #tpu.memory_space<vmem>>
          %dma_wait3A_109 = tpu.memref_slice %arg2[%add3A_91] : memref<204800xi32, #tpu.memory_space<hbm>> -> memref<64xi32, #tpu.memory_space<hbm>>
          tpu.wait_dma2 semaphore(%run_scoped3A : memref<!tpu.dma_semaphore, #tpu.memory_space<semaphore_mem>>) src(%dma_wait3A_109 : memref<64xi32, #tpu.memory_space<hbm>>) dst(%dma_wait3A_108 : memref<64xi32, #tpu.memory_space<vmem>>)
          tpu.yield
        }) : () -> ()
        %mul3A_92 = arith.constant 64 : i32
        %mul3A_93 = arith.muli %add3A_88, %mul3A_92 : i32
        %add3A_94 = arith.addi %add3A_6, %mul3A_93 : i32
        "tpu.region"() ({
          %run_scoped3A = tpu.sem_alloc : memref<!tpu.dma_semaphore, #tpu.memory_space<semaphore_mem>>
          %dma_start3A_98 = arith.constant 64 : i32
          %dma_start3A_99 = tpu.memref_slice %arg5[%dma_start3A_98] : memref<128xi32, #tpu.memory_space<vmem>> -> memref<64xi32, #tpu.memory_space<vmem>>
          %dma_start3A_100 = tpu.memref_slice %arg2[%add3A_94] : memref<204800xi32, #tpu.memory_space<hbm>> -> memref<64xi32, #tpu.memory_space<hbm>>
          %dma_start3A_101 = arith.constant 64 : i32
          %dma_start3A_102 = tpu.memref_slice %arg5[%dma_start3A_101] : memref<128xi32, #tpu.memory_space<vmem>> -> memref<64xi32, #tpu.memory_space<vmem>>
          %dma_start3A_103 = tpu.memref_slice %arg2[%add3A_94] : memref<204800xi32, #tpu.memory_space<hbm>> -> memref<64xi32, #tpu.memory_space<hbm>>
          tpu.enqueue_dma source(%dma_start3A_103 : memref<64xi32, #tpu.memory_space<hbm>>) target(%dma_start3A_102 : memref<64xi32, #tpu.memory_space<vmem>>) target_semaphore(%run_scoped3A : memref<!tpu.dma_semaphore, #tpu.memory_space<semaphore_mem>>)
          %dma_wait3A_104 = arith.constant 64 : i32
          %dma_wait3A_105 = tpu.memref_slice %arg5[%dma_wait3A_104] : memref<128xi32, #tpu.memory_space<vmem>> -> memref<64xi32, #tpu.memory_space<vmem>>
          %dma_wait3A_106 = tpu.memref_slice %arg2[%add3A_94] : memref<204800xi32, #tpu.memory_space<hbm>> -> memref<64xi32, #tpu.memory_space<hbm>>
          %dma_wait3A_107 = arith.constant 64 : i32
          %dma_wait3A_108 = tpu.memref_slice %arg5[%dma_wait3A_107] : memref<128xi32, #tpu.memory_space<vmem>> -> memref<64xi32, #tpu.memory_space<vmem>>
          %dma_wait3A_109 = tpu.memref_slice %arg2[%add3A_94] : memref<204800xi32, #tpu.memory_space<hbm>> -> memref<64xi32, #tpu.memory_space<hbm>>
          tpu.wait_dma2 semaphore(%run_scoped3A : memref<!tpu.dma_semaphore, #tpu.memory_space<semaphore_mem>>) src(%dma_wait3A_109 : memref<64xi32, #tpu.memory_space<hbm>>) dst(%dma_wait3A_108 : memref<64xi32, #tpu.memory_space<vmem>>)
          tpu.yield
        }) : () -> ()
        %dma_start3A_95 = arith.constant 0 : i32
        %dma_start3A_96 = arith.constant 0 : i32
        %dma_start3A_97 = tpu.memref_slice %arg3[%dma_start3A_95, %dma_start3A_96] : memref<100000x64xf32, #tpu.memory_space<hbm>> -> memref<100000x64xf32, #tpu.memory_space<hbm>>
        tpu.enqueue_indirect_dma source(%dma_start3A_97 : memref<100000x64xf32, #tpu.memory_space<hbm>>) target(%arg7 : memref<128x64xf32, #tpu.memory_space<vmem>>) offsets(%arg5 : memref<128xi32, #tpu.memory_space<vmem>>) semaphore(%arg9 : memref<!tpu.dma_semaphore, #tpu.memory_space<semaphore_mem>>)
      } else {
      }
      %mul3A_62 = arith.constant 2 : i32
      %mul3A_63 = arith.muli %scan3A_39, %mul3A_62 : i32
      %add3A_64 = arith.constant 1 : i32
      %add3A_65 = arith.addi %mul3A_63, %add3A_64 : i32
      %dma_wait3A_66 = arith.constant 0 : i32
      %dma_wait3A_67 = arith.constant 0 : i32
      %dma_wait3A_68 = tpu.memref_slice %arg3[%dma_wait3A_66, %dma_wait3A_67] : memref<100000x64xf32, #tpu.memory_space<hbm>> -> memref<100000x64xf32, #tpu.memory_space<hbm>>
      tpu.wait_indirect_dma semaphore(%arg10 : memref<!tpu.dma_semaphore, #tpu.memory_space<semaphore_mem>>) src(%dma_wait3A_68 : memref<100000x64xf32, #tpu.memory_space<hbm>>) dst(%arg8 : memref<128x64xf32, #tpu.memory_space<vmem>>)
      %scan3A_69 = arith.constant 0 : i32
      %scan3A_70 = arith.constant 0 : i32
      %scan3A_71 = arith.constant 8 : i32
      %scan3A_72 = arith.addi %scan3A_70, %scan3A_71 : i32
      %scan3A_73 = arith.constant 1 : i32
      %scan3A_74 = scf.for %scan3A_87 = %scan3A_70 to %scan3A_72 step %scan3A_73 iter_args(%scan3A_88 = %scan3A_69) -> (i32)  : i32 {
        %mul3A_89 = arith.constant 16 : i32
        %mul3A_90 = arith.muli %scan3A_87, %mul3A_89 : i32
        %get3A = arith.index_cast %mul3A_90 : i32 to index
        %get3A_91 = tpu.vector_load %arg6[%get3A] {strides = array<i32>} : memref<128xi32, #tpu.memory_space<vmem>>, vector<16xi32>,
        %eq3A = arith.constant 99999 : i32
        %eq3A_92 = vector.broadcast %eq3A : i32 to vector<16xi32>
        %eq3A_93 = arith.cmpi eq, %get3A_91, %eq3A_92 : vector<16xi32>
        %convert_element_type3A_94 = arith.extui %eq3A_93 : vector<16xi1> to vector<16xi32>
        %reduce_max3A = arith.constant true
        %reduce_max3A_95 = vector.broadcast %reduce_max3A : i1 to vector<16xi1>
        %reduce_max3A_96 = arith.constant -2147483648 : i32
        %reduce_max3A_97 = vector.broadcast %reduce_max3A_96 : i32 to vector<16xi32>
        %reduce_max3A_98 = arith.xori %convert_element_type3A_94, %reduce_max3A_97 : vector<16xi32>
        %reduce_max3A_99 = tpu.scan <max>, %reduce_max3A_98 masked %reduce_max3A_95 : vector<16xi32>, vector<16xi1> -> vector<16xi32>
        %reduce_max3A_100 = arith.xori %reduce_max3A_99, %reduce_max3A_97 : vector<16xi32>
        %reduce_max3A_101 = vector.extract %reduce_max3A_100[15] : i32 from vector<16xi32>
        %gt3A = arith.constant 0 : i32
        %gt3A_102 = arith.cmpi sgt, %reduce_max3A_101, %gt3A : i32
        %convert_element_type3A_103 = arith.extui %gt3A_102 : i1 to i32
        %cond3A_104 = arith.constant 0 : i32
        %cond3A_105 = arith.cmpi ne, %convert_element_type3A_103, %cond3A_104 : i32
        scf.if %cond3A_105 {
          %mul3A_107 = arith.constant 16 : i32
          %mul3A_108 = arith.muli %scan3A_87, %mul3A_107 : i32
          %add3A_109 = vector.broadcast %mul3A_108 : i32 to vector<16xi32>
          %add3A_110 = arith.addi %add3A_109, %iota3A : vector<16xi32>
          %scan3A_111 = arith.constant 0 : i32
          %scan3A_112 = arith.constant 0 : i32
          %scan3A_113 = arith.constant 64 : i32
          %scan3A_114 = arith.addi %scan3A_112, %scan3A_113 : i32
          %scan3A_115 = arith.constant 1 : i32
          %scan3A_116 = scf.for %scan3A_118 = %scan3A_112 to %scan3A_114 step %scan3A_115 iter_args(%scan3A_119 = %scan3A_111) -> (i32)  : i32 {
            %broadcast_in_dim3A = arith.constant 0 : i32
            %broadcast_in_dim3A_120 = vector.broadcast %broadcast_in_dim3A : i32 to vector<16xi32>
            %add3A_121 = vector.broadcast %scan3A_118 : i32 to vector<16xi32>
            %add3A_122 = arith.addi %broadcast_in_dim3A_120, %add3A_121 : vector<16xi32>
            %broadcast_in_dim3A_123 = arith.constant 0.000000e+00 : f32
            %broadcast_in_dim3A_124 = vector.broadcast %broadcast_in_dim3A_123 : f32 to vector<16xf32>
            tpu.vector_store_idx %arg8[%add3A_110, %add3A_122], %broadcast_in_dim3A_124 masked %eq3A_93 : memref<128x64xf32, #tpu.memory_space<vmem>>[vector<16xi32>, vector<16xi32>], vector<16xf32>, vector<16xi1>
            %scan3A_125 = arith.constant 0 : i32
            scf.yield %scan3A_125 : i32
          }
          %scan3A_117 = arith.constant 64 : i32
        } else {
        }
        %scan3A_106 = arith.constant 0 : i32
        scf.yield %scan3A_106 : i32
      }
      %scan3A_75 = arith.constant 8 : i32
      %mul3A_76 = arith.constant 64 : i32
      %mul3A_77 = arith.muli %add3A_65, %mul3A_76 : i32
      %add3A_78 = arith.addi %mul3A_8, %mul3A_77 : i32
      "tpu.region"() ({
        %run_scoped3A = tpu.sem_alloc : memref<!tpu.dma_semaphore, #tpu.memory_space<semaphore_mem>>
        %dma_start3A_87 = arith.constant 0 : i32
        %dma_start3A_88 = arith.constant 0 : i32
        %dma_start3A_89 = tpu.memref_slice %arg8[%dma_start3A_87, %dma_start3A_88] : memref<128x64xf32, #tpu.memory_space<vmem>> -> memref<64x64xf32, #tpu.memory_space<vmem>>
        %dma_start3A_90 = arith.constant 0 : i32
        %dma_start3A_91 = tpu.memref_slice %arg4[%add3A_78, %dma_start3A_90] : memref<51200x128xf32, #tpu.memory_space<hbm>> -> memref<64x64xf32, #tpu.memory_space<hbm>>
        %dma_start3A_92 = arith.constant 0 : i32
        %dma_start3A_93 = tpu.memref_slice %arg4[%add3A_78, %dma_start3A_92] : memref<51200x128xf32, #tpu.memory_space<hbm>> -> memref<64x64xf32, #tpu.memory_space<hbm>>
        %dma_start3A_94 = arith.constant 0 : i32
        %dma_start3A_95 = arith.constant 0 : i32
        %dma_start3A_96 = tpu.memref_slice %arg8[%dma_start3A_94, %dma_start3A_95] : memref<128x64xf32, #tpu.memory_space<vmem>> -> memref<64x64xf32, #tpu.memory_space<vmem>>
        tpu.enqueue_dma source(%dma_start3A_96 : memref<64x64xf32, #tpu.memory_space<vmem>>) target(%dma_start3A_93 : memref<64x64xf32, #tpu.memory_space<hbm>>) target_semaphore(%run_scoped3A : memref<!tpu.dma_semaphore, #tpu.memory_space<semaphore_mem>>)
        %dma_wait3A_97 = arith.constant 0 : i32
        %dma_wait3A_98 = arith.constant 0 : i32
        %dma_wait3A_99 = tpu.memref_slice %arg8[%dma_wait3A_97, %dma_wait3A_98] : memref<128x64xf32, #tpu.memory_space<vmem>> -> memref<64x64xf32, #tpu.memory_space<vmem>>
        %dma_wait3A_100 = arith.constant 0 : i32
        %dma_wait3A_101 = tpu.memref_slice %arg4[%add3A_78, %dma_wait3A_100] : memref<51200x128xf32, #tpu.memory_space<hbm>> -> memref<64x64xf32, #tpu.memory_space<hbm>>
        %dma_wait3A_102 = arith.constant 0 : i32
        %dma_wait3A_103 = tpu.memref_slice %arg4[%add3A_78, %dma_wait3A_102] : memref<51200x128xf32, #tpu.memory_space<hbm>> -> memref<64x64xf32, #tpu.memory_space<hbm>>
        %dma_wait3A_104 = arith.constant 0 : i32
        %dma_wait3A_105 = arith.constant 0 : i32
        %dma_wait3A_106 = tpu.memref_slice %arg8[%dma_wait3A_104, %dma_wait3A_105] : memref<128x64xf32, #tpu.memory_space<vmem>> -> memref<64x64xf32, #tpu.memory_space<vmem>>
        tpu.wait_dma2 semaphore(%run_scoped3A : memref<!tpu.dma_semaphore, #tpu.memory_space<semaphore_mem>>) src(%dma_wait3A_106 : memref<64x64xf32, #tpu.memory_space<vmem>>) dst(%dma_wait3A_103 : memref<64x64xf32, #tpu.memory_space<hbm>>)
        tpu.yield
      }) : () -> ()
      "tpu.region"() ({
        %run_scoped3A = tpu.sem_alloc : memref<!tpu.dma_semaphore, #tpu.memory_space<semaphore_mem>>
        %dma_start3A_87 = arith.constant 64 : i32
        %dma_start3A_88 = arith.constant 0 : i32
        %dma_start3A_89 = tpu.memref_slice %arg8[%dma_start3A_87, %dma_start3A_88] : memref<128x64xf32, #tpu.memory_space<vmem>> -> memref<64x64xf32, #tpu.memory_space<vmem>>
        %dma_start3A_90 = arith.constant 64 : i32
        %dma_start3A_91 = tpu.memref_slice %arg4[%add3A_78, %dma_start3A_90] : memref<51200x128xf32, #tpu.memory_space<hbm>> -> memref<64x64xf32, #tpu.memory_space<hbm>>
        %dma_start3A_92 = arith.constant 64 : i32
        %dma_start3A_93 = tpu.memref_slice %arg4[%add3A_78, %dma_start3A_92] : memref<51200x128xf32, #tpu.memory_space<hbm>> -> memref<64x64xf32, #tpu.memory_space<hbm>>
        %dma_start3A_94 = arith.constant 64 : i32
        %dma_start3A_95 = arith.constant 0 : i32
        %dma_start3A_96 = tpu.memref_slice %arg8[%dma_start3A_94, %dma_start3A_95] : memref<128x64xf32, #tpu.memory_space<vmem>> -> memref<64x64xf32, #tpu.memory_space<vmem>>
        tpu.enqueue_dma source(%dma_start3A_96 : memref<64x64xf32, #tpu.memory_space<vmem>>) target(%dma_start3A_93 : memref<64x64xf32, #tpu.memory_space<hbm>>) target_semaphore(%run_scoped3A : memref<!tpu.dma_semaphore, #tpu.memory_space<semaphore_mem>>)
        %dma_wait3A_97 = arith.constant 64 : i32
        %dma_wait3A_98 = arith.constant 0 : i32
        %dma_wait3A_99 = tpu.memref_slice %arg8[%dma_wait3A_97, %dma_wait3A_98] : memref<128x64xf32, #tpu.memory_space<vmem>> -> memref<64x64xf32, #tpu.memory_space<vmem>>
        %dma_wait3A_100 = arith.constant 64 : i32
        %dma_wait3A_101 = tpu.memref_slice %arg4[%add3A_78, %dma_wait3A_100] : memref<51200x128xf32, #tpu.memory_space<hbm>> -> memref<64x64xf32, #tpu.memory_space<hbm>>
        %dma_wait3A_102 = arith.constant 64 : i32
        %dma_wait3A_103 = tpu.memref_slice %arg4[%add3A_78, %dma_wait3A_102] : memref<51200x128xf32, #tpu.memory_space<hbm>> -> memref<64x64xf32, #tpu.memory_space<hbm>>
        %dma_wait3A_104 = arith.constant 64 : i32
        %dma_wait3A_105 = arith.constant 0 : i32
        %dma_wait3A_106 = tpu.memref_slice %arg8[%dma_wait3A_104, %dma_wait3A_105] : memref<128x64xf32, #tpu.memory_space<vmem>> -> memref<64x64xf32, #tpu.memory_space<vmem>>
        tpu.wait_dma2 semaphore(%run_scoped3A : memref<!tpu.dma_semaphore, #tpu.memory_space<semaphore_mem>>) src(%dma_wait3A_106 : memref<64x64xf32, #tpu.memory_space<vmem>>) dst(%dma_wait3A_103 : memref<64x64xf32, #tpu.memory_space<hbm>>)
        tpu.yield
      }) : () -> ()
      %add3A_79 = arith.constant 2 : i32
      %add3A_80 = arith.addi %add3A_65, %add3A_79 : i32
      %lt3A_81 = arith.constant 25 : i32
      %lt3A_82 = arith.cmpi slt, %add3A_80, %lt3A_81 : i32
      %convert_element_type3A_83 = arith.extui %lt3A_82 : i1 to i32
      %cond3A_84 = arith.constant 0 : i32
      %cond3A_85 = arith.cmpi ne, %convert_element_type3A_83, %cond3A_84 : i32
      scf.if %cond3A_85 {
        %add3A_87 = arith.constant 2 : i32
        %add3A_88 = arith.addi %add3A_65, %add3A_87 : i32
        %mul3A_89 = arith.constant 64 : i32
        %mul3A_90 = arith.muli %add3A_88, %mul3A_89 : i32
        %add3A_91 = arith.addi %add3A_4, %mul3A_90 : i32
        "tpu.region"() ({
          %run_scoped3A = tpu.sem_alloc : memref<!tpu.dma_semaphore, #tpu.memory_space<semaphore_mem>>
          %dma_start3A_98 = arith.constant 0 : i32
          %dma_start3A_99 = tpu.memref_slice %arg6[%dma_start3A_98] : memref<128xi32, #tpu.memory_space<vmem>> -> memref<64xi32, #tpu.memory_space<vmem>>
          %dma_start3A_100 = tpu.memref_slice %arg2[%add3A_91] : memref<204800xi32, #tpu.memory_space<hbm>> -> memref<64xi32, #tpu.memory_space<hbm>>
          %dma_start3A_101 = arith.constant 0 : i32
          %dma_start3A_102 = tpu.memref_slice %arg6[%dma_start3A_101] : memref<128xi32, #tpu.memory_space<vmem>> -> memref<64xi32, #tpu.memory_space<vmem>>
          %dma_start3A_103 = tpu.memref_slice %arg2[%add3A_91] : memref<204800xi32, #tpu.memory_space<hbm>> -> memref<64xi32, #tpu.memory_space<hbm>>
          tpu.enqueue_dma source(%dma_start3A_103 : memref<64xi32, #tpu.memory_space<hbm>>) target(%dma_start3A_102 : memref<64xi32, #tpu.memory_space<vmem>>) target_semaphore(%run_scoped3A : memref<!tpu.dma_semaphore, #tpu.memory_space<semaphore_mem>>)
          %dma_wait3A_104 = arith.constant 0 : i32
          %dma_wait3A_105 = tpu.memref_slice %arg6[%dma_wait3A_104] : memref<128xi32, #tpu.memory_space<vmem>> -> memref<64xi32, #tpu.memory_space<vmem>>
          %dma_wait3A_106 = tpu.memref_slice %arg2[%add3A_91] : memref<204800xi32, #tpu.memory_space<hbm>> -> memref<64xi32, #tpu.memory_space<hbm>>
          %dma_wait3A_107 = arith.constant 0 : i32
          %dma_wait3A_108 = tpu.memref_slice %arg6[%dma_wait3A_107] : memref<128xi32, #tpu.memory_space<vmem>> -> memref<64xi32, #tpu.memory_space<vmem>>
          %dma_wait3A_109 = tpu.memref_slice %arg2[%add3A_91] : memref<204800xi32, #tpu.memory_space<hbm>> -> memref<64xi32, #tpu.memory_space<hbm>>
          tpu.wait_dma2 semaphore(%run_scoped3A : memref<!tpu.dma_semaphore, #tpu.memory_space<semaphore_mem>>) src(%dma_wait3A_109 : memref<64xi32, #tpu.memory_space<hbm>>) dst(%dma_wait3A_108 : memref<64xi32, #tpu.memory_space<vmem>>)
          tpu.yield
        }) : () -> ()
        %mul3A_92 = arith.constant 64 : i32
        %mul3A_93 = arith.muli %add3A_88, %mul3A_92 : i32
        %add3A_94 = arith.addi %add3A_6, %mul3A_93 : i32
        "tpu.region"() ({
          %run_scoped3A = tpu.sem_alloc : memref<!tpu.dma_semaphore, #tpu.memory_space<semaphore_mem>>
          %dma_start3A_98 = arith.constant 64 : i32
          %dma_start3A_99 = tpu.memref_slice %arg6[%dma_start3A_98] : memref<128xi32, #tpu.memory_space<vmem>> -> memref<64xi32, #tpu.memory_space<vmem>>
          %dma_start3A_100 = tpu.memref_slice %arg2[%add3A_94] : memref<204800xi32, #tpu.memory_space<hbm>> -> memref<64xi32, #tpu.memory_space<hbm>>
          %dma_start3A_101 = arith.constant 64 : i32
          %dma_start3A_102 = tpu.memref_slice %arg6[%dma_start3A_101] : memref<128xi32, #tpu.memory_space<vmem>> -> memref<64xi32, #tpu.memory_space<vmem>>
          %dma_start3A_103 = tpu.memref_slice %arg2[%add3A_94] : memref<204800xi32, #tpu.memory_space<hbm>> -> memref<64xi32, #tpu.memory_space<hbm>>
          tpu.enqueue_dma source(%dma_start3A_103 : memref<64xi32, #tpu.memory_space<hbm>>) target(%dma_start3A_102 : memref<64xi32, #tpu.memory_space<vmem>>) target_semaphore(%run_scoped3A : memref<!tpu.dma_semaphore, #tpu.memory_space<semaphore_mem>>)
          %dma_wait3A_104 = arith.constant 64 : i32
          %dma_wait3A_105 = tpu.memref_slice %arg6[%dma_wait3A_104] : memref<128xi32, #tpu.memory_space<vmem>> -> memref<64xi32, #tpu.memory_space<vmem>>
          %dma_wait3A_106 = tpu.memref_slice %arg2[%add3A_94] : memref<204800xi32, #tpu.memory_space<hbm>> -> memref<64xi32, #tpu.memory_space<hbm>>
          %dma_wait3A_107 = arith.constant 64 : i32
          %dma_wait3A_108 = tpu.memref_slice %arg6[%dma_wait3A_107] : memref<128xi32, #tpu.memory_space<vmem>> -> memref<64xi32, #tpu.memory_space<vmem>>
          %dma_wait3A_109 = tpu.memref_slice %arg2[%add3A_94] : memref<204800xi32, #tpu.memory_space<hbm>> -> memref<64xi32, #tpu.memory_space<hbm>>
          tpu.wait_dma2 semaphore(%run_scoped3A : memref<!tpu.dma_semaphore, #tpu.memory_space<semaphore_mem>>) src(%dma_wait3A_109 : memref<64xi32, #tpu.memory_space<hbm>>) dst(%dma_wait3A_108 : memref<64xi32, #tpu.memory_space<vmem>>)
          tpu.yield
        }) : () -> ()
        %dma_start3A_95 = arith.constant 0 : i32
        %dma_start3A_96 = arith.constant 0 : i32
        %dma_start3A_97 = tpu.memref_slice %arg3[%dma_start3A_95, %dma_start3A_96] : memref<100000x64xf32, #tpu.memory_space<hbm>> -> memref<100000x64xf32, #tpu.memory_space<hbm>>
        tpu.enqueue_indirect_dma source(%dma_start3A_97 : memref<100000x64xf32, #tpu.memory_space<hbm>>) target(%arg8 : memref<128x64xf32, #tpu.memory_space<vmem>>) offsets(%arg6 : memref<128xi32, #tpu.memory_space<vmem>>) semaphore(%arg10 : memref<!tpu.dma_semaphore, #tpu.memory_space<semaphore_mem>>)
      } else {
      }
      %scan3A_86 = arith.constant 0 : i32
      scf.yield %scan3A_86 : i32
    }
    %scan3A_27 = arith.constant 12 : i32
    %dma_wait3A = arith.constant 0 : i32
    %dma_wait3A_28 = arith.constant 0 : i32
    %dma_wait3A_29 = tpu.memref_slice %arg3[%dma_wait3A, %dma_wait3A_28] : memref<100000x64xf32, #tpu.memory_space<hbm>> -> memref<100000x64xf32, #tpu.memory_space<hbm>>
    tpu.wait_indirect_dma semaphore(%arg9 : memref<!tpu.dma_semaphore, #tpu.memory_space<semaphore_mem>>) src(%dma_wait3A_29 : memref<100000x64xf32, #tpu.memory_space<hbm>>) dst(%arg7 : memref<128x64xf32, #tpu.memory_space<vmem>>)
    %scan3A_30 = arith.constant 0 : i32
    %scan3A_31 = arith.constant 0 : i32
    %scan3A_32 = arith.constant 8 : i32
    %scan3A_33 = arith.addi %scan3A_31, %scan3A_32 : i32
    %scan3A_34 = arith.constant 1 : i32
    %scan3A_35 = scf.for %scan3A_39 = %scan3A_31 to %scan3A_33 step %scan3A_34 iter_args(%scan3A_40 = %scan3A_30) -> (i32)  : i32 {
      %mul3A_41 = arith.constant 16 : i32
      %mul3A_42 = arith.muli %scan3A_39, %mul3A_41 : i32
      %get3A = arith.index_cast %mul3A_42 : i32 to index
      %get3A_43 = tpu.vector_load %arg5[%get3A] {strides = array<i32>} : memref<128xi32, #tpu.memory_space<vmem>>, vector<16xi32>,
      %eq3A = arith.constant 99999 : i32
      %eq3A_44 = vector.broadcast %eq3A : i32 to vector<16xi32>
      %eq3A_45 = arith.cmpi eq, %get3A_43, %eq3A_44 : vector<16xi32>
      %convert_element_type3A = arith.extui %eq3A_45 : vector<16xi1> to vector<16xi32>
      %reduce_max3A = arith.constant true
      %reduce_max3A_46 = vector.broadcast %reduce_max3A : i1 to vector<16xi1>
      %reduce_max3A_47 = arith.constant -2147483648 : i32
      %reduce_max3A_48 = vector.broadcast %reduce_max3A_47 : i32 to vector<16xi32>
      %reduce_max3A_49 = arith.xori %convert_element_type3A, %reduce_max3A_48 : vector<16xi32>
      %reduce_max3A_50 = tpu.scan <max>, %reduce_max3A_49 masked %reduce_max3A_46 : vector<16xi32>, vector<16xi1> -> vector<16xi32>
      %reduce_max3A_51 = arith.xori %reduce_max3A_50, %reduce_max3A_48 : vector<16xi32>
      %reduce_max3A_52 = vector.extract %reduce_max3A_51[15] : i32 from vector<16xi32>
      %gt3A = arith.constant 0 : i32
      %gt3A_53 = arith.cmpi sgt, %reduce_max3A_52, %gt3A : i32
      %convert_element_type3A_54 = arith.extui %gt3A_53 : i1 to i32
      %cond3A = arith.constant 0 : i32
      %cond3A_55 = arith.cmpi ne, %convert_element_type3A_54, %cond3A : i32
      scf.if %cond3A_55 {
        %mul3A_57 = arith.constant 16 : i32
        %mul3A_58 = arith.muli %scan3A_39, %mul3A_57 : i32
        %add3A_59 = vector.broadcast %mul3A_58 : i32 to vector<16xi32>
        %add3A_60 = arith.addi %add3A_59, %iota3A : vector<16xi32>
        %scan3A_61 = arith.constant 0 : i32
        %scan3A_62 = arith.constant 0 : i32
        %scan3A_63 = arith.constant 64 : i32
        %scan3A_64 = arith.addi %scan3A_62, %scan3A_63 : i32
        %scan3A_65 = arith.constant 1 : i32
        %scan3A_66 = scf.for %scan3A_68 = %scan3A_62 to %scan3A_64 step %scan3A_65 iter_args(%scan3A_69 = %scan3A_61) -> (i32)  : i32 {
          %broadcast_in_dim3A = arith.constant 0 : i32
          %broadcast_in_dim3A_70 = vector.broadcast %broadcast_in_dim3A : i32 to vector<16xi32>
          %add3A_71 = vector.broadcast %scan3A_68 : i32 to vector<16xi32>
          %add3A_72 = arith.addi %broadcast_in_dim3A_70, %add3A_71 : vector<16xi32>
          %broadcast_in_dim3A_73 = arith.constant 0.000000e+00 : f32
          %broadcast_in_dim3A_74 = vector.broadcast %broadcast_in_dim3A_73 : f32 to vector<16xf32>
          tpu.vector_store_idx %arg7[%add3A_60, %add3A_72], %broadcast_in_dim3A_74 masked %eq3A_45 : memref<128x64xf32, #tpu.memory_space<vmem>>[vector<16xi32>, vector<16xi32>], vector<16xf32>, vector<16xi1>
          %scan3A_75 = arith.constant 0 : i32
          scf.yield %scan3A_75 : i32
        }
        %scan3A_67 = arith.constant 64 : i32
      } else {
      }
      %scan3A_56 = arith.constant 0 : i32
      scf.yield %scan3A_56 : i32
    }
    %scan3A_36 = arith.constant 8 : i32
    %add3A_37 = arith.constant 1536 : i32
    %add3A_38 = arith.addi %mul3A_8, %add3A_37 : i32
    "tpu.region"() ({
      %run_scoped3A = tpu.sem_alloc : memref<!tpu.dma_semaphore, #tpu.memory_space<semaphore_mem>>
      %dma_start3A_39 = arith.constant 0 : i32
      %dma_start3A_40 = arith.constant 0 : i32
      %dma_start3A_41 = tpu.memref_slice %arg7[%dma_start3A_39, %dma_start3A_40] : memref<128x64xf32, #tpu.memory_space<vmem>> -> memref<64x64xf32, #tpu.memory_space<vmem>>
      %dma_start3A_42 = arith.constant 0 : i32
      %dma_start3A_43 = tpu.memref_slice %arg4[%add3A_38, %dma_start3A_42] : memref<51200x128xf32, #tpu.memory_space<hbm>> -> memref<64x64xf32, #tpu.memory_space<hbm>>
      %dma_start3A_44 = arith.constant 0 : i32
      %dma_start3A_45 = tpu.memref_slice %arg4[%add3A_38, %dma_start3A_44] : memref<51200x128xf32, #tpu.memory_space<hbm>> -> memref<64x64xf32, #tpu.memory_space<hbm>>
      %dma_start3A_46 = arith.constant 0 : i32
      %dma_start3A_47 = arith.constant 0 : i32
      %dma_start3A_48 = tpu.memref_slice %arg7[%dma_start3A_46, %dma_start3A_47] : memref<128x64xf32, #tpu.memory_space<vmem>> -> memref<64x64xf32, #tpu.memory_space<vmem>>
      tpu.enqueue_dma source(%dma_start3A_48 : memref<64x64xf32, #tpu.memory_space<vmem>>) target(%dma_start3A_45 : memref<64x64xf32, #tpu.memory_space<hbm>>) target_semaphore(%run_scoped3A : memref<!tpu.dma_semaphore, #tpu.memory_space<semaphore_mem>>)
      %dma_wait3A_49 = arith.constant 0 : i32
      %dma_wait3A_50 = arith.constant 0 : i32
      %dma_wait3A_51 = tpu.memref_slice %arg7[%dma_wait3A_49, %dma_wait3A_50] : memref<128x64xf32, #tpu.memory_space<vmem>> -> memref<64x64xf32, #tpu.memory_space<vmem>>
      %dma_wait3A_52 = arith.constant 0 : i32
      %dma_wait3A_53 = tpu.memref_slice %arg4[%add3A_38, %dma_wait3A_52] : memref<51200x128xf32, #tpu.memory_space<hbm>> -> memref<64x64xf32, #tpu.memory_space<hbm>>
      %dma_wait3A_54 = arith.constant 0 : i32
      %dma_wait3A_55 = tpu.memref_slice %arg4[%add3A_38, %dma_wait3A_54] : memref<51200x128xf32, #tpu.memory_space<hbm>> -> memref<64x64xf32, #tpu.memory_space<hbm>>
      %dma_wait3A_56 = arith.constant 0 : i32
      %dma_wait3A_57 = arith.constant 0 : i32
      %dma_wait3A_58 = tpu.memref_slice %arg7[%dma_wait3A_56, %dma_wait3A_57] : memref<128x64xf32, #tpu.memory_space<vmem>> -> memref<64x64xf32, #tpu.memory_space<vmem>>
      tpu.wait_dma2 semaphore(%run_scoped3A : memref<!tpu.dma_semaphore, #tpu.memory_space<semaphore_mem>>) src(%dma_wait3A_58 : memref<64x64xf32, #tpu.memory_space<vmem>>) dst(%dma_wait3A_55 : memref<64x64xf32, #tpu.memory_space<hbm>>)
      tpu.yield
    }) : () -> ()
    "tpu.region"() ({
      %run_scoped3A = tpu.sem_alloc : memref<!tpu.dma_semaphore, #tpu.memory_space<semaphore_mem>>
      %dma_start3A_39 = arith.constant 64 : i32
      %dma_start3A_40 = arith.constant 0 : i32
      %dma_start3A_41 = tpu.memref_slice %arg7[%dma_start3A_39, %dma_start3A_40] : memref<128x64xf32, #tpu.memory_space<vmem>> -> memref<64x64xf32, #tpu.memory_space<vmem>>
      %dma_start3A_42 = arith.constant 64 : i32
      %dma_start3A_43 = tpu.memref_slice %arg4[%add3A_38, %dma_start3A_42] : memref<51200x128xf32, #tpu.memory_space<hbm>> -> memref<64x64xf32, #tpu.memory_space<hbm>>
      %dma_start3A_44 = arith.constant 64 : i32
      %dma_start3A_45 = tpu.memref_slice %arg4[%add3A_38, %dma_start3A_44] : memref<51200x128xf32, #tpu.memory_space<hbm>> -> memref<64x64xf32, #tpu.memory_space<hbm>>
      %dma_start3A_46 = arith.constant 64 : i32
      %dma_start3A_47 = arith.constant 0 : i32
      %dma_start3A_48 = tpu.memref_slice %arg7[%dma_start3A_46, %dma_start3A_47] : memref<128x64xf32, #tpu.memory_space<vmem>> -> memref<64x64xf32, #tpu.memory_space<vmem>>
      tpu.enqueue_dma source(%dma_start3A_48 : memref<64x64xf32, #tpu.memory_space<vmem>>) target(%dma_start3A_45 : memref<64x64xf32, #tpu.memory_space<hbm>>) target_semaphore(%run_scoped3A : memref<!tpu.dma_semaphore, #tpu.memory_space<semaphore_mem>>)
      %dma_wait3A_49 = arith.constant 64 : i32
      %dma_wait3A_50 = arith.constant 0 : i32
      %dma_wait3A_51 = tpu.memref_slice %arg7[%dma_wait3A_49, %dma_wait3A_50] : memref<128x64xf32, #tpu.memory_space<vmem>> -> memref<64x64xf32, #tpu.memory_space<vmem>>
      %dma_wait3A_52 = arith.constant 64 : i32
      %dma_wait3A_53 = tpu.memref_slice %arg4[%add3A_38, %dma_wait3A_52] : memref<51200x128xf32, #tpu.memory_space<hbm>> -> memref<64x64xf32, #tpu.memory_space<hbm>>
      %dma_wait3A_54 = arith.constant 64 : i32
      %dma_wait3A_55 = tpu.memref_slice %arg4[%add3A_38, %dma_wait3A_54] : memref<51200x128xf32, #tpu.memory_space<hbm>> -> memref<64x64xf32, #tpu.memory_space<hbm>>
      %dma_wait3A_56 = arith.constant 64 : i32
      %dma_wait3A_57 = arith.constant 0 : i32
      %dma_wait3A_58 = tpu.memref_slice %arg7[%dma_wait3A_56, %dma_wait3A_57] : memref<128x64xf32, #tpu.memory_space<vmem>> -> memref<64x64xf32, #tpu.memory_space<vmem>>
      tpu.wait_dma2 semaphore(%run_scoped3A : memref<!tpu.dma_semaphore, #tpu.memory_space<semaphore_mem>>) src(%dma_wait3A_58 : memref<64x64xf32, #tpu.memory_space<vmem>>) dst(%dma_wait3A_55 : memref<64x64xf32, #tpu.memory_space<hbm>>)
      tpu.yield
    }) : () -> ()
    return
  }
}

#map = affine_map<(d0, d1) -> (0)>
#map1 = affine_map<(d0, d1) -> (0, 0)>
module attributes {stable_mosaic.version = 14 : i64} {
  func.func @gather_kernel(%arg0: i32, %arg1: i32, %arg2: memref<204800xi32, #tpu.memory_space<hbm>>, %arg3: memref<100000x64xf32, #tpu.memory_space<hbm>>, %arg4: memref<51200x128xf32, #tpu.memory_space<hbm>>, %arg5: memref<128xi32, #tpu.memory_space<vmem>>, %arg6: memref<128xi32, #tpu.memory_space<vmem>>, %arg7: memref<128x64xf32, #tpu.memory_space<vmem>>, %arg8: memref<128x64xf32, #tpu.memory_space<vmem>>, %arg9: memref<!tpu.dma_semaphore, #tpu.memory_space<semaphore_mem>>, %arg10: memref<!tpu.dma_semaphore, #tpu.memory_space<semaphore_mem>>) attributes {dimension_semantics = [#tpu.dimension_semantics<core_parallel>, #tpu.dimension_semantics<subcore_parallel>], iteration_bounds = array<i64: 2, 16>, scalar_prefetch = 0 : i64, scratch_operands = 6 : i64, tpu.core_type = #tpu.core_type<sc_vector_subcore>, window_params = [{transform_indices = #map}, {transform_indices = #map1}, {transform_indices = #map1}]} {
    %mul3A = arith.constant 2 : i32
    %mul3A_0 = arith.muli %arg1, %mul3A : i32
    %add3A = arith.addi %mul3A_0, %arg0 : i32
    %mul3A_1 = arith.constant 1600 : i32
    %mul3A_2 = arith.muli %add3A, %mul3A_1 : i32
    %add3A_3 = arith.constant 0 : i32
    %add3A_4 = arith.addi %add3A_3, %mul3A_2 : i32
    %add3A_5 = arith.constant 51200 : i32
    %add3A_6 = arith.addi %add3A_4, %add3A_5 : i32
    %mul3A_7 = arith.constant 1600 : i32
    %mul3A_8 = arith.muli %add3A, %mul3A_7 : i32
    %iota3A = tpu.iota {dimensions = array<i32: 0>} : vector<16xi32>
    %add3A_9 = arith.constant 0 : i32
    %add3A_10 = arith.addi %add3A_4, %add3A_9 : i32
    "tpu.region"() ({
      %run_scoped3A = tpu.sem_alloc : memref<!tpu.dma_semaphore, #tpu.memory_space<semaphore_mem>>
      %dma_start3A_39 = arith.constant 0 : i32
      %dma_start3A_40 = tpu.memref_slice %arg5[%dma_start3A_39] : memref<128xi32, #tpu.memory_space<vmem>> -> memref<64xi32, #tpu.memory_space<vmem>>
      %dma_start3A_41 = tpu.memref_slice %arg2[%add3A_10] : memref<204800xi32, #tpu.memory_space<hbm>> -> memref<64xi32, #tpu.memory_space<hbm>>
      %dma_start3A_42 = arith.constant 0 : i32
      %dma_start3A_43 = tpu.memref_slice %arg5[%dma_start3A_42] : memref<128xi32, #tpu.memory_space<vmem>> -> memref<64xi32, #tpu.memory_space<vmem>>
      %dma_start3A_44 = tpu.memref_slice %arg2[%add3A_10] : memref<204800xi32, #tpu.memory_space<hbm>> -> memref<64xi32, #tpu.memory_space<hbm>>
      tpu.enqueue_dma source(%dma_start3A_44 : memref<64xi32, #tpu.memory_space<hbm>>) target(%dma_start3A_43 : memref<64xi32, #tpu.memory_space<vmem>>) target_semaphore(%run_scoped3A : memref<!tpu.dma_semaphore, #tpu.memory_space<semaphore_mem>>)
      %dma_wait3A_45 = arith.constant 0 : i32
      %dma_wait3A_46 = tpu.memref_slice %arg5[%dma_wait3A_45] : memref<128xi32, #tpu.memory_space<vmem>> -> memref<64xi32, #tpu.memory_space<vmem>>
      %dma_wait3A_47 = tpu.memref_slice %arg2[%add3A_10] : memref<204800xi32, #tpu.memory_space<hbm>> -> memref<64xi32, #tpu.memory_space<hbm>>
      %dma_wait3A_48 = arith.constant 0 : i32
      %dma_wait3A_49 = tpu.memref_slice %arg5[%dma_wait3A_48] : memref<128xi32, #tpu.memory_space<vmem>> -> memref<64xi32, #tpu.memory_space<vmem>>
      %dma_wait3A_50 = tpu.memref_slice %arg2[%add3A_10] : memref<204800xi32, #tpu.memory_space<hbm>> -> memref<64xi32, #tpu.memory_space<hbm>>
      tpu.wait_dma2 semaphore(%run_scoped3A : memref<!tpu.dma_semaphore, #tpu.memory_space<semaphore_mem>>) src(%dma_wait3A_50 : memref<64xi32, #tpu.memory_space<hbm>>) dst(%dma_wait3A_49 : memref<64xi32, #tpu.memory_space<vmem>>)
      tpu.yield
    }) : () -> ()
    %add3A_11 = arith.constant 0 : i32
    %add3A_12 = arith.addi %add3A_6, %add3A_11 : i32
    "tpu.region"() ({
      %run_scoped3A = tpu.sem_alloc : memref<!tpu.dma_semaphore, #tpu.memory_space<semaphore_mem>>
      %dma_start3A_39 = arith.constant 64 : i32
      %dma_start3A_40 = tpu.memref_slice %arg5[%dma_start3A_39] : memref<128xi32, #tpu.memory_space<vmem>> -> memref<64xi32, #tpu.memory_space<vmem>>
      %dma_start3A_41 = tpu.memref_slice %arg2[%add3A_12] : memref<204800xi32, #tpu.memory_space<hbm>> -> memref<64xi32, #tpu.memory_space<hbm>>
      %dma_start3A_42 = arith.constant 64 : i32
      %dma_start3A_43 = tpu.memref_slice %arg5[%dma_start3A_42] : memref<128xi32, #tpu.memory_space<vmem>> -> memref<64xi32, #tpu.memory_space<vmem>>
      %dma_start3A_44 = tpu.memref_slice %arg2[%add3A_12] : memref<204800xi32, #tpu.memory_space<hbm>> -> memref<64xi32, #tpu.memory_space<hbm>>
      tpu.enqueue_dma source(%dma_start3A_44 : memref<64xi32, #tpu.memory_space<hbm>>) target(%dma_start3A_43 : memref<64xi32, #tpu.memory_space<vmem>>) target_semaphore(%run_scoped3A : memref<!tpu.dma_semaphore, #tpu.memory_space<semaphore_mem>>)
      %dma_wait3A_45 = arith.constant 64 : i32
      %dma_wait3A_46 = tpu.memref_slice %arg5[%dma_wait3A_45] : memref<128xi32, #tpu.memory_space<vmem>> -> memref<64xi32, #tpu.memory_space<vmem>>
      %dma_wait3A_47 = tpu.memref_slice %arg2[%add3A_12] : memref<204800xi32, #tpu.memory_space<hbm>> -> memref<64xi32, #tpu.memory_space<hbm>>
      %dma_wait3A_48 = arith.constant 64 : i32
      %dma_wait3A_49 = tpu.memref_slice %arg5[%dma_wait3A_48] : memref<128xi32, #tpu.memory_space<vmem>> -> memref<64xi32, #tpu.memory_space<vmem>>
      %dma_wait3A_50 = tpu.memref_slice %arg2[%add3A_12] : memref<204800xi32, #tpu.memory_space<hbm>> -> memref<64xi32, #tpu.memory_space<hbm>>
      tpu.wait_dma2 semaphore(%run_scoped3A : memref<!tpu.dma_semaphore, #tpu.memory_space<semaphore_mem>>) src(%dma_wait3A_50 : memref<64xi32, #tpu.memory_space<hbm>>) dst(%dma_wait3A_49 : memref<64xi32, #tpu.memory_space<vmem>>)
      tpu.yield
    }) : () -> ()
    %dma_start3A = arith.constant 0 : i32
    %dma_start3A_13 = arith.constant 0 : i32
    %dma_start3A_14 = tpu.memref_slice %arg3[%dma_start3A, %dma_start3A_13] : memref<100000x64xf32, #tpu.memory_space<hbm>> -> memref<100000x64xf32, #tpu.memory_space<hbm>>
    tpu.enqueue_indirect_dma source(%dma_start3A_14 : memref<100000x64xf32, #tpu.memory_space<hbm>>) target(%arg7 : memref<128x64xf32, #tpu.memory_space<vmem>>) offsets(%arg5 : memref<128xi32, #tpu.memory_space<vmem>>) semaphore(%arg9 : memref<!tpu.dma_semaphore, #tpu.memory_space<semaphore_mem>>)
    %add3A_15 = arith.constant 64 : i32
    %add3A_16 = arith.addi %add3A_4, %add3A_15 : i32
    "tpu.region"() ({
      %run_scoped3A = tpu.sem_alloc : memref<!tpu.dma_semaphore, #tpu.memory_space<semaphore_mem>>
      %dma_start3A_39 = arith.constant 0 : i32
      %dma_start3A_40 = tpu.memref_slice %arg6[%dma_start3A_39] : memref<128xi32, #tpu.memory_space<vmem>> -> memref<64xi32, #tpu.memory_space<vmem>>
      %dma_start3A_41 = tpu.memref_slice %arg2[%add3A_16] : memref<204800xi32, #tpu.memory_space<hbm>> -> memref<64xi32, #tpu.memory_space<hbm>>
      %dma_start3A_42 = arith.constant 0 : i32
      %dma_start3A_43 = tpu.memref_slice %arg6[%dma_start3A_42] : memref<128xi32, #tpu.memory_space<vmem>> -> memref<64xi32, #tpu.memory_space<vmem>>
      %dma_start3A_44 = tpu.memref_slice %arg2[%add3A_16] : memref<204800xi32, #tpu.memory_space<hbm>> -> memref<64xi32, #tpu.memory_space<hbm>>
      tpu.enqueue_dma source(%dma_start3A_44 : memref<64xi32, #tpu.memory_space<hbm>>) target(%dma_start3A_43 : memref<64xi32, #tpu.memory_space<vmem>>) target_semaphore(%run_scoped3A : memref<!tpu.dma_semaphore, #tpu.memory_space<semaphore_mem>>)
      %dma_wait3A_45 = arith.constant 0 : i32
      %dma_wait3A_46 = tpu.memref_slice %arg6[%dma_wait3A_45] : memref<128xi32, #tpu.memory_space<vmem>> -> memref<64xi32, #tpu.memory_space<vmem>>
      %dma_wait3A_47 = tpu.memref_slice %arg2[%add3A_16] : memref<204800xi32, #tpu.memory_space<hbm>> -> memref<64xi32, #tpu.memory_space<hbm>>
      %dma_wait3A_48 = arith.constant 0 : i32
      %dma_wait3A_49 = tpu.memref_slice %arg6[%dma_wait3A_48] : memref<128xi32, #tpu.memory_space<vmem>> -> memref<64xi32, #tpu.memory_space<vmem>>
      %dma_wait3A_50 = tpu.memref_slice %arg2[%add3A_16] : memref<204800xi32, #tpu.memory_space<hbm>> -> memref<64xi32, #tpu.memory_space<hbm>>
      tpu.wait_dma2 semaphore(%run_scoped3A : memref<!tpu.dma_semaphore, #tpu.memory_space<semaphore_mem>>) src(%dma_wait3A_50 : memref<64xi32, #tpu.memory_space<hbm>>) dst(%dma_wait3A_49 : memref<64xi32, #tpu.memory_space<vmem>>)
      tpu.yield
    }) : () -> ()
    %add3A_17 = arith.constant 64 : i32
    %add3A_18 = arith.addi %add3A_6, %add3A_17 : i32
    "tpu.region"() ({
      %run_scoped3A = tpu.sem_alloc : memref<!tpu.dma_semaphore, #tpu.memory_space<semaphore_mem>>
      %dma_start3A_39 = arith.constant 64 : i32
      %dma_start3A_40 = tpu.memref_slice %arg6[%dma_start3A_39] : memref<128xi32, #tpu.memory_space<vmem>> -> memref<64xi32, #tpu.memory_space<vmem>>
      %dma_start3A_41 = tpu.memref_slice %arg2[%add3A_18] : memref<204800xi32, #tpu.memory_space<hbm>> -> memref<64xi32, #tpu.memory_space<hbm>>
      %dma_start3A_42 = arith.constant 64 : i32
      %dma_start3A_43 = tpu.memref_slice %arg6[%dma_start3A_42] : memref<128xi32, #tpu.memory_space<vmem>> -> memref<64xi32, #tpu.memory_space<vmem>>
      %dma_start3A_44 = tpu.memref_slice %arg2[%add3A_18] : memref<204800xi32, #tpu.memory_space<hbm>> -> memref<64xi32, #tpu.memory_space<hbm>>
      tpu.enqueue_dma source(%dma_start3A_44 : memref<64xi32, #tpu.memory_space<hbm>>) target(%dma_start3A_43 : memref<64xi32, #tpu.memory_space<vmem>>) target_semaphore(%run_scoped3A : memref<!tpu.dma_semaphore, #tpu.memory_space<semaphore_mem>>)
      %dma_wait3A_45 = arith.constant 64 : i32
      %dma_wait3A_46 = tpu.memref_slice %arg6[%dma_wait3A_45] : memref<128xi32, #tpu.memory_space<vmem>> -> memref<64xi32, #tpu.memory_space<vmem>>
      %dma_wait3A_47 = tpu.memref_slice %arg2[%add3A_18] : memref<204800xi32, #tpu.memory_space<hbm>> -> memref<64xi32, #tpu.memory_space<hbm>>
      %dma_wait3A_48 = arith.constant 64 : i32
      %dma_wait3A_49 = tpu.memref_slice %arg6[%dma_wait3A_48] : memref<128xi32, #tpu.memory_space<vmem>> -> memref<64xi32, #tpu.memory_space<vmem>>
      %dma_wait3A_50 = tpu.memref_slice %arg2[%add3A_18] : memref<204800xi32, #tpu.memory_space<hbm>> -> memref<64xi32, #tpu.memory_space<hbm>>
      tpu.wait_dma2 semaphore(%run_scoped3A : memref<!tpu.dma_semaphore, #tpu.memory_space<semaphore_mem>>) src(%dma_wait3A_50 : memref<64xi32, #tpu.memory_space<hbm>>) dst(%dma_wait3A_49 : memref<64xi32, #tpu.memory_space<vmem>>)
      tpu.yield
    }) : () -> ()
    %dma_start3A_19 = arith.constant 0 : i32
    %dma_start3A_20 = arith.constant 0 : i32
    %dma_start3A_21 = tpu.memref_slice %arg3[%dma_start3A_19, %dma_start3A_20] : memref<100000x64xf32, #tpu.memory_space<hbm>> -> memref<100000x64xf32, #tpu.memory_space<hbm>>
    tpu.enqueue_indirect_dma source(%dma_start3A_21 : memref<100000x64xf32, #tpu.memory_space<hbm>>) target(%arg8 : memref<128x64xf32, #tpu.memory_space<vmem>>) offsets(%arg6 : memref<128xi32, #tpu.memory_space<vmem>>) semaphore(%arg10 : memref<!tpu.dma_semaphore, #tpu.memory_space<semaphore_mem>>)
    %scan3A = arith.constant 0 : i32
    %scan3A_22 = arith.constant 0 : i32
    %scan3A_23 = arith.constant 12 : i32
    %scan3A_24 = arith.addi %scan3A_22, %scan3A_23 : i32
    %scan3A_25 = arith.constant 1 : i32
    %scan3A_26 = scf.for %scan3A_39 = %scan3A_22 to %scan3A_24 step %scan3A_25 iter_args(%scan3A_40 = %scan3A) -> (i32)  : i32 {
      %mul3A_41 = arith.constant 2 : i32
      %mul3A_42 = arith.muli %scan3A_39, %mul3A_41 : i32
      %add3A_43 = arith.constant 0 : i32
      %add3A_44 = arith.addi %mul3A_42, %add3A_43 : i32
      %dma_wait3A_45 = arith.constant 0 : i32
      %dma_wait3A_46 = arith.constant 0 : i32
      %dma_wait3A_47 = tpu.memref_slice %arg3[%dma_wait3A_45, %dma_wait3A_46] : memref<100000x64xf32, #tpu.memory_space<hbm>> -> memref<100000x64xf32, #tpu.memory_space<hbm>>
      tpu.wait_indirect_dma semaphore(%arg9 : memref<!tpu.dma_semaphore, #tpu.memory_space<semaphore_mem>>) src(%dma_wait3A_47 : memref<100000x64xf32, #tpu.memory_space<hbm>>) dst(%arg7 : memref<128x64xf32, #tpu.memory_space<vmem>>)
      %scan3A_48 = arith.constant 0 : i32
      %scan3A_49 = arith.constant 0 : i32
      %scan3A_50 = arith.constant 8 : i32
      %scan3A_51 = arith.addi %scan3A_49, %scan3A_50 : i32
      %scan3A_52 = arith.constant 1 : i32
      %scan3A_53 = scf.for %scan3A_87 = %scan3A_49 to %scan3A_51 step %scan3A_52 iter_args(%scan3A_88 = %scan3A_48) -> (i32)  : i32 {
        %mul3A_89 = arith.constant 16 : i32
        %mul3A_90 = arith.muli %scan3A_87, %mul3A_89 : i32
        %get3A = arith.index_cast %mul3A_90 : i32 to index
        %get3A_91 = tpu.vector_load %arg5[%get3A] {strides = array<i32>} : memref<128xi32, #tpu.memory_space<vmem>>, vector<16xi32>,
        %eq3A = arith.constant 99999 : i32
        %eq3A_92 = vector.broadcast %eq3A : i32 to vector<16xi32>
        %eq3A_93 = arith.cmpi eq, %get3A_91, %eq3A_92 : vector<16xi32>
        %convert_element_type3A_94 = arith.extui %eq3A_93 : vector<16xi1> to vector<16xi32>
        %reduce_max3A = arith.constant true
        %reduce_max3A_95 = vector.broadcast %reduce_max3A : i1 to vector<16xi1>
        %reduce_max3A_96 = arith.constant -2147483648 : i32
        %reduce_max3A_97 = vector.broadcast %reduce_max3A_96 : i32 to vector<16xi32>
        %reduce_max3A_98 = arith.xori %convert_element_type3A_94, %reduce_max3A_97 : vector<16xi32>
        %reduce_max3A_99 = tpu.scan <max>, %reduce_max3A_98 masked %reduce_max3A_95 : vector<16xi32>, vector<16xi1> -> vector<16xi32>
        %reduce_max3A_100 = arith.xori %reduce_max3A_99, %reduce_max3A_97 : vector<16xi32>
        %reduce_max3A_101 = vector.extract %reduce_max3A_100[15] : i32 from vector<16xi32>
        %gt3A = arith.constant 0 : i32
        %gt3A_102 = arith.cmpi sgt, %reduce_max3A_101, %gt3A : i32
        %convert_element_type3A_103 = arith.extui %gt3A_102 : i1 to i32
        %cond3A_104 = arith.constant 0 : i32
        %cond3A_105 = arith.cmpi ne, %convert_element_type3A_103, %cond3A_104 : i32
        scf.if %cond3A_105 {
          %mul3A_107 = arith.constant 16 : i32
          %mul3A_108 = arith.muli %scan3A_87, %mul3A_107 : i32
          %add3A_109 = vector.broadcast %mul3A_108 : i32 to vector<16xi32>
          %add3A_110 = arith.addi %add3A_109, %iota3A : vector<16xi32>
          %scan3A_111 = arith.constant 0 : i32
          %scan3A_112 = arith.constant 0 : i32
          %scan3A_113 = arith.constant 64 : i32
          %scan3A_114 = arith.addi %scan3A_112, %scan3A_113 : i32
          %scan3A_115 = arith.constant 1 : i32
          %scan3A_116 = scf.for %scan3A_118 = %scan3A_112 to %scan3A_114 step %scan3A_115 iter_args(%scan3A_119 = %scan3A_111) -> (i32)  : i32 {
            %broadcast_in_dim3A = arith.constant 0 : i32
            %broadcast_in_dim3A_120 = vector.broadcast %broadcast_in_dim3A : i32 to vector<16xi32>
            %add3A_121 = vector.broadcast %scan3A_118 : i32 to vector<16xi32>
            %add3A_122 = arith.addi %broadcast_in_dim3A_120, %add3A_121 : vector<16xi32>
            %broadcast_in_dim3A_123 = arith.constant 0.000000e+00 : f32
            %broadcast_in_dim3A_124 = vector.broadcast %broadcast_in_dim3A_123 : f32 to vector<16xf32>
            tpu.vector_store_idx %arg7[%add3A_110, %add3A_122], %broadcast_in_dim3A_124 masked %eq3A_93 : memref<128x64xf32, #tpu.memory_space<vmem>>[vector<16xi32>, vector<16xi32>], vector<16xf32>, vector<16xi1>
            %scan3A_125 = arith.constant 0 : i32
            scf.yield %scan3A_125 : i32
          }
          %scan3A_117 = arith.constant 64 : i32
        } else {
        }
        %scan3A_106 = arith.constant 0 : i32
        scf.yield %scan3A_106 : i32
      }
      %scan3A_54 = arith.constant 8 : i32
      %mul3A_55 = arith.constant 64 : i32
      %mul3A_56 = arith.muli %add3A_44, %mul3A_55 : i32
      %add3A_57 = arith.addi %mul3A_8, %mul3A_56 : i32
      "tpu.region"() ({
        %run_scoped3A = tpu.sem_alloc : memref<!tpu.dma_semaphore, #tpu.memory_space<semaphore_mem>>
        %dma_start3A_87 = arith.constant 0 : i32
        %dma_start3A_88 = arith.constant 0 : i32
        %dma_start3A_89 = tpu.memref_slice %arg7[%dma_start3A_87, %dma_start3A_88] : memref<128x64xf32, #tpu.memory_space<vmem>> -> memref<64x64xf32, #tpu.memory_space<vmem>>
        %dma_start3A_90 = arith.constant 0 : i32
        %dma_start3A_91 = tpu.memref_slice %arg4[%add3A_57, %dma_start3A_90] : memref<51200x128xf32, #tpu.memory_space<hbm>> -> memref<64x64xf32, #tpu.memory_space<hbm>>
        %dma_start3A_92 = arith.constant 0 : i32
        %dma_start3A_93 = tpu.memref_slice %arg4[%add3A_57, %dma_start3A_92] : memref<51200x128xf32, #tpu.memory_space<hbm>> -> memref<64x64xf32, #tpu.memory_space<hbm>>
        %dma_start3A_94 = arith.constant 0 : i32
        %dma_start3A_95 = arith.constant 0 : i32
        %dma_start3A_96 = tpu.memref_slice %arg7[%dma_start3A_94, %dma_start3A_95] : memref<128x64xf32, #tpu.memory_space<vmem>> -> memref<64x64xf32, #tpu.memory_space<vmem>>
        tpu.enqueue_dma source(%dma_start3A_96 : memref<64x64xf32, #tpu.memory_space<vmem>>) target(%dma_start3A_93 : memref<64x64xf32, #tpu.memory_space<hbm>>) target_semaphore(%run_scoped3A : memref<!tpu.dma_semaphore, #tpu.memory_space<semaphore_mem>>)
        %dma_wait3A_97 = arith.constant 0 : i32
        %dma_wait3A_98 = arith.constant 0 : i32
        %dma_wait3A_99 = tpu.memref_slice %arg7[%dma_wait3A_97, %dma_wait3A_98] : memref<128x64xf32, #tpu.memory_space<vmem>> -> memref<64x64xf32, #tpu.memory_space<vmem>>
        %dma_wait3A_100 = arith.constant 0 : i32
        %dma_wait3A_101 = tpu.memref_slice %arg4[%add3A_57, %dma_wait3A_100] : memref<51200x128xf32, #tpu.memory_space<hbm>> -> memref<64x64xf32, #tpu.memory_space<hbm>>
        %dma_wait3A_102 = arith.constant 0 : i32
        %dma_wait3A_103 = tpu.memref_slice %arg4[%add3A_57, %dma_wait3A_102] : memref<51200x128xf32, #tpu.memory_space<hbm>> -> memref<64x64xf32, #tpu.memory_space<hbm>>
        %dma_wait3A_104 = arith.constant 0 : i32
        %dma_wait3A_105 = arith.constant 0 : i32
        %dma_wait3A_106 = tpu.memref_slice %arg7[%dma_wait3A_104, %dma_wait3A_105] : memref<128x64xf32, #tpu.memory_space<vmem>> -> memref<64x64xf32, #tpu.memory_space<vmem>>
        tpu.wait_dma2 semaphore(%run_scoped3A : memref<!tpu.dma_semaphore, #tpu.memory_space<semaphore_mem>>) src(%dma_wait3A_106 : memref<64x64xf32, #tpu.memory_space<vmem>>) dst(%dma_wait3A_103 : memref<64x64xf32, #tpu.memory_space<hbm>>)
        tpu.yield
      }) : () -> ()
      "tpu.region"() ({
        %run_scoped3A = tpu.sem_alloc : memref<!tpu.dma_semaphore, #tpu.memory_space<semaphore_mem>>
        %dma_start3A_87 = arith.constant 64 : i32
        %dma_start3A_88 = arith.constant 0 : i32
        %dma_start3A_89 = tpu.memref_slice %arg7[%dma_start3A_87, %dma_start3A_88] : memref<128x64xf32, #tpu.memory_space<vmem>> -> memref<64x64xf32, #tpu.memory_space<vmem>>
        %dma_start3A_90 = arith.constant 64 : i32
        %dma_start3A_91 = tpu.memref_slice %arg4[%add3A_57, %dma_start3A_90] : memref<51200x128xf32, #tpu.memory_space<hbm>> -> memref<64x64xf32, #tpu.memory_space<hbm>>
        %dma_start3A_92 = arith.constant 64 : i32
        %dma_start3A_93 = tpu.memref_slice %arg4[%add3A_57, %dma_start3A_92] : memref<51200x128xf32, #tpu.memory_space<hbm>> -> memref<64x64xf32, #tpu.memory_space<hbm>>
        %dma_start3A_94 = arith.constant 64 : i32
        %dma_start3A_95 = arith.constant 0 : i32
        %dma_start3A_96 = tpu.memref_slice %arg7[%dma_start3A_94, %dma_start3A_95] : memref<128x64xf32, #tpu.memory_space<vmem>> -> memref<64x64xf32, #tpu.memory_space<vmem>>
        tpu.enqueue_dma source(%dma_start3A_96 : memref<64x64xf32, #tpu.memory_space<vmem>>) target(%dma_start3A_93 : memref<64x64xf32, #tpu.memory_space<hbm>>) target_semaphore(%run_scoped3A : memref<!tpu.dma_semaphore, #tpu.memory_space<semaphore_mem>>)
        %dma_wait3A_97 = arith.constant 64 : i32
        %dma_wait3A_98 = arith.constant 0 : i32
        %dma_wait3A_99 = tpu.memref_slice %arg7[%dma_wait3A_97, %dma_wait3A_98] : memref<128x64xf32, #tpu.memory_space<vmem>> -> memref<64x64xf32, #tpu.memory_space<vmem>>
        %dma_wait3A_100 = arith.constant 64 : i32
        %dma_wait3A_101 = tpu.memref_slice %arg4[%add3A_57, %dma_wait3A_100] : memref<51200x128xf32, #tpu.memory_space<hbm>> -> memref<64x64xf32, #tpu.memory_space<hbm>>
        %dma_wait3A_102 = arith.constant 64 : i32
        %dma_wait3A_103 = tpu.memref_slice %arg4[%add3A_57, %dma_wait3A_102] : memref<51200x128xf32, #tpu.memory_space<hbm>> -> memref<64x64xf32, #tpu.memory_space<hbm>>
        %dma_wait3A_104 = arith.constant 64 : i32
        %dma_wait3A_105 = arith.constant 0 : i32
        %dma_wait3A_106 = tpu.memref_slice %arg7[%dma_wait3A_104, %dma_wait3A_105] : memref<128x64xf32, #tpu.memory_space<vmem>> -> memref<64x64xf32, #tpu.memory_space<vmem>>
        tpu.wait_dma2 semaphore(%run_scoped3A : memref<!tpu.dma_semaphore, #tpu.memory_space<semaphore_mem>>) src(%dma_wait3A_106 : memref<64x64xf32, #tpu.memory_space<vmem>>) dst(%dma_wait3A_103 : memref<64x64xf32, #tpu.memory_space<hbm>>)
        tpu.yield
      }) : () -> ()
      %add3A_58 = arith.constant 2 : i32
      %add3A_59 = arith.addi %add3A_44, %add3A_58 : i32
      %lt3A = arith.constant 25 : i32
      %lt3A_60 = arith.cmpi slt, %add3A_59, %lt3A : i32
      %convert_element_type3A = arith.extui %lt3A_60 : i1 to i32
      %cond3A = arith.constant 0 : i32
      %cond3A_61 = arith.cmpi ne, %convert_element_type3A, %cond3A : i32
      scf.if %cond3A_61 {
        %add3A_87 = arith.constant 2 : i32
        %add3A_88 = arith.addi %add3A_44, %add3A_87 : i32
        %mul3A_89 = arith.constant 64 : i32
        %mul3A_90 = arith.muli %add3A_88, %mul3A_89 : i32
        %add3A_91 = arith.addi %add3A_4, %mul3A_90 : i32
        "tpu.region"() ({
          %run_scoped3A = tpu.sem_alloc : memref<!tpu.dma_semaphore, #tpu.memory_space<semaphore_mem>>
          %dma_start3A_98 = arith.constant 0 : i32
          %dma_start3A_99 = tpu.memref_slice %arg5[%dma_start3A_98] : memref<128xi32, #tpu.memory_space<vmem>> -> memref<64xi32, #tpu.memory_space<vmem>>
          %dma_start3A_100 = tpu.memref_slice %arg2[%add3A_91] : memref<204800xi32, #tpu.memory_space<hbm>> -> memref<64xi32, #tpu.memory_space<hbm>>
          %dma_start3A_101 = arith.constant 0 : i32
          %dma_start3A_102 = tpu.memref_slice %arg5[%dma_start3A_101] : memref<128xi32, #tpu.memory_space<vmem>> -> memref<64xi32, #tpu.memory_space<vmem>>
          %dma_start3A_103 = tpu.memref_slice %arg2[%add3A_91] : memref<204800xi32, #tpu.memory_space<hbm>> -> memref<64xi32, #tpu.memory_space<hbm>>
          tpu.enqueue_dma source(%dma_start3A_103 : memref<64xi32, #tpu.memory_space<hbm>>) target(%dma_start3A_102 : memref<64xi32, #tpu.memory_space<vmem>>) target_semaphore(%run_scoped3A : memref<!tpu.dma_semaphore, #tpu.memory_space<semaphore_mem>>)
          %dma_wait3A_104 = arith.constant 0 : i32
          %dma_wait3A_105 = tpu.memref_slice %arg5[%dma_wait3A_104] : memref<128xi32, #tpu.memory_space<vmem>> -> memref<64xi32, #tpu.memory_space<vmem>>
          %dma_wait3A_106 = tpu.memref_slice %arg2[%add3A_91] : memref<204800xi32, #tpu.memory_space<hbm>> -> memref<64xi32, #tpu.memory_space<hbm>>
          %dma_wait3A_107 = arith.constant 0 : i32
          %dma_wait3A_108 = tpu.memref_slice %arg5[%dma_wait3A_107] : memref<128xi32, #tpu.memory_space<vmem>> -> memref<64xi32, #tpu.memory_space<vmem>>
          %dma_wait3A_109 = tpu.memref_slice %arg2[%add3A_91] : memref<204800xi32, #tpu.memory_space<hbm>> -> memref<64xi32, #tpu.memory_space<hbm>>
          tpu.wait_dma2 semaphore(%run_scoped3A : memref<!tpu.dma_semaphore, #tpu.memory_space<semaphore_mem>>) src(%dma_wait3A_109 : memref<64xi32, #tpu.memory_space<hbm>>) dst(%dma_wait3A_108 : memref<64xi32, #tpu.memory_space<vmem>>)
          tpu.yield
        }) : () -> ()
        %mul3A_92 = arith.constant 64 : i32
        %mul3A_93 = arith.muli %add3A_88, %mul3A_92 : i32
        %add3A_94 = arith.addi %add3A_6, %mul3A_93 : i32
        "tpu.region"() ({
          %run_scoped3A = tpu.sem_alloc : memref<!tpu.dma_semaphore, #tpu.memory_space<semaphore_mem>>
          %dma_start3A_98 = arith.constant 64 : i32
          %dma_start3A_99 = tpu.memref_slice %arg5[%dma_start3A_98] : memref<128xi32, #tpu.memory_space<vmem>> -> memref<64xi32, #tpu.memory_space<vmem>>
          %dma_start3A_100 = tpu.memref_slice %arg2[%add3A_94] : memref<204800xi32, #tpu.memory_space<hbm>> -> memref<64xi32, #tpu.memory_space<hbm>>
          %dma_start3A_101 = arith.constant 64 : i32
          %dma_start3A_102 = tpu.memref_slice %arg5[%dma_start3A_101] : memref<128xi32, #tpu.memory_space<vmem>> -> memref<64xi32, #tpu.memory_space<vmem>>
          %dma_start3A_103 = tpu.memref_slice %arg2[%add3A_94] : memref<204800xi32, #tpu.memory_space<hbm>> -> memref<64xi32, #tpu.memory_space<hbm>>
          tpu.enqueue_dma source(%dma_start3A_103 : memref<64xi32, #tpu.memory_space<hbm>>) target(%dma_start3A_102 : memref<64xi32, #tpu.memory_space<vmem>>) target_semaphore(%run_scoped3A : memref<!tpu.dma_semaphore, #tpu.memory_space<semaphore_mem>>)
          %dma_wait3A_104 = arith.constant 64 : i32
          %dma_wait3A_105 = tpu.memref_slice %arg5[%dma_wait3A_104] : memref<128xi32, #tpu.memory_space<vmem>> -> memref<64xi32, #tpu.memory_space<vmem>>
          %dma_wait3A_106 = tpu.memref_slice %arg2[%add3A_94] : memref<204800xi32, #tpu.memory_space<hbm>> -> memref<64xi32, #tpu.memory_space<hbm>>
          %dma_wait3A_107 = arith.constant 64 : i32
          %dma_wait3A_108 = tpu.memref_slice %arg5[%dma_wait3A_107] : memref<128xi32, #tpu.memory_space<vmem>> -> memref<64xi32, #tpu.memory_space<vmem>>
          %dma_wait3A_109 = tpu.memref_slice %arg2[%add3A_94] : memref<204800xi32, #tpu.memory_space<hbm>> -> memref<64xi32, #tpu.memory_space<hbm>>
          tpu.wait_dma2 semaphore(%run_scoped3A : memref<!tpu.dma_semaphore, #tpu.memory_space<semaphore_mem>>) src(%dma_wait3A_109 : memref<64xi32, #tpu.memory_space<hbm>>) dst(%dma_wait3A_108 : memref<64xi32, #tpu.memory_space<vmem>>)
          tpu.yield
        }) : () -> ()
        %dma_start3A_95 = arith.constant 0 : i32
        %dma_start3A_96 = arith.constant 0 : i32
        %dma_start3A_97 = tpu.memref_slice %arg3[%dma_start3A_95, %dma_start3A_96] : memref<100000x64xf32, #tpu.memory_space<hbm>> -> memref<100000x64xf32, #tpu.memory_space<hbm>>
        tpu.enqueue_indirect_dma source(%dma_start3A_97 : memref<100000x64xf32, #tpu.memory_space<hbm>>) target(%arg7 : memref<128x64xf32, #tpu.memory_space<vmem>>) offsets(%arg5 : memref<128xi32, #tpu.memory_space<vmem>>) semaphore(%arg9 : memref<!tpu.dma_semaphore, #tpu.memory_space<semaphore_mem>>)
      } else {
      }
      %mul3A_62 = arith.constant 2 : i32
      %mul3A_63 = arith.muli %scan3A_39, %mul3A_62 : i32
      %add3A_64 = arith.constant 1 : i32
      %add3A_65 = arith.addi %mul3A_63, %add3A_64 : i32
      %dma_wait3A_66 = arith.constant 0 : i32
      %dma_wait3A_67 = arith.constant 0 : i32
      %dma_wait3A_68 = tpu.memref_slice %arg3[%dma_wait3A_66, %dma_wait3A_67] : memref<100000x64xf32, #tpu.memory_space<hbm>> -> memref<100000x64xf32, #tpu.memory_space<hbm>>
      tpu.wait_indirect_dma semaphore(%arg10 : memref<!tpu.dma_semaphore, #tpu.memory_space<semaphore_mem>>) src(%dma_wait3A_68 : memref<100000x64xf32, #tpu.memory_space<hbm>>) dst(%arg8 : memref<128x64xf32, #tpu.memory_space<vmem>>)
      %scan3A_69 = arith.constant 0 : i32
      %scan3A_70 = arith.constant 0 : i32
      %scan3A_71 = arith.constant 8 : i32
      %scan3A_72 = arith.addi %scan3A_70, %scan3A_71 : i32
      %scan3A_73 = arith.constant 1 : i32
      %scan3A_74 = scf.for %scan3A_87 = %scan3A_70 to %scan3A_72 step %scan3A_73 iter_args(%scan3A_88 = %scan3A_69) -> (i32)  : i32 {
        %mul3A_89 = arith.constant 16 : i32
        %mul3A_90 = arith.muli %scan3A_87, %mul3A_89 : i32
        %get3A = arith.index_cast %mul3A_90 : i32 to index
        %get3A_91 = tpu.vector_load %arg6[%get3A] {strides = array<i32>} : memref<128xi32, #tpu.memory_space<vmem>>, vector<16xi32>,
        %eq3A = arith.constant 99999 : i32
        %eq3A_92 = vector.broadcast %eq3A : i32 to vector<16xi32>
        %eq3A_93 = arith.cmpi eq, %get3A_91, %eq3A_92 : vector<16xi32>
        %convert_element_type3A_94 = arith.extui %eq3A_93 : vector<16xi1> to vector<16xi32>
        %reduce_max3A = arith.constant true
        %reduce_max3A_95 = vector.broadcast %reduce_max3A : i1 to vector<16xi1>
        %reduce_max3A_96 = arith.constant -2147483648 : i32
        %reduce_max3A_97 = vector.broadcast %reduce_max3A_96 : i32 to vector<16xi32>
        %reduce_max3A_98 = arith.xori %convert_element_type3A_94, %reduce_max3A_97 : vector<16xi32>
        %reduce_max3A_99 = tpu.scan <max>, %reduce_max3A_98 masked %reduce_max3A_95 : vector<16xi32>, vector<16xi1> -> vector<16xi32>
        %reduce_max3A_100 = arith.xori %reduce_max3A_99, %reduce_max3A_97 : vector<16xi32>
        %reduce_max3A_101 = vector.extract %reduce_max3A_100[15] : i32 from vector<16xi32>
        %gt3A = arith.constant 0 : i32
        %gt3A_102 = arith.cmpi sgt, %reduce_max3A_101, %gt3A : i32
        %convert_element_type3A_103 = arith.extui %gt3A_102 : i1 to i32
        %cond3A_104 = arith.constant 0 : i32
        %cond3A_105 = arith.cmpi ne, %convert_element_type3A_103, %cond3A_104 : i32
        scf.if %cond3A_105 {
          %mul3A_107 = arith.constant 16 : i32
          %mul3A_108 = arith.muli %scan3A_87, %mul3A_107 : i32
          %add3A_109 = vector.broadcast %mul3A_108 : i32 to vector<16xi32>
          %add3A_110 = arith.addi %add3A_109, %iota3A : vector<16xi32>
          %scan3A_111 = arith.constant 0 : i32
          %scan3A_112 = arith.constant 0 : i32
          %scan3A_113 = arith.constant 64 : i32
          %scan3A_114 = arith.addi %scan3A_112, %scan3A_113 : i32
          %scan3A_115 = arith.constant 1 : i32
          %scan3A_116 = scf.for %scan3A_118 = %scan3A_112 to %scan3A_114 step %scan3A_115 iter_args(%scan3A_119 = %scan3A_111) -> (i32)  : i32 {
            %broadcast_in_dim3A = arith.constant 0 : i32
            %broadcast_in_dim3A_120 = vector.broadcast %broadcast_in_dim3A : i32 to vector<16xi32>
            %add3A_121 = vector.broadcast %scan3A_118 : i32 to vector<16xi32>
            %add3A_122 = arith.addi %broadcast_in_dim3A_120, %add3A_121 : vector<16xi32>
            %broadcast_in_dim3A_123 = arith.constant 0.000000e+00 : f32
            %broadcast_in_dim3A_124 = vector.broadcast %broadcast_in_dim3A_123 : f32 to vector<16xf32>
            tpu.vector_store_idx %arg8[%add3A_110, %add3A_122], %broadcast_in_dim3A_124 masked %eq3A_93 : memref<128x64xf32, #tpu.memory_space<vmem>>[vector<16xi32>, vector<16xi32>], vector<16xf32>, vector<16xi1>
            %scan3A_125 = arith.constant 0 : i32
            scf.yield %scan3A_125 : i32
          }
          %scan3A_117 = arith.constant 64 : i32
        } else {
        }
        %scan3A_106 = arith.constant 0 : i32
        scf.yield %scan3A_106 : i32
      }
      %scan3A_75 = arith.constant 8 : i32
      %mul3A_76 = arith.constant 64 : i32
      %mul3A_77 = arith.muli %add3A_65, %mul3A_76 : i32
      %add3A_78 = arith.addi %mul3A_8, %mul3A_77 : i32
      "tpu.region"() ({
        %run_scoped3A = tpu.sem_alloc : memref<!tpu.dma_semaphore, #tpu.memory_space<semaphore_mem>>
        %dma_start3A_87 = arith.constant 0 : i32
        %dma_start3A_88 = arith.constant 0 : i32
        %dma_start3A_89 = tpu.memref_slice %arg8[%dma_start3A_87, %dma_start3A_88] : memref<128x64xf32, #tpu.memory_space<vmem>> -> memref<64x64xf32, #tpu.memory_space<vmem>>
        %dma_start3A_90 = arith.constant 0 : i32
        %dma_start3A_91 = tpu.memref_slice %arg4[%add3A_78, %dma_start3A_90] : memref<51200x128xf32, #tpu.memory_space<hbm>> -> memref<64x64xf32, #tpu.memory_space<hbm>>
        %dma_start3A_92 = arith.constant 0 : i32
        %dma_start3A_93 = tpu.memref_slice %arg4[%add3A_78, %dma_start3A_92] : memref<51200x128xf32, #tpu.memory_space<hbm>> -> memref<64x64xf32, #tpu.memory_space<hbm>>
        %dma_start3A_94 = arith.constant 0 : i32
        %dma_start3A_95 = arith.constant 0 : i32
        %dma_start3A_96 = tpu.memref_slice %arg8[%dma_start3A_94, %dma_start3A_95] : memref<128x64xf32, #tpu.memory_space<vmem>> -> memref<64x64xf32, #tpu.memory_space<vmem>>
        tpu.enqueue_dma source(%dma_start3A_96 : memref<64x64xf32, #tpu.memory_space<vmem>>) target(%dma_start3A_93 : memref<64x64xf32, #tpu.memory_space<hbm>>) target_semaphore(%run_scoped3A : memref<!tpu.dma_semaphore, #tpu.memory_space<semaphore_mem>>)
        %dma_wait3A_97 = arith.constant 0 : i32
        %dma_wait3A_98 = arith.constant 0 : i32
        %dma_wait3A_99 = tpu.memref_slice %arg8[%dma_wait3A_97, %dma_wait3A_98] : memref<128x64xf32, #tpu.memory_space<vmem>> -> memref<64x64xf32, #tpu.memory_space<vmem>>
        %dma_wait3A_100 = arith.constant 0 : i32
        %dma_wait3A_101 = tpu.memref_slice %arg4[%add3A_78, %dma_wait3A_100] : memref<51200x128xf32, #tpu.memory_space<hbm>> -> memref<64x64xf32, #tpu.memory_space<hbm>>
        %dma_wait3A_102 = arith.constant 0 : i32
        %dma_wait3A_103 = tpu.memref_slice %arg4[%add3A_78, %dma_wait3A_102] : memref<51200x128xf32, #tpu.memory_space<hbm>> -> memref<64x64xf32, #tpu.memory_space<hbm>>
        %dma_wait3A_104 = arith.constant 0 : i32
        %dma_wait3A_105 = arith.constant 0 : i32
        %dma_wait3A_106 = tpu.memref_slice %arg8[%dma_wait3A_104, %dma_wait3A_105] : memref<128x64xf32, #tpu.memory_space<vmem>> -> memref<64x64xf32, #tpu.memory_space<vmem>>
        tpu.wait_dma2 semaphore(%run_scoped3A : memref<!tpu.dma_semaphore, #tpu.memory_space<semaphore_mem>>) src(%dma_wait3A_106 : memref<64x64xf32, #tpu.memory_space<vmem>>) dst(%dma_wait3A_103 : memref<64x64xf32, #tpu.memory_space<hbm>>)
        tpu.yield
      }) : () -> ()
      "tpu.region"() ({
        %run_scoped3A = tpu.sem_alloc : memref<!tpu.dma_semaphore, #tpu.memory_space<semaphore_mem>>
        %dma_start3A_87 = arith.constant 64 : i32
        %dma_start3A_88 = arith.constant 0 : i32
        %dma_start3A_89 = tpu.memref_slice %arg8[%dma_start3A_87, %dma_start3A_88] : memref<128x64xf32, #tpu.memory_space<vmem>> -> memref<64x64xf32, #tpu.memory_space<vmem>>
        %dma_start3A_90 = arith.constant 64 : i32
        %dma_start3A_91 = tpu.memref_slice %arg4[%add3A_78, %dma_start3A_90] : memref<51200x128xf32, #tpu.memory_space<hbm>> -> memref<64x64xf32, #tpu.memory_space<hbm>>
        %dma_start3A_92 = arith.constant 64 : i32
        %dma_start3A_93 = tpu.memref_slice %arg4[%add3A_78, %dma_start3A_92] : memref<51200x128xf32, #tpu.memory_space<hbm>> -> memref<64x64xf32, #tpu.memory_space<hbm>>
        %dma_start3A_94 = arith.constant 64 : i32
        %dma_start3A_95 = arith.constant 0 : i32
        %dma_start3A_96 = tpu.memref_slice %arg8[%dma_start3A_94, %dma_start3A_95] : memref<128x64xf32, #tpu.memory_space<vmem>> -> memref<64x64xf32, #tpu.memory_space<vmem>>
        tpu.enqueue_dma source(%dma_start3A_96 : memref<64x64xf32, #tpu.memory_space<vmem>>) target(%dma_start3A_93 : memref<64x64xf32, #tpu.memory_space<hbm>>) target_semaphore(%run_scoped3A : memref<!tpu.dma_semaphore, #tpu.memory_space<semaphore_mem>>)
        %dma_wait3A_97 = arith.constant 64 : i32
        %dma_wait3A_98 = arith.constant 0 : i32
        %dma_wait3A_99 = tpu.memref_slice %arg8[%dma_wait3A_97, %dma_wait3A_98] : memref<128x64xf32, #tpu.memory_space<vmem>> -> memref<64x64xf32, #tpu.memory_space<vmem>>
        %dma_wait3A_100 = arith.constant 64 : i32
        %dma_wait3A_101 = tpu.memref_slice %arg4[%add3A_78, %dma_wait3A_100] : memref<51200x128xf32, #tpu.memory_space<hbm>> -> memref<64x64xf32, #tpu.memory_space<hbm>>
        %dma_wait3A_102 = arith.constant 64 : i32
        %dma_wait3A_103 = tpu.memref_slice %arg4[%add3A_78, %dma_wait3A_102] : memref<51200x128xf32, #tpu.memory_space<hbm>> -> memref<64x64xf32, #tpu.memory_space<hbm>>
        %dma_wait3A_104 = arith.constant 64 : i32
        %dma_wait3A_105 = arith.constant 0 : i32
        %dma_wait3A_106 = tpu.memref_slice %arg8[%dma_wait3A_104, %dma_wait3A_105] : memref<128x64xf32, #tpu.memory_space<vmem>> -> memref<64x64xf32, #tpu.memory_space<vmem>>
        tpu.wait_dma2 semaphore(%run_scoped3A : memref<!tpu.dma_semaphore, #tpu.memory_space<semaphore_mem>>) src(%dma_wait3A_106 : memref<64x64xf32, #tpu.memory_space<vmem>>) dst(%dma_wait3A_103 : memref<64x64xf32, #tpu.memory_space<hbm>>)
        tpu.yield
      }) : () -> ()
      %add3A_79 = arith.constant 2 : i32
      %add3A_80 = arith.addi %add3A_65, %add3A_79 : i32
      %lt3A_81 = arith.constant 25 : i32
      %lt3A_82 = arith.cmpi slt, %add3A_80, %lt3A_81 : i32
      %convert_element_type3A_83 = arith.extui %lt3A_82 : i1 to i32
      %cond3A_84 = arith.constant 0 : i32
      %cond3A_85 = arith.cmpi ne, %convert_element_type3A_83, %cond3A_84 : i32
      scf.if %cond3A_85 {
        %add3A_87 = arith.constant 2 : i32
        %add3A_88 = arith.addi %add3A_65, %add3A_87 : i32
        %mul3A_89 = arith.constant 64 : i32
        %mul3A_90 = arith.muli %add3A_88, %mul3A_89 : i32
        %add3A_91 = arith.addi %add3A_4, %mul3A_90 : i32
        "tpu.region"() ({
          %run_scoped3A = tpu.sem_alloc : memref<!tpu.dma_semaphore, #tpu.memory_space<semaphore_mem>>
          %dma_start3A_98 = arith.constant 0 : i32
          %dma_start3A_99 = tpu.memref_slice %arg6[%dma_start3A_98] : memref<128xi32, #tpu.memory_space<vmem>> -> memref<64xi32, #tpu.memory_space<vmem>>
          %dma_start3A_100 = tpu.memref_slice %arg2[%add3A_91] : memref<204800xi32, #tpu.memory_space<hbm>> -> memref<64xi32, #tpu.memory_space<hbm>>
          %dma_start3A_101 = arith.constant 0 : i32
          %dma_start3A_102 = tpu.memref_slice %arg6[%dma_start3A_101] : memref<128xi32, #tpu.memory_space<vmem>> -> memref<64xi32, #tpu.memory_space<vmem>>
          %dma_start3A_103 = tpu.memref_slice %arg2[%add3A_91] : memref<204800xi32, #tpu.memory_space<hbm>> -> memref<64xi32, #tpu.memory_space<hbm>>
          tpu.enqueue_dma source(%dma_start3A_103 : memref<64xi32, #tpu.memory_space<hbm>>) target(%dma_start3A_102 : memref<64xi32, #tpu.memory_space<vmem>>) target_semaphore(%run_scoped3A : memref<!tpu.dma_semaphore, #tpu.memory_space<semaphore_mem>>)
          %dma_wait3A_104 = arith.constant 0 : i32
          %dma_wait3A_105 = tpu.memref_slice %arg6[%dma_wait3A_104] : memref<128xi32, #tpu.memory_space<vmem>> -> memref<64xi32, #tpu.memory_space<vmem>>
          %dma_wait3A_106 = tpu.memref_slice %arg2[%add3A_91] : memref<204800xi32, #tpu.memory_space<hbm>> -> memref<64xi32, #tpu.memory_space<hbm>>
          %dma_wait3A_107 = arith.constant 0 : i32
          %dma_wait3A_108 = tpu.memref_slice %arg6[%dma_wait3A_107] : memref<128xi32, #tpu.memory_space<vmem>> -> memref<64xi32, #tpu.memory_space<vmem>>
          %dma_wait3A_109 = tpu.memref_slice %arg2[%add3A_91] : memref<204800xi32, #tpu.memory_space<hbm>> -> memref<64xi32, #tpu.memory_space<hbm>>
          tpu.wait_dma2 semaphore(%run_scoped3A : memref<!tpu.dma_semaphore, #tpu.memory_space<semaphore_mem>>) src(%dma_wait3A_109 : memref<64xi32, #tpu.memory_space<hbm>>) dst(%dma_wait3A_108 : memref<64xi32, #tpu.memory_space<vmem>>)
          tpu.yield
        }) : () -> ()
        %mul3A_92 = arith.constant 64 : i32
        %mul3A_93 = arith.muli %add3A_88, %mul3A_92 : i32
        %add3A_94 = arith.addi %add3A_6, %mul3A_93 : i32
        "tpu.region"() ({
          %run_scoped3A = tpu.sem_alloc : memref<!tpu.dma_semaphore, #tpu.memory_space<semaphore_mem>>
          %dma_start3A_98 = arith.constant 64 : i32
          %dma_start3A_99 = tpu.memref_slice %arg6[%dma_start3A_98] : memref<128xi32, #tpu.memory_space<vmem>> -> memref<64xi32, #tpu.memory_space<vmem>>
          %dma_start3A_100 = tpu.memref_slice %arg2[%add3A_94] : memref<204800xi32, #tpu.memory_space<hbm>> -> memref<64xi32, #tpu.memory_space<hbm>>
          %dma_start3A_101 = arith.constant 64 : i32
          %dma_start3A_102 = tpu.memref_slice %arg6[%dma_start3A_101] : memref<128xi32, #tpu.memory_space<vmem>> -> memref<64xi32, #tpu.memory_space<vmem>>
          %dma_start3A_103 = tpu.memref_slice %arg2[%add3A_94] : memref<204800xi32, #tpu.memory_space<hbm>> -> memref<64xi32, #tpu.memory_space<hbm>>
          tpu.enqueue_dma source(%dma_start3A_103 : memref<64xi32, #tpu.memory_space<hbm>>) target(%dma_start3A_102 : memref<64xi32, #tpu.memory_space<vmem>>) target_semaphore(%run_scoped3A : memref<!tpu.dma_semaphore, #tpu.memory_space<semaphore_mem>>)
          %dma_wait3A_104 = arith.constant 64 : i32
          %dma_wait3A_105 = tpu.memref_slice %arg6[%dma_wait3A_104] : memref<128xi32, #tpu.memory_space<vmem>> -> memref<64xi32, #tpu.memory_space<vmem>>
          %dma_wait3A_106 = tpu.memref_slice %arg2[%add3A_94] : memref<204800xi32, #tpu.memory_space<hbm>> -> memref<64xi32, #tpu.memory_space<hbm>>
          %dma_wait3A_107 = arith.constant 64 : i32
          %dma_wait3A_108 = tpu.memref_slice %arg6[%dma_wait3A_107] : memref<128xi32, #tpu.memory_space<vmem>> -> memref<64xi32, #tpu.memory_space<vmem>>
          %dma_wait3A_109 = tpu.memref_slice %arg2[%add3A_94] : memref<204800xi32, #tpu.memory_space<hbm>> -> memref<64xi32, #tpu.memory_space<hbm>>
          tpu.wait_dma2 semaphore(%run_scoped3A : memref<!tpu.dma_semaphore, #tpu.memory_space<semaphore_mem>>) src(%dma_wait3A_109 : memref<64xi32, #tpu.memory_space<hbm>>) dst(%dma_wait3A_108 : memref<64xi32, #tpu.memory_space<vmem>>)
          tpu.yield
        }) : () -> ()
        %dma_start3A_95 = arith.constant 0 : i32
        %dma_start3A_96 = arith.constant 0 : i32
        %dma_start3A_97 = tpu.memref_slice %arg3[%dma_start3A_95, %dma_start3A_96] : memref<100000x64xf32, #tpu.memory_space<hbm>> -> memref<100000x64xf32, #tpu.memory_space<hbm>>
        tpu.enqueue_indirect_dma source(%dma_start3A_97 : memref<100000x64xf32, #tpu.memory_space<hbm>>) target(%arg8 : memref<128x64xf32, #tpu.memory_space<vmem>>) offsets(%arg6 : memref<128xi32, #tpu.memory_space<vmem>>) semaphore(%arg10 : memref<!tpu.dma_semaphore, #tpu.memory_space<semaphore_mem>>)
      } else {
      }
      %scan3A_86 = arith.constant 0 : i32
      scf.yield %scan3A_86 : i32
    }
    %scan3A_27 = arith.constant 12 : i32
    %dma_wait3A = arith.constant 0 : i32
    %dma_wait3A_28 = arith.constant 0 : i32
    %dma_wait3A_29 = tpu.memref_slice %arg3[%dma_wait3A, %dma_wait3A_28] : memref<100000x64xf32, #tpu.memory_space<hbm>> -> memref<100000x64xf32, #tpu.memory_space<hbm>>
    tpu.wait_indirect_dma semaphore(%arg9 : memref<!tpu.dma_semaphore, #tpu.memory_space<semaphore_mem>>) src(%dma_wait3A_29 : memref<100000x64xf32, #tpu.memory_space<hbm>>) dst(%arg7 : memref<128x64xf32, #tpu.memory_space<vmem>>)
    %scan3A_30 = arith.constant 0 : i32
    %scan3A_31 = arith.constant 0 : i32
    %scan3A_32 = arith.constant 8 : i32
    %scan3A_33 = arith.addi %scan3A_31, %scan3A_32 : i32
    %scan3A_34 = arith.constant 1 : i32
    %scan3A_35 = scf.for %scan3A_39 = %scan3A_31 to %scan3A_33 step %scan3A_34 iter_args(%scan3A_40 = %scan3A_30) -> (i32)  : i32 {
      %mul3A_41 = arith.constant 16 : i32
      %mul3A_42 = arith.muli %scan3A_39, %mul3A_41 : i32
      %get3A = arith.index_cast %mul3A_42 : i32 to index
      %get3A_43 = tpu.vector_load %arg5[%get3A] {strides = array<i32>} : memref<128xi32, #tpu.memory_space<vmem>>, vector<16xi32>,
      %eq3A = arith.constant 99999 : i32
      %eq3A_44 = vector.broadcast %eq3A : i32 to vector<16xi32>
      %eq3A_45 = arith.cmpi eq, %get3A_43, %eq3A_44 : vector<16xi32>
      %convert_element_type3A = arith.extui %eq3A_45 : vector<16xi1> to vector<16xi32>
      %reduce_max3A = arith.constant true
      %reduce_max3A_46 = vector.broadcast %reduce_max3A : i1 to vector<16xi1>
      %reduce_max3A_47 = arith.constant -2147483648 : i32
      %reduce_max3A_48 = vector.broadcast %reduce_max3A_47 : i32 to vector<16xi32>
      %reduce_max3A_49 = arith.xori %convert_element_type3A, %reduce_max3A_48 : vector<16xi32>
      %reduce_max3A_50 = tpu.scan <max>, %reduce_max3A_49 masked %reduce_max3A_46 : vector<16xi32>, vector<16xi1> -> vector<16xi32>
      %reduce_max3A_51 = arith.xori %reduce_max3A_50, %reduce_max3A_48 : vector<16xi32>
      %reduce_max3A_52 = vector.extract %reduce_max3A_51[15] : i32 from vector<16xi32>
      %gt3A = arith.constant 0 : i32
      %gt3A_53 = arith.cmpi sgt, %reduce_max3A_52, %gt3A : i32
      %convert_element_type3A_54 = arith.extui %gt3A_53 : i1 to i32
      %cond3A = arith.constant 0 : i32
      %cond3A_55 = arith.cmpi ne, %convert_element_type3A_54, %cond3A : i32
      scf.if %cond3A_55 {
        %mul3A_57 = arith.constant 16 : i32
        %mul3A_58 = arith.muli %scan3A_39, %mul3A_57 : i32
        %add3A_59 = vector.broadcast %mul3A_58 : i32 to vector<16xi32>
        %add3A_60 = arith.addi %add3A_59, %iota3A : vector<16xi32>
        %scan3A_61 = arith.constant 0 : i32
        %scan3A_62 = arith.constant 0 : i32
        %scan3A_63 = arith.constant 64 : i32
        %scan3A_64 = arith.addi %scan3A_62, %scan3A_63 : i32
        %scan3A_65 = arith.constant 1 : i32
        %scan3A_66 = scf.for %scan3A_68 = %scan3A_62 to %scan3A_64 step %scan3A_65 iter_args(%scan3A_69 = %scan3A_61) -> (i32)  : i32 {
          %broadcast_in_dim3A = arith.constant 0 : i32
          %broadcast_in_dim3A_70 = vector.broadcast %broadcast_in_dim3A : i32 to vector<16xi32>
          %add3A_71 = vector.broadcast %scan3A_68 : i32 to vector<16xi32>
          %add3A_72 = arith.addi %broadcast_in_dim3A_70, %add3A_71 : vector<16xi32>
          %broadcast_in_dim3A_73 = arith.constant 0.000000e+00 : f32
          %broadcast_in_dim3A_74 = vector.broadcast %broadcast_in_dim3A_73 : f32 to vector<16xf32>
          tpu.vector_store_idx %arg7[%add3A_60, %add3A_72], %broadcast_in_dim3A_74 masked %eq3A_45 : memref<128x64xf32, #tpu.memory_space<vmem>>[vector<16xi32>, vector<16xi32>], vector<16xf32>, vector<16xi1>
          %scan3A_75 = arith.constant 0 : i32
          scf.yield %scan3A_75 : i32
        }
        %scan3A_67 = arith.constant 64 : i32
      } else {
      }
      %scan3A_56 = arith.constant 0 : i32
      scf.yield %scan3A_56 : i32
    }
    %scan3A_36 = arith.constant 8 : i32
    %add3A_37 = arith.constant 1536 : i32
    %add3A_38 = arith.addi %mul3A_8, %add3A_37 : i32
    "tpu.region"() ({
      %run_scoped3A = tpu.sem_alloc : memref<!tpu.dma_semaphore, #tpu.memory_space<semaphore_mem>>
      %dma_start3A_39 = arith.constant 0 : i32
      %dma_start3A_40 = arith.constant 0 : i32
      %dma_start3A_41 = tpu.memref_slice %arg7[%dma_start3A_39, %dma_start3A_40] : memref<128x64xf32, #tpu.memory_space<vmem>> -> memref<64x64xf32, #tpu.memory_space<vmem>>
      %dma_start3A_42 = arith.constant 0 : i32
      %dma_start3A_43 = tpu.memref_slice %arg4[%add3A_38, %dma_start3A_42] : memref<51200x128xf32, #tpu.memory_space<hbm>> -> memref<64x64xf32, #tpu.memory_space<hbm>>
      %dma_start3A_44 = arith.constant 0 : i32
      %dma_start3A_45 = tpu.memref_slice %arg4[%add3A_38, %dma_start3A_44] : memref<51200x128xf32, #tpu.memory_space<hbm>> -> memref<64x64xf32, #tpu.memory_space<hbm>>
      %dma_start3A_46 = arith.constant 0 : i32
      %dma_start3A_47 = arith.constant 0 : i32
      %dma_start3A_48 = tpu.memref_slice %arg7[%dma_start3A_46, %dma_start3A_47] : memref<128x64xf32, #tpu.memory_space<vmem>> -> memref<64x64xf32, #tpu.memory_space<vmem>>
      tpu.enqueue_dma source(%dma_start3A_48 : memref<64x64xf32, #tpu.memory_space<vmem>>) target(%dma_start3A_45 : memref<64x64xf32, #tpu.memory_space<hbm>>) target_semaphore(%run_scoped3A : memref<!tpu.dma_semaphore, #tpu.memory_space<semaphore_mem>>)
      %dma_wait3A_49 = arith.constant 0 : i32
      %dma_wait3A_50 = arith.constant 0 : i32
      %dma_wait3A_51 = tpu.memref_slice %arg7[%dma_wait3A_49, %dma_wait3A_50] : memref<128x64xf32, #tpu.memory_space<vmem>> -> memref<64x64xf32, #tpu.memory_space<vmem>>
      %dma_wait3A_52 = arith.constant 0 : i32
      %dma_wait3A_53 = tpu.memref_slice %arg4[%add3A_38, %dma_wait3A_52] : memref<51200x128xf32, #tpu.memory_space<hbm>> -> memref<64x64xf32, #tpu.memory_space<hbm>>
      %dma_wait3A_54 = arith.constant 0 : i32
      %dma_wait3A_55 = tpu.memref_slice %arg4[%add3A_38, %dma_wait3A_54] : memref<51200x128xf32, #tpu.memory_space<hbm>> -> memref<64x64xf32, #tpu.memory_space<hbm>>
      %dma_wait3A_56 = arith.constant 0 : i32
      %dma_wait3A_57 = arith.constant 0 : i32
      %dma_wait3A_58 = tpu.memref_slice %arg7[%dma_wait3A_56, %dma_wait3A_57] : memref<128x64xf32, #tpu.memory_space<vmem>> -> memref<64x64xf32, #tpu.memory_space<vmem>>
      tpu.wait_dma2 semaphore(%run_scoped3A : memref<!tpu.dma_semaphore, #tpu.memory_space<semaphore_mem>>) src(%dma_wait3A_58 : memref<64x64xf32, #tpu.memory_space<vmem>>) dst(%dma_wait3A_55 : memref<64x64xf32, #tpu.memory_space<hbm>>)
      tpu.yield
    }) : () -> ()
    "tpu.region"() ({
      %run_scoped3A = tpu.sem_alloc : memref<!tpu.dma_semaphore, #tpu.memory_space<semaphore_mem>>
      %dma_start3A_39 = arith.constant 64 : i32
      %dma_start3A_40 = arith.constant 0 : i32
      %dma_start3A_41 = tpu.memref_slice %arg7[%dma_start3A_39, %dma_start3A_40] : memref<128x64xf32, #tpu.memory_space<vmem>> -> memref<64x64xf32, #tpu.memory_space<vmem>>
      %dma_start3A_42 = arith.constant 64 : i32
      %dma_start3A_43 = tpu.memref_slice %arg4[%add3A_38, %dma_start3A_42] : memref<51200x128xf32, #tpu.memory_space<hbm>> -> memref<64x64xf32, #tpu.memory_space<hbm>>
      %dma_start3A_44 = arith.constant 64 : i32
      %dma_start3A_45 = tpu.memref_slice %arg4[%add3A_38, %dma_start3A_44] : memref<51200x128xf32, #tpu.memory_space<hbm>> -> memref<64x64xf32, #tpu.memory_space<hbm>>
      %dma_start3A_46 = arith.constant 64 : i32
      %dma_start3A_47 = arith.constant 0 : i32
      %dma_start3A_48 = tpu.memref_slice %arg7[%dma_start3A_46, %dma_start3A_47] : memref<128x64xf32, #tpu.memory_space<vmem>> -> memref<64x64xf32, #tpu.memory_space<vmem>>
      tpu.enqueue_dma source(%dma_start3A_48 : memref<64x64xf32, #tpu.memory_space<vmem>>) target(%dma_start3A_45 : memref<64x64xf32, #tpu.memory_space<hbm>>) target_semaphore(%run_scoped3A : memref<!tpu.dma_semaphore, #tpu.memory_space<semaphore_mem>>)
      %dma_wait3A_49 = arith.constant 64 : i32
      %dma_wait3A_50 = arith.constant 0 : i32
      %dma_wait3A_51 = tpu.memref_slice %arg7[%dma_wait3A_49, %dma_wait3A_50] : memref<128x64xf32, #tpu.memory_space<vmem>> -> memref<64x64xf32, #tpu.memory_space<vmem>>
      %dma_wait3A_52 = arith.constant 64 : i32
      %dma_wait3A_53 = tpu.memref_slice %arg4[%add3A_38, %dma_wait3A_52] : memref<51200x128xf32, #tpu.memory_space<hbm>> -> memref<64x64xf32, #tpu.memory_space<hbm>>
      %dma_wait3A_54 = arith.constant 64 : i32
      %dma_wait3A_55 = tpu.memref_slice %arg4[%add3A_38, %dma_wait3A_54] : memref<51200x128xf32, #tpu.memory_space<hbm>> -> memref<64x64xf32, #tpu.memory_space<hbm>>
      %dma_wait3A_56 = arith.constant 64 : i32
      %dma_wait3A_57 = arith.constant 0 : i32
      %dma_wait3A_58 = tpu.memref_slice %arg7[%dma_wait3A_56, %dma_wait3A_57] : memref<128x64xf32, #tpu.memory_space<vmem>> -> memref<64x64xf32, #tpu.memory_space<vmem>>
      tpu.wait_dma2 semaphore(%run_scoped3A : memref<!tpu.dma_semaphore, #tpu.memory_space<semaphore_mem>>) src(%dma_wait3A_58 : memref<64x64xf32, #tpu.memory_space<vmem>>) dst(%dma_wait3A_55 : memref<64x64xf32, #tpu.memory_space<hbm>>)
      tpu.yield
    }) : () -> ()
    return
  }
}

#map = affine_map<(d0, d1) -> (0)>
#map1 = affine_map<(d0, d1) -> (0, 0)>
module attributes {stable_mosaic.version = 14 : i64} {
  func.func @gather_kernel(%arg0: i32, %arg1: i32, %arg2: memref<204800xi32, #tpu.memory_space<hbm>>, %arg3: memref<100000x64xf32, #tpu.memory_space<hbm>>, %arg4: memref<51200x128xf32, #tpu.memory_space<hbm>>, %arg5: memref<128xi32, #tpu.memory_space<vmem>>, %arg6: memref<128xi32, #tpu.memory_space<vmem>>, %arg7: memref<128x64xf32, #tpu.memory_space<vmem>>, %arg8: memref<128x64xf32, #tpu.memory_space<vmem>>, %arg9: memref<!tpu.dma_semaphore, #tpu.memory_space<semaphore_mem>>, %arg10: memref<!tpu.dma_semaphore, #tpu.memory_space<semaphore_mem>>) attributes {dimension_semantics = [#tpu.dimension_semantics<core_parallel>, #tpu.dimension_semantics<subcore_parallel>], iteration_bounds = array<i64: 2, 16>, scalar_prefetch = 0 : i64, scratch_operands = 6 : i64, tpu.core_type = #tpu.core_type<sc_vector_subcore>, window_params = [{transform_indices = #map}, {transform_indices = #map1}, {transform_indices = #map1}]} {
    %mul3A = arith.constant 2 : i32
    %mul3A_0 = arith.muli %arg1, %mul3A : i32
    %add3A = arith.addi %mul3A_0, %arg0 : i32
    %mul3A_1 = arith.constant 1600 : i32
    %mul3A_2 = arith.muli %add3A, %mul3A_1 : i32
    %add3A_3 = arith.constant 0 : i32
    %add3A_4 = arith.addi %add3A_3, %mul3A_2 : i32
    %add3A_5 = arith.constant 51200 : i32
    %add3A_6 = arith.addi %add3A_4, %add3A_5 : i32
    %mul3A_7 = arith.constant 1600 : i32
    %mul3A_8 = arith.muli %add3A, %mul3A_7 : i32
    %iota3A = tpu.iota {dimensions = array<i32: 0>} : vector<16xi32>
    %add3A_9 = arith.constant 0 : i32
    %add3A_10 = arith.addi %add3A_4, %add3A_9 : i32
    "tpu.region"() ({
      %run_scoped3A = tpu.sem_alloc : memref<!tpu.dma_semaphore, #tpu.memory_space<semaphore_mem>>
      %dma_start3A_39 = arith.constant 0 : i32
      %dma_start3A_40 = tpu.memref_slice %arg5[%dma_start3A_39] : memref<128xi32, #tpu.memory_space<vmem>> -> memref<64xi32, #tpu.memory_space<vmem>>
      %dma_start3A_41 = tpu.memref_slice %arg2[%add3A_10] : memref<204800xi32, #tpu.memory_space<hbm>> -> memref<64xi32, #tpu.memory_space<hbm>>
      %dma_start3A_42 = arith.constant 0 : i32
      %dma_start3A_43 = tpu.memref_slice %arg5[%dma_start3A_42] : memref<128xi32, #tpu.memory_space<vmem>> -> memref<64xi32, #tpu.memory_space<vmem>>
      %dma_start3A_44 = tpu.memref_slice %arg2[%add3A_10] : memref<204800xi32, #tpu.memory_space<hbm>> -> memref<64xi32, #tpu.memory_space<hbm>>
      tpu.enqueue_dma source(%dma_start3A_44 : memref<64xi32, #tpu.memory_space<hbm>>) target(%dma_start3A_43 : memref<64xi32, #tpu.memory_space<vmem>>) target_semaphore(%run_scoped3A : memref<!tpu.dma_semaphore, #tpu.memory_space<semaphore_mem>>)
      %dma_wait3A_45 = arith.constant 0 : i32
      %dma_wait3A_46 = tpu.memref_slice %arg5[%dma_wait3A_45] : memref<128xi32, #tpu.memory_space<vmem>> -> memref<64xi32, #tpu.memory_space<vmem>>
      %dma_wait3A_47 = tpu.memref_slice %arg2[%add3A_10] : memref<204800xi32, #tpu.memory_space<hbm>> -> memref<64xi32, #tpu.memory_space<hbm>>
      %dma_wait3A_48 = arith.constant 0 : i32
      %dma_wait3A_49 = tpu.memref_slice %arg5[%dma_wait3A_48] : memref<128xi32, #tpu.memory_space<vmem>> -> memref<64xi32, #tpu.memory_space<vmem>>
      %dma_wait3A_50 = tpu.memref_slice %arg2[%add3A_10] : memref<204800xi32, #tpu.memory_space<hbm>> -> memref<64xi32, #tpu.memory_space<hbm>>
      tpu.wait_dma2 semaphore(%run_scoped3A : memref<!tpu.dma_semaphore, #tpu.memory_space<semaphore_mem>>) src(%dma_wait3A_50 : memref<64xi32, #tpu.memory_space<hbm>>) dst(%dma_wait3A_49 : memref<64xi32, #tpu.memory_space<vmem>>)
      tpu.yield
    }) : () -> ()
    %add3A_11 = arith.constant 0 : i32
    %add3A_12 = arith.addi %add3A_6, %add3A_11 : i32
    "tpu.region"() ({
      %run_scoped3A = tpu.sem_alloc : memref<!tpu.dma_semaphore, #tpu.memory_space<semaphore_mem>>
      %dma_start3A_39 = arith.constant 64 : i32
      %dma_start3A_40 = tpu.memref_slice %arg5[%dma_start3A_39] : memref<128xi32, #tpu.memory_space<vmem>> -> memref<64xi32, #tpu.memory_space<vmem>>
      %dma_start3A_41 = tpu.memref_slice %arg2[%add3A_12] : memref<204800xi32, #tpu.memory_space<hbm>> -> memref<64xi32, #tpu.memory_space<hbm>>
      %dma_start3A_42 = arith.constant 64 : i32
      %dma_start3A_43 = tpu.memref_slice %arg5[%dma_start3A_42] : memref<128xi32, #tpu.memory_space<vmem>> -> memref<64xi32, #tpu.memory_space<vmem>>
      %dma_start3A_44 = tpu.memref_slice %arg2[%add3A_12] : memref<204800xi32, #tpu.memory_space<hbm>> -> memref<64xi32, #tpu.memory_space<hbm>>
      tpu.enqueue_dma source(%dma_start3A_44 : memref<64xi32, #tpu.memory_space<hbm>>) target(%dma_start3A_43 : memref<64xi32, #tpu.memory_space<vmem>>) target_semaphore(%run_scoped3A : memref<!tpu.dma_semaphore, #tpu.memory_space<semaphore_mem>>)
      %dma_wait3A_45 = arith.constant 64 : i32
      %dma_wait3A_46 = tpu.memref_slice %arg5[%dma_wait3A_45] : memref<128xi32, #tpu.memory_space<vmem>> -> memref<64xi32, #tpu.memory_space<vmem>>
      %dma_wait3A_47 = tpu.memref_slice %arg2[%add3A_12] : memref<204800xi32, #tpu.memory_space<hbm>> -> memref<64xi32, #tpu.memory_space<hbm>>
      %dma_wait3A_48 = arith.constant 64 : i32
      %dma_wait3A_49 = tpu.memref_slice %arg5[%dma_wait3A_48] : memref<128xi32, #tpu.memory_space<vmem>> -> memref<64xi32, #tpu.memory_space<vmem>>
      %dma_wait3A_50 = tpu.memref_slice %arg2[%add3A_12] : memref<204800xi32, #tpu.memory_space<hbm>> -> memref<64xi32, #tpu.memory_space<hbm>>
      tpu.wait_dma2 semaphore(%run_scoped3A : memref<!tpu.dma_semaphore, #tpu.memory_space<semaphore_mem>>) src(%dma_wait3A_50 : memref<64xi32, #tpu.memory_space<hbm>>) dst(%dma_wait3A_49 : memref<64xi32, #tpu.memory_space<vmem>>)
      tpu.yield
    }) : () -> ()
    %dma_start3A = arith.constant 0 : i32
    %dma_start3A_13 = arith.constant 0 : i32
    %dma_start3A_14 = tpu.memref_slice %arg3[%dma_start3A, %dma_start3A_13] : memref<100000x64xf32, #tpu.memory_space<hbm>> -> memref<100000x64xf32, #tpu.memory_space<hbm>>
    tpu.enqueue_indirect_dma source(%dma_start3A_14 : memref<100000x64xf32, #tpu.memory_space<hbm>>) target(%arg7 : memref<128x64xf32, #tpu.memory_space<vmem>>) offsets(%arg5 : memref<128xi32, #tpu.memory_space<vmem>>) semaphore(%arg9 : memref<!tpu.dma_semaphore, #tpu.memory_space<semaphore_mem>>)
    %add3A_15 = arith.constant 64 : i32
    %add3A_16 = arith.addi %add3A_4, %add3A_15 : i32
    "tpu.region"() ({
      %run_scoped3A = tpu.sem_alloc : memref<!tpu.dma_semaphore, #tpu.memory_space<semaphore_mem>>
      %dma_start3A_39 = arith.constant 0 : i32
      %dma_start3A_40 = tpu.memref_slice %arg6[%dma_start3A_39] : memref<128xi32, #tpu.memory_space<vmem>> -> memref<64xi32, #tpu.memory_space<vmem>>
      %dma_start3A_41 = tpu.memref_slice %arg2[%add3A_16] : memref<204800xi32, #tpu.memory_space<hbm>> -> memref<64xi32, #tpu.memory_space<hbm>>
      %dma_start3A_42 = arith.constant 0 : i32
      %dma_start3A_43 = tpu.memref_slice %arg6[%dma_start3A_42] : memref<128xi32, #tpu.memory_space<vmem>> -> memref<64xi32, #tpu.memory_space<vmem>>
      %dma_start3A_44 = tpu.memref_slice %arg2[%add3A_16] : memref<204800xi32, #tpu.memory_space<hbm>> -> memref<64xi32, #tpu.memory_space<hbm>>
      tpu.enqueue_dma source(%dma_start3A_44 : memref<64xi32, #tpu.memory_space<hbm>>) target(%dma_start3A_43 : memref<64xi32, #tpu.memory_space<vmem>>) target_semaphore(%run_scoped3A : memref<!tpu.dma_semaphore, #tpu.memory_space<semaphore_mem>>)
      %dma_wait3A_45 = arith.constant 0 : i32
      %dma_wait3A_46 = tpu.memref_slice %arg6[%dma_wait3A_45] : memref<128xi32, #tpu.memory_space<vmem>> -> memref<64xi32, #tpu.memory_space<vmem>>
      %dma_wait3A_47 = tpu.memref_slice %arg2[%add3A_16] : memref<204800xi32, #tpu.memory_space<hbm>> -> memref<64xi32, #tpu.memory_space<hbm>>
      %dma_wait3A_48 = arith.constant 0 : i32
      %dma_wait3A_49 = tpu.memref_slice %arg6[%dma_wait3A_48] : memref<128xi32, #tpu.memory_space<vmem>> -> memref<64xi32, #tpu.memory_space<vmem>>
      %dma_wait3A_50 = tpu.memref_slice %arg2[%add3A_16] : memref<204800xi32, #tpu.memory_space<hbm>> -> memref<64xi32, #tpu.memory_space<hbm>>
      tpu.wait_dma2 semaphore(%run_scoped3A : memref<!tpu.dma_semaphore, #tpu.memory_space<semaphore_mem>>) src(%dma_wait3A_50 : memref<64xi32, #tpu.memory_space<hbm>>) dst(%dma_wait3A_49 : memref<64xi32, #tpu.memory_space<vmem>>)
      tpu.yield
    }) : () -> ()
    %add3A_17 = arith.constant 64 : i32
    %add3A_18 = arith.addi %add3A_6, %add3A_17 : i32
    "tpu.region"() ({
      %run_scoped3A = tpu.sem_alloc : memref<!tpu.dma_semaphore, #tpu.memory_space<semaphore_mem>>
      %dma_start3A_39 = arith.constant 64 : i32
      %dma_start3A_40 = tpu.memref_slice %arg6[%dma_start3A_39] : memref<128xi32, #tpu.memory_space<vmem>> -> memref<64xi32, #tpu.memory_space<vmem>>
      %dma_start3A_41 = tpu.memref_slice %arg2[%add3A_18] : memref<204800xi32, #tpu.memory_space<hbm>> -> memref<64xi32, #tpu.memory_space<hbm>>
      %dma_start3A_42 = arith.constant 64 : i32
      %dma_start3A_43 = tpu.memref_slice %arg6[%dma_start3A_42] : memref<128xi32, #tpu.memory_space<vmem>> -> memref<64xi32, #tpu.memory_space<vmem>>
      %dma_start3A_44 = tpu.memref_slice %arg2[%add3A_18] : memref<204800xi32, #tpu.memory_space<hbm>> -> memref<64xi32, #tpu.memory_space<hbm>>
      tpu.enqueue_dma source(%dma_start3A_44 : memref<64xi32, #tpu.memory_space<hbm>>) target(%dma_start3A_43 : memref<64xi32, #tpu.memory_space<vmem>>) target_semaphore(%run_scoped3A : memref<!tpu.dma_semaphore, #tpu.memory_space<semaphore_mem>>)
      %dma_wait3A_45 = arith.constant 64 : i32
      %dma_wait3A_46 = tpu.memref_slice %arg6[%dma_wait3A_45] : memref<128xi32, #tpu.memory_space<vmem>> -> memref<64xi32, #tpu.memory_space<vmem>>
      %dma_wait3A_47 = tpu.memref_slice %arg2[%add3A_18] : memref<204800xi32, #tpu.memory_space<hbm>> -> memref<64xi32, #tpu.memory_space<hbm>>
      %dma_wait3A_48 = arith.constant 64 : i32
      %dma_wait3A_49 = tpu.memref_slice %arg6[%dma_wait3A_48] : memref<128xi32, #tpu.memory_space<vmem>> -> memref<64xi32, #tpu.memory_space<vmem>>
      %dma_wait3A_50 = tpu.memref_slice %arg2[%add3A_18] : memref<204800xi32, #tpu.memory_space<hbm>> -> memref<64xi32, #tpu.memory_space<hbm>>
      tpu.wait_dma2 semaphore(%run_scoped3A : memref<!tpu.dma_semaphore, #tpu.memory_space<semaphore_mem>>) src(%dma_wait3A_50 : memref<64xi32, #tpu.memory_space<hbm>>) dst(%dma_wait3A_49 : memref<64xi32, #tpu.memory_space<vmem>>)
      tpu.yield
    }) : () -> ()
    %dma_start3A_19 = arith.constant 0 : i32
    %dma_start3A_20 = arith.constant 0 : i32
    %dma_start3A_21 = tpu.memref_slice %arg3[%dma_start3A_19, %dma_start3A_20] : memref<100000x64xf32, #tpu.memory_space<hbm>> -> memref<100000x64xf32, #tpu.memory_space<hbm>>
    tpu.enqueue_indirect_dma source(%dma_start3A_21 : memref<100000x64xf32, #tpu.memory_space<hbm>>) target(%arg8 : memref<128x64xf32, #tpu.memory_space<vmem>>) offsets(%arg6 : memref<128xi32, #tpu.memory_space<vmem>>) semaphore(%arg10 : memref<!tpu.dma_semaphore, #tpu.memory_space<semaphore_mem>>)
    %scan3A = arith.constant 0 : i32
    %scan3A_22 = arith.constant 0 : i32
    %scan3A_23 = arith.constant 12 : i32
    %scan3A_24 = arith.addi %scan3A_22, %scan3A_23 : i32
    %scan3A_25 = arith.constant 1 : i32
    %scan3A_26 = scf.for %scan3A_39 = %scan3A_22 to %scan3A_24 step %scan3A_25 iter_args(%scan3A_40 = %scan3A) -> (i32)  : i32 {
      %mul3A_41 = arith.constant 2 : i32
      %mul3A_42 = arith.muli %scan3A_39, %mul3A_41 : i32
      %add3A_43 = arith.constant 0 : i32
      %add3A_44 = arith.addi %mul3A_42, %add3A_43 : i32
      %dma_wait3A_45 = arith.constant 0 : i32
      %dma_wait3A_46 = arith.constant 0 : i32
      %dma_wait3A_47 = tpu.memref_slice %arg3[%dma_wait3A_45, %dma_wait3A_46] : memref<100000x64xf32, #tpu.memory_space<hbm>> -> memref<100000x64xf32, #tpu.memory_space<hbm>>
      tpu.wait_indirect_dma semaphore(%arg9 : memref<!tpu.dma_semaphore, #tpu.memory_space<semaphore_mem>>) src(%dma_wait3A_47 : memref<100000x64xf32, #tpu.memory_space<hbm>>) dst(%arg7 : memref<128x64xf32, #tpu.memory_space<vmem>>)
      %scan3A_48 = arith.constant 0 : i32
      %scan3A_49 = arith.constant 0 : i32
      %scan3A_50 = arith.constant 8 : i32
      %scan3A_51 = arith.addi %scan3A_49, %scan3A_50 : i32
      %scan3A_52 = arith.constant 1 : i32
      %scan3A_53 = scf.for %scan3A_87 = %scan3A_49 to %scan3A_51 step %scan3A_52 iter_args(%scan3A_88 = %scan3A_48) -> (i32)  : i32 {
        %mul3A_89 = arith.constant 16 : i32
        %mul3A_90 = arith.muli %scan3A_87, %mul3A_89 : i32
        %get3A = arith.index_cast %mul3A_90 : i32 to index
        %get3A_91 = tpu.vector_load %arg5[%get3A] {strides = array<i32>} : memref<128xi32, #tpu.memory_space<vmem>>, vector<16xi32>,
        %eq3A = arith.constant 99999 : i32
        %eq3A_92 = vector.broadcast %eq3A : i32 to vector<16xi32>
        %eq3A_93 = arith.cmpi eq, %get3A_91, %eq3A_92 : vector<16xi32>
        %convert_element_type3A_94 = arith.extui %eq3A_93 : vector<16xi1> to vector<16xi32>
        %reduce_max3A = arith.constant true
        %reduce_max3A_95 = vector.broadcast %reduce_max3A : i1 to vector<16xi1>
        %reduce_max3A_96 = arith.constant -2147483648 : i32
        %reduce_max3A_97 = vector.broadcast %reduce_max3A_96 : i32 to vector<16xi32>
        %reduce_max3A_98 = arith.xori %convert_element_type3A_94, %reduce_max3A_97 : vector<16xi32>
        %reduce_max3A_99 = tpu.scan <max>, %reduce_max3A_98 masked %reduce_max3A_95 : vector<16xi32>, vector<16xi1> -> vector<16xi32>
        %reduce_max3A_100 = arith.xori %reduce_max3A_99, %reduce_max3A_97 : vector<16xi32>
        %reduce_max3A_101 = vector.extract %reduce_max3A_100[15] : i32 from vector<16xi32>
        %gt3A = arith.constant 0 : i32
        %gt3A_102 = arith.cmpi sgt, %reduce_max3A_101, %gt3A : i32
        %convert_element_type3A_103 = arith.extui %gt3A_102 : i1 to i32
        %cond3A_104 = arith.constant 0 : i32
        %cond3A_105 = arith.cmpi ne, %convert_element_type3A_103, %cond3A_104 : i32
        scf.if %cond3A_105 {
          %mul3A_107 = arith.constant 16 : i32
          %mul3A_108 = arith.muli %scan3A_87, %mul3A_107 : i32
          %add3A_109 = vector.broadcast %mul3A_108 : i32 to vector<16xi32>
          %add3A_110 = arith.addi %add3A_109, %iota3A : vector<16xi32>
          %scan3A_111 = arith.constant 0 : i32
          %scan3A_112 = arith.constant 0 : i32
          %scan3A_113 = arith.constant 64 : i32
          %scan3A_114 = arith.addi %scan3A_112, %scan3A_113 : i32
          %scan3A_115 = arith.constant 1 : i32
          %scan3A_116 = scf.for %scan3A_118 = %scan3A_112 to %scan3A_114 step %scan3A_115 iter_args(%scan3A_119 = %scan3A_111) -> (i32)  : i32 {
            %broadcast_in_dim3A = arith.constant 0 : i32
            %broadcast_in_dim3A_120 = vector.broadcast %broadcast_in_dim3A : i32 to vector<16xi32>
            %add3A_121 = vector.broadcast %scan3A_118 : i32 to vector<16xi32>
            %add3A_122 = arith.addi %broadcast_in_dim3A_120, %add3A_121 : vector<16xi32>
            %broadcast_in_dim3A_123 = arith.constant 0.000000e+00 : f32
            %broadcast_in_dim3A_124 = vector.broadcast %broadcast_in_dim3A_123 : f32 to vector<16xf32>
            tpu.vector_store_idx %arg7[%add3A_110, %add3A_122], %broadcast_in_dim3A_124 masked %eq3A_93 : memref<128x64xf32, #tpu.memory_space<vmem>>[vector<16xi32>, vector<16xi32>], vector<16xf32>, vector<16xi1>
            %scan3A_125 = arith.constant 0 : i32
            scf.yield %scan3A_125 : i32
          }
          %scan3A_117 = arith.constant 64 : i32
        } else {
        }
        %scan3A_106 = arith.constant 0 : i32
        scf.yield %scan3A_106 : i32
      }
      %scan3A_54 = arith.constant 8 : i32
      %mul3A_55 = arith.constant 64 : i32
      %mul3A_56 = arith.muli %add3A_44, %mul3A_55 : i32
      %add3A_57 = arith.addi %mul3A_8, %mul3A_56 : i32
      "tpu.region"() ({
        %run_scoped3A = tpu.sem_alloc : memref<!tpu.dma_semaphore, #tpu.memory_space<semaphore_mem>>
        %dma_start3A_87 = arith.constant 0 : i32
        %dma_start3A_88 = arith.constant 0 : i32
        %dma_start3A_89 = tpu.memref_slice %arg7[%dma_start3A_87, %dma_start3A_88] : memref<128x64xf32, #tpu.memory_space<vmem>> -> memref<64x64xf32, #tpu.memory_space<vmem>>
        %dma_start3A_90 = arith.constant 0 : i32
        %dma_start3A_91 = tpu.memref_slice %arg4[%add3A_57, %dma_start3A_90] : memref<51200x128xf32, #tpu.memory_space<hbm>> -> memref<64x64xf32, #tpu.memory_space<hbm>>
        %dma_start3A_92 = arith.constant 0 : i32
        %dma_start3A_93 = tpu.memref_slice %arg4[%add3A_57, %dma_start3A_92] : memref<51200x128xf32, #tpu.memory_space<hbm>> -> memref<64x64xf32, #tpu.memory_space<hbm>>
        %dma_start3A_94 = arith.constant 0 : i32
        %dma_start3A_95 = arith.constant 0 : i32
        %dma_start3A_96 = tpu.memref_slice %arg7[%dma_start3A_94, %dma_start3A_95] : memref<128x64xf32, #tpu.memory_space<vmem>> -> memref<64x64xf32, #tpu.memory_space<vmem>>
        tpu.enqueue_dma source(%dma_start3A_96 : memref<64x64xf32, #tpu.memory_space<vmem>>) target(%dma_start3A_93 : memref<64x64xf32, #tpu.memory_space<hbm>>) target_semaphore(%run_scoped3A : memref<!tpu.dma_semaphore, #tpu.memory_space<semaphore_mem>>)
        %dma_wait3A_97 = arith.constant 0 : i32
        %dma_wait3A_98 = arith.constant 0 : i32
        %dma_wait3A_99 = tpu.memref_slice %arg7[%dma_wait3A_97, %dma_wait3A_98] : memref<128x64xf32, #tpu.memory_space<vmem>> -> memref<64x64xf32, #tpu.memory_space<vmem>>
        %dma_wait3A_100 = arith.constant 0 : i32
        %dma_wait3A_101 = tpu.memref_slice %arg4[%add3A_57, %dma_wait3A_100] : memref<51200x128xf32, #tpu.memory_space<hbm>> -> memref<64x64xf32, #tpu.memory_space<hbm>>
        %dma_wait3A_102 = arith.constant 0 : i32
        %dma_wait3A_103 = tpu.memref_slice %arg4[%add3A_57, %dma_wait3A_102] : memref<51200x128xf32, #tpu.memory_space<hbm>> -> memref<64x64xf32, #tpu.memory_space<hbm>>
        %dma_wait3A_104 = arith.constant 0 : i32
        %dma_wait3A_105 = arith.constant 0 : i32
        %dma_wait3A_106 = tpu.memref_slice %arg7[%dma_wait3A_104, %dma_wait3A_105] : memref<128x64xf32, #tpu.memory_space<vmem>> -> memref<64x64xf32, #tpu.memory_space<vmem>>
        tpu.wait_dma2 semaphore(%run_scoped3A : memref<!tpu.dma_semaphore, #tpu.memory_space<semaphore_mem>>) src(%dma_wait3A_106 : memref<64x64xf32, #tpu.memory_space<vmem>>) dst(%dma_wait3A_103 : memref<64x64xf32, #tpu.memory_space<hbm>>)
        tpu.yield
      }) : () -> ()
      "tpu.region"() ({
        %run_scoped3A = tpu.sem_alloc : memref<!tpu.dma_semaphore, #tpu.memory_space<semaphore_mem>>
        %dma_start3A_87 = arith.constant 64 : i32
        %dma_start3A_88 = arith.constant 0 : i32
        %dma_start3A_89 = tpu.memref_slice %arg7[%dma_start3A_87, %dma_start3A_88] : memref<128x64xf32, #tpu.memory_space<vmem>> -> memref<64x64xf32, #tpu.memory_space<vmem>>
        %dma_start3A_90 = arith.constant 64 : i32
        %dma_start3A_91 = tpu.memref_slice %arg4[%add3A_57, %dma_start3A_90] : memref<51200x128xf32, #tpu.memory_space<hbm>> -> memref<64x64xf32, #tpu.memory_space<hbm>>
        %dma_start3A_92 = arith.constant 64 : i32
        %dma_start3A_93 = tpu.memref_slice %arg4[%add3A_57, %dma_start3A_92] : memref<51200x128xf32, #tpu.memory_space<hbm>> -> memref<64x64xf32, #tpu.memory_space<hbm>>
        %dma_start3A_94 = arith.constant 64 : i32
        %dma_start3A_95 = arith.constant 0 : i32
        %dma_start3A_96 = tpu.memref_slice %arg7[%dma_start3A_94, %dma_start3A_95] : memref<128x64xf32, #tpu.memory_space<vmem>> -> memref<64x64xf32, #tpu.memory_space<vmem>>
        tpu.enqueue_dma source(%dma_start3A_96 : memref<64x64xf32, #tpu.memory_space<vmem>>) target(%dma_start3A_93 : memref<64x64xf32, #tpu.memory_space<hbm>>) target_semaphore(%run_scoped3A : memref<!tpu.dma_semaphore, #tpu.memory_space<semaphore_mem>>)
        %dma_wait3A_97 = arith.constant 64 : i32
        %dma_wait3A_98 = arith.constant 0 : i32
        %dma_wait3A_99 = tpu.memref_slice %arg7[%dma_wait3A_97, %dma_wait3A_98] : memref<128x64xf32, #tpu.memory_space<vmem>> -> memref<64x64xf32, #tpu.memory_space<vmem>>
        %dma_wait3A_100 = arith.constant 64 : i32
        %dma_wait3A_101 = tpu.memref_slice %arg4[%add3A_57, %dma_wait3A_100] : memref<51200x128xf32, #tpu.memory_space<hbm>> -> memref<64x64xf32, #tpu.memory_space<hbm>>
        %dma_wait3A_102 = arith.constant 64 : i32
        %dma_wait3A_103 = tpu.memref_slice %arg4[%add3A_57, %dma_wait3A_102] : memref<51200x128xf32, #tpu.memory_space<hbm>> -> memref<64x64xf32, #tpu.memory_space<hbm>>
        %dma_wait3A_104 = arith.constant 64 : i32
        %dma_wait3A_105 = arith.constant 0 : i32
        %dma_wait3A_106 = tpu.memref_slice %arg7[%dma_wait3A_104, %dma_wait3A_105] : memref<128x64xf32, #tpu.memory_space<vmem>> -> memref<64x64xf32, #tpu.memory_space<vmem>>
        tpu.wait_dma2 semaphore(%run_scoped3A : memref<!tpu.dma_semaphore, #tpu.memory_space<semaphore_mem>>) src(%dma_wait3A_106 : memref<64x64xf32, #tpu.memory_space<vmem>>) dst(%dma_wait3A_103 : memref<64x64xf32, #tpu.memory_space<hbm>>)
        tpu.yield
      }) : () -> ()
      %add3A_58 = arith.constant 2 : i32
      %add3A_59 = arith.addi %add3A_44, %add3A_58 : i32
      %lt3A = arith.constant 25 : i32
      %lt3A_60 = arith.cmpi slt, %add3A_59, %lt3A : i32
      %convert_element_type3A = arith.extui %lt3A_60 : i1 to i32
      %cond3A = arith.constant 0 : i32
      %cond3A_61 = arith.cmpi ne, %convert_element_type3A, %cond3A : i32
      scf.if %cond3A_61 {
        %add3A_87 = arith.constant 2 : i32
        %add3A_88 = arith.addi %add3A_44, %add3A_87 : i32
        %mul3A_89 = arith.constant 64 : i32
        %mul3A_90 = arith.muli %add3A_88, %mul3A_89 : i32
        %add3A_91 = arith.addi %add3A_4, %mul3A_90 : i32
        "tpu.region"() ({
          %run_scoped3A = tpu.sem_alloc : memref<!tpu.dma_semaphore, #tpu.memory_space<semaphore_mem>>
          %dma_start3A_98 = arith.constant 0 : i32
          %dma_start3A_99 = tpu.memref_slice %arg5[%dma_start3A_98] : memref<128xi32, #tpu.memory_space<vmem>> -> memref<64xi32, #tpu.memory_space<vmem>>
          %dma_start3A_100 = tpu.memref_slice %arg2[%add3A_91] : memref<204800xi32, #tpu.memory_space<hbm>> -> memref<64xi32, #tpu.memory_space<hbm>>
          %dma_start3A_101 = arith.constant 0 : i32
          %dma_start3A_102 = tpu.memref_slice %arg5[%dma_start3A_101] : memref<128xi32, #tpu.memory_space<vmem>> -> memref<64xi32, #tpu.memory_space<vmem>>
          %dma_start3A_103 = tpu.memref_slice %arg2[%add3A_91] : memref<204800xi32, #tpu.memory_space<hbm>> -> memref<64xi32, #tpu.memory_space<hbm>>
          tpu.enqueue_dma source(%dma_start3A_103 : memref<64xi32, #tpu.memory_space<hbm>>) target(%dma_start3A_102 : memref<64xi32, #tpu.memory_space<vmem>>) target_semaphore(%run_scoped3A : memref<!tpu.dma_semaphore, #tpu.memory_space<semaphore_mem>>)
          %dma_wait3A_104 = arith.constant 0 : i32
          %dma_wait3A_105 = tpu.memref_slice %arg5[%dma_wait3A_104] : memref<128xi32, #tpu.memory_space<vmem>> -> memref<64xi32, #tpu.memory_space<vmem>>
          %dma_wait3A_106 = tpu.memref_slice %arg2[%add3A_91] : memref<204800xi32, #tpu.memory_space<hbm>> -> memref<64xi32, #tpu.memory_space<hbm>>
          %dma_wait3A_107 = arith.constant 0 : i32
          %dma_wait3A_108 = tpu.memref_slice %arg5[%dma_wait3A_107] : memref<128xi32, #tpu.memory_space<vmem>> -> memref<64xi32, #tpu.memory_space<vmem>>
          %dma_wait3A_109 = tpu.memref_slice %arg2[%add3A_91] : memref<204800xi32, #tpu.memory_space<hbm>> -> memref<64xi32, #tpu.memory_space<hbm>>
          tpu.wait_dma2 semaphore(%run_scoped3A : memref<!tpu.dma_semaphore, #tpu.memory_space<semaphore_mem>>) src(%dma_wait3A_109 : memref<64xi32, #tpu.memory_space<hbm>>) dst(%dma_wait3A_108 : memref<64xi32, #tpu.memory_space<vmem>>)
          tpu.yield
        }) : () -> ()
        %mul3A_92 = arith.constant 64 : i32
        %mul3A_93 = arith.muli %add3A_88, %mul3A_92 : i32
        %add3A_94 = arith.addi %add3A_6, %mul3A_93 : i32
        "tpu.region"() ({
          %run_scoped3A = tpu.sem_alloc : memref<!tpu.dma_semaphore, #tpu.memory_space<semaphore_mem>>
          %dma_start3A_98 = arith.constant 64 : i32
          %dma_start3A_99 = tpu.memref_slice %arg5[%dma_start3A_98] : memref<128xi32, #tpu.memory_space<vmem>> -> memref<64xi32, #tpu.memory_space<vmem>>
          %dma_start3A_100 = tpu.memref_slice %arg2[%add3A_94] : memref<204800xi32, #tpu.memory_space<hbm>> -> memref<64xi32, #tpu.memory_space<hbm>>
          %dma_start3A_101 = arith.constant 64 : i32
          %dma_start3A_102 = tpu.memref_slice %arg5[%dma_start3A_101] : memref<128xi32, #tpu.memory_space<vmem>> -> memref<64xi32, #tpu.memory_space<vmem>>
          %dma_start3A_103 = tpu.memref_slice %arg2[%add3A_94] : memref<204800xi32, #tpu.memory_space<hbm>> -> memref<64xi32, #tpu.memory_space<hbm>>
          tpu.enqueue_dma source(%dma_start3A_103 : memref<64xi32, #tpu.memory_space<hbm>>) target(%dma_start3A_102 : memref<64xi32, #tpu.memory_space<vmem>>) target_semaphore(%run_scoped3A : memref<!tpu.dma_semaphore, #tpu.memory_space<semaphore_mem>>)
          %dma_wait3A_104 = arith.constant 64 : i32
          %dma_wait3A_105 = tpu.memref_slice %arg5[%dma_wait3A_104] : memref<128xi32, #tpu.memory_space<vmem>> -> memref<64xi32, #tpu.memory_space<vmem>>
          %dma_wait3A_106 = tpu.memref_slice %arg2[%add3A_94] : memref<204800xi32, #tpu.memory_space<hbm>> -> memref<64xi32, #tpu.memory_space<hbm>>
          %dma_wait3A_107 = arith.constant 64 : i32
          %dma_wait3A_108 = tpu.memref_slice %arg5[%dma_wait3A_107] : memref<128xi32, #tpu.memory_space<vmem>> -> memref<64xi32, #tpu.memory_space<vmem>>
          %dma_wait3A_109 = tpu.memref_slice %arg2[%add3A_94] : memref<204800xi32, #tpu.memory_space<hbm>> -> memref<64xi32, #tpu.memory_space<hbm>>
          tpu.wait_dma2 semaphore(%run_scoped3A : memref<!tpu.dma_semaphore, #tpu.memory_space<semaphore_mem>>) src(%dma_wait3A_109 : memref<64xi32, #tpu.memory_space<hbm>>) dst(%dma_wait3A_108 : memref<64xi32, #tpu.memory_space<vmem>>)
          tpu.yield
        }) : () -> ()
        %dma_start3A_95 = arith.constant 0 : i32
        %dma_start3A_96 = arith.constant 0 : i32
        %dma_start3A_97 = tpu.memref_slice %arg3[%dma_start3A_95, %dma_start3A_96] : memref<100000x64xf32, #tpu.memory_space<hbm>> -> memref<100000x64xf32, #tpu.memory_space<hbm>>
        tpu.enqueue_indirect_dma source(%dma_start3A_97 : memref<100000x64xf32, #tpu.memory_space<hbm>>) target(%arg7 : memref<128x64xf32, #tpu.memory_space<vmem>>) offsets(%arg5 : memref<128xi32, #tpu.memory_space<vmem>>) semaphore(%arg9 : memref<!tpu.dma_semaphore, #tpu.memory_space<semaphore_mem>>)
      } else {
      }
      %mul3A_62 = arith.constant 2 : i32
      %mul3A_63 = arith.muli %scan3A_39, %mul3A_62 : i32
      %add3A_64 = arith.constant 1 : i32
      %add3A_65 = arith.addi %mul3A_63, %add3A_64 : i32
      %dma_wait3A_66 = arith.constant 0 : i32
      %dma_wait3A_67 = arith.constant 0 : i32
      %dma_wait3A_68 = tpu.memref_slice %arg3[%dma_wait3A_66, %dma_wait3A_67] : memref<100000x64xf32, #tpu.memory_space<hbm>> -> memref<100000x64xf32, #tpu.memory_space<hbm>>
      tpu.wait_indirect_dma semaphore(%arg10 : memref<!tpu.dma_semaphore, #tpu.memory_space<semaphore_mem>>) src(%dma_wait3A_68 : memref<100000x64xf32, #tpu.memory_space<hbm>>) dst(%arg8 : memref<128x64xf32, #tpu.memory_space<vmem>>)
      %scan3A_69 = arith.constant 0 : i32
      %scan3A_70 = arith.constant 0 : i32
      %scan3A_71 = arith.constant 8 : i32
      %scan3A_72 = arith.addi %scan3A_70, %scan3A_71 : i32
      %scan3A_73 = arith.constant 1 : i32
      %scan3A_74 = scf.for %scan3A_87 = %scan3A_70 to %scan3A_72 step %scan3A_73 iter_args(%scan3A_88 = %scan3A_69) -> (i32)  : i32 {
        %mul3A_89 = arith.constant 16 : i32
        %mul3A_90 = arith.muli %scan3A_87, %mul3A_89 : i32
        %get3A = arith.index_cast %mul3A_90 : i32 to index
        %get3A_91 = tpu.vector_load %arg6[%get3A] {strides = array<i32>} : memref<128xi32, #tpu.memory_space<vmem>>, vector<16xi32>,
        %eq3A = arith.constant 99999 : i32
        %eq3A_92 = vector.broadcast %eq3A : i32 to vector<16xi32>
        %eq3A_93 = arith.cmpi eq, %get3A_91, %eq3A_92 : vector<16xi32>
        %convert_element_type3A_94 = arith.extui %eq3A_93 : vector<16xi1> to vector<16xi32>
        %reduce_max3A = arith.constant true
        %reduce_max3A_95 = vector.broadcast %reduce_max3A : i1 to vector<16xi1>
        %reduce_max3A_96 = arith.constant -2147483648 : i32
        %reduce_max3A_97 = vector.broadcast %reduce_max3A_96 : i32 to vector<16xi32>
        %reduce_max3A_98 = arith.xori %convert_element_type3A_94, %reduce_max3A_97 : vector<16xi32>
        %reduce_max3A_99 = tpu.scan <max>, %reduce_max3A_98 masked %reduce_max3A_95 : vector<16xi32>, vector<16xi1> -> vector<16xi32>
        %reduce_max3A_100 = arith.xori %reduce_max3A_99, %reduce_max3A_97 : vector<16xi32>
        %reduce_max3A_101 = vector.extract %reduce_max3A_100[15] : i32 from vector<16xi32>
        %gt3A = arith.constant 0 : i32
        %gt3A_102 = arith.cmpi sgt, %reduce_max3A_101, %gt3A : i32
        %convert_element_type3A_103 = arith.extui %gt3A_102 : i1 to i32
        %cond3A_104 = arith.constant 0 : i32
        %cond3A_105 = arith.cmpi ne, %convert_element_type3A_103, %cond3A_104 : i32
        scf.if %cond3A_105 {
          %mul3A_107 = arith.constant 16 : i32
          %mul3A_108 = arith.muli %scan3A_87, %mul3A_107 : i32
          %add3A_109 = vector.broadcast %mul3A_108 : i32 to vector<16xi32>
          %add3A_110 = arith.addi %add3A_109, %iota3A : vector<16xi32>
          %scan3A_111 = arith.constant 0 : i32
          %scan3A_112 = arith.constant 0 : i32
          %scan3A_113 = arith.constant 64 : i32
          %scan3A_114 = arith.addi %scan3A_112, %scan3A_113 : i32
          %scan3A_115 = arith.constant 1 : i32
          %scan3A_116 = scf.for %scan3A_118 = %scan3A_112 to %scan3A_114 step %scan3A_115 iter_args(%scan3A_119 = %scan3A_111) -> (i32)  : i32 {
            %broadcast_in_dim3A = arith.constant 0 : i32
            %broadcast_in_dim3A_120 = vector.broadcast %broadcast_in_dim3A : i32 to vector<16xi32>
            %add3A_121 = vector.broadcast %scan3A_118 : i32 to vector<16xi32>
            %add3A_122 = arith.addi %broadcast_in_dim3A_120, %add3A_121 : vector<16xi32>
            %broadcast_in_dim3A_123 = arith.constant 0.000000e+00 : f32
            %broadcast_in_dim3A_124 = vector.broadcast %broadcast_in_dim3A_123 : f32 to vector<16xf32>
            tpu.vector_store_idx %arg8[%add3A_110, %add3A_122], %broadcast_in_dim3A_124 masked %eq3A_93 : memref<128x64xf32, #tpu.memory_space<vmem>>[vector<16xi32>, vector<16xi32>], vector<16xf32>, vector<16xi1>
            %scan3A_125 = arith.constant 0 : i32
            scf.yield %scan3A_125 : i32
          }
          %scan3A_117 = arith.constant 64 : i32
        } else {
        }
        %scan3A_106 = arith.constant 0 : i32
        scf.yield %scan3A_106 : i32
      }
      %scan3A_75 = arith.constant 8 : i32
      %mul3A_76 = arith.constant 64 : i32
      %mul3A_77 = arith.muli %add3A_65, %mul3A_76 : i32
      %add3A_78 = arith.addi %mul3A_8, %mul3A_77 : i32
      "tpu.region"() ({
        %run_scoped3A = tpu.sem_alloc : memref<!tpu.dma_semaphore, #tpu.memory_space<semaphore_mem>>
        %dma_start3A_87 = arith.constant 0 : i32
        %dma_start3A_88 = arith.constant 0 : i32
        %dma_start3A_89 = tpu.memref_slice %arg8[%dma_start3A_87, %dma_start3A_88] : memref<128x64xf32, #tpu.memory_space<vmem>> -> memref<64x64xf32, #tpu.memory_space<vmem>>
        %dma_start3A_90 = arith.constant 0 : i32
        %dma_start3A_91 = tpu.memref_slice %arg4[%add3A_78, %dma_start3A_90] : memref<51200x128xf32, #tpu.memory_space<hbm>> -> memref<64x64xf32, #tpu.memory_space<hbm>>
        %dma_start3A_92 = arith.constant 0 : i32
        %dma_start3A_93 = tpu.memref_slice %arg4[%add3A_78, %dma_start3A_92] : memref<51200x128xf32, #tpu.memory_space<hbm>> -> memref<64x64xf32, #tpu.memory_space<hbm>>
        %dma_start3A_94 = arith.constant 0 : i32
        %dma_start3A_95 = arith.constant 0 : i32
        %dma_start3A_96 = tpu.memref_slice %arg8[%dma_start3A_94, %dma_start3A_95] : memref<128x64xf32, #tpu.memory_space<vmem>> -> memref<64x64xf32, #tpu.memory_space<vmem>>
        tpu.enqueue_dma source(%dma_start3A_96 : memref<64x64xf32, #tpu.memory_space<vmem>>) target(%dma_start3A_93 : memref<64x64xf32, #tpu.memory_space<hbm>>) target_semaphore(%run_scoped3A : memref<!tpu.dma_semaphore, #tpu.memory_space<semaphore_mem>>)
        %dma_wait3A_97 = arith.constant 0 : i32
        %dma_wait3A_98 = arith.constant 0 : i32
        %dma_wait3A_99 = tpu.memref_slice %arg8[%dma_wait3A_97, %dma_wait3A_98] : memref<128x64xf32, #tpu.memory_space<vmem>> -> memref<64x64xf32, #tpu.memory_space<vmem>>
        %dma_wait3A_100 = arith.constant 0 : i32
        %dma_wait3A_101 = tpu.memref_slice %arg4[%add3A_78, %dma_wait3A_100] : memref<51200x128xf32, #tpu.memory_space<hbm>> -> memref<64x64xf32, #tpu.memory_space<hbm>>
        %dma_wait3A_102 = arith.constant 0 : i32
        %dma_wait3A_103 = tpu.memref_slice %arg4[%add3A_78, %dma_wait3A_102] : memref<51200x128xf32, #tpu.memory_space<hbm>> -> memref<64x64xf32, #tpu.memory_space<hbm>>
        %dma_wait3A_104 = arith.constant 0 : i32
        %dma_wait3A_105 = arith.constant 0 : i32
        %dma_wait3A_106 = tpu.memref_slice %arg8[%dma_wait3A_104, %dma_wait3A_105] : memref<128x64xf32, #tpu.memory_space<vmem>> -> memref<64x64xf32, #tpu.memory_space<vmem>>
        tpu.wait_dma2 semaphore(%run_scoped3A : memref<!tpu.dma_semaphore, #tpu.memory_space<semaphore_mem>>) src(%dma_wait3A_106 : memref<64x64xf32, #tpu.memory_space<vmem>>) dst(%dma_wait3A_103 : memref<64x64xf32, #tpu.memory_space<hbm>>)
        tpu.yield
      }) : () -> ()
      "tpu.region"() ({
        %run_scoped3A = tpu.sem_alloc : memref<!tpu.dma_semaphore, #tpu.memory_space<semaphore_mem>>
        %dma_start3A_87 = arith.constant 64 : i32
        %dma_start3A_88 = arith.constant 0 : i32
        %dma_start3A_89 = tpu.memref_slice %arg8[%dma_start3A_87, %dma_start3A_88] : memref<128x64xf32, #tpu.memory_space<vmem>> -> memref<64x64xf32, #tpu.memory_space<vmem>>
        %dma_start3A_90 = arith.constant 64 : i32
        %dma_start3A_91 = tpu.memref_slice %arg4[%add3A_78, %dma_start3A_90] : memref<51200x128xf32, #tpu.memory_space<hbm>> -> memref<64x64xf32, #tpu.memory_space<hbm>>
        %dma_start3A_92 = arith.constant 64 : i32
        %dma_start3A_93 = tpu.memref_slice %arg4[%add3A_78, %dma_start3A_92] : memref<51200x128xf32, #tpu.memory_space<hbm>> -> memref<64x64xf32, #tpu.memory_space<hbm>>
        %dma_start3A_94 = arith.constant 64 : i32
        %dma_start3A_95 = arith.constant 0 : i32
        %dma_start3A_96 = tpu.memref_slice %arg8[%dma_start3A_94, %dma_start3A_95] : memref<128x64xf32, #tpu.memory_space<vmem>> -> memref<64x64xf32, #tpu.memory_space<vmem>>
        tpu.enqueue_dma source(%dma_start3A_96 : memref<64x64xf32, #tpu.memory_space<vmem>>) target(%dma_start3A_93 : memref<64x64xf32, #tpu.memory_space<hbm>>) target_semaphore(%run_scoped3A : memref<!tpu.dma_semaphore, #tpu.memory_space<semaphore_mem>>)
        %dma_wait3A_97 = arith.constant 64 : i32
        %dma_wait3A_98 = arith.constant 0 : i32
        %dma_wait3A_99 = tpu.memref_slice %arg8[%dma_wait3A_97, %dma_wait3A_98] : memref<128x64xf32, #tpu.memory_space<vmem>> -> memref<64x64xf32, #tpu.memory_space<vmem>>
        %dma_wait3A_100 = arith.constant 64 : i32
        %dma_wait3A_101 = tpu.memref_slice %arg4[%add3A_78, %dma_wait3A_100] : memref<51200x128xf32, #tpu.memory_space<hbm>> -> memref<64x64xf32, #tpu.memory_space<hbm>>
        %dma_wait3A_102 = arith.constant 64 : i32
        %dma_wait3A_103 = tpu.memref_slice %arg4[%add3A_78, %dma_wait3A_102] : memref<51200x128xf32, #tpu.memory_space<hbm>> -> memref<64x64xf32, #tpu.memory_space<hbm>>
        %dma_wait3A_104 = arith.constant 64 : i32
        %dma_wait3A_105 = arith.constant 0 : i32
        %dma_wait3A_106 = tpu.memref_slice %arg8[%dma_wait3A_104, %dma_wait3A_105] : memref<128x64xf32, #tpu.memory_space<vmem>> -> memref<64x64xf32, #tpu.memory_space<vmem>>
        tpu.wait_dma2 semaphore(%run_scoped3A : memref<!tpu.dma_semaphore, #tpu.memory_space<semaphore_mem>>) src(%dma_wait3A_106 : memref<64x64xf32, #tpu.memory_space<vmem>>) dst(%dma_wait3A_103 : memref<64x64xf32, #tpu.memory_space<hbm>>)
        tpu.yield
      }) : () -> ()
      %add3A_79 = arith.constant 2 : i32
      %add3A_80 = arith.addi %add3A_65, %add3A_79 : i32
      %lt3A_81 = arith.constant 25 : i32
      %lt3A_82 = arith.cmpi slt, %add3A_80, %lt3A_81 : i32
      %convert_element_type3A_83 = arith.extui %lt3A_82 : i1 to i32
      %cond3A_84 = arith.constant 0 : i32
      %cond3A_85 = arith.cmpi ne, %convert_element_type3A_83, %cond3A_84 : i32
      scf.if %cond3A_85 {
        %add3A_87 = arith.constant 2 : i32
        %add3A_88 = arith.addi %add3A_65, %add3A_87 : i32
        %mul3A_89 = arith.constant 64 : i32
        %mul3A_90 = arith.muli %add3A_88, %mul3A_89 : i32
        %add3A_91 = arith.addi %add3A_4, %mul3A_90 : i32
        "tpu.region"() ({
          %run_scoped3A = tpu.sem_alloc : memref<!tpu.dma_semaphore, #tpu.memory_space<semaphore_mem>>
          %dma_start3A_98 = arith.constant 0 : i32
          %dma_start3A_99 = tpu.memref_slice %arg6[%dma_start3A_98] : memref<128xi32, #tpu.memory_space<vmem>> -> memref<64xi32, #tpu.memory_space<vmem>>
          %dma_start3A_100 = tpu.memref_slice %arg2[%add3A_91] : memref<204800xi32, #tpu.memory_space<hbm>> -> memref<64xi32, #tpu.memory_space<hbm>>
          %dma_start3A_101 = arith.constant 0 : i32
          %dma_start3A_102 = tpu.memref_slice %arg6[%dma_start3A_101] : memref<128xi32, #tpu.memory_space<vmem>> -> memref<64xi32, #tpu.memory_space<vmem>>
          %dma_start3A_103 = tpu.memref_slice %arg2[%add3A_91] : memref<204800xi32, #tpu.memory_space<hbm>> -> memref<64xi32, #tpu.memory_space<hbm>>
          tpu.enqueue_dma source(%dma_start3A_103 : memref<64xi32, #tpu.memory_space<hbm>>) target(%dma_start3A_102 : memref<64xi32, #tpu.memory_space<vmem>>) target_semaphore(%run_scoped3A : memref<!tpu.dma_semaphore, #tpu.memory_space<semaphore_mem>>)
          %dma_wait3A_104 = arith.constant 0 : i32
          %dma_wait3A_105 = tpu.memref_slice %arg6[%dma_wait3A_104] : memref<128xi32, #tpu.memory_space<vmem>> -> memref<64xi32, #tpu.memory_space<vmem>>
          %dma_wait3A_106 = tpu.memref_slice %arg2[%add3A_91] : memref<204800xi32, #tpu.memory_space<hbm>> -> memref<64xi32, #tpu.memory_space<hbm>>
          %dma_wait3A_107 = arith.constant 0 : i32
          %dma_wait3A_108 = tpu.memref_slice %arg6[%dma_wait3A_107] : memref<128xi32, #tpu.memory_space<vmem>> -> memref<64xi32, #tpu.memory_space<vmem>>
          %dma_wait3A_109 = tpu.memref_slice %arg2[%add3A_91] : memref<204800xi32, #tpu.memory_space<hbm>> -> memref<64xi32, #tpu.memory_space<hbm>>
          tpu.wait_dma2 semaphore(%run_scoped3A : memref<!tpu.dma_semaphore, #tpu.memory_space<semaphore_mem>>) src(%dma_wait3A_109 : memref<64xi32, #tpu.memory_space<hbm>>) dst(%dma_wait3A_108 : memref<64xi32, #tpu.memory_space<vmem>>)
          tpu.yield
        }) : () -> ()
        %mul3A_92 = arith.constant 64 : i32
        %mul3A_93 = arith.muli %add3A_88, %mul3A_92 : i32
        %add3A_94 = arith.addi %add3A_6, %mul3A_93 : i32
        "tpu.region"() ({
          %run_scoped3A = tpu.sem_alloc : memref<!tpu.dma_semaphore, #tpu.memory_space<semaphore_mem>>
          %dma_start3A_98 = arith.constant 64 : i32
          %dma_start3A_99 = tpu.memref_slice %arg6[%dma_start3A_98] : memref<128xi32, #tpu.memory_space<vmem>> -> memref<64xi32, #tpu.memory_space<vmem>>
          %dma_start3A_100 = tpu.memref_slice %arg2[%add3A_94] : memref<204800xi32, #tpu.memory_space<hbm>> -> memref<64xi32, #tpu.memory_space<hbm>>
          %dma_start3A_101 = arith.constant 64 : i32
          %dma_start3A_102 = tpu.memref_slice %arg6[%dma_start3A_101] : memref<128xi32, #tpu.memory_space<vmem>> -> memref<64xi32, #tpu.memory_space<vmem>>
          %dma_start3A_103 = tpu.memref_slice %arg2[%add3A_94] : memref<204800xi32, #tpu.memory_space<hbm>> -> memref<64xi32, #tpu.memory_space<hbm>>
          tpu.enqueue_dma source(%dma_start3A_103 : memref<64xi32, #tpu.memory_space<hbm>>) target(%dma_start3A_102 : memref<64xi32, #tpu.memory_space<vmem>>) target_semaphore(%run_scoped3A : memref<!tpu.dma_semaphore, #tpu.memory_space<semaphore_mem>>)
          %dma_wait3A_104 = arith.constant 64 : i32
          %dma_wait3A_105 = tpu.memref_slice %arg6[%dma_wait3A_104] : memref<128xi32, #tpu.memory_space<vmem>> -> memref<64xi32, #tpu.memory_space<vmem>>
          %dma_wait3A_106 = tpu.memref_slice %arg2[%add3A_94] : memref<204800xi32, #tpu.memory_space<hbm>> -> memref<64xi32, #tpu.memory_space<hbm>>
          %dma_wait3A_107 = arith.constant 64 : i32
          %dma_wait3A_108 = tpu.memref_slice %arg6[%dma_wait3A_107] : memref<128xi32, #tpu.memory_space<vmem>> -> memref<64xi32, #tpu.memory_space<vmem>>
          %dma_wait3A_109 = tpu.memref_slice %arg2[%add3A_94] : memref<204800xi32, #tpu.memory_space<hbm>> -> memref<64xi32, #tpu.memory_space<hbm>>
          tpu.wait_dma2 semaphore(%run_scoped3A : memref<!tpu.dma_semaphore, #tpu.memory_space<semaphore_mem>>) src(%dma_wait3A_109 : memref<64xi32, #tpu.memory_space<hbm>>) dst(%dma_wait3A_108 : memref<64xi32, #tpu.memory_space<vmem>>)
          tpu.yield
        }) : () -> ()
        %dma_start3A_95 = arith.constant 0 : i32
        %dma_start3A_96 = arith.constant 0 : i32
        %dma_start3A_97 = tpu.memref_slice %arg3[%dma_start3A_95, %dma_start3A_96] : memref<100000x64xf32, #tpu.memory_space<hbm>> -> memref<100000x64xf32, #tpu.memory_space<hbm>>
        tpu.enqueue_indirect_dma source(%dma_start3A_97 : memref<100000x64xf32, #tpu.memory_space<hbm>>) target(%arg8 : memref<128x64xf32, #tpu.memory_space<vmem>>) offsets(%arg6 : memref<128xi32, #tpu.memory_space<vmem>>) semaphore(%arg10 : memref<!tpu.dma_semaphore, #tpu.memory_space<semaphore_mem>>)
      } else {
      }
      %scan3A_86 = arith.constant 0 : i32
      scf.yield %scan3A_86 : i32
    }
    %scan3A_27 = arith.constant 12 : i32
    %dma_wait3A = arith.constant 0 : i32
    %dma_wait3A_28 = arith.constant 0 : i32
    %dma_wait3A_29 = tpu.memref_slice %arg3[%dma_wait3A, %dma_wait3A_28] : memref<100000x64xf32, #tpu.memory_space<hbm>> -> memref<100000x64xf32, #tpu.memory_space<hbm>>
    tpu.wait_indirect_dma semaphore(%arg9 : memref<!tpu.dma_semaphore, #tpu.memory_space<semaphore_mem>>) src(%dma_wait3A_29 : memref<100000x64xf32, #tpu.memory_space<hbm>>) dst(%arg7 : memref<128x64xf32, #tpu.memory_space<vmem>>)
    %scan3A_30 = arith.constant 0 : i32
    %scan3A_31 = arith.constant 0 : i32
    %scan3A_32 = arith.constant 8 : i32
    %scan3A_33 = arith.addi %scan3A_31, %scan3A_32 : i32
    %scan3A_34 = arith.constant 1 : i32
    %scan3A_35 = scf.for %scan3A_39 = %scan3A_31 to %scan3A_33 step %scan3A_34 iter_args(%scan3A_40 = %scan3A_30) -> (i32)  : i32 {
      %mul3A_41 = arith.constant 16 : i32
      %mul3A_42 = arith.muli %scan3A_39, %mul3A_41 : i32
      %get3A = arith.index_cast %mul3A_42 : i32 to index
      %get3A_43 = tpu.vector_load %arg5[%get3A] {strides = array<i32>} : memref<128xi32, #tpu.memory_space<vmem>>, vector<16xi32>,
      %eq3A = arith.constant 99999 : i32
      %eq3A_44 = vector.broadcast %eq3A : i32 to vector<16xi32>
      %eq3A_45 = arith.cmpi eq, %get3A_43, %eq3A_44 : vector<16xi32>
      %convert_element_type3A = arith.extui %eq3A_45 : vector<16xi1> to vector<16xi32>
      %reduce_max3A = arith.constant true
      %reduce_max3A_46 = vector.broadcast %reduce_max3A : i1 to vector<16xi1>
      %reduce_max3A_47 = arith.constant -2147483648 : i32
      %reduce_max3A_48 = vector.broadcast %reduce_max3A_47 : i32 to vector<16xi32>
      %reduce_max3A_49 = arith.xori %convert_element_type3A, %reduce_max3A_48 : vector<16xi32>
      %reduce_max3A_50 = tpu.scan <max>, %reduce_max3A_49 masked %reduce_max3A_46 : vector<16xi32>, vector<16xi1> -> vector<16xi32>
      %reduce_max3A_51 = arith.xori %reduce_max3A_50, %reduce_max3A_48 : vector<16xi32>
      %reduce_max3A_52 = vector.extract %reduce_max3A_51[15] : i32 from vector<16xi32>
      %gt3A = arith.constant 0 : i32
      %gt3A_53 = arith.cmpi sgt, %reduce_max3A_52, %gt3A : i32
      %convert_element_type3A_54 = arith.extui %gt3A_53 : i1 to i32
      %cond3A = arith.constant 0 : i32
      %cond3A_55 = arith.cmpi ne, %convert_element_type3A_54, %cond3A : i32
      scf.if %cond3A_55 {
        %mul3A_57 = arith.constant 16 : i32
        %mul3A_58 = arith.muli %scan3A_39, %mul3A_57 : i32
        %add3A_59 = vector.broadcast %mul3A_58 : i32 to vector<16xi32>
        %add3A_60 = arith.addi %add3A_59, %iota3A : vector<16xi32>
        %scan3A_61 = arith.constant 0 : i32
        %scan3A_62 = arith.constant 0 : i32
        %scan3A_63 = arith.constant 64 : i32
        %scan3A_64 = arith.addi %scan3A_62, %scan3A_63 : i32
        %scan3A_65 = arith.constant 1 : i32
        %scan3A_66 = scf.for %scan3A_68 = %scan3A_62 to %scan3A_64 step %scan3A_65 iter_args(%scan3A_69 = %scan3A_61) -> (i32)  : i32 {
          %broadcast_in_dim3A = arith.constant 0 : i32
          %broadcast_in_dim3A_70 = vector.broadcast %broadcast_in_dim3A : i32 to vector<16xi32>
          %add3A_71 = vector.broadcast %scan3A_68 : i32 to vector<16xi32>
          %add3A_72 = arith.addi %broadcast_in_dim3A_70, %add3A_71 : vector<16xi32>
          %broadcast_in_dim3A_73 = arith.constant 0.000000e+00 : f32
          %broadcast_in_dim3A_74 = vector.broadcast %broadcast_in_dim3A_73 : f32 to vector<16xf32>
          tpu.vector_store_idx %arg7[%add3A_60, %add3A_72], %broadcast_in_dim3A_74 masked %eq3A_45 : memref<128x64xf32, #tpu.memory_space<vmem>>[vector<16xi32>, vector<16xi32>], vector<16xf32>, vector<16xi1>
          %scan3A_75 = arith.constant 0 : i32
          scf.yield %scan3A_75 : i32
        }
        %scan3A_67 = arith.constant 64 : i32
      } else {
      }
      %scan3A_56 = arith.constant 0 : i32
      scf.yield %scan3A_56 : i32
    }
    %scan3A_36 = arith.constant 8 : i32
    %add3A_37 = arith.constant 1536 : i32
    %add3A_38 = arith.addi %mul3A_8, %add3A_37 : i32
    "tpu.region"() ({
      %run_scoped3A = tpu.sem_alloc : memref<!tpu.dma_semaphore, #tpu.memory_space<semaphore_mem>>
      %dma_start3A_39 = arith.constant 0 : i32
      %dma_start3A_40 = arith.constant 0 : i32
      %dma_start3A_41 = tpu.memref_slice %arg7[%dma_start3A_39, %dma_start3A_40] : memref<128x64xf32, #tpu.memory_space<vmem>> -> memref<64x64xf32, #tpu.memory_space<vmem>>
      %dma_start3A_42 = arith.constant 0 : i32
      %dma_start3A_43 = tpu.memref_slice %arg4[%add3A_38, %dma_start3A_42] : memref<51200x128xf32, #tpu.memory_space<hbm>> -> memref<64x64xf32, #tpu.memory_space<hbm>>
      %dma_start3A_44 = arith.constant 0 : i32
      %dma_start3A_45 = tpu.memref_slice %arg4[%add3A_38, %dma_start3A_44] : memref<51200x128xf32, #tpu.memory_space<hbm>> -> memref<64x64xf32, #tpu.memory_space<hbm>>
      %dma_start3A_46 = arith.constant 0 : i32
      %dma_start3A_47 = arith.constant 0 : i32
      %dma_start3A_48 = tpu.memref_slice %arg7[%dma_start3A_46, %dma_start3A_47] : memref<128x64xf32, #tpu.memory_space<vmem>> -> memref<64x64xf32, #tpu.memory_space<vmem>>
      tpu.enqueue_dma source(%dma_start3A_48 : memref<64x64xf32, #tpu.memory_space<vmem>>) target(%dma_start3A_45 : memref<64x64xf32, #tpu.memory_space<hbm>>) target_semaphore(%run_scoped3A : memref<!tpu.dma_semaphore, #tpu.memory_space<semaphore_mem>>)
      %dma_wait3A_49 = arith.constant 0 : i32
      %dma_wait3A_50 = arith.constant 0 : i32
      %dma_wait3A_51 = tpu.memref_slice %arg7[%dma_wait3A_49, %dma_wait3A_50] : memref<128x64xf32, #tpu.memory_space<vmem>> -> memref<64x64xf32, #tpu.memory_space<vmem>>
      %dma_wait3A_52 = arith.constant 0 : i32
      %dma_wait3A_53 = tpu.memref_slice %arg4[%add3A_38, %dma_wait3A_52] : memref<51200x128xf32, #tpu.memory_space<hbm>> -> memref<64x64xf32, #tpu.memory_space<hbm>>
      %dma_wait3A_54 = arith.constant 0 : i32
      %dma_wait3A_55 = tpu.memref_slice %arg4[%add3A_38, %dma_wait3A_54] : memref<51200x128xf32, #tpu.memory_space<hbm>> -> memref<64x64xf32, #tpu.memory_space<hbm>>
      %dma_wait3A_56 = arith.constant 0 : i32
      %dma_wait3A_57 = arith.constant 0 : i32
      %dma_wait3A_58 = tpu.memref_slice %arg7[%dma_wait3A_56, %dma_wait3A_57] : memref<128x64xf32, #tpu.memory_space<vmem>> -> memref<64x64xf32, #tpu.memory_space<vmem>>
      tpu.wait_dma2 semaphore(%run_scoped3A : memref<!tpu.dma_semaphore, #tpu.memory_space<semaphore_mem>>) src(%dma_wait3A_58 : memref<64x64xf32, #tpu.memory_space<vmem>>) dst(%dma_wait3A_55 : memref<64x64xf32, #tpu.memory_space<hbm>>)
      tpu.yield
    }) : () -> ()
    "tpu.region"() ({
      %run_scoped3A = tpu.sem_alloc : memref<!tpu.dma_semaphore, #tpu.memory_space<semaphore_mem>>
      %dma_start3A_39 = arith.constant 64 : i32
      %dma_start3A_40 = arith.constant 0 : i32
      %dma_start3A_41 = tpu.memref_slice %arg7[%dma_start3A_39, %dma_start3A_40] : memref<128x64xf32, #tpu.memory_space<vmem>> -> memref<64x64xf32, #tpu.memory_space<vmem>>
      %dma_start3A_42 = arith.constant 64 : i32
      %dma_start3A_43 = tpu.memref_slice %arg4[%add3A_38, %dma_start3A_42] : memref<51200x128xf32, #tpu.memory_space<hbm>> -> memref<64x64xf32, #tpu.memory_space<hbm>>
      %dma_start3A_44 = arith.constant 64 : i32
      %dma_start3A_45 = tpu.memref_slice %arg4[%add3A_38, %dma_start3A_44] : memref<51200x128xf32, #tpu.memory_space<hbm>> -> memref<64x64xf32, #tpu.memory_space<hbm>>
      %dma_start3A_46 = arith.constant 64 : i32
      %dma_start3A_47 = arith.constant 0 : i32
      %dma_start3A_48 = tpu.memref_slice %arg7[%dma_start3A_46, %dma_start3A_47] : memref<128x64xf32, #tpu.memory_space<vmem>> -> memref<64x64xf32, #tpu.memory_space<vmem>>
      tpu.enqueue_dma source(%dma_start3A_48 : memref<64x64xf32, #tpu.memory_space<vmem>>) target(%dma_start3A_45 : memref<64x64xf32, #tpu.memory_space<hbm>>) target_semaphore(%run_scoped3A : memref<!tpu.dma_semaphore, #tpu.memory_space<semaphore_mem>>)
      %dma_wait3A_49 = arith.constant 64 : i32
      %dma_wait3A_50 = arith.constant 0 : i32
      %dma_wait3A_51 = tpu.memref_slice %arg7[%dma_wait3A_49, %dma_wait3A_50] : memref<128x64xf32, #tpu.memory_space<vmem>> -> memref<64x64xf32, #tpu.memory_space<vmem>>
      %dma_wait3A_52 = arith.constant 64 : i32
      %dma_wait3A_53 = tpu.memref_slice %arg4[%add3A_38, %dma_wait3A_52] : memref<51200x128xf32, #tpu.memory_space<hbm>> -> memref<64x64xf32, #tpu.memory_space<hbm>>
      %dma_wait3A_54 = arith.constant 64 : i32
      %dma_wait3A_55 = tpu.memref_slice %arg4[%add3A_38, %dma_wait3A_54] : memref<51200x128xf32, #tpu.memory_space<hbm>> -> memref<64x64xf32, #tpu.memory_space<hbm>>
      %dma_wait3A_56 = arith.constant 64 : i32
      %dma_wait3A_57 = arith.constant 0 : i32
      %dma_wait3A_58 = tpu.memref_slice %arg7[%dma_wait3A_56, %dma_wait3A_57] : memref<128x64xf32, #tpu.memory_space<vmem>> -> memref<64x64xf32, #tpu.memory_space<vmem>>
      tpu.wait_dma2 semaphore(%run_scoped3A : memref<!tpu.dma_semaphore, #tpu.memory_space<semaphore_mem>>) src(%dma_wait3A_58 : memref<64x64xf32, #tpu.memory_space<vmem>>) dst(%dma_wait3A_55 : memref<64x64xf32, #tpu.memory_space<hbm>>)
      tpu.yield
    }) : () -> ()
    return
  }
}

module attributes {stable_mosaic.version = 14 : i64} {
  func.func @_mlp_kernel(%arg0: i32, %arg1: memref<2048x128xf32, #tpu.memory_space<vmem>>, %arg2: memref<2048x128xf32, #tpu.memory_space<vmem>>, %arg3: memref<2048x128xf32, #tpu.memory_space<vmem>>, %arg4: memref<384x512xbf16, #tpu.memory_space<vmem>>, %arg5: memref<1x512xf32, #tpu.memory_space<vmem>>, %arg6: memref<512x32xbf16, #tpu.memory_space<vmem>>, %arg7: memref<1x32xf32, #tpu.memory_space<vmem>>, %arg8: memref<10x2048xf32, #tpu.memory_space<vmem>>, %arg9: memref<10x2048xf32, #tpu.memory_space<vmem>>) attributes {dimension_semantics = [#tpu.dimension_semantics<arbitrary>], iteration_bounds = array<i64: 25>, scalar_prefetch = 0 : i64, scratch_operands = 0 : i64, tpu.core_type = #tpu.core_type<tc>, window_params = [{transform_indices = @transform_0, window_bounds = array<i64: 2048, 128>}, {transform_indices = @transform_1, window_bounds = array<i64: 2048, 128>}, {transform_indices = @transform_2, window_bounds = array<i64: 2048, 128>}, {pipeline_mode = #tpu.pipeline_mode<synchronous>, transform_indices = @transform_3, window_bounds = array<i64: 384, 512>}, {pipeline_mode = #tpu.pipeline_mode<synchronous>, transform_indices = @transform_4, window_bounds = array<i64: 1, 512>}, {pipeline_mode = #tpu.pipeline_mode<synchronous>, transform_indices = @transform_5, window_bounds = array<i64: 512, 32>}, {pipeline_mode = #tpu.pipeline_mode<synchronous>, transform_indices = @transform_6, window_bounds = array<i64: 1, 32>}, {transform_indices = @transform_7, window_bounds = array<i64: 10, 2048>}, {transform_indices = @transform_8, window_bounds = array<i64: 10, 2048>}]} {
    %get3A = arith.constant 0 : index
    %get3A_0 = arith.constant 0 : index
    %get3A_1 = vector.load %arg1[%get3A, %get3A_0] : memref<2048x128xf32, #tpu.memory_space<vmem>>, vector<2048x128xf32>
    %get3A_2 = arith.constant 0 : index
    %get3A_3 = arith.constant 0 : index
    %get3A_4 = vector.load %arg2[%get3A_2, %get3A_3] : memref<2048x128xf32, #tpu.memory_space<vmem>>, vector<2048x128xf32>
    %get3A_5 = arith.constant 0 : index
    %get3A_6 = arith.constant 0 : index
    %get3A_7 = vector.load %arg3[%get3A_5, %get3A_6] : memref<2048x128xf32, #tpu.memory_space<vmem>>, vector<2048x128xf32>
    %concatenate3A = tpu.concatenate %get3A_1, %get3A_4, %get3A_7 in 1 : vector<2048x128xf32>, vector<2048x128xf32>, vector<2048x128xf32> -> vector<2048x384xf32>
    %convert_element_type3A = arith.truncf %concatenate3A : vector<2048x384xf32> to vector<2048x384xbf16>
    %get3A_8 = arith.constant 0 : index
    %get3A_9 = arith.constant 0 : index
    %get3A_10 = vector.load %arg4[%get3A_8, %get3A_9] : memref<384x512xbf16, #tpu.memory_space<vmem>>, vector<384x512xbf16>
    %dot_general3A = arith.constant dense<0.000000e+00> : vector<2048x512xf32>
    %dot_general3A_11 = tpu.matmul %convert_element_type3A, %get3A_10, %dot_general3A {dimension_numbers = #tpu.dot_dimension_numbers<[1], [0], [0], [1], [0, 0, 1, 1], [], []>, transpose_lhs_hint = false} : vector<2048x384xbf16>, vector<384x512xbf16>, vector<2048x512xf32> -> vector<2048x512xf32>
    %get3A_12 = arith.constant 0 : index
    %get3A_13 = arith.constant 0 : index
    %get3A_14 = vector.load %arg5[%get3A_12, %get3A_13] : memref<1x512xf32, #tpu.memory_space<vmem>>, vector<1x512xf32>
    %add3A = vector.broadcast %get3A_14 : vector<1x512xf32> to vector<2048x512xf32>
    %add3A_15 = arith.addf %dot_general3A_11, %add3A : vector<2048x512xf32>
    %max3A = arith.constant 0.000000e+00 : f32
    %max3A_16 = vector.broadcast %max3A : f32 to vector<2048x512xf32>
    %max3A_17 = arith.maximumf %add3A_15, %max3A_16 : vector<2048x512xf32>
    %convert_element_type3A_18 = arith.truncf %max3A_17 : vector<2048x512xf32> to vector<2048x512xbf16>
    %get3A_19 = arith.constant 0 : index
    %get3A_20 = arith.constant 0 : index
    %get3A_21 = vector.load %arg6[%get3A_19, %get3A_20] : memref<512x32xbf16, #tpu.memory_space<vmem>>, vector<512x32xbf16>
    %dot_general3A_22 = arith.constant dense<0.000000e+00> : vector<2048x32xf32>
    %dot_general3A_23 = tpu.matmul %convert_element_type3A_18, %get3A_21, %dot_general3A_22 {dimension_numbers = #tpu.dot_dimension_numbers<[1], [0], [0], [1], [0, 0, 1, 1], [], []>, transpose_lhs_hint = false} : vector<2048x512xbf16>, vector<512x32xbf16>, vector<2048x32xf32> -> vector<2048x32xf32>
    %get3A_24 = arith.constant 0 : index
    %get3A_25 = arith.constant 0 : index
    %get3A_26 = vector.load %arg7[%get3A_24, %get3A_25] : memref<1x32xf32, #tpu.memory_space<vmem>>, vector<1x32xf32>
    %add3A_27 = vector.broadcast %get3A_26 : vector<1x32xf32> to vector<2048x32xf32>
    %add3A_28 = arith.addf %dot_general3A_23, %add3A_27 : vector<2048x32xf32>
    %transpose3A = tpu.transpose %add3A_28, [1, 0] : vector<2048x32xf32> -> vector<32x2048xf32>
    %slice3A = vector.extract_strided_slice %transpose3A {offsets = [0, 0], sizes = [10, 2048], strides = [1, 1]} : vector<32x2048xf32> to vector<10x2048xf32>
    %swap3A = arith.constant 0 : index
    %swap3A_29 = arith.constant 0 : index
    %swap3A_30 = vector.load %arg8[%swap3A, %swap3A_29] : memref<10x2048xf32, #tpu.memory_space<vmem>>, vector<10x2048xf32>
    tpu.vector_store %arg8[%swap3A, %swap3A_29], %slice3A {strides = array<i32>} : memref<10x2048xf32, #tpu.memory_space<vmem>>, vector<10x2048xf32>,
    %slice3A_31 = vector.extract_strided_slice %transpose3A {offsets = [16, 0], sizes = [10, 2048], strides = [1, 1]} : vector<32x2048xf32> to vector<10x2048xf32>
    %swap3A_32 = arith.constant 0 : index
    %swap3A_33 = arith.constant 0 : index
    %swap3A_34 = vector.load %arg9[%swap3A_32, %swap3A_33] : memref<10x2048xf32, #tpu.memory_space<vmem>>, vector<10x2048xf32>
    tpu.vector_store %arg9[%swap3A_32, %swap3A_33], %slice3A_31 {strides = array<i32>} : memref<10x2048xf32, #tpu.memory_space<vmem>>, vector<10x2048xf32>,
    return
  }
  func.func @transform_0(%arg0: i32) -> (i32, i32) {
    %c0_i32 = arith.constant 0 : i32
    %c0_i32_0 = arith.constant 0 : i32
    return %arg0, %c0_i32 : i32, i32
  }
  func.func @transform_1(%arg0: i32) -> (i32, i32) {
    %c0_i32 = arith.constant 0 : i32
    %c0_i32_0 = arith.constant 0 : i32
    return %arg0, %c0_i32 : i32, i32
  }
  func.func @transform_2(%arg0: i32) -> (i32, i32) {
    %c0_i32 = arith.constant 0 : i32
    %c0_i32_0 = arith.constant 0 : i32
    return %arg0, %c0_i32 : i32, i32
  }
  func.func @transform_3(%arg0: i32) -> (i32, i32) {
    %c0_i32 = arith.constant 0 : i32
    %c0_i32_0 = arith.constant 0 : i32
    %c0_i32_1 = arith.constant 0 : i32
    return %c0_i32, %c0_i32_0 : i32, i32
  }
  func.func @transform_4(%arg0: i32) -> (i32, i32) {
    %c0_i32 = arith.constant 0 : i32
    %c0_i32_0 = arith.constant 0 : i32
    %c0_i32_1 = arith.constant 0 : i32
    return %c0_i32, %c0_i32_0 : i32, i32
  }
  func.func @transform_5(%arg0: i32) -> (i32, i32) {
    %c0_i32 = arith.constant 0 : i32
    %c0_i32_0 = arith.constant 0 : i32
    %c0_i32_1 = arith.constant 0 : i32
    return %c0_i32, %c0_i32_0 : i32, i32
  }
  func.func @transform_6(%arg0: i32) -> (i32, i32) {
    %c0_i32 = arith.constant 0 : i32
    %c0_i32_0 = arith.constant 0 : i32
    %c0_i32_1 = arith.constant 0 : i32
    return %c0_i32, %c0_i32_0 : i32, i32
  }
  func.func @transform_7(%arg0: i32) -> (i32, i32) {
    %c0_i32 = arith.constant 0 : i32
    %c0_i32_0 = arith.constant 0 : i32
    return %c0_i32, %arg0 : i32, i32
  }
  func.func @transform_8(%arg0: i32) -> (i32, i32) {
    %c0_i32 = arith.constant 0 : i32
    %c0_i32_0 = arith.constant 0 : i32
    return %c0_i32, %arg0 : i32, i32
  }
}

</mosaic_0001>

<sc_bundles>
// kernel: kernel.10.cloned.1.call-start
scs
__scs_entry_jumppad:
0x0: {  	(pc) =	sbr.rel $0x88, $3  }
0x1: {  	(tag) =	ssettag $0x0;
	lr =	simm.s32 $0x1  }
0x2: {  	[smem:$0x3F99] =	sst lr;
	_ =	strace $0xD0000000  }
0x3: {  	_ = 	snop  }
0x4: {  	_ = 	snop  }
0x5: {  	_ = 	snop  }
0x6: {  	_ = 	snop  }
0x7: {  	_ = 	snop  }
__scs_overlays_trampoline_lowered:
0x8: {  	[smem:$0x3FA8] =	sst s0  }
0x9: {  	[smem:$0x3FA9] =	sst s1  }
0xa: {  	[smem:$0x3FAA] =	sst s2  }
0xb: {  	[smem:$0x3FAB] =	sst s3  }
0xc: {  	[smem:$0x3FAC] =	sst s4  }
0xd: {  	[smem:$0x3FAD] =	sst s5  }
0xe: {  	[smem:$0x3FAE] =	sst s6  }
0xf: {  	[smem:$0x3FAF] =	sst s7  }
0x10: {  	[smem:$0x3FB0] =	sst s8  }
0x11: {  	[smem:$0x3FB1] =	sst s9;
	s0 =	simm.s32 @!p0 $0x0  }
0x12: {  	s1 =	sld [smem:$0x3F97];
	s0 =	simm.s32 @p0 $0x1  }
0x13: {  	[smem:$0x3FB2] =	sst s0;
	s0 =	simm.s32 @!p1 $0x0  }
0x14: {  	s2 =	sld [smem:$0x3F96];
	s0 =	simm.s32 @p1 $0x1  }
0x15: {  	[smem:$0x3FB3] =	sst s0;
	s0 =	simm.s32 @!p2 $0x0  }
0x16: {  	s3 =	sld [smem:$0x3FDB];
	s0 =	simm.s32 @p2 $0x1  }
0x17: {  	s4 =	simm.s32 $0x1BF5;
	[smem:$0x3FB5] =	sst s0  }
0x18: {  	s0 =	sld [smem:$0x3F98];
	_ =	swait.ge [sflag:s4], $0x0  }
0x19: {  	s7 =	sld [smem:$0x3F99]  }
0x1a: {  	s8 =	sadd.s32 $0xFFFFE003, lr  }
0x1b: {  	s9 =	sadd.s32 $0xFFFFFEF7, lr;
	s5 =	simm.s32 $0xFFFFFFFF;
	p2 =	slt.u32 s8, $0xFFFFF086  }
0x1c: {  	p1 =	slt.u32 s9, $0xF7A;
	s5 =	simm.s32 @!p2 $0x0  }
0x1d: {  	s5 =	simm.s32 @p1 $0x1;
	p0 =	seq.s32 s7, s2  }
0x1e: {  	s7 =	smul.u32 @!p0 $0xF7A, s2;
	p2 =	seq.s32 @!p0 s5, $0x0  }
0x1f: {  	s9 =	smul.u32 $0xF7A, s1;
	s8 =	simm.s32 @!p0 $0x1BF5;
	p2 =	por !p2, p0  }
0x20: {  	[sflag:s8] =	ssyncset.s32 @!p0 $0xFFFFF086;
	s6 =	sadd.s32 @!p0 s3, s7;
	s7 =	simm.s32 @!p0 $0x108  }
0x21: {  	s3 =	sadd.s32 s3, s9;
	s6 =	sadd.s32 @!p0 $0x88, s6;
	s7 =	simm.s32 @p2 $0x1082  }
0x22: {  	[simem:s7], [sflag:s8] =	dma.local @!p0 [hbm:s6], $0xF7A  }
0x23: {  	s9 =	sor.u32 $0xD0000000, s2;
	s6 =	simm.s32 $0x108;
	_ =	swait.ge @!p0 [sflag:s8], $0x0  }
0x24: {  	s3 =	sadd.s32 $0x88, s3;
	s6 =	simm.s32 @!p1 $0x1082;
	[sflag:s4] =	ssyncset.s32 $0xFFFFF086  }
0x25: {  	[simem:s6], [sflag:s4] =	dma.local [hbm:s3], $0xF7A  }
0x26: {  	[smem:$0x3F99] =	sst s1;
	(tag) =	ssettag s2;
	_ =	strace s9  }
0x27: {  	s1 =	sld [smem:$0x3FA9]  }
0x28: {  	s2 =	sld [smem:$0x3FAA]  }
0x29: {  	s4 =	sld [smem:$0x3FAC]  }
0x2a: {  	p0 =	seq.s32 s5, $0x0;
	s5 =	sld [smem:$0x3FAD]  }
0x2b: {  	s6 =	sld [smem:$0x3FAE]  }
0x2c: {  	s7 =	sld [smem:$0x3FAF]  }
0x2d: {  	s3 =	simm.s32 $0x108;
	s8 =	sld [smem:$0x3FB0]  }
0x2e: {  	s3 =	simm.s32 @!p0 $0x1082;
	s9 =	sld [smem:$0x3FB1]  }
0x2f: {  	lr =	sadd.s32 s0, s3;
	s0 =	sld [smem:$0x3FA8]  }
0x30: {  	s3 =	sld [smem:$0x3FAB]  }
0x31: {  	[smem:$0x3FB4] =	sst s10  }
0x32: {  	s10 =	sld [smem:$0x3FB2];
	_ =	sdelay $0x3  }
0x33: {  	p0 =	seq.s32 s10, $0x1;
	s10 =	sld [smem:$0x3FB4];
	_ =	sdelay $0x3  }
0x34: {  	[smem:$0x3FB4] =	sst s10  }
0x35: {  	s10 =	sld [smem:$0x3FB3];
	_ =	sdelay $0x3  }
0x36: {  	p1 =	seq.s32 s10, $0x1;
	s10 =	sld [smem:$0x3FB4];
	_ =	sdelay $0x3  }
0x37: {  	[smem:$0x3FB4] =	sst s10  }
0x38: {  	s10 =	sld [smem:$0x3FB5]  }
0x39: {  	_ = 	snop;
	(pc) =	sbr.ind lr, $3  }
0x3a: {  	_ = 	snop  }
0x3b: {  	_ = 	snop  }
0x3c: {  	p2 =	seq.s32 s10, $0x1;
	s10 =	sld [smem:$0x3FB4]  }
0x3d: {  	_ =	shalt  }
0x3e: {  	_ =	shalt  }
0x3f: {  	_ =	shalt  }
0x40: {  	_ =	shalt  }
0x41: {  	_ =	shalt  }
0x42: {  	_ =	shalt  }
0x43: {  	_ =	shalt  }
0x44: {  	_ =	shalt  }
0x45: {  	_ =	shalt  }
0x46: {  	_ =	shalt  }
0x47: {  	_ =	shalt  }
0x48: {  	_ =	shalt  }
0x49: {  	_ =	shalt  }
0x4a: {  	_ =	shalt  }
0x4b: {  	_ =	shalt  }
0x4c: {  	_ =	shalt  }
0x4d: {  	_ =	shalt  }
0x4e: {  	_ =	shalt  }
0x4f: {  	_ =	shalt  }
0x50: {  	_ =	shalt  }
0x51: {  	_ =	shalt  }
0x52: {  	_ =	shalt  }
0x53: {  	_ =	shalt  }
0x54: {  	_ =	shalt  }
0x55: {  	_ =	shalt  }
0x56: {  	_ =	shalt  }
0x57: {  	_ =	shalt  }
0x58: {  	_ =	shalt  }
0x59: {  	_ =	shalt  }
0x5a: {  	_ =	shalt  }
0x5b: {  	_ =	shalt  }
0x5c: {  	_ =	shalt  }
0x5d: {  	_ =	shalt  }
0x5e: {  	_ =	shalt  }
0x5f: {  	_ =	shalt  }
0x60: {  	_ =	shalt  }
0x61: {  	_ =	shalt  }
0x62: {  	_ =	shalt  }
0x63: {  	_ =	shalt  }
0x64: {  	_ =	shalt  }
0x65: {  	_ =	shalt  }
0x66: {  	_ =	shalt  }
0x67: {  	_ =	shalt  }
0x68: {  	_ =	shalt  }
0x69: {  	_ =	shalt  }
0x6a: {  	_ =	shalt  }
0x6b: {  	_ =	shalt  }
0x6c: {  	_ =	shalt  }
0x6d: {  	_ =	shalt  }
0x6e: {  	_ =	shalt  }
0x6f: {  	_ =	shalt  }
0x70: {  	_ =	shalt  }
0x71: {  	_ =	shalt  }
0x72: {  	_ =	shalt  }
0x73: {  	_ =	shalt  }
0x74: {  	_ =	shalt  }
0x75: {  	_ =	shalt  }
0x76: {  	_ =	shalt  }
0x77: {  	_ =	shalt  }
0x78: {  	_ =	shalt  }
0x79: {  	_ =	shalt  }
0x7a: {  	_ =	shalt  }
0x7b: {  	_ =	shalt  }
0x7c: {  	_ =	shalt  }
0x7d: {  	_ =	shalt  }
0x7e: {  	_ =	shalt  }
0x7f: {  	_ =	shalt  }
0x80: {  	_ =	shalt  }
0x81: {  	_ =	shalt  }
0x82: {  	_ =	shalt  }
0x83: {  	_ =	shalt  }
0x84: {  	_ =	shalt  }
0x85: {  	_ =	shalt  }
0x86: {  	_ =	shalt  }
0x87: {  	_ =	shalt  }
.Lfunc_end0:
.L_simem_size_0:
called_computation_lowered:
.L_overlay_start_0:
0x88: {  	s2 =	sld [smem:$0x3FD9]  }
0x89: {  	s3 =	sld [smem:$0x3FFE];
	_ =	sdelay $0x1  }
0x8a: {  	s1 =	srdreg.scid  }
0x8b: {  	s0 =	sand.u32 $0x1, s1  }
0x8c: {  	s17 =	sshll.u32 s0, $0xA;
	s2 =	sadd.s32 s3, s2  }
0x8d: {  	s2 =	sadd.s32 s2, s17  }
0x8e: {  	[smem:$0x3FC0] =	sst s2  }
0x8f: {  	_ = 	snop  }
0x90: {  	(tm) =	ssettm $0x1  }
0x91: {  	s18 =	sld [smem:$0x3FFB];
	_ =	sdelay $0x3  }
0x92: {  	_ =	strace s18  }
0x93: {  	s2 =	sld [smem:$0x3FFC];
	_ =	sdelay $0x3  }
0x94: {  	_ =	strace s2  }
0x95: {  	s2 =	sld [smem:$0x3FFD];
	_ =	sdelay $0x3  }
0x96: {  	_ =	strace s2  }
0x97: {  	_ =	strace $0x8FFFFFFF  }
0x98: {  	s19 =	sld [smem:$0x3FDB];
	_ =	sdelay $0x1  }
0x99: {  	s20 =	simm.s32 $_scs_section_size  }
0x9a: {  	s4 =	simm.s32 $_size__tile_overlayer_lowered;
	s5 =	simm.s32 $_tile_overlayer_lowered  }
0x9b: {  	s6 =	simm.s32 $0x1BFF;
	s21 =	sshll.u32 s5, $0x1;
	s3 =	sadd.s32 s20, s19  }
0x9c: {  	s22 =	simm.s32 $0x0;
	s4 =	sshll.u32 s4, $0x1;
	s5 =	sadd.s32 s21, s3  }
0x9d: {  	[timem:s22], [sflag:s6] =	dma.local [hbm:s5], s4  }
0x9e: {  	_ =	swait.ge [sflag:s6], s4  }
0x9f: {  	s4 =	ssub.s32 $0x0, s4;
	[sflag:s6] =	ssyncset.done $0x0  }
0xa0: {  	[sflag:s6] =	ssyncadd.s32 s4;
	_ =	sdelay $0x1  }
0xa1: {  	s23 =	simm.s32 $0x1B8B  }
0xa2: {  	_ =	swait.ge [sflag:s23], $0x1  }
0xa3: {  	[sflag:s23] =	ssyncset.done $0x0  }
0xa4: {  	[sflag:s23] =	ssyncadd.s32 $0xFFFFFFFF  }
0xa5: {  	s4 =	sld [smem:$0x0]  }
0xa6: {  	s5 =	sand.u32 $0xFFFFFFFE, s1  }
0xa7: {  	p0 =	sne.s32 s1, s5  }
0xa8: {  	s5 =	sshll.u32 @p0 s5, $0xE  }
0xa9: {  	s5 =	sadd.s32 @p0 $0x11B8D, s5;
	s6 =	sshll.u32 @p0 s4, $0x11  }
0xaa: {  	s5 =	sor.u32 @p0 s6, s5  }
0xab: {  	[sflag:s5] =	ssyncadd.remote.s32 @p0 $0x1;
	_ =	sdelay $0x1  }
0xac: {  	s5 =	simm.s32 @p0 $0x1B8D  }
0xad: {  	_ =	swait.eq @p0 [sflag:s5], $0x1  }
0xae: {  	[sflag:s5] =	ssyncadd.s32 @p0 $0xFFFFFFFF  }
0xaf: {  	s6 =	sshll.u32 @!p0 s1, $0xE  }
0xb0: {  	s6 =	sor.u32 @!p0 $0x4000, s6;
	s5 =	simm.s32 @!p0 $0x1B8D  }
0xb1: {  	s4 =	sshll.u32 @!p0 s4, $0x11;
	s6 =	sadd.s32 @!p0 $0x11B8D, s6;
	_ =	swait.eq @!p0 [sflag:s5], $0x1  }
0xb2: {  	s4 =	sor.u32 @!p0 s4, s6;
	[sflag:s5] =	ssyncadd.s32 @!p0 $0xFFFFFFFF  }
0xb3: {  	s25 =	simm.s32 $0x1B8E;
	s24 =	sld [smem:$0x3FFE];
	[sflag:s4] =	ssyncadd.remote.s32 @!p0 $0x1  }
0xb4: {  	s26 =	simm.s32 $execute0_lowered;
	[smem:$0x3FD2] =	sst s25  }
0xb5: {  	s5 =	sshll.u32 s26, $0x1;
	_ =	strace $0x8000004F;
	[dreg:$0x1] =	wrdreg $0xFFFFFFFF  }
0xb6: {  	s28 =	simm.s32 $_size_execute0_lowered;
	s3 =	sadd.s32 s3, s5;
	[dreg:$0x0] =	wrdreg $0x0  }
0xb7: {  	s5 =	sshll.u32 s28, $0x1;
	[dreg:$0x2] =	wrdreg s3  }
0xb8: {  	[dreg:$0x3] =	wrdreg s5  }
0xb9: {  	[dreg:$0x4] =	wrdreg $0xC0  }
0xba: {  	_ =	task [dreg:s22], $0x5FFFF  }
0xbb: {  	[dreg:$0x1] =	wrdreg $0xFFFFFFFF  }
0xbc: {  	[dreg:$0x0] =	wrdreg $0x60  }
0xbd: {  	[dreg:$0x2] =	wrdreg s24  }
0xbe: {  	[dreg:$0x3] =	wrdreg $0x9  }
0xbf: {  	_ =	task.clear_ibuf [dreg:s22], $0x4FFFF;
	_ =	strace $0x9000004F  }
0xc0: {  	s29 =	simm.s32 $0x9;
	_ =	strace $0x80000051  }
0xc1: {  	_ =	swait.ge [sflag:s29], $0x1  }
0xc2: {  	[sflag:s29] =	ssyncadd.s32 $0xFFFFFFFF  }
0xc3: {  	_ =	strace $0x90000051  }
0xc4: {  	_ =	sfence  }
0xc5: {  	s30 =	sld [smem:$0x0];
	_ =	sdelay $0x2  }
0xc6: {  	s31 =	sshll.u32 s1, $0xD;
	s1 =	sshrl.u32 s1, $0x2  }
0xc7: {  	s4 =	sand.u32 $0x4000, s31;
	s1 =	sadd.s32 s1, s30  }
0xc8: {  	s0 =	sor.u32 s4, s0;
	s1 =	sshll.u32 s1, $0x11  }
0xc9: {  	s0 =	sor.u32 s1, s0  }
0xca: {  	s0 =	sadd.s32 $0x8F2B, s0  }
0xcb: {  	[sflag:s0] =	ssyncadd.remote.s32 $0x1  }
0xcc: {  	_ =	sfence.sel $0xFFFF  }
0xcd: {  	[dreg:$0x0] =	wrdreg $0xFFFFFFFF;
	(pc) =	sbr.abs _section_cstart, $3  }
0xce: {  	[dreg:$0x1] =	wrdreg $0xFFFFFFFF  }
0xcf: {  	_ =	task.clear_ibuf [dreg:s22], $0x2FFFF;
	_ =	strace $0x9FFFFFFF  }
0xd0: {  	(tm) =	ssettm $0x7FFFFFFF  }
0xd1: {  	_ =	shalt  }
tec
execute0_lowered:
.L_overlay_start_1:
0x0: {  	(tag) =	ssettag $0x1  }
0x1: {  	s0 =	rddreg [dreg:$0x0];
	s2 =	simm.s32 $0x0;
	s1 =	srdreg.scid  }
0x2: {  	s3 =	stileid.u32;
	s18 =	simm.s32 $0x3;
	s19 =	simm.s32 $0x40  }
0x3: {  	s20 =	simm.s32 $0x80;
	s21 =	simm.s32 $0x100;
	s22 =	simm.s32 $0xC0  }
0x4: {  	s23 =	simm.s32 $0x2100;
	s24 =	simm.s32 $0x1;
	s25 =	simm.s32 $0x1100  }
0x5: {  	s28 =	simm.s32 $0x3100;
	s29 =	simm.s32 $0x0;
	[smem:$0x7FF] =	sst s2  }
0x6: {  	s1 =	sand.u32 $0x1, s1;
	s3 =	sshll.u32 s3, $0x1;
	s5 =	sadd.s32 $0x192600, s0  }
0x7: {  	s6 =	sadd.s32 $0x6E9C00, s0;
	s7 =	ssub.s32 $0x2, s1;
	s1 =	sor.u32 s1, s3  }
0x8: {  	_ =	strace $0x80000050;
	s8 =	sshrl.u32 s7, $0x1;
	s4 =	smul.u32 $0x640, s1  }
0x9: {  	s3 =	sadd.s32 $0x5800, s0;
	s17 =	ssub.s32 s7, s8;
	s8 =	smul.u32 $0x32000, s1  }
0xa: {  	s7 =	sadd.s32 $0xC800, s4;
	s9 =	sshrl.u32 s4, $0x3;
	s10 =	sadd.s32 $0x40, s4  }
.Ltmp0:
0xb: {  	s17 =	smax.u32 s17, $0x1;
	s9 =	sadd.s32 s3, s9;
	(pc) =	sbr.rel .LBB2_1-.Ltmp0, $4  }
0xc: {  	s26 =	sshrl.u32 s7, $0x3;
	s30 =	sshrl.u32 s10, $0x3;
	s14 =	sshrl.u32 s8, $0x3  }
0xd: {  	s1 =	sadd.s32 s3, s26;
	s12 =	sadd.s32 s3, s30;
	s13 =	sadd.s32 $0x1908, s9  }
0xe: {  	v1 =	vlaneseq.u32;
	s31 =	sadd.s32 s6, s14;
	s14 =	sadd.s32 $0x6E9C08, s0;
	s26 =	simm.s32 $0x2  }
0xf: {  	v0 =	vimm.s32 $0x0;
	v2 =	vimm.f32 $0.0e+00;
	v1 =	vmul.u32 $0x40, v1;
	[dreg:$0x2] =	wrdreg s1;
	s15 =	sadd.s32 $0x6000, s31;
	s16 =	sadd.s32 $0x6008, s31  }
.LBB2_22:
0x10: {  	[hbm4b:s15+s19] =	stream.strided.scatter [tilespmem:s21], [sflag:$0x3], $0x1000, s20, s19, $0x38;
	[tilespmem:$0x4100] =	vst v63  }
0x11: {  	s29 =	sadd.s32 $0x1, s29;
	_ =	swait.ge [sflag:s18], $0x1000  }
0x12: {  	p0 =	sne.s32 s29, s17;
	[sflag:s18] =	ssyncset.done $0x0  }
.Ltmp1:
0x13: {  	[sflag:s18] =	ssyncadd.s32 $0xFFFFF000;
	(pc) =	sbr.rel @!p0 .LBB2_23-.Ltmp1, $4  }
0x14: {  	[hbm4b:s16+s19] =	stream.strided.scatter [tilespmem:s25], [sflag:$0x3], $0x1000, s20, s19, $0x38;
	[tilespmem:$0x4100] =	vst v63  }
0x15: {  	_ =	swait.ge [sflag:s18], $0x1000  }
0x16: {  	[sflag:s18] =	ssyncset.done $0x0  }
0x17: {  	[sflag:s18] =	ssyncadd.s32 $0xFFFFF000  }
.LBB2_1:
0x18: {  	[tilespmem:s2], [sflag:$0x3] =	stream.linear.gather [hbm4b:s9+s2], $0x40, $0x38;
	[tilespmem:$0x4100] =	vst v63  }
0x19: {  	_ =	swait.ge [sflag:s18], $0x40  }
0x1a: {  	[sflag:s18] =	ssyncset.done $0x0  }
0x1b: {  	s0 =	rddreg [dreg:$0x2];
	[sflag:s18] =	ssyncadd.s32 $0xFFFFFFC0  }
0x1c: {  	[tilespmem:s19], [sflag:$0x3] =	stream.linear.gather [hbm4b:s0+s2], $0x40, $0x38;
	[tilespmem:$0x4100] =	vst v63  }
0x1d: {  	_ =	swait.ge [sflag:s18], $0x40  }
0x1e: {  	[sflag:s18] =	ssyncset.done $0x0  }
0x1f: {  	[sflag:s18] =	ssyncadd.s32 $0xFFFFFFC0  }
0x20: {  	[tilespmem:s21], [sflag:$0x1] =	stream.indirect.gather [hbm4b:s5+s20], $0x40, s2, s20, $0xb8;
	[tilespmem:$0x4100] =	vst v63  }
0x21: {  	_ = 	snop  }
0x22: {  	[tilespmem:s20], [sflag:$0x3] =	stream.linear.gather [hbm4b:s12+s2], $0x40, $0x38;
	[tilespmem:$0x4100] =	vst v63  }
0x23: {  	_ =	swait.ge [sflag:s18], $0x40  }
0x24: {  	[sflag:s18] =	ssyncset.done $0x0  }
0x25: {  	[sflag:s18] =	ssyncadd.s32 $0xFFFFFFC0  }
0x26: {  	[tilespmem:s22], [sflag:$0x3] =	stream.linear.gather [hbm4b:s13+s2], $0x40, $0x38;
	[tilespmem:$0x4100] =	vst v63  }
0x27: {  	_ =	swait.ge [sflag:s18], $0x40  }
0x28: {  	[sflag:s18] =	ssyncset.done $0x0  }
0x29: {  	s30 =	simm.s32 $0x0;
	[sflag:s18] =	ssyncadd.s32 $0xFFFFFFC0  }
0x2a: {  	[tilespmem:s23], [sflag:$0x2] =	stream.indirect.gather [hbm4b:s5+s20], $0x40, s20, s20, $0xb8;
	[tilespmem:$0x4100] =	vst v63  }
.LBB2_2:
.Ltmp2:
0x2b: {  	(pc) =	sbr.rel .LBB2_3-.Ltmp2, $4  }
0x2c: {  	_ = 	snop  }
0x2d: {  	_ =	swait.ge [sflag:s24], $0x2000  }
0x2e: {  	[sflag:s24] =	ssyncset.done $0x0  }
0x2f: {  	s0 =	simm.s32 $0x0;
	[sflag:s24] =	ssyncadd.s32 $0xFFFFE000  }
.LBB2_6:
0x30: {  	_ =	sdelay $0x4  }
0x31: {  	[tilespmem:v4+s21+$0x0] =	vst.idx.msk vm0, v2  }
.LBB2_7:
0x32: {  	s0 =	sadd.s32 $0x1, s0  }
0x33: {  	p0 =	sne.s32 s0, $0x8  }
.Ltmp3:
0x34: {  	_ = 	snop;
	(pc) =	sbr.rel @!p0 .LBB2_8-.Ltmp3, $1  }
0x35: {  	_ =	sdelay $0x3  }
.LBB2_3:
0x36: {  	s1 =	sshll.u32 s0, $0x4  }
0x37: {  	v3 =	vld [tilespmem:s1+$0x0];
	_ =	sdelay $0x4  }
0x38: {  	vm0 =	veq.s32 v3, $0x1869F  }
0x39: {  	v3 =	vsel vm0, $0x1, v0  }
0x3a: {  	v3 =	vor.u32 $0x80000000, v3  }
0x3b: {  	(xrf0) =	vmax.scan.msk.u32 $0xffff, v3;
	_ =	sdelay $0x5  }
0x3c: {  	v3, _, _ =	vpop (xrf0)  }
0x3d: {  	(v2sf) =	vpush v3, $0xF;
	_ =	sdelay $0xe  }
0x3e: {  	s31 =	spop (v2sf)  }
0x3f: {  	p0 =	slt.u32 s31, $0x80000001  }
.Ltmp4:
0x40: {  	_ = 	snop;
	(pc) =	sbr.rel @p0 .LBB2_7-.Ltmp4, $1  }
0x41: {  	_ =	sdelay $0x3  }
0x42: {  	s31 =	simm.s32 $0x0  }
0x43: {  	v3 =	vmov s31  }
0x44: {  	v4 =	vmov s1;
	v3 =	vand.u32 $0x3F, v3  }
0x45: {  	v4 =	vshll.u32 v4, $0x6;
	v5 =	vbroadcast v3, $0x0  }
0x46: {  	v3 =	vor.u32 v1, v4  }
0x47: {  	s31 =	simm.s32 $0x1;
	v4 =	vor.u32 v3, v5  }
.LBB2_5:
0x48: {  	p0 =	sne.s32 s31, $0x3F  }
.Ltmp5:
0x49: {  	v5 =	vmov s31;
	s31 =	sadd.s32 $0x1, s31;
	(pc) =	sbr.rel @p0 .LBB2_5-.Ltmp5, $4  }
0x4a: {  	v5 =	vand.u32 $0x3F, v5  }
0x4b: {  	v5 =	vbroadcast v5, $0x0  }
0x4c: {  	[tilespmem:v4+s21+$0x0] =	vst.idx.msk vm0, v2  }
0x4d: {  	v4 =	vor.u32 v3, v5  }
.Ltmp6:
0x4e: {  	_ = 	snop;
	(pc) =	sbr.rel .LBB2_6-.Ltmp6, $1  }
0x4f: {  	_ =	sdelay $0x3  }
.LBB2_8:
0x50: {  	s0 =	sshll.u32 s30, $0xE  }
0x51: {  	s0 =	sadd.s32 s8, s0  }
0x52: {  	s0 =	sshrl.u32 s0, $0x3  }
0x53: {  	s1 =	sadd.s32 s6, s0  }
0x54: {  	[hbm4b:s1+s19] =	stream.strided.scatter [tilespmem:s21], [sflag:$0x3], $0x1000, s20, s19, $0x38;
	[tilespmem:$0x4100] =	vst v63  }
0x55: {  	_ =	swait.ge [sflag:s18], $0x1000  }
0x56: {  	s31 =	sshll.u32 s30, $0x7;
	[sflag:s18] =	ssyncset.done $0x0  }
0x57: {  	s0 =	sadd.s32 s0, s14;
	s1 =	sadd.s32 $0x80, s31;
	[sflag:s18] =	ssyncadd.s32 $0xFFFFF000  }
0x58: {  	[hbm4b:s0+s19] =	stream.strided.scatter [tilespmem:s25], [sflag:$0x3], $0x1000, s20, s19, $0x38;
	[tilespmem:$0x4100] =	vst v63  }
0x59: {  	s11 =	sadd.s32 s4, s1;
	_ =	swait.ge [sflag:s18], $0x1000  }
0x5a: {  	s0 =	sshrl.u32 s11, $0x3;
	[sflag:s18] =	ssyncset.done $0x0  }
0x5b: {  	s11 =	sadd.s32 s3, s0;
	s0 =	simm.s32 $0x0;
	[sflag:s18] =	ssyncadd.s32 $0xFFFFF000  }
0x5c: {  	[tilespmem:s0], [sflag:$0x3] =	stream.linear.gather [hbm4b:s11+s0], $0x40, $0x38;
	[tilespmem:$0x4100] =	vst v63  }
0x5d: {  	s1 =	sadd.s32 s7, s1;
	_ =	swait.ge [sflag:s18], $0x40  }
0x5e: {  	s1 =	sshrl.u32 s1, $0x3;
	[sflag:s18] =	ssyncset.done $0x0  }
0x5f: {  	s1 =	sadd.s32 s3, s1;
	[sflag:s18] =	ssyncadd.s32 $0xFFFFFFC0  }
0x60: {  	[tilespmem:s19], [sflag:$0x3] =	stream.linear.gather [hbm4b:s1+s0], $0x40, $0x38;
	[tilespmem:$0x4100] =	vst v63  }
0x61: {  	_ =	swait.ge [sflag:s18], $0x40  }
0x62: {  	[sflag:s18] =	ssyncset.done $0x0  }
.Ltmp7:
0x63: {  	[sflag:s18] =	ssyncadd.s32 $0xFFFFFFC0;
	(pc) =	sbr.rel .LBB2_9-.Ltmp7, $4  }
0x64: {  	[tilespmem:s21], [sflag:$0x1] =	stream.indirect.gather [hbm4b:s5+s20], $0x40, s0, s20, $0xb8;
	[tilespmem:$0x4100] =	vst v63  }
0x65: {  	_ =	swait.ge [sflag:s26], $0x2000  }
0x66: {  	[sflag:s26] =	ssyncset.done $0x0  }
0x67: {  	[sflag:s26] =	ssyncadd.s32 $0xFFFFE000  }
.LBB2_12:
0x68: {  	_ =	sdelay $0x4  }
0x69: {  	[tilespmem:v4+s23+$0x0] =	vst.idx.msk vm0, v2  }
.LBB2_13:
0x6a: {  	s0 =	sadd.s32 $0x1, s0  }
0x6b: {  	p0 =	sne.s32 s0, $0x8  }
.Ltmp8:
0x6c: {  	_ = 	snop;
	(pc) =	sbr.rel @!p0 .LBB2_14-.Ltmp8, $1  }
0x6d: {  	_ =	sdelay $0x3  }
.LBB2_9:
0x6e: {  	s1 =	sshll.u32 s0, $0x4  }
0x6f: {  	v3 =	vld [tilespmem:s1+$0x80];
	_ =	sdelay $0x4  }
0x70: {  	vm0 =	veq.s32 v3, $0x1869F  }
0x71: {  	v3 =	vsel vm0, $0x1, v0  }
0x72: {  	v3 =	vor.u32 $0x80000000, v3  }
0x73: {  	(xrf0) =	vmax.scan.msk.u32 $0xffff, v3;
	_ =	sdelay $0x5  }
0x74: {  	v3, _, _ =	vpop (xrf0)  }
0x75: {  	(v2sf) =	vpush v3, $0xF;
	_ =	sdelay $0xe  }
0x76: {  	s11 =	spop (v2sf)  }
0x77: {  	p0 =	slt.u32 s11, $0x80000001  }
.Ltmp9:
0x78: {  	_ = 	snop;
	(pc) =	sbr.rel @p0 .LBB2_13-.Ltmp9, $1  }
0x79: {  	_ =	sdelay $0x3  }
0x7a: {  	s11 =	simm.s32 $0x0  }
0x7b: {  	v3 =	vmov s11  }
0x7c: {  	v4 =	vmov s1;
	v3 =	vand.u32 $0x3F, v3  }
0x7d: {  	v4 =	vshll.u32 v4, $0x6;
	v5 =	vbroadcast v3, $0x0  }
0x7e: {  	v3 =	vor.u32 v1, v4  }
0x7f: {  	s1 =	simm.s32 $0x1;
	v4 =	vor.u32 v3, v5  }
.LBB2_11:
0x80: {  	p0 =	sne.s32 s1, $0x3F  }
.Ltmp10:
0x81: {  	v5 =	vmov s1;
	s1 =	sadd.s32 $0x1, s1;
	(pc) =	sbr.rel @p0 .LBB2_11-.Ltmp10, $4  }
0x82: {  	v5 =	vand.u32 $0x3F, v5  }
0x83: {  	v5 =	vbroadcast v5, $0x0  }
0x84: {  	[tilespmem:v4+s23+$0x0] =	vst.idx.msk vm0, v2  }
0x85: {  	v4 =	vor.u32 v3, v5  }
.Ltmp11:
0x86: {  	_ = 	snop;
	(pc) =	sbr.rel .LBB2_12-.Ltmp11, $1  }
0x87: {  	_ =	sdelay $0x3  }
.LBB2_14:
0x88: {  	s0 =	sadd.s32 s31, s10  }
0x89: {  	s0 =	sshll.u32 s0, $0x4  }
0x8a: {  	s1 =	sadd.s32 s6, s0  }
0x8b: {  	[hbm4b:s1+s19] =	stream.strided.scatter [tilespmem:s23], [sflag:$0x3], $0x1000, s20, s19, $0x38;
	[tilespmem:$0x4100] =	vst v63  }
0x8c: {  	_ =	swait.ge [sflag:s18], $0x1000  }
0x8d: {  	p0 =	seq.s32 s30, $0xB;
	[sflag:s18] =	ssyncset.done $0x0  }
.Ltmp12:
0x8e: {  	s0 =	sadd.s32 s0, s14;
	[sflag:s18] =	ssyncadd.s32 $0xFFFFF000;
	(pc) =	sbr.rel @p0 .LBB2_16-.Ltmp12, $4  }
0x8f: {  	[hbm4b:s0+s19] =	stream.strided.scatter [tilespmem:s28], [sflag:$0x3], $0x1000, s20, s19, $0x38;
	[tilespmem:$0x4100] =	vst v63  }
0x90: {  	_ =	swait.ge [sflag:s18], $0x1000  }
0x91: {  	[sflag:s18] =	ssyncset.done $0x0  }
0x92: {  	[sflag:s18] =	ssyncadd.s32 $0xFFFFF000  }
0x93: {  	s0 =	sadd.s32 $0xC0, s31  }
0x94: {  	s1 =	sadd.s32 s4, s0  }
0x95: {  	s1 =	sshrl.u32 s1, $0x3  }
0x96: {  	s1 =	sadd.s32 s3, s1  }
0x97: {  	[tilespmem:s20], [sflag:$0x3] =	stream.linear.gather [hbm4b:s1+s2], $0x40, $0x38;
	[tilespmem:$0x4100] =	vst v63  }
0x98: {  	s0 =	sadd.s32 s7, s0;
	_ =	swait.ge [sflag:s18], $0x40  }
0x99: {  	s0 =	sshrl.u32 s0, $0x3;
	[sflag:s18] =	ssyncset.done $0x0  }
0x9a: {  	s0 =	sadd.s32 s3, s0;
	[sflag:s18] =	ssyncadd.s32 $0xFFFFFFC0  }
0x9b: {  	[tilespmem:s22], [sflag:$0x3] =	stream.linear.gather [hbm4b:s0+s2], $0x40, $0x38;
	[tilespmem:$0x4100] =	vst v63  }
.Ltmp13:
0x9c: {  	_ = 	snop;
	(pc) =	sbr.rel .LBB2_2-.Ltmp13, $4  }
0x9d: {  	_ =	swait.ge [sflag:s18], $0x40  }
0x9e: {  	[sflag:s18] =	ssyncset.done $0x0  }
0x9f: {  	s30 =	sadd.s32 $0x1, s30;
	[sflag:s18] =	ssyncadd.s32 $0xFFFFFFC0  }
0xa0: {  	[tilespmem:s23], [sflag:$0x2] =	stream.indirect.gather [hbm4b:s5+s20], $0x40, s20, s20, $0xb8;
	[tilespmem:$0x4100] =	vst v63  }
.LBB2_16:
.Ltmp14:
0xa1: {  	(pc) =	sbr.rel .LBB2_17-.Ltmp14, $4  }
0xa2: {  	_ = 	snop  }
0xa3: {  	_ =	swait.ge [sflag:s24], $0x2000  }
0xa4: {  	[sflag:s24] =	ssyncset.done $0x0  }
0xa5: {  	s0 =	simm.s32 $0x0;
	[sflag:s24] =	ssyncadd.s32 $0xFFFFE000  }
.LBB2_21:
0xa6: {  	s0 =	sadd.s32 $0x1, s0  }
0xa7: {  	p0 =	sne.s32 s0, $0x8  }
.Ltmp15:
0xa8: {  	_ = 	snop;
	(pc) =	sbr.rel @!p0 .LBB2_22-.Ltmp15, $1  }
0xa9: {  	_ =	sdelay $0x3  }
.LBB2_17:
0xaa: {  	s1 =	sshll.u32 s0, $0x4  }
0xab: {  	v3 =	vld [tilespmem:s1+$0x0];
	_ =	sdelay $0x4  }
0xac: {  	vm0 =	veq.s32 v3, $0x1869F  }
0xad: {  	v3 =	vsel vm0, $0x1, v0  }
0xae: {  	v3 =	vor.u32 $0x80000000, v3  }
0xaf: {  	(xrf0) =	vmax.scan.msk.u32 $0xffff, v3;
	_ =	sdelay $0x5  }
0xb0: {  	v3, _, _ =	vpop (xrf0)  }
0xb1: {  	(v2sf) =	vpush v3, $0xF;
	_ =	sdelay $0xe  }
0xb2: {  	s11 =	spop (v2sf)  }
0xb3: {  	p0 =	slt.u32 s11, $0x80000001  }
.Ltmp16:
0xb4: {  	_ = 	snop;
	(pc) =	sbr.rel @p0 .LBB2_21-.Ltmp16, $1  }
0xb5: {  	_ =	sdelay $0x3  }
0xb6: {  	s11 =	simm.s32 $0x0  }
0xb7: {  	v3 =	vmov s11  }
0xb8: {  	v4 =	vmov s1;
	v3 =	vand.u32 $0x3F, v3  }
0xb9: {  	v4 =	vshll.u32 v4, $0x6;
	v5 =	vbroadcast v3, $0x0  }
0xba: {  	v3 =	vor.u32 v1, v4  }
0xbb: {  	s1 =	simm.s32 $0x1;
	v4 =	vor.u32 v3, v5  }
.LBB2_19:
0xbc: {  	p0 =	sne.s32 s1, $0x3F  }
.Ltmp17:
0xbd: {  	v5 =	vmov s1;
	s1 =	sadd.s32 $0x1, s1;
	(pc) =	sbr.rel @p0 .LBB2_19-.Ltmp17, $4  }
0xbe: {  	v5 =	vand.u32 $0x3F, v5  }
0xbf: {  	v5 =	vbroadcast v5, $0x0  }
0xc0: {  	[tilespmem:v4+s21+$0x0] =	vst.idx.msk vm0, v2  }
0xc1: {  	v4 =	vor.u32 v3, v5  }
0xc2: {  	_ = 	snop  }
.Ltmp18:
0xc3: {  	_ = 	snop;
	(pc) =	sbr.rel .LBB2_21-.Ltmp18, $2  }
0xc4: {  	_ =	sdelay $0x2  }
0xc5: {  	[tilespmem:v4+s21+$0x0] =	vst.idx.msk vm0, v2  }
.LBB2_23:
0xc6: {  	_ =	sfence.sel $0x180000  }
0xc7: {  	[bflag:$0x0] =	sbarrier.arrive $0xFFFF  }
0xc8: {  	_ =	strace $0x90000050  }
0xc9: {  	s0 =	stileid.u32;
	[bflag:$0x2] =	sbarrier.arrive $0xFFFF  }
0xca: {  	p0 =	sne.s32 s0, $0x0;
	s0 =	rddreg [dreg:$0x1]  }
0xcb: {  	s0 =	sadd.s32 @!p0 $0x100000, s0  }
0xcc: {  	[sflag:s0] =	ssyncadd.tile.s32 @!p0 $0x1;
	_ =	shalt  }
.Lfunc_end2:
_tile_overlayer_lowered:
.L_overlay_start_2:
0xcd: {  	(tag) =	ssettag $0x2  }
0xce: {  	s0 =	rddreg [dreg:$0x0];
	s2 =	stileid.u32  }
0xcf: {  	s1 =	rddreg [dreg:$0x1];
	p0 =	sne.s32 s2, $0x0  }
0xd0: {  	s3 =	rddreg [dreg:$0x2];
	[bflag:$0x3] =	sbarrier.arrive $0xFFFF;
	s2 =	simm.s32 @!p0 $0x1C03  }
0xd1: {  	[timem:s3], [sflag:s2] =	dma.local @!p0 [hbm:s0], s1  }
0xd2: {  	s0 =	simm.s32 @!p0 $0x3  }
0xd3: {  	_ =	swait.ge @!p0 [sflag:s0], s1  }
0xd4: {  	s1 =	ssub.s32 @!p0 $0x0, s1;
	[sflag:s0] =	ssyncset.done @!p0 $0x0  }
0xd5: {  	[sflag:s0] =	ssyncadd.s32 @!p0 s1  }
0xd6: {  	[bflag:$0x3] =	sbarrier.arrive $0xFFFF  }
0xd7: {  	_ =	shalt  }

// kernel: kernel.13.cloned.1.call-start
scs
__scs_entry_jumppad:
0x0: {  	(pc) =	sbr.rel $0x88, $3  }
0x1: {  	(tag) =	ssettag $0x0;
	lr =	simm.s32 $0x1  }
0x2: {  	[smem:$0x3F99] =	sst lr;
	_ =	strace $0xD0000000  }
0x3: {  	_ = 	snop  }
0x4: {  	_ = 	snop  }
0x5: {  	_ = 	snop  }
0x6: {  	_ = 	snop  }
0x7: {  	_ = 	snop  }
__scs_overlays_trampoline_lowered:
0x8: {  	[smem:$0x3FA8] =	sst s0  }
0x9: {  	[smem:$0x3FA9] =	sst s1  }
0xa: {  	[smem:$0x3FAA] =	sst s2  }
0xb: {  	[smem:$0x3FAB] =	sst s3  }
0xc: {  	[smem:$0x3FAC] =	sst s4  }
0xd: {  	[smem:$0x3FAD] =	sst s5  }
0xe: {  	[smem:$0x3FAE] =	sst s6  }
0xf: {  	[smem:$0x3FAF] =	sst s7  }
0x10: {  	[smem:$0x3FB0] =	sst s8  }
0x11: {  	[smem:$0x3FB1] =	sst s9;
	s0 =	simm.s32 @!p0 $0x0  }
0x12: {  	s1 =	sld [smem:$0x3F97];
	s0 =	simm.s32 @p0 $0x1  }
0x13: {  	[smem:$0x3FB2] =	sst s0;
	s0 =	simm.s32 @!p1 $0x0  }
0x14: {  	s2 =	sld [smem:$0x3F96];
	s0 =	simm.s32 @p1 $0x1  }
0x15: {  	[smem:$0x3FB3] =	sst s0;
	s0 =	simm.s32 @!p2 $0x0  }
0x16: {  	s3 =	sld [smem:$0x3FDB];
	s0 =	simm.s32 @p2 $0x1  }
0x17: {  	s4 =	simm.s32 $0x1BF5;
	[smem:$0x3FB5] =	sst s0  }
0x18: {  	s0 =	sld [smem:$0x3F98];
	_ =	swait.ge [sflag:s4], $0x0  }
0x19: {  	s7 =	sld [smem:$0x3F99]  }
0x1a: {  	s8 =	sadd.s32 $0xFFFFE003, lr  }
0x1b: {  	s9 =	sadd.s32 $0xFFFFFEF7, lr;
	s5 =	simm.s32 $0xFFFFFFFF;
	p2 =	slt.u32 s8, $0xFFFFF086  }
0x1c: {  	p1 =	slt.u32 s9, $0xF7A;
	s5 =	simm.s32 @!p2 $0x0  }
0x1d: {  	s5 =	simm.s32 @p1 $0x1;
	p0 =	seq.s32 s7, s2  }
0x1e: {  	s7 =	smul.u32 @!p0 $0xF7A, s2;
	p2 =	seq.s32 @!p0 s5, $0x0  }
0x1f: {  	s9 =	smul.u32 $0xF7A, s1;
	s8 =	simm.s32 @!p0 $0x1BF5;
	p2 =	por !p2, p0  }
0x20: {  	[sflag:s8] =	ssyncset.s32 @!p0 $0xFFFFF086;
	s6 =	sadd.s32 @!p0 s3, s7;
	s7 =	simm.s32 @!p0 $0x108  }
0x21: {  	s3 =	sadd.s32 s3, s9;
	s6 =	sadd.s32 @!p0 $0x88, s6;
	s7 =	simm.s32 @p2 $0x1082  }
0x22: {  	[simem:s7], [sflag:s8] =	dma.local @!p0 [hbm:s6], $0xF7A  }
0x23: {  	s9 =	sor.u32 $0xD0000000, s2;
	s6 =	simm.s32 $0x108;
	_ =	swait.ge @!p0 [sflag:s8], $0x0  }
0x24: {  	s3 =	sadd.s32 $0x88, s3;
	s6 =	simm.s32 @!p1 $0x1082;
	[sflag:s4] =	ssyncset.s32 $0xFFFFF086  }
0x25: {  	[simem:s6], [sflag:s4] =	dma.local [hbm:s3], $0xF7A  }
0x26: {  	[smem:$0x3F99] =	sst s1;
	(tag) =	ssettag s2;
	_ =	strace s9  }
0x27: {  	s1 =	sld [smem:$0x3FA9]  }
0x28: {  	s2 =	sld [smem:$0x3FAA]  }
0x29: {  	s4 =	sld [smem:$0x3FAC]  }
0x2a: {  	p0 =	seq.s32 s5, $0x0;
	s5 =	sld [smem:$0x3FAD]  }
0x2b: {  	s6 =	sld [smem:$0x3FAE]  }
0x2c: {  	s7 =	sld [smem:$0x3FAF]  }
0x2d: {  	s3 =	simm.s32 $0x108;
	s8 =	sld [smem:$0x3FB0]  }
0x2e: {  	s3 =	simm.s32 @!p0 $0x1082;
	s9 =	sld [smem:$0x3FB1]  }
0x2f: {  	lr =	sadd.s32 s0, s3;
	s0 =	sld [smem:$0x3FA8]  }
0x30: {  	s3 =	sld [smem:$0x3FAB]  }
0x31: {  	[smem:$0x3FB4] =	sst s10  }
0x32: {  	s10 =	sld [smem:$0x3FB2];
	_ =	sdelay $0x3  }
0x33: {  	p0 =	seq.s32 s10, $0x1;
	s10 =	sld [smem:$0x3FB4];
	_ =	sdelay $0x3  }
0x34: {  	[smem:$0x3FB4] =	sst s10  }
0x35: {  	s10 =	sld [smem:$0x3FB3];
	_ =	sdelay $0x3  }
0x36: {  	p1 =	seq.s32 s10, $0x1;
	s10 =	sld [smem:$0x3FB4];
	_ =	sdelay $0x3  }
0x37: {  	[smem:$0x3FB4] =	sst s10  }
0x38: {  	s10 =	sld [smem:$0x3FB5]  }
0x39: {  	_ = 	snop;
	(pc) =	sbr.ind lr, $3  }
0x3a: {  	_ = 	snop  }
0x3b: {  	_ = 	snop  }
0x3c: {  	p2 =	seq.s32 s10, $0x1;
	s10 =	sld [smem:$0x3FB4]  }
0x3d: {  	_ =	shalt  }
0x3e: {  	_ =	shalt  }
0x3f: {  	_ =	shalt  }
0x40: {  	_ =	shalt  }
0x41: {  	_ =	shalt  }
0x42: {  	_ =	shalt  }
0x43: {  	_ =	shalt  }
0x44: {  	_ =	shalt  }
0x45: {  	_ =	shalt  }
0x46: {  	_ =	shalt  }
0x47: {  	_ =	shalt  }
0x48: {  	_ =	shalt  }
0x49: {  	_ =	shalt  }
0x4a: {  	_ =	shalt  }
0x4b: {  	_ =	shalt  }
0x4c: {  	_ =	shalt  }
0x4d: {  	_ =	shalt  }
0x4e: {  	_ =	shalt  }
0x4f: {  	_ =	shalt  }
0x50: {  	_ =	shalt  }
0x51: {  	_ =	shalt  }
0x52: {  	_ =	shalt  }
0x53: {  	_ =	shalt  }
0x54: {  	_ =	shalt  }
0x55: {  	_ =	shalt  }
0x56: {  	_ =	shalt  }
0x57: {  	_ =	shalt  }
0x58: {  	_ =	shalt  }
0x59: {  	_ =	shalt  }
0x5a: {  	_ =	shalt  }
0x5b: {  	_ =	shalt  }
0x5c: {  	_ =	shalt  }
0x5d: {  	_ =	shalt  }
0x5e: {  	_ =	shalt  }
0x5f: {  	_ =	shalt  }
0x60: {  	_ =	shalt  }
0x61: {  	_ =	shalt  }
0x62: {  	_ =	shalt  }
0x63: {  	_ =	shalt  }
0x64: {  	_ =	shalt  }
0x65: {  	_ =	shalt  }
0x66: {  	_ =	shalt  }
0x67: {  	_ =	shalt  }
0x68: {  	_ =	shalt  }
0x69: {  	_ =	shalt  }
0x6a: {  	_ =	shalt  }
0x6b: {  	_ =	shalt  }
0x6c: {  	_ =	shalt  }
0x6d: {  	_ =	shalt  }
0x6e: {  	_ =	shalt  }
0x6f: {  	_ =	shalt  }
0x70: {  	_ =	shalt  }
0x71: {  	_ =	shalt  }
0x72: {  	_ =	shalt  }
0x73: {  	_ =	shalt  }
0x74: {  	_ =	shalt  }
0x75: {  	_ =	shalt  }
0x76: {  	_ =	shalt  }
0x77: {  	_ =	shalt  }
0x78: {  	_ =	shalt  }
0x79: {  	_ =	shalt  }
0x7a: {  	_ =	shalt  }
0x7b: {  	_ =	shalt  }
0x7c: {  	_ =	shalt  }
0x7d: {  	_ =	shalt  }
0x7e: {  	_ =	shalt  }
0x7f: {  	_ =	shalt  }
0x80: {  	_ =	shalt  }
0x81: {  	_ =	shalt  }
0x82: {  	_ =	shalt  }
0x83: {  	_ =	shalt  }
0x84: {  	_ =	shalt  }
0x85: {  	_ =	shalt  }
0x86: {  	_ =	shalt  }
0x87: {  	_ =	shalt  }
.Lfunc_end0:
.L_simem_size_0:
called_computation.1_lowered:
.L_overlay_start_0:
0x88: {  	s2 =	sld [smem:$0x3FD9]  }
0x89: {  	s3 =	sld [smem:$0x3FFE];
	_ =	sdelay $0x1  }
0x8a: {  	s1 =	srdreg.scid  }
0x8b: {  	s0 =	sand.u32 $0x1, s1  }
0x8c: {  	s17 =	sshll.u32 s0, $0xA;
	s2 =	sadd.s32 s3, s2  }
0x8d: {  	s2 =	sadd.s32 s2, s17  }
0x8e: {  	[smem:$0x3FC0] =	sst s2  }
0x8f: {  	_ = 	snop  }
0x90: {  	(tm) =	ssettm $0x1  }
0x91: {  	s18 =	sld [smem:$0x3FFB];
	_ =	sdelay $0x3  }
0x92: {  	_ =	strace s18  }
0x93: {  	s2 =	sld [smem:$0x3FFC];
	_ =	sdelay $0x3  }
0x94: {  	_ =	strace s2  }
0x95: {  	s2 =	sld [smem:$0x3FFD];
	_ =	sdelay $0x3  }
0x96: {  	_ =	strace s2  }
0x97: {  	_ =	strace $0x8FFFFFFF  }
0x98: {  	s19 =	sld [smem:$0x3FDB];
	_ =	sdelay $0x1  }
0x99: {  	s20 =	simm.s32 $_scs_section_size  }
0x9a: {  	s4 =	simm.s32 $_size__tile_overlayer_lowered;
	s5 =	simm.s32 $_tile_overlayer_lowered  }
0x9b: {  	s6 =	simm.s32 $0x1BFF;
	s21 =	sshll.u32 s5, $0x1;
	s3 =	sadd.s32 s20, s19  }
0x9c: {  	s22 =	simm.s32 $0x0;
	s4 =	sshll.u32 s4, $0x1;
	s5 =	sadd.s32 s21, s3  }
0x9d: {  	[timem:s22], [sflag:s6] =	dma.local [hbm:s5], s4  }
0x9e: {  	_ =	swait.ge [sflag:s6], s4  }
0x9f: {  	s4 =	ssub.s32 $0x0, s4;
	[sflag:s6] =	ssyncset.done $0x0  }
0xa0: {  	[sflag:s6] =	ssyncadd.s32 s4;
	_ =	sdelay $0x1  }
0xa1: {  	s23 =	simm.s32 $0x1B8B  }
0xa2: {  	_ =	swait.ge [sflag:s23], $0x1  }
0xa3: {  	[sflag:s23] =	ssyncset.done $0x0  }
0xa4: {  	[sflag:s23] =	ssyncadd.s32 $0xFFFFFFFF  }
0xa5: {  	s4 =	sld [smem:$0x0]  }
0xa6: {  	s5 =	sand.u32 $0xFFFFFFFE, s1  }
0xa7: {  	p0 =	sne.s32 s1, s5  }
0xa8: {  	s5 =	sshll.u32 @p0 s5, $0xE  }
0xa9: {  	s5 =	sadd.s32 @p0 $0x11B8D, s5;
	s6 =	sshll.u32 @p0 s4, $0x11  }
0xaa: {  	s5 =	sor.u32 @p0 s6, s5  }
0xab: {  	[sflag:s5] =	ssyncadd.remote.s32 @p0 $0x1;
	_ =	sdelay $0x1  }
0xac: {  	s5 =	simm.s32 @p0 $0x1B8D  }
0xad: {  	_ =	swait.eq @p0 [sflag:s5], $0x1  }
0xae: {  	[sflag:s5] =	ssyncadd.s32 @p0 $0xFFFFFFFF  }
0xaf: {  	s6 =	sshll.u32 @!p0 s1, $0xE  }
0xb0: {  	s6 =	sor.u32 @!p0 $0x4000, s6;
	s5 =	simm.s32 @!p0 $0x1B8D  }
0xb1: {  	s4 =	sshll.u32 @!p0 s4, $0x11;
	s6 =	sadd.s32 @!p0 $0x11B8D, s6;
	_ =	swait.eq @!p0 [sflag:s5], $0x1  }
0xb2: {  	s4 =	sor.u32 @!p0 s4, s6;
	[sflag:s5] =	ssyncadd.s32 @!p0 $0xFFFFFFFF  }
0xb3: {  	s25 =	simm.s32 $0x1B8E;
	s24 =	sld [smem:$0x3FFE];
	[sflag:s4] =	ssyncadd.remote.s32 @!p0 $0x1  }
0xb4: {  	s26 =	simm.s32 $execute0_lowered;
	[smem:$0x3FD2] =	sst s25  }
0xb5: {  	s5 =	sshll.u32 s26, $0x1;
	_ =	strace $0x80000052;
	[dreg:$0x1] =	wrdreg $0xFFFFFFFF  }
0xb6: {  	s28 =	simm.s32 $_size_execute0_lowered;
	s3 =	sadd.s32 s3, s5;
	[dreg:$0x0] =	wrdreg $0x0  }
0xb7: {  	s5 =	sshll.u32 s28, $0x1;
	[dreg:$0x2] =	wrdreg s3  }
0xb8: {  	[dreg:$0x3] =	wrdreg s5  }
0xb9: {  	[dreg:$0x4] =	wrdreg $0xC0  }
0xba: {  	_ =	task [dreg:s22], $0x5FFFF  }
0xbb: {  	[dreg:$0x1] =	wrdreg $0xFFFFFFFF  }
0xbc: {  	[dreg:$0x0] =	wrdreg $0x60  }
0xbd: {  	[dreg:$0x2] =	wrdreg s24  }
0xbe: {  	[dreg:$0x3] =	wrdreg $0xA  }
0xbf: {  	_ =	task.clear_ibuf [dreg:s22], $0x4FFFF;
	_ =	strace $0x90000052  }
0xc0: {  	s29 =	simm.s32 $0xA;
	_ =	strace $0x80000054  }
0xc1: {  	_ =	swait.ge [sflag:s29], $0x1  }
0xc2: {  	[sflag:s29] =	ssyncadd.s32 $0xFFFFFFFF  }
0xc3: {  	_ =	strace $0x90000054  }
0xc4: {  	_ =	sfence  }
0xc5: {  	s30 =	sld [smem:$0x0];
	_ =	sdelay $0x2  }
0xc6: {  	s31 =	sshll.u32 s1, $0xD;
	s1 =	sshrl.u32 s1, $0x2  }
0xc7: {  	s4 =	sand.u32 $0x4000, s31;
	s1 =	sadd.s32 s1, s30  }
0xc8: {  	s0 =	sor.u32 s4, s0;
	s1 =	sshll.u32 s1, $0x11  }
0xc9: {  	s0 =	sor.u32 s1, s0  }
0xca: {  	s0 =	sadd.s32 $0x8F2B, s0  }
0xcb: {  	[sflag:s0] =	ssyncadd.remote.s32 $0x1  }
0xcc: {  	_ =	sfence.sel $0xFFFF  }
0xcd: {  	[dreg:$0x0] =	wrdreg $0xFFFFFFFF;
	(pc) =	sbr.abs _section_cstart, $3  }
0xce: {  	[dreg:$0x1] =	wrdreg $0xFFFFFFFF  }
0xcf: {  	_ =	task.clear_ibuf [dreg:s22], $0x2FFFF;
	_ =	strace $0x9FFFFFFF  }
0xd0: {  	(tm) =	ssettm $0x7FFFFFFF  }
0xd1: {  	_ =	shalt  }
tec
execute0_lowered:
.L_overlay_start_1:
0x0: {  	(tag) =	ssettag $0x1  }
0x1: {  	s0 =	rddreg [dreg:$0x0];
	s2 =	simm.s32 $0x0;
	s1 =	srdreg.scid  }
0x2: {  	s3 =	stileid.u32;
	s18 =	simm.s32 $0x3;
	s19 =	simm.s32 $0x40  }
0x3: {  	s20 =	simm.s32 $0x80;
	s21 =	simm.s32 $0x100;
	s22 =	simm.s32 $0xC0  }
0x4: {  	s23 =	simm.s32 $0x2100;
	s24 =	simm.s32 $0x1;
	s25 =	simm.s32 $0x1100  }
0x5: {  	s28 =	simm.s32 $0x3100;
	s29 =	simm.s32 $0x0;
	[smem:$0x7FF] =	sst s2  }
0x6: {  	s1 =	sand.u32 $0x1, s1;
	s3 =	sshll.u32 s3, $0x1;
	s5 =	sadd.s32 $0x3DC600, s0  }
0x7: {  	s6 =	sadd.s32 $0x7B1C00, s0;
	s7 =	ssub.s32 $0x2, s1;
	s1 =	sor.u32 s1, s3  }
0x8: {  	_ =	strace $0x80000053;
	s8 =	sshrl.u32 s7, $0x1;
	s4 =	smul.u32 $0x640, s1  }
0x9: {  	s3 =	sadd.s32 $0xD3C00, s0;
	s17 =	ssub.s32 s7, s8;
	s8 =	smul.u32 $0x32000, s1  }
0xa: {  	s7 =	sadd.s32 $0xC800, s4;
	s9 =	sshrl.u32 s4, $0x3;
	s10 =	sadd.s32 $0x40, s4  }
.Ltmp0:
0xb: {  	s17 =	smax.u32 s17, $0x1;
	s9 =	sadd.s32 s3, s9;
	(pc) =	sbr.rel .LBB2_1-.Ltmp0, $4  }
0xc: {  	s26 =	sshrl.u32 s7, $0x3;
	s30 =	sshrl.u32 s10, $0x3;
	s14 =	sshrl.u32 s8, $0x3  }
0xd: {  	s1 =	sadd.s32 s3, s26;
	s12 =	sadd.s32 s3, s30;
	s13 =	sadd.s32 $0x1908, s9  }
0xe: {  	v1 =	vlaneseq.u32;
	s31 =	sadd.s32 s6, s14;
	s14 =	sadd.s32 $0x7B1C08, s0;
	s26 =	simm.s32 $0x2  }
0xf: {  	v0 =	vimm.s32 $0x0;
	v2 =	vimm.f32 $0.0e+00;
	v1 =	vmul.u32 $0x40, v1;
	[dreg:$0x2] =	wrdreg s1;
	s15 =	sadd.s32 $0x6000, s31;
	s16 =	sadd.s32 $0x6008, s31  }
.LBB2_22:
0x10: {  	[hbm4b:s15+s19] =	stream.strided.scatter [tilespmem:s21], [sflag:$0x3], $0x1000, s20, s19, $0x38;
	[tilespmem:$0x4100] =	vst v63  }
0x11: {  	s29 =	sadd.s32 $0x1, s29;
	_ =	swait.ge [sflag:s18], $0x1000  }
0x12: {  	p0 =	sne.s32 s29, s17;
	[sflag:s18] =	ssyncset.done $0x0  }
.Ltmp1:
0x13: {  	[sflag:s18] =	ssyncadd.s32 $0xFFFFF000;
	(pc) =	sbr.rel @!p0 .LBB2_23-.Ltmp1, $4  }
0x14: {  	[hbm4b:s16+s19] =	stream.strided.scatter [tilespmem:s25], [sflag:$0x3], $0x1000, s20, s19, $0x38;
	[tilespmem:$0x4100] =	vst v63  }
0x15: {  	_ =	swait.ge [sflag:s18], $0x1000  }
0x16: {  	[sflag:s18] =	ssyncset.done $0x0  }
0x17: {  	[sflag:s18] =	ssyncadd.s32 $0xFFFFF000  }
.LBB2_1:
0x18: {  	[tilespmem:s2], [sflag:$0x3] =	stream.linear.gather [hbm4b:s9+s2], $0x40, $0x38;
	[tilespmem:$0x4100] =	vst v63  }
0x19: {  	_ =	swait.ge [sflag:s18], $0x40  }
0x1a: {  	[sflag:s18] =	ssyncset.done $0x0  }
0x1b: {  	s0 =	rddreg [dreg:$0x2];
	[sflag:s18] =	ssyncadd.s32 $0xFFFFFFC0  }
0x1c: {  	[tilespmem:s19], [sflag:$0x3] =	stream.linear.gather [hbm4b:s0+s2], $0x40, $0x38;
	[tilespmem:$0x4100] =	vst v63  }
0x1d: {  	_ =	swait.ge [sflag:s18], $0x40  }
0x1e: {  	[sflag:s18] =	ssyncset.done $0x0  }
0x1f: {  	[sflag:s18] =	ssyncadd.s32 $0xFFFFFFC0  }
0x20: {  	[tilespmem:s21], [sflag:$0x1] =	stream.indirect.gather [hbm4b:s5+s20], $0x40, s2, s20, $0xb8;
	[tilespmem:$0x4100] =	vst v63  }
0x21: {  	_ = 	snop  }
0x22: {  	[tilespmem:s20], [sflag:$0x3] =	stream.linear.gather [hbm4b:s12+s2], $0x40, $0x38;
	[tilespmem:$0x4100] =	vst v63  }
0x23: {  	_ =	swait.ge [sflag:s18], $0x40  }
0x24: {  	[sflag:s18] =	ssyncset.done $0x0  }
0x25: {  	[sflag:s18] =	ssyncadd.s32 $0xFFFFFFC0  }
0x26: {  	[tilespmem:s22], [sflag:$0x3] =	stream.linear.gather [hbm4b:s13+s2], $0x40, $0x38;
	[tilespmem:$0x4100] =	vst v63  }
0x27: {  	_ =	swait.ge [sflag:s18], $0x40  }
0x28: {  	[sflag:s18] =	ssyncset.done $0x0  }
0x29: {  	s30 =	simm.s32 $0x0;
	[sflag:s18] =	ssyncadd.s32 $0xFFFFFFC0  }
0x2a: {  	[tilespmem:s23], [sflag:$0x2] =	stream.indirect.gather [hbm4b:s5+s20], $0x40, s20, s20, $0xb8;
	[tilespmem:$0x4100] =	vst v63  }
.LBB2_2:
.Ltmp2:
0x2b: {  	(pc) =	sbr.rel .LBB2_3-.Ltmp2, $4  }
0x2c: {  	_ = 	snop  }
0x2d: {  	_ =	swait.ge [sflag:s24], $0x2000  }
0x2e: {  	[sflag:s24] =	ssyncset.done $0x0  }
0x2f: {  	s0 =	simm.s32 $0x0;
	[sflag:s24] =	ssyncadd.s32 $0xFFFFE000  }
.LBB2_6:
0x30: {  	_ =	sdelay $0x4  }
0x31: {  	[tilespmem:v4+s21+$0x0] =	vst.idx.msk vm0, v2  }
.LBB2_7:
0x32: {  	s0 =	sadd.s32 $0x1, s0  }
0x33: {  	p0 =	sne.s32 s0, $0x8  }
.Ltmp3:
0x34: {  	_ = 	snop;
	(pc) =	sbr.rel @!p0 .LBB2_8-.Ltmp3, $1  }
0x35: {  	_ =	sdelay $0x3  }
.LBB2_3:
0x36: {  	s1 =	sshll.u32 s0, $0x4  }
0x37: {  	v3 =	vld [tilespmem:s1+$0x0];
	_ =	sdelay $0x4  }
0x38: {  	vm0 =	veq.s32 v3, $0x1869F  }
0x39: {  	v3 =	vsel vm0, $0x1, v0  }
0x3a: {  	v3 =	vor.u32 $0x80000000, v3  }
0x3b: {  	(xrf0) =	vmax.scan.msk.u32 $0xffff, v3;
	_ =	sdelay $0x5  }
0x3c: {  	v3, _, _ =	vpop (xrf0)  }
0x3d: {  	(v2sf) =	vpush v3, $0xF;
	_ =	sdelay $0xe  }
0x3e: {  	s31 =	spop (v2sf)  }
0x3f: {  	p0 =	slt.u32 s31, $0x80000001  }
.Ltmp4:
0x40: {  	_ = 	snop;
	(pc) =	sbr.rel @p0 .LBB2_7-.Ltmp4, $1  }
0x41: {  	_ =	sdelay $0x3  }
0x42: {  	s31 =	simm.s32 $0x0  }
0x43: {  	v3 =	vmov s31  }
0x44: {  	v4 =	vmov s1;
	v3 =	vand.u32 $0x3F, v3  }
0x45: {  	v4 =	vshll.u32 v4, $0x6;
	v5 =	vbroadcast v3, $0x0  }
0x46: {  	v3 =	vor.u32 v1, v4  }
0x47: {  	s31 =	simm.s32 $0x1;
	v4 =	vor.u32 v3, v5  }
.LBB2_5:
0x48: {  	p0 =	sne.s32 s31, $0x3F  }
.Ltmp5:
0x49: {  	v5 =	vmov s31;
	s31 =	sadd.s32 $0x1, s31;
	(pc) =	sbr.rel @p0 .LBB2_5-.Ltmp5, $4  }
0x4a: {  	v5 =	vand.u32 $0x3F, v5  }
0x4b: {  	v5 =	vbroadcast v5, $0x0  }
0x4c: {  	[tilespmem:v4+s21+$0x0] =	vst.idx.msk vm0, v2  }
0x4d: {  	v4 =	vor.u32 v3, v5  }
.Ltmp6:
0x4e: {  	_ = 	snop;
	(pc) =	sbr.rel .LBB2_6-.Ltmp6, $1  }
0x4f: {  	_ =	sdelay $0x3  }
.LBB2_8:
0x50: {  	s0 =	sshll.u32 s30, $0xE  }
0x51: {  	s0 =	sadd.s32 s8, s0  }
0x52: {  	s0 =	sshrl.u32 s0, $0x3  }
0x53: {  	s1 =	sadd.s32 s6, s0  }
0x54: {  	[hbm4b:s1+s19] =	stream.strided.scatter [tilespmem:s21], [sflag:$0x3], $0x1000, s20, s19, $0x38;
	[tilespmem:$0x4100] =	vst v63  }
0x55: {  	_ =	swait.ge [sflag:s18], $0x1000  }
0x56: {  	s31 =	sshll.u32 s30, $0x7;
	[sflag:s18] =	ssyncset.done $0x0  }
0x57: {  	s0 =	sadd.s32 s0, s14;
	s1 =	sadd.s32 $0x80, s31;
	[sflag:s18] =	ssyncadd.s32 $0xFFFFF000  }
0x58: {  	[hbm4b:s0+s19] =	stream.strided.scatter [tilespmem:s25], [sflag:$0x3], $0x1000, s20, s19, $0x38;
	[tilespmem:$0x4100] =	vst v63  }
0x59: {  	s11 =	sadd.s32 s4, s1;
	_ =	swait.ge [sflag:s18], $0x1000  }
0x5a: {  	s0 =	sshrl.u32 s11, $0x3;
	[sflag:s18] =	ssyncset.done $0x0  }
0x5b: {  	s11 =	sadd.s32 s3, s0;
	s0 =	simm.s32 $0x0;
	[sflag:s18] =	ssyncadd.s32 $0xFFFFF000  }
0x5c: {  	[tilespmem:s0], [sflag:$0x3] =	stream.linear.gather [hbm4b:s11+s0], $0x40, $0x38;
	[tilespmem:$0x4100] =	vst v63  }
0x5d: {  	s1 =	sadd.s32 s7, s1;
	_ =	swait.ge [sflag:s18], $0x40  }
0x5e: {  	s1 =	sshrl.u32 s1, $0x3;
	[sflag:s18] =	ssyncset.done $0x0  }
0x5f: {  	s1 =	sadd.s32 s3, s1;
	[sflag:s18] =	ssyncadd.s32 $0xFFFFFFC0  }
0x60: {  	[tilespmem:s19], [sflag:$0x3] =	stream.linear.gather [hbm4b:s1+s0], $0x40, $0x38;
	[tilespmem:$0x4100] =	vst v63  }
0x61: {  	_ =	swait.ge [sflag:s18], $0x40  }
0x62: {  	[sflag:s18] =	ssyncset.done $0x0  }
.Ltmp7:
0x63: {  	[sflag:s18] =	ssyncadd.s32 $0xFFFFFFC0;
	(pc) =	sbr.rel .LBB2_9-.Ltmp7, $4  }
0x64: {  	[tilespmem:s21], [sflag:$0x1] =	stream.indirect.gather [hbm4b:s5+s20], $0x40, s0, s20, $0xb8;
	[tilespmem:$0x4100] =	vst v63  }
0x65: {  	_ =	swait.ge [sflag:s26], $0x2000  }
0x66: {  	[sflag:s26] =	ssyncset.done $0x0  }
0x67: {  	[sflag:s26] =	ssyncadd.s32 $0xFFFFE000  }
.LBB2_12:
0x68: {  	_ =	sdelay $0x4  }
0x69: {  	[tilespmem:v4+s23+$0x0] =	vst.idx.msk vm0, v2  }
.LBB2_13:
0x6a: {  	s0 =	sadd.s32 $0x1, s0  }
0x6b: {  	p0 =	sne.s32 s0, $0x8  }
.Ltmp8:
0x6c: {  	_ = 	snop;
	(pc) =	sbr.rel @!p0 .LBB2_14-.Ltmp8, $1  }
0x6d: {  	_ =	sdelay $0x3  }
.LBB2_9:
0x6e: {  	s1 =	sshll.u32 s0, $0x4  }
0x6f: {  	v3 =	vld [tilespmem:s1+$0x80];
	_ =	sdelay $0x4  }
0x70: {  	vm0 =	veq.s32 v3, $0x1869F  }
0x71: {  	v3 =	vsel vm0, $0x1, v0  }
0x72: {  	v3 =	vor.u32 $0x80000000, v3  }
0x73: {  	(xrf0) =	vmax.scan.msk.u32 $0xffff, v3;
	_ =	sdelay $0x5  }
0x74: {  	v3, _, _ =	vpop (xrf0)  }
0x75: {  	(v2sf) =	vpush v3, $0xF;
	_ =	sdelay $0xe  }
0x76: {  	s11 =	spop (v2sf)  }
0x77: {  	p0 =	slt.u32 s11, $0x80000001  }
.Ltmp9:
0x78: {  	_ = 	snop;
	(pc) =	sbr.rel @p0 .LBB2_13-.Ltmp9, $1  }
0x79: {  	_ =	sdelay $0x3  }
0x7a: {  	s11 =	simm.s32 $0x0  }
0x7b: {  	v3 =	vmov s11  }
0x7c: {  	v4 =	vmov s1;
	v3 =	vand.u32 $0x3F, v3  }
0x7d: {  	v4 =	vshll.u32 v4, $0x6;
	v5 =	vbroadcast v3, $0x0  }
0x7e: {  	v3 =	vor.u32 v1, v4  }
0x7f: {  	s1 =	simm.s32 $0x1;
	v4 =	vor.u32 v3, v5  }
.LBB2_11:
0x80: {  	p0 =	sne.s32 s1, $0x3F  }
.Ltmp10:
0x81: {  	v5 =	vmov s1;
	s1 =	sadd.s32 $0x1, s1;
	(pc) =	sbr.rel @p0 .LBB2_11-.Ltmp10, $4  }
0x82: {  	v5 =	vand.u32 $0x3F, v5  }
0x83: {  	v5 =	vbroadcast v5, $0x0  }
0x84: {  	[tilespmem:v4+s23+$0x0] =	vst.idx.msk vm0, v2  }
0x85: {  	v4 =	vor.u32 v3, v5  }
.Ltmp11:
0x86: {  	_ = 	snop;
	(pc) =	sbr.rel .LBB2_12-.Ltmp11, $1  }
0x87: {  	_ =	sdelay $0x3  }
.LBB2_14:
0x88: {  	s0 =	sadd.s32 s31, s10  }
0x89: {  	s0 =	sshll.u32 s0, $0x4  }
0x8a: {  	s1 =	sadd.s32 s6, s0  }
0x8b: {  	[hbm4b:s1+s19] =	stream.strided.scatter [tilespmem:s23], [sflag:$0x3], $0x1000, s20, s19, $0x38;
	[tilespmem:$0x4100] =	vst v63  }
0x8c: {  	_ =	swait.ge [sflag:s18], $0x1000  }
0x8d: {  	p0 =	seq.s32 s30, $0xB;
	[sflag:s18] =	ssyncset.done $0x0  }
.Ltmp12:
0x8e: {  	s0 =	sadd.s32 s0, s14;
	[sflag:s18] =	ssyncadd.s32 $0xFFFFF000;
	(pc) =	sbr.rel @p0 .LBB2_16-.Ltmp12, $4  }
0x8f: {  	[hbm4b:s0+s19] =	stream.strided.scatter [tilespmem:s28], [sflag:$0x3], $0x1000, s20, s19, $0x38;
	[tilespmem:$0x4100] =	vst v63  }
0x90: {  	_ =	swait.ge [sflag:s18], $0x1000  }
0x91: {  	[sflag:s18] =	ssyncset.done $0x0  }
0x92: {  	[sflag:s18] =	ssyncadd.s32 $0xFFFFF000  }
0x93: {  	s0 =	sadd.s32 $0xC0, s31  }
0x94: {  	s1 =	sadd.s32 s4, s0  }
0x95: {  	s1 =	sshrl.u32 s1, $0x3  }
0x96: {  	s1 =	sadd.s32 s3, s1  }
0x97: {  	[tilespmem:s20], [sflag:$0x3] =	stream.linear.gather [hbm4b:s1+s2], $0x40, $0x38;
	[tilespmem:$0x4100] =	vst v63  }
0x98: {  	s0 =	sadd.s32 s7, s0;
	_ =	swait.ge [sflag:s18], $0x40  }
0x99: {  	s0 =	sshrl.u32 s0, $0x3;
	[sflag:s18] =	ssyncset.done $0x0  }
0x9a: {  	s0 =	sadd.s32 s3, s0;
	[sflag:s18] =	ssyncadd.s32 $0xFFFFFFC0  }
0x9b: {  	[tilespmem:s22], [sflag:$0x3] =	stream.linear.gather [hbm4b:s0+s2], $0x40, $0x38;
	[tilespmem:$0x4100] =	vst v63  }
.Ltmp13:
0x9c: {  	_ = 	snop;
	(pc) =	sbr.rel .LBB2_2-.Ltmp13, $4  }
0x9d: {  	_ =	swait.ge [sflag:s18], $0x40  }
0x9e: {  	[sflag:s18] =	ssyncset.done $0x0  }
0x9f: {  	s30 =	sadd.s32 $0x1, s30;
	[sflag:s18] =	ssyncadd.s32 $0xFFFFFFC0  }
0xa0: {  	[tilespmem:s23], [sflag:$0x2] =	stream.indirect.gather [hbm4b:s5+s20], $0x40, s20, s20, $0xb8;
	[tilespmem:$0x4100] =	vst v63  }
.LBB2_16:
.Ltmp14:
0xa1: {  	(pc) =	sbr.rel .LBB2_17-.Ltmp14, $4  }
0xa2: {  	_ = 	snop  }
0xa3: {  	_ =	swait.ge [sflag:s24], $0x2000  }
0xa4: {  	[sflag:s24] =	ssyncset.done $0x0  }
0xa5: {  	s0 =	simm.s32 $0x0;
	[sflag:s24] =	ssyncadd.s32 $0xFFFFE000  }
.LBB2_21:
0xa6: {  	s0 =	sadd.s32 $0x1, s0  }
0xa7: {  	p0 =	sne.s32 s0, $0x8  }
.Ltmp15:
0xa8: {  	_ = 	snop;
	(pc) =	sbr.rel @!p0 .LBB2_22-.Ltmp15, $1  }
0xa9: {  	_ =	sdelay $0x3  }
.LBB2_17:
0xaa: {  	s1 =	sshll.u32 s0, $0x4  }
0xab: {  	v3 =	vld [tilespmem:s1+$0x0];
	_ =	sdelay $0x4  }
0xac: {  	vm0 =	veq.s32 v3, $0x1869F  }
0xad: {  	v3 =	vsel vm0, $0x1, v0  }
0xae: {  	v3 =	vor.u32 $0x80000000, v3  }
0xaf: {  	(xrf0) =	vmax.scan.msk.u32 $0xffff, v3;
	_ =	sdelay $0x5  }
0xb0: {  	v3, _, _ =	vpop (xrf0)  }
0xb1: {  	(v2sf) =	vpush v3, $0xF;
	_ =	sdelay $0xe  }
0xb2: {  	s11 =	spop (v2sf)  }
0xb3: {  	p0 =	slt.u32 s11, $0x80000001  }
.Ltmp16:
0xb4: {  	_ = 	snop;
	(pc) =	sbr.rel @p0 .LBB2_21-.Ltmp16, $1  }
0xb5: {  	_ =	sdelay $0x3  }
0xb6: {  	s11 =	simm.s32 $0x0  }
0xb7: {  	v3 =	vmov s11  }
0xb8: {  	v4 =	vmov s1;
	v3 =	vand.u32 $0x3F, v3  }
0xb9: {  	v4 =	vshll.u32 v4, $0x6;
	v5 =	vbroadcast v3, $0x0  }
0xba: {  	v3 =	vor.u32 v1, v4  }
0xbb: {  	s1 =	simm.s32 $0x1;
	v4 =	vor.u32 v3, v5  }
.LBB2_19:
0xbc: {  	p0 =	sne.s32 s1, $0x3F  }
.Ltmp17:
0xbd: {  	v5 =	vmov s1;
	s1 =	sadd.s32 $0x1, s1;
	(pc) =	sbr.rel @p0 .LBB2_19-.Ltmp17, $4  }
0xbe: {  	v5 =	vand.u32 $0x3F, v5  }
0xbf: {  	v5 =	vbroadcast v5, $0x0  }
0xc0: {  	[tilespmem:v4+s21+$0x0] =	vst.idx.msk vm0, v2  }
0xc1: {  	v4 =	vor.u32 v3, v5  }
0xc2: {  	_ = 	snop  }
.Ltmp18:
0xc3: {  	_ = 	snop;
	(pc) =	sbr.rel .LBB2_21-.Ltmp18, $2  }
0xc4: {  	_ =	sdelay $0x2  }
0xc5: {  	[tilespmem:v4+s21+$0x0] =	vst.idx.msk vm0, v2  }
.LBB2_23:
0xc6: {  	_ =	sfence.sel $0x180000  }
0xc7: {  	[bflag:$0x0] =	sbarrier.arrive $0xFFFF  }
0xc8: {  	_ =	strace $0x90000053  }
0xc9: {  	s0 =	stileid.u32;
	[bflag:$0x2] =	sbarrier.arrive $0xFFFF  }
0xca: {  	p0 =	sne.s32 s0, $0x0;
	s0 =	rddreg [dreg:$0x1]  }
0xcb: {  	s0 =	sadd.s32 @!p0 $0x100000, s0  }
0xcc: {  	[sflag:s0] =	ssyncadd.tile.s32 @!p0 $0x1;
	_ =	shalt  }
.Lfunc_end2:
_tile_overlayer_lowered:
.L_overlay_start_2:
0xcd: {  	(tag) =	ssettag $0x2  }
0xce: {  	s0 =	rddreg [dreg:$0x0];
	s2 =	stileid.u32  }
0xcf: {  	s1 =	rddreg [dreg:$0x1];
	p0 =	sne.s32 s2, $0x0  }
0xd0: {  	s3 =	rddreg [dreg:$0x2];
	[bflag:$0x3] =	sbarrier.arrive $0xFFFF;
	s2 =	simm.s32 @!p0 $0x1C03  }
0xd1: {  	[timem:s3], [sflag:s2] =	dma.local @!p0 [hbm:s0], s1  }
0xd2: {  	s0 =	simm.s32 @!p0 $0x3  }
0xd3: {  	_ =	swait.ge @!p0 [sflag:s0], s1  }
0xd4: {  	s1 =	ssub.s32 @!p0 $0x0, s1;
	[sflag:s0] =	ssyncset.done @!p0 $0x0  }
0xd5: {  	[sflag:s0] =	ssyncadd.s32 @!p0 s1  }
0xd6: {  	[bflag:$0x3] =	sbarrier.arrive $0xFFFF  }
0xd7: {  	_ =	shalt  }

// kernel: kernel.16.cloned.1.call-start
scs
__scs_entry_jumppad:
0x0: {  	(pc) =	sbr.rel $0x88, $3  }
0x1: {  	(tag) =	ssettag $0x0;
	lr =	simm.s32 $0x1  }
0x2: {  	[smem:$0x3F99] =	sst lr;
	_ =	strace $0xD0000000  }
0x3: {  	_ = 	snop  }
0x4: {  	_ = 	snop  }
0x5: {  	_ = 	snop  }
0x6: {  	_ = 	snop  }
0x7: {  	_ = 	snop  }
__scs_overlays_trampoline_lowered:
0x8: {  	[smem:$0x3FA8] =	sst s0  }
0x9: {  	[smem:$0x3FA9] =	sst s1  }
0xa: {  	[smem:$0x3FAA] =	sst s2  }
0xb: {  	[smem:$0x3FAB] =	sst s3  }
0xc: {  	[smem:$0x3FAC] =	sst s4  }
0xd: {  	[smem:$0x3FAD] =	sst s5  }
0xe: {  	[smem:$0x3FAE] =	sst s6  }
0xf: {  	[smem:$0x3FAF] =	sst s7  }
0x10: {  	[smem:$0x3FB0] =	sst s8  }
0x11: {  	[smem:$0x3FB1] =	sst s9;
	s0 =	simm.s32 @!p0 $0x0  }
0x12: {  	s1 =	sld [smem:$0x3F97];
	s0 =	simm.s32 @p0 $0x1  }
0x13: {  	[smem:$0x3FB2] =	sst s0;
	s0 =	simm.s32 @!p1 $0x0  }
0x14: {  	s2 =	sld [smem:$0x3F96];
	s0 =	simm.s32 @p1 $0x1  }
0x15: {  	[smem:$0x3FB3] =	sst s0;
	s0 =	simm.s32 @!p2 $0x0  }
0x16: {  	s3 =	sld [smem:$0x3FDB];
	s0 =	simm.s32 @p2 $0x1  }
0x17: {  	s4 =	simm.s32 $0x1BF5;
	[smem:$0x3FB5] =	sst s0  }
0x18: {  	s0 =	sld [smem:$0x3F98];
	_ =	swait.ge [sflag:s4], $0x0  }
0x19: {  	s7 =	sld [smem:$0x3F99]  }
0x1a: {  	s8 =	sadd.s32 $0xFFFFE003, lr  }
0x1b: {  	s9 =	sadd.s32 $0xFFFFFEF7, lr;
	s5 =	simm.s32 $0xFFFFFFFF;
	p2 =	slt.u32 s8, $0xFFFFF086  }
0x1c: {  	p1 =	slt.u32 s9, $0xF7A;
	s5 =	simm.s32 @!p2 $0x0  }
0x1d: {  	s5 =	simm.s32 @p1 $0x1;
	p0 =	seq.s32 s7, s2  }
0x1e: {  	s7 =	smul.u32 @!p0 $0xF7A, s2;
	p2 =	seq.s32 @!p0 s5, $0x0  }
0x1f: {  	s9 =	smul.u32 $0xF7A, s1;
	s8 =	simm.s32 @!p0 $0x1BF5;
	p2 =	por !p2, p0  }
0x20: {  	[sflag:s8] =	ssyncset.s32 @!p0 $0xFFFFF086;
	s6 =	sadd.s32 @!p0 s3, s7;
	s7 =	simm.s32 @!p0 $0x108  }
0x21: {  	s3 =	sadd.s32 s3, s9;
	s6 =	sadd.s32 @!p0 $0x88, s6;
	s7 =	simm.s32 @p2 $0x1082  }
0x22: {  	[simem:s7], [sflag:s8] =	dma.local @!p0 [hbm:s6], $0xF7A  }
0x23: {  	s9 =	sor.u32 $0xD0000000, s2;
	s6 =	simm.s32 $0x108;
	_ =	swait.ge @!p0 [sflag:s8], $0x0  }
0x24: {  	s3 =	sadd.s32 $0x88, s3;
	s6 =	simm.s32 @!p1 $0x1082;
	[sflag:s4] =	ssyncset.s32 $0xFFFFF086  }
0x25: {  	[simem:s6], [sflag:s4] =	dma.local [hbm:s3], $0xF7A  }
0x26: {  	[smem:$0x3F99] =	sst s1;
	(tag) =	ssettag s2;
	_ =	strace s9  }
0x27: {  	s1 =	sld [smem:$0x3FA9]  }
0x28: {  	s2 =	sld [smem:$0x3FAA]  }
0x29: {  	s4 =	sld [smem:$0x3FAC]  }
0x2a: {  	p0 =	seq.s32 s5, $0x0;
	s5 =	sld [smem:$0x3FAD]  }
0x2b: {  	s6 =	sld [smem:$0x3FAE]  }
0x2c: {  	s7 =	sld [smem:$0x3FAF]  }
0x2d: {  	s3 =	simm.s32 $0x108;
	s8 =	sld [smem:$0x3FB0]  }
0x2e: {  	s3 =	simm.s32 @!p0 $0x1082;
	s9 =	sld [smem:$0x3FB1]  }
0x2f: {  	lr =	sadd.s32 s0, s3;
	s0 =	sld [smem:$0x3FA8]  }
0x30: {  	s3 =	sld [smem:$0x3FAB]  }
0x31: {  	[smem:$0x3FB4] =	sst s10  }
0x32: {  	s10 =	sld [smem:$0x3FB2];
	_ =	sdelay $0x3  }
0x33: {  	p0 =	seq.s32 s10, $0x1;
	s10 =	sld [smem:$0x3FB4];
	_ =	sdelay $0x3  }
0x34: {  	[smem:$0x3FB4] =	sst s10  }
0x35: {  	s10 =	sld [smem:$0x3FB3];
	_ =	sdelay $0x3  }
0x36: {  	p1 =	seq.s32 s10, $0x1;
	s10 =	sld [smem:$0x3FB4];
	_ =	sdelay $0x3  }
0x37: {  	[smem:$0x3FB4] =	sst s10  }
0x38: {  	s10 =	sld [smem:$0x3FB5]  }
0x39: {  	_ = 	snop;
	(pc) =	sbr.ind lr, $3  }
0x3a: {  	_ = 	snop  }
0x3b: {  	_ = 	snop  }
0x3c: {  	p2 =	seq.s32 s10, $0x1;
	s10 =	sld [smem:$0x3FB4]  }
0x3d: {  	_ =	shalt  }
0x3e: {  	_ =	shalt  }
0x3f: {  	_ =	shalt  }
0x40: {  	_ =	shalt  }
0x41: {  	_ =	shalt  }
0x42: {  	_ =	shalt  }
0x43: {  	_ =	shalt  }
0x44: {  	_ =	shalt  }
0x45: {  	_ =	shalt  }
0x46: {  	_ =	shalt  }
0x47: {  	_ =	shalt  }
0x48: {  	_ =	shalt  }
0x49: {  	_ =	shalt  }
0x4a: {  	_ =	shalt  }
0x4b: {  	_ =	shalt  }
0x4c: {  	_ =	shalt  }
0x4d: {  	_ =	shalt  }
0x4e: {  	_ =	shalt  }
0x4f: {  	_ =	shalt  }
0x50: {  	_ =	shalt  }
0x51: {  	_ =	shalt  }
0x52: {  	_ =	shalt  }
0x53: {  	_ =	shalt  }
0x54: {  	_ =	shalt  }
0x55: {  	_ =	shalt  }
0x56: {  	_ =	shalt  }
0x57: {  	_ =	shalt  }
0x58: {  	_ =	shalt  }
0x59: {  	_ =	shalt  }
0x5a: {  	_ =	shalt  }
0x5b: {  	_ =	shalt  }
0x5c: {  	_ =	shalt  }
0x5d: {  	_ =	shalt  }
0x5e: {  	_ =	shalt  }
0x5f: {  	_ =	shalt  }
0x60: {  	_ =	shalt  }
0x61: {  	_ =	shalt  }
0x62: {  	_ =	shalt  }
0x63: {  	_ =	shalt  }
0x64: {  	_ =	shalt  }
0x65: {  	_ =	shalt  }
0x66: {  	_ =	shalt  }
0x67: {  	_ =	shalt  }
0x68: {  	_ =	shalt  }
0x69: {  	_ =	shalt  }
0x6a: {  	_ =	shalt  }
0x6b: {  	_ =	shalt  }
0x6c: {  	_ =	shalt  }
0x6d: {  	_ =	shalt  }
0x6e: {  	_ =	shalt  }
0x6f: {  	_ =	shalt  }
0x70: {  	_ =	shalt  }
0x71: {  	_ =	shalt  }
0x72: {  	_ =	shalt  }
0x73: {  	_ =	shalt  }
0x74: {  	_ =	shalt  }
0x75: {  	_ =	shalt  }
0x76: {  	_ =	shalt  }
0x77: {  	_ =	shalt  }
0x78: {  	_ =	shalt  }
0x79: {  	_ =	shalt  }
0x7a: {  	_ =	shalt  }
0x7b: {  	_ =	shalt  }
0x7c: {  	_ =	shalt  }
0x7d: {  	_ =	shalt  }
0x7e: {  	_ =	shalt  }
0x7f: {  	_ =	shalt  }
0x80: {  	_ =	shalt  }
0x81: {  	_ =	shalt  }
0x82: {  	_ =	shalt  }
0x83: {  	_ =	shalt  }
0x84: {  	_ =	shalt  }
0x85: {  	_ =	shalt  }
0x86: {  	_ =	shalt  }
0x87: {  	_ =	shalt  }
.Lfunc_end0:
.L_simem_size_0:
called_computation.2_lowered:
.L_overlay_start_0:
0x88: {  	s2 =	sld [smem:$0x3FD9]  }
0x89: {  	s3 =	sld [smem:$0x3FFE];
	_ =	sdelay $0x1  }
0x8a: {  	s1 =	srdreg.scid  }
0x8b: {  	s0 =	sand.u32 $0x1, s1  }
0x8c: {  	s17 =	sshll.u32 s0, $0xA;
	s2 =	sadd.s32 s3, s2  }
0x8d: {  	s2 =	sadd.s32 s2, s17  }
0x8e: {  	[smem:$0x3FC0] =	sst s2  }
0x8f: {  	_ = 	snop  }
0x90: {  	s18 =	sld [smem:$0x3FD0];
	(tm) =	ssettm $0x1  }
0x91: {  	s19 =	sld [smem:$0x3FFB];
	_ =	sdelay $0x3  }
0x92: {  	_ =	strace s19  }
0x93: {  	s2 =	sld [smem:$0x3FFC];
	_ =	sdelay $0x3  }
0x94: {  	_ =	strace s2  }
0x95: {  	s2 =	sld [smem:$0x3FFD];
	_ =	sdelay $0x3  }
0x96: {  	_ =	strace s2  }
0x97: {  	_ =	strace $0x8FFFFFFF  }
0x98: {  	s20 =	sld [smem:$0x3FDB];
	_ =	sdelay $0x1  }
0x99: {  	s4 =	simm.s32 $_scs_section_size  }
0x9a: {  	s5 =	simm.s32 $_size__tile_overlayer_lowered;
	s6 =	simm.s32 $_tile_overlayer_lowered  }
0x9b: {  	s7 =	simm.s32 $0x1BFF;
	s21 =	sshll.u32 s6, $0x1;
	s4 =	sadd.s32 s4, s20  }
0x9c: {  	s22 =	simm.s32 $0x0;
	s5 =	sshll.u32 s5, $0x1;
	s6 =	sadd.s32 s21, s4  }
0x9d: {  	[timem:s22], [sflag:s7] =	dma.local [hbm:s6], s5  }
0x9e: {  	_ =	swait.ge [sflag:s7], s5  }
0x9f: {  	s5 =	ssub.s32 $0x0, s5;
	[sflag:s7] =	ssyncset.done $0x0  }
0xa0: {  	[sflag:s7] =	ssyncadd.s32 s5;
	_ =	sdelay $0x1  }
0xa1: {  	s23 =	simm.s32 $0x1B8B  }
0xa2: {  	_ =	swait.ge [sflag:s23], $0x1  }
0xa3: {  	[sflag:s23] =	ssyncset.done $0x0  }
0xa4: {  	[sflag:s23] =	ssyncadd.s32 $0xFFFFFFFF  }
0xa5: {  	s5 =	sld [smem:$0x0]  }
0xa6: {  	s6 =	sand.u32 $0xFFFFFFFE, s1  }
0xa7: {  	p0 =	sne.s32 s1, s6  }
0xa8: {  	s6 =	sshll.u32 @p0 s6, $0xE  }
0xa9: {  	s6 =	sadd.s32 @p0 $0x11B8D, s6;
	s7 =	sshll.u32 @p0 s5, $0x11  }
0xaa: {  	s6 =	sor.u32 @p0 s7, s6  }
0xab: {  	[sflag:s6] =	ssyncadd.remote.s32 @p0 $0x1;
	_ =	sdelay $0x1  }
0xac: {  	s6 =	simm.s32 @p0 $0x1B8D  }
0xad: {  	_ =	swait.eq @p0 [sflag:s6], $0x1  }
0xae: {  	[sflag:s6] =	ssyncadd.s32 @p0 $0xFFFFFFFF  }
0xaf: {  	s7 =	sshll.u32 @!p0 s1, $0xE  }
0xb0: {  	s7 =	sor.u32 @!p0 $0x4000, s7;
	s6 =	simm.s32 @!p0 $0x1B8D  }
0xb1: {  	s5 =	sshll.u32 @!p0 s5, $0x11;
	s7 =	sadd.s32 @!p0 $0x11B8D, s7;
	_ =	swait.eq @!p0 [sflag:s6], $0x1  }
0xb2: {  	s5 =	sor.u32 @!p0 s5, s7;
	[sflag:s6] =	ssyncadd.s32 @!p0 $0xFFFFFFFF  }
0xb3: {  	s25 =	simm.s32 $0x1B8E;
	s24 =	sld [smem:$0x3FFE];
	[sflag:s5] =	ssyncadd.remote.s32 @!p0 $0x1  }
0xb4: {  	s26 =	simm.s32 $execute0_lowered;
	[smem:$0x3FD2] =	sst s25  }
0xb5: {  	s6 =	sshll.u32 s26, $0x1;
	_ =	strace $0x80000055;
	[dreg:$0x1] =	wrdreg $0xFFFFFFFF  }
0xb6: {  	s28 =	simm.s32 $_size_execute0_lowered;
	s4 =	sadd.s32 s4, s6;
	[dreg:$0x0] =	wrdreg $0x0  }
0xb7: {  	s6 =	sshll.u32 s28, $0x1;
	[dreg:$0x2] =	wrdreg s4  }
0xb8: {  	[dreg:$0x3] =	wrdreg s6  }
0xb9: {  	[dreg:$0x4] =	wrdreg $0xC0  }
0xba: {  	_ =	task [dreg:s22], $0x5FFFF  }
0xbb: {  	[dreg:$0x1] =	wrdreg $0xFFFFFFFF  }
0xbc: {  	[dreg:$0x0] =	wrdreg $0x60  }
0xbd: {  	[dreg:$0x2] =	wrdreg s18  }
0xbe: {  	[dreg:$0x3] =	wrdreg s24  }
0xbf: {  	[dreg:$0x4] =	wrdreg $0xB  }
0xc0: {  	_ =	task.clear_ibuf [dreg:s22], $0x5FFFF;
	_ =	strace $0x90000055  }
0xc1: {  	s29 =	simm.s32 $0xB;
	_ =	strace $0x80000057  }
0xc2: {  	_ =	swait.ge [sflag:s29], $0x1  }
0xc3: {  	[sflag:s29] =	ssyncadd.s32 $0xFFFFFFFF  }
0xc4: {  	_ =	strace $0x90000057  }
0xc5: {  	_ =	sfence  }
0xc6: {  	s30 =	sld [smem:$0x0];
	_ =	sdelay $0x2  }
0xc7: {  	s31 =	sshll.u32 s1, $0xD;
	s1 =	sshrl.u32 s1, $0x2  }
0xc8: {  	s4 =	sand.u32 $0x4000, s31;
	s1 =	sadd.s32 s1, s30  }
0xc9: {  	s0 =	sor.u32 s4, s0;
	s1 =	sshll.u32 s1, $0x11  }
0xca: {  	s0 =	sor.u32 s1, s0  }
0xcb: {  	s0 =	sadd.s32 $0x8F2B, s0  }
0xcc: {  	[sflag:s0] =	ssyncadd.remote.s32 $0x1  }
0xcd: {  	_ =	sfence.sel $0xFFFF  }
0xce: {  	[dreg:$0x0] =	wrdreg $0xFFFFFFFF;
	(pc) =	sbr.abs _section_cstart, $3  }
0xcf: {  	[dreg:$0x1] =	wrdreg $0xFFFFFFFF  }
0xd0: {  	_ =	task.clear_ibuf [dreg:s22], $0x2FFFF;
	_ =	strace $0x9FFFFFFF  }
0xd1: {  	(tm) =	ssettm $0x7FFFFFFF  }
tec
execute0_lowered:
.L_overlay_start_1:
0x0: {  	(tag) =	ssettag $0x1  }
0x1: {  	s2 =	rddreg [dreg:$0x0]  }
0x2: {  	s0 =	rddreg [dreg:$0x1];
	s1 =	srdreg.scid  }
0x3: {  	s4 =	stileid.u32;
	s3 =	simm.s32 $0x0;
	s18 =	simm.s32 $0x3  }
0x4: {  	s19 =	simm.s32 $0x40;
	s20 =	simm.s32 $0x80;
	s21 =	simm.s32 $0x100  }
0x5: {  	s22 =	simm.s32 $0xC0;
	s23 =	simm.s32 $0x2100;
	s24 =	simm.s32 $0x1  }
0x6: {  	s25 =	simm.s32 $0x1100;
	s28 =	simm.s32 $0x3100;
	s29 =	simm.s32 $0x0  }
0x7: {  	s1 =	sand.u32 $0x1, s1;
	s4 =	sshll.u32 s4, $0x1;
	[smem:$0x7FF] =	sst s3  }
0x8: {  	s5 =	sadd.s32 $0x626600, s0;
	s7 =	ssub.s32 $0x2, s1;
	s1 =	sor.u32 s1, s4  }
0x9: {  	s6 =	sadd.s32 $0x879C00, s0;
	s8 =	sshrl.u32 s7, $0x1;
	s4 =	smul.u32 $0x640, s1  }
0xa: {  	_ =	strace $0x80000056;
	s17 =	ssub.s32 s7, s8;
	s8 =	smul.u32 $0x32000, s1  }
0xb: {  	s7 =	sadd.s32 $0xC800, s4;
	s9 =	sshrl.u32 s4, $0x3;
	s10 =	sadd.s32 $0x40, s4  }
.Ltmp0:
0xc: {  	s17 =	smax.u32 s17, $0x1;
	s9 =	sadd.s32 s2, s9;
	(pc) =	sbr.rel .LBB2_1-.Ltmp0, $4  }
0xd: {  	s26 =	sshrl.u32 s7, $0x3;
	s30 =	sshrl.u32 s10, $0x3;
	s14 =	sshrl.u32 s8, $0x3  }
0xe: {  	s1 =	sadd.s32 s2, s26;
	s12 =	sadd.s32 s2, s30;
	s13 =	sadd.s32 $0x1908, s9  }
0xf: {  	v1 =	vlaneseq.u32;
	s31 =	sadd.s32 s6, s14;
	s14 =	sadd.s32 $0x879C08, s0;
	s26 =	simm.s32 $0x2  }
0x10: {  	v0 =	vimm.s32 $0x0;
	v2 =	vimm.f32 $0.0e+00;
	v1 =	vmul.u32 $0x40, v1;
	[dreg:$0x3] =	wrdreg s1;
	s15 =	sadd.s32 $0x6000, s31;
	s16 =	sadd.s32 $0x6008, s31  }
.LBB2_22:
0x11: {  	[hbm4b:s15+s19] =	stream.strided.scatter [tilespmem:s21], [sflag:$0x3], $0x1000, s20, s19, $0x38;
	[tilespmem:$0x4100] =	vst v63  }
0x12: {  	s29 =	sadd.s32 $0x1, s29;
	_ =	swait.ge [sflag:s18], $0x1000  }
0x13: {  	p0 =	sne.s32 s29, s17;
	[sflag:s18] =	ssyncset.done $0x0  }
.Ltmp1:
0x14: {  	[sflag:s18] =	ssyncadd.s32 $0xFFFFF000;
	(pc) =	sbr.rel @!p0 .LBB2_23-.Ltmp1, $4  }
0x15: {  	[hbm4b:s16+s19] =	stream.strided.scatter [tilespmem:s25], [sflag:$0x3], $0x1000, s20, s19, $0x38;
	[tilespmem:$0x4100] =	vst v63  }
0x16: {  	_ =	swait.ge [sflag:s18], $0x1000  }
0x17: {  	[sflag:s18] =	ssyncset.done $0x0  }
0x18: {  	[sflag:s18] =	ssyncadd.s32 $0xFFFFF000  }
.LBB2_1:
0x19: {  	[tilespmem:s3], [sflag:$0x3] =	stream.linear.gather [hbm4b:s9+s3], $0x40, $0x38;
	[tilespmem:$0x4100] =	vst v63  }
0x1a: {  	_ =	swait.ge [sflag:s18], $0x40  }
0x1b: {  	[sflag:s18] =	ssyncset.done $0x0  }
0x1c: {  	s0 =	rddreg [dreg:$0x3];
	[sflag:s18] =	ssyncadd.s32 $0xFFFFFFC0  }
0x1d: {  	[tilespmem:s19], [sflag:$0x3] =	stream.linear.gather [hbm4b:s0+s3], $0x40, $0x38;
	[tilespmem:$0x4100] =	vst v63  }
0x1e: {  	_ =	swait.ge [sflag:s18], $0x40  }
0x1f: {  	[sflag:s18] =	ssyncset.done $0x0  }
0x20: {  	[sflag:s18] =	ssyncadd.s32 $0xFFFFFFC0  }
0x21: {  	[tilespmem:s21], [sflag:$0x1] =	stream.indirect.gather [hbm4b:s5+s20], $0x40, s3, s20, $0xb8;
	[tilespmem:$0x4100] =	vst v63  }
0x22: {  	_ = 	snop  }
0x23: {  	[tilespmem:s20], [sflag:$0x3] =	stream.linear.gather [hbm4b:s12+s3], $0x40, $0x38;
	[tilespmem:$0x4100] =	vst v63  }
0x24: {  	_ =	swait.ge [sflag:s18], $0x40  }
0x25: {  	[sflag:s18] =	ssyncset.done $0x0  }
0x26: {  	[sflag:s18] =	ssyncadd.s32 $0xFFFFFFC0  }
0x27: {  	[tilespmem:s22], [sflag:$0x3] =	stream.linear.gather [hbm4b:s13+s3], $0x40, $0x38;
	[tilespmem:$0x4100] =	vst v63  }
0x28: {  	_ =	swait.ge [sflag:s18], $0x40  }
0x29: {  	[sflag:s18] =	ssyncset.done $0x0  }
0x2a: {  	s30 =	simm.s32 $0x0;
	[sflag:s18] =	ssyncadd.s32 $0xFFFFFFC0  }
0x2b: {  	[tilespmem:s23], [sflag:$0x2] =	stream.indirect.gather [hbm4b:s5+s20], $0x40, s20, s20, $0xb8;
	[tilespmem:$0x4100] =	vst v63  }
.LBB2_2:
.Ltmp2:
0x2c: {  	(pc) =	sbr.rel .LBB2_3-.Ltmp2, $4  }
0x2d: {  	_ = 	snop  }
0x2e: {  	_ =	swait.ge [sflag:s24], $0x2000  }
0x2f: {  	[sflag:s24] =	ssyncset.done $0x0  }
0x30: {  	s0 =	simm.s32 $0x0;
	[sflag:s24] =	ssyncadd.s32 $0xFFFFE000  }
.LBB2_6:
0x31: {  	_ =	sdelay $0x4  }
0x32: {  	[tilespmem:v4+s21+$0x0] =	vst.idx.msk vm0, v2  }
.LBB2_7:
0x33: {  	s0 =	sadd.s32 $0x1, s0  }
0x34: {  	p0 =	sne.s32 s0, $0x8  }
.Ltmp3:
0x35: {  	_ = 	snop;
	(pc) =	sbr.rel @!p0 .LBB2_8-.Ltmp3, $1  }
0x36: {  	_ =	sdelay $0x3  }
.LBB2_3:
0x37: {  	s1 =	sshll.u32 s0, $0x4  }
0x38: {  	v3 =	vld [tilespmem:s1+$0x0];
	_ =	sdelay $0x4  }
0x39: {  	vm0 =	veq.s32 v3, $0x1869F  }
0x3a: {  	v3 =	vsel vm0, $0x1, v0  }
0x3b: {  	v3 =	vor.u32 $0x80000000, v3  }
0x3c: {  	(xrf0) =	vmax.scan.msk.u32 $0xffff, v3;
	_ =	sdelay $0x5  }
0x3d: {  	v3, _, _ =	vpop (xrf0)  }
0x3e: {  	(v2sf) =	vpush v3, $0xF;
	_ =	sdelay $0xe  }
0x3f: {  	s31 =	spop (v2sf)  }
0x40: {  	p0 =	slt.u32 s31, $0x80000001  }
.Ltmp4:
0x41: {  	_ = 	snop;
	(pc) =	sbr.rel @p0 .LBB2_7-.Ltmp4, $1  }
0x42: {  	_ =	sdelay $0x3  }
0x43: {  	s31 =	simm.s32 $0x0  }
0x44: {  	v3 =	vmov s31  }
0x45: {  	v4 =	vmov s1;
	v3 =	vand.u32 $0x3F, v3  }
0x46: {  	v4 =	vshll.u32 v4, $0x6;
	v5 =	vbroadcast v3, $0x0  }
0x47: {  	v3 =	vor.u32 v1, v4  }
0x48: {  	s31 =	simm.s32 $0x1;
	v4 =	vor.u32 v3, v5  }
.LBB2_5:
0x49: {  	p0 =	sne.s32 s31, $0x3F  }
.Ltmp5:
0x4a: {  	v5 =	vmov s31;
	s31 =	sadd.s32 $0x1, s31;
	(pc) =	sbr.rel @p0 .LBB2_5-.Ltmp5, $4  }
0x4b: {  	v5 =	vand.u32 $0x3F, v5  }
0x4c: {  	v5 =	vbroadcast v5, $0x0  }
0x4d: {  	[tilespmem:v4+s21+$0x0] =	vst.idx.msk vm0, v2  }
0x4e: {  	v4 =	vor.u32 v3, v5  }
.Ltmp6:
0x4f: {  	_ = 	snop;
	(pc) =	sbr.rel .LBB2_6-.Ltmp6, $1  }
0x50: {  	_ =	sdelay $0x3  }
.LBB2_8:
0x51: {  	s0 =	sshll.u32 s30, $0xE  }
0x52: {  	s0 =	sadd.s32 s8, s0  }
0x53: {  	s0 =	sshrl.u32 s0, $0x3  }
0x54: {  	s1 =	sadd.s32 s6, s0  }
0x55: {  	[hbm4b:s1+s19] =	stream.strided.scatter [tilespmem:s21], [sflag:$0x3], $0x1000, s20, s19, $0x38;
	[tilespmem:$0x4100] =	vst v63  }
0x56: {  	_ =	swait.ge [sflag:s18], $0x1000  }
0x57: {  	s31 =	sshll.u32 s30, $0x7;
	[sflag:s18] =	ssyncset.done $0x0  }
0x58: {  	s0 =	sadd.s32 s0, s14;
	s1 =	sadd.s32 $0x80, s31;
	[sflag:s18] =	ssyncadd.s32 $0xFFFFF000  }
0x59: {  	[hbm4b:s0+s19] =	stream.strided.scatter [tilespmem:s25], [sflag:$0x3], $0x1000, s20, s19, $0x38;
	[tilespmem:$0x4100] =	vst v63  }
0x5a: {  	s11 =	sadd.s32 s4, s1;
	_ =	swait.ge [sflag:s18], $0x1000  }
0x5b: {  	s0 =	sshrl.u32 s11, $0x3;
	[sflag:s18] =	ssyncset.done $0x0  }
0x5c: {  	s11 =	sadd.s32 s2, s0;
	s0 =	simm.s32 $0x0;
	[sflag:s18] =	ssyncadd.s32 $0xFFFFF000  }
0x5d: {  	[tilespmem:s0], [sflag:$0x3] =	stream.linear.gather [hbm4b:s11+s0], $0x40, $0x38;
	[tilespmem:$0x4100] =	vst v63  }
0x5e: {  	s1 =	sadd.s32 s7, s1;
	_ =	swait.ge [sflag:s18], $0x40  }
0x5f: {  	s1 =	sshrl.u32 s1, $0x3;
	[sflag:s18] =	ssyncset.done $0x0  }
0x60: {  	s1 =	sadd.s32 s2, s1;
	[sflag:s18] =	ssyncadd.s32 $0xFFFFFFC0  }
0x61: {  	[tilespmem:s19], [sflag:$0x3] =	stream.linear.gather [hbm4b:s1+s0], $0x40, $0x38;
	[tilespmem:$0x4100] =	vst v63  }
0x62: {  	_ =	swait.ge [sflag:s18], $0x40  }
0x63: {  	[sflag:s18] =	ssyncset.done $0x0  }
.Ltmp7:
0x64: {  	[sflag:s18] =	ssyncadd.s32 $0xFFFFFFC0;
	(pc) =	sbr.rel .LBB2_9-.Ltmp7, $4  }
0x65: {  	[tilespmem:s21], [sflag:$0x1] =	stream.indirect.gather [hbm4b:s5+s20], $0x40, s0, s20, $0xb8;
	[tilespmem:$0x4100] =	vst v63  }
0x66: {  	_ =	swait.ge [sflag:s26], $0x2000  }
0x67: {  	[sflag:s26] =	ssyncset.done $0x0  }
0x68: {  	[sflag:s26] =	ssyncadd.s32 $0xFFFFE000  }
.LBB2_12:
0x69: {  	_ =	sdelay $0x4  }
0x6a: {  	[tilespmem:v4+s23+$0x0] =	vst.idx.msk vm0, v2  }
.LBB2_13:
0x6b: {  	s0 =	sadd.s32 $0x1, s0  }
0x6c: {  	p0 =	sne.s32 s0, $0x8  }
.Ltmp8:
0x6d: {  	_ = 	snop;
	(pc) =	sbr.rel @!p0 .LBB2_14-.Ltmp8, $1  }
0x6e: {  	_ =	sdelay $0x3  }
.LBB2_9:
0x6f: {  	s1 =	sshll.u32 s0, $0x4  }
0x70: {  	v3 =	vld [tilespmem:s1+$0x80];
	_ =	sdelay $0x4  }
0x71: {  	vm0 =	veq.s32 v3, $0x1869F  }
0x72: {  	v3 =	vsel vm0, $0x1, v0  }
0x73: {  	v3 =	vor.u32 $0x80000000, v3  }
0x74: {  	(xrf0) =	vmax.scan.msk.u32 $0xffff, v3;
	_ =	sdelay $0x5  }
0x75: {  	v3, _, _ =	vpop (xrf0)  }
0x76: {  	(v2sf) =	vpush v3, $0xF;
	_ =	sdelay $0xe  }
0x77: {  	s11 =	spop (v2sf)  }
0x78: {  	p0 =	slt.u32 s11, $0x80000001  }
.Ltmp9:
0x79: {  	_ = 	snop;
	(pc) =	sbr.rel @p0 .LBB2_13-.Ltmp9, $1  }
0x7a: {  	_ =	sdelay $0x3  }
0x7b: {  	s11 =	simm.s32 $0x0  }
0x7c: {  	v3 =	vmov s11  }
0x7d: {  	v4 =	vmov s1;
	v3 =	vand.u32 $0x3F, v3  }
0x7e: {  	v4 =	vshll.u32 v4, $0x6;
	v5 =	vbroadcast v3, $0x0  }
0x7f: {  	v3 =	vor.u32 v1, v4  }
0x80: {  	s1 =	simm.s32 $0x1;
	v4 =	vor.u32 v3, v5  }
.LBB2_11:
0x81: {  	p0 =	sne.s32 s1, $0x3F  }
.Ltmp10:
0x82: {  	v5 =	vmov s1;
	s1 =	sadd.s32 $0x1, s1;
	(pc) =	sbr.rel @p0 .LBB2_11-.Ltmp10, $4  }
0x83: {  	v5 =	vand.u32 $0x3F, v5  }
0x84: {  	v5 =	vbroadcast v5, $0x0  }
0x85: {  	[tilespmem:v4+s23+$0x0] =	vst.idx.msk vm0, v2  }
0x86: {  	v4 =	vor.u32 v3, v5  }
.Ltmp11:
0x87: {  	_ = 	snop;
	(pc) =	sbr.rel .LBB2_12-.Ltmp11, $1  }
0x88: {  	_ =	sdelay $0x3  }
.LBB2_14:
0x89: {  	s0 =	sadd.s32 s31, s10  }
0x8a: {  	s0 =	sshll.u32 s0, $0x4  }
0x8b: {  	s1 =	sadd.s32 s6, s0  }
0x8c: {  	[hbm4b:s1+s19] =	stream.strided.scatter [tilespmem:s23], [sflag:$0x3], $0x1000, s20, s19, $0x38;
	[tilespmem:$0x4100] =	vst v63  }
0x8d: {  	_ =	swait.ge [sflag:s18], $0x1000  }
0x8e: {  	p0 =	seq.s32 s30, $0xB;
	[sflag:s18] =	ssyncset.done $0x0  }
.Ltmp12:
0x8f: {  	s0 =	sadd.s32 s0, s14;
	[sflag:s18] =	ssyncadd.s32 $0xFFFFF000;
	(pc) =	sbr.rel @p0 .LBB2_16-.Ltmp12, $4  }
0x90: {  	[hbm4b:s0+s19] =	stream.strided.scatter [tilespmem:s28], [sflag:$0x3], $0x1000, s20, s19, $0x38;
	[tilespmem:$0x4100] =	vst v63  }
0x91: {  	_ =	swait.ge [sflag:s18], $0x1000  }
0x92: {  	[sflag:s18] =	ssyncset.done $0x0  }
0x93: {  	[sflag:s18] =	ssyncadd.s32 $0xFFFFF000  }
0x94: {  	s0 =	sadd.s32 $0xC0, s31  }
0x95: {  	s1 =	sadd.s32 s4, s0  }
0x96: {  	s1 =	sshrl.u32 s1, $0x3  }
0x97: {  	s1 =	sadd.s32 s2, s1  }
0x98: {  	[tilespmem:s20], [sflag:$0x3] =	stream.linear.gather [hbm4b:s1+s3], $0x40, $0x38;
	[tilespmem:$0x4100] =	vst v63  }
0x99: {  	s0 =	sadd.s32 s7, s0;
	_ =	swait.ge [sflag:s18], $0x40  }
0x9a: {  	s0 =	sshrl.u32 s0, $0x3;
	[sflag:s18] =	ssyncset.done $0x0  }
0x9b: {  	s0 =	sadd.s32 s2, s0;
	[sflag:s18] =	ssyncadd.s32 $0xFFFFFFC0  }
0x9c: {  	[tilespmem:s22], [sflag:$0x3] =	stream.linear.gather [hbm4b:s0+s3], $0x40, $0x38;
	[tilespmem:$0x4100] =	vst v63  }
.Ltmp13:
0x9d: {  	_ = 	snop;
	(pc) =	sbr.rel .LBB2_2-.Ltmp13, $4  }
0x9e: {  	_ =	swait.ge [sflag:s18], $0x40  }
0x9f: {  	[sflag:s18] =	ssyncset.done $0x0  }
0xa0: {  	s30 =	sadd.s32 $0x1, s30;
	[sflag:s18] =	ssyncadd.s32 $0xFFFFFFC0  }
0xa1: {  	[tilespmem:s23], [sflag:$0x2] =	stream.indirect.gather [hbm4b:s5+s20], $0x40, s20, s20, $0xb8;
	[tilespmem:$0x4100] =	vst v63  }
.LBB2_16:
.Ltmp14:
0xa2: {  	(pc) =	sbr.rel .LBB2_17-.Ltmp14, $4  }
0xa3: {  	_ = 	snop  }
0xa4: {  	_ =	swait.ge [sflag:s24], $0x2000  }
0xa5: {  	[sflag:s24] =	ssyncset.done $0x0  }
0xa6: {  	s0 =	simm.s32 $0x0;
	[sflag:s24] =	ssyncadd.s32 $0xFFFFE000  }
.LBB2_21:
0xa7: {  	s0 =	sadd.s32 $0x1, s0  }
0xa8: {  	p0 =	sne.s32 s0, $0x8  }
.Ltmp15:
0xa9: {  	_ = 	snop;
	(pc) =	sbr.rel @!p0 .LBB2_22-.Ltmp15, $1  }
0xaa: {  	_ =	sdelay $0x3  }
.LBB2_17:
0xab: {  	s1 =	sshll.u32 s0, $0x4  }
0xac: {  	v3 =	vld [tilespmem:s1+$0x0];
	_ =	sdelay $0x4  }
0xad: {  	vm0 =	veq.s32 v3, $0x1869F  }
0xae: {  	v3 =	vsel vm0, $0x1, v0  }
0xaf: {  	v3 =	vor.u32 $0x80000000, v3  }
0xb0: {  	(xrf0) =	vmax.scan.msk.u32 $0xffff, v3;
	_ =	sdelay $0x5  }
0xb1: {  	v3, _, _ =	vpop (xrf0)  }
0xb2: {  	(v2sf) =	vpush v3, $0xF;
	_ =	sdelay $0xe  }
0xb3: {  	s11 =	spop (v2sf)  }
0xb4: {  	p0 =	slt.u32 s11, $0x80000001  }
.Ltmp16:
0xb5: {  	_ = 	snop;
	(pc) =	sbr.rel @p0 .LBB2_21-.Ltmp16, $1  }
0xb6: {  	_ =	sdelay $0x3  }
0xb7: {  	s11 =	simm.s32 $0x0  }
0xb8: {  	v3 =	vmov s11  }
0xb9: {  	v4 =	vmov s1;
	v3 =	vand.u32 $0x3F, v3  }
0xba: {  	v4 =	vshll.u32 v4, $0x6;
	v5 =	vbroadcast v3, $0x0  }
0xbb: {  	v3 =	vor.u32 v1, v4  }
0xbc: {  	s1 =	simm.s32 $0x1;
	v4 =	vor.u32 v3, v5  }
.LBB2_19:
0xbd: {  	p0 =	sne.s32 s1, $0x3F  }
.Ltmp17:
0xbe: {  	v5 =	vmov s1;
	s1 =	sadd.s32 $0x1, s1;
	(pc) =	sbr.rel @p0 .LBB2_19-.Ltmp17, $4  }
0xbf: {  	v5 =	vand.u32 $0x3F, v5  }
0xc0: {  	v5 =	vbroadcast v5, $0x0  }
0xc1: {  	[tilespmem:v4+s21+$0x0] =	vst.idx.msk vm0, v2  }
0xc2: {  	v4 =	vor.u32 v3, v5  }
0xc3: {  	_ = 	snop  }
.Ltmp18:
0xc4: {  	_ = 	snop;
	(pc) =	sbr.rel .LBB2_21-.Ltmp18, $2  }
0xc5: {  	_ =	sdelay $0x2  }
0xc6: {  	[tilespmem:v4+s21+$0x0] =	vst.idx.msk vm0, v2  }
.LBB2_23:
0xc7: {  	_ =	sfence.sel $0x180000  }
0xc8: {  	[bflag:$0x0] =	sbarrier.arrive $0xFFFF  }
0xc9: {  	_ =	strace $0x90000056  }
0xca: {  	s0 =	stileid.u32;
	[bflag:$0x2] =	sbarrier.arrive $0xFFFF  }
0xcb: {  	p0 =	sne.s32 s0, $0x0;
	s0 =	rddreg [dreg:$0x2]  }
0xcc: {  	s0 =	sadd.s32 @!p0 $0x100000, s0  }
0xcd: {  	[sflag:s0] =	ssyncadd.tile.s32 @!p0 $0x1;
	_ =	shalt  }
.Lfunc_end2:
_tile_overlayer_lowered:
.L_overlay_start_2:
0xce: {  	(tag) =	ssettag $0x2  }
0xcf: {  	s0 =	rddreg [dreg:$0x0];
	s2 =	stileid.u32  }
0xd0: {  	s1 =	rddreg [dreg:$0x1];
	p0 =	sne.s32 s2, $0x0  }
0xd1: {  	s3 =	rddreg [dreg:$0x2];
	[bflag:$0x3] =	sbarrier.arrive $0xFFFF;
	s2 =	simm.s32 @!p0 $0x1C03  }
0xd2: {  	[timem:s3], [sflag:s2] =	dma.local @!p0 [hbm:s0], s1  }
0xd3: {  	s0 =	simm.s32 @!p0 $0x3  }
0xd4: {  	_ =	swait.ge @!p0 [sflag:s0], s1  }
0xd5: {  	s1 =	ssub.s32 @!p0 $0x0, s1;
	[sflag:s0] =	ssyncset.done @!p0 $0x0  }
0xd6: {  	[sflag:s0] =	ssyncadd.s32 @!p0 s1  }
0xd7: {  	[bflag:$0x3] =	sbarrier.arrive $0xFFFF  }
0xd8: {  	_ =	shalt  }

// kernel: kernel.19.cloned.1.call-start
scs
__scs_entry_jumppad:
0x0: {  	(pc) =	sbr.rel $0x88, $3  }
0x1: {  	(tag) =	ssettag $0x0;
	lr =	simm.s32 $0x1  }
0x2: {  	[smem:$0x3F99] =	sst lr;
	_ =	strace $0xD0000000  }
0x3: {  	_ = 	snop  }
0x4: {  	_ = 	snop  }
0x5: {  	_ = 	snop  }
0x6: {  	_ = 	snop  }
0x7: {  	_ = 	snop  }
__scs_overlays_trampoline_lowered:
0x8: {  	[smem:$0x3FA8] =	sst s0  }
0x9: {  	[smem:$0x3FA9] =	sst s1  }
0xa: {  	[smem:$0x3FAA] =	sst s2  }
0xb: {  	[smem:$0x3FAB] =	sst s3  }
0xc: {  	[smem:$0x3FAC] =	sst s4  }
0xd: {  	[smem:$0x3FAD] =	sst s5  }
0xe: {  	[smem:$0x3FAE] =	sst s6  }
0xf: {  	[smem:$0x3FAF] =	sst s7  }
0x10: {  	[smem:$0x3FB0] =	sst s8  }
0x11: {  	[smem:$0x3FB1] =	sst s9;
	s0 =	simm.s32 @!p0 $0x0  }
0x12: {  	s1 =	sld [smem:$0x3F97];
	s0 =	simm.s32 @p0 $0x1  }
0x13: {  	[smem:$0x3FB2] =	sst s0;
	s0 =	simm.s32 @!p1 $0x0  }
0x14: {  	s2 =	sld [smem:$0x3F96];
	s0 =	simm.s32 @p1 $0x1  }
0x15: {  	[smem:$0x3FB3] =	sst s0;
	s0 =	simm.s32 @!p2 $0x0  }
0x16: {  	s3 =	sld [smem:$0x3FDB];
	s0 =	simm.s32 @p2 $0x1  }
0x17: {  	s4 =	simm.s32 $0x1BF5;
	[smem:$0x3FB5] =	sst s0  }
0x18: {  	s0 =	sld [smem:$0x3F98];
	_ =	swait.ge [sflag:s4], $0x0  }
0x19: {  	s7 =	sld [smem:$0x3F99]  }
0x1a: {  	s8 =	sadd.s32 $0xFFFFE003, lr  }
0x1b: {  	s9 =	sadd.s32 $0xFFFFFEF7, lr;
	s5 =	simm.s32 $0xFFFFFFFF;
	p2 =	slt.u32 s8, $0xFFFFF086  }
0x1c: {  	p1 =	slt.u32 s9, $0xF7A;
	s5 =	simm.s32 @!p2 $0x0  }
0x1d: {  	s5 =	simm.s32 @p1 $0x1;
	p0 =	seq.s32 s7, s2  }
0x1e: {  	s7 =	smul.u32 @!p0 $0xF7A, s2;
	p2 =	seq.s32 @!p0 s5, $0x0  }
0x1f: {  	s9 =	smul.u32 $0xF7A, s1;
	s8 =	simm.s32 @!p0 $0x1BF5;
	p2 =	por !p2, p0  }
0x20: {  	[sflag:s8] =	ssyncset.s32 @!p0 $0xFFFFF086;
	s6 =	sadd.s32 @!p0 s3, s7;
	s7 =	simm.s32 @!p0 $0x108  }
0x21: {  	s3 =	sadd.s32 s3, s9;
	s6 =	sadd.s32 @!p0 $0x88, s6;
	s7 =	simm.s32 @p2 $0x1082  }
0x22: {  	[simem:s7], [sflag:s8] =	dma.local @!p0 [hbm:s6], $0xF7A  }
0x23: {  	s9 =	sor.u32 $0xD0000000, s2;
	s6 =	simm.s32 $0x108;
	_ =	swait.ge @!p0 [sflag:s8], $0x0  }
0x24: {  	s3 =	sadd.s32 $0x88, s3;
	s6 =	simm.s32 @!p1 $0x1082;
	[sflag:s4] =	ssyncset.s32 $0xFFFFF086  }
0x25: {  	[simem:s6], [sflag:s4] =	dma.local [hbm:s3], $0xF7A  }
0x26: {  	[smem:$0x3F99] =	sst s1;
	(tag) =	ssettag s2;
	_ =	strace s9  }
0x27: {  	s1 =	sld [smem:$0x3FA9]  }
0x28: {  	s2 =	sld [smem:$0x3FAA]  }
0x29: {  	s4 =	sld [smem:$0x3FAC]  }
0x2a: {  	p0 =	seq.s32 s5, $0x0;
	s5 =	sld [smem:$0x3FAD]  }
0x2b: {  	s6 =	sld [smem:$0x3FAE]  }
0x2c: {  	s7 =	sld [smem:$0x3FAF]  }
0x2d: {  	s3 =	simm.s32 $0x108;
	s8 =	sld [smem:$0x3FB0]  }
0x2e: {  	s3 =	simm.s32 @!p0 $0x1082;
	s9 =	sld [smem:$0x3FB1]  }
0x2f: {  	lr =	sadd.s32 s0, s3;
	s0 =	sld [smem:$0x3FA8]  }
0x30: {  	s3 =	sld [smem:$0x3FAB]  }
0x31: {  	[smem:$0x3FB4] =	sst s10  }
0x32: {  	s10 =	sld [smem:$0x3FB2];
	_ =	sdelay $0x3  }
0x33: {  	p0 =	seq.s32 s10, $0x1;
	s10 =	sld [smem:$0x3FB4];
	_ =	sdelay $0x3  }
0x34: {  	[smem:$0x3FB4] =	sst s10  }
0x35: {  	s10 =	sld [smem:$0x3FB3];
	_ =	sdelay $0x3  }
0x36: {  	p1 =	seq.s32 s10, $0x1;
	s10 =	sld [smem:$0x3FB4];
	_ =	sdelay $0x3  }
0x37: {  	[smem:$0x3FB4] =	sst s10  }
0x38: {  	s10 =	sld [smem:$0x3FB5]  }
0x39: {  	_ = 	snop;
	(pc) =	sbr.ind lr, $3  }
0x3a: {  	_ = 	snop  }
0x3b: {  	_ = 	snop  }
0x3c: {  	p2 =	seq.s32 s10, $0x1;
	s10 =	sld [smem:$0x3FB4]  }
0x3d: {  	_ =	shalt  }
0x3e: {  	_ =	shalt  }
0x3f: {  	_ =	shalt  }
0x40: {  	_ =	shalt  }
0x41: {  	_ =	shalt  }
0x42: {  	_ =	shalt  }
0x43: {  	_ =	shalt  }
0x44: {  	_ =	shalt  }
0x45: {  	_ =	shalt  }
0x46: {  	_ =	shalt  }
0x47: {  	_ =	shalt  }
0x48: {  	_ =	shalt  }
0x49: {  	_ =	shalt  }
0x4a: {  	_ =	shalt  }
0x4b: {  	_ =	shalt  }
0x4c: {  	_ =	shalt  }
0x4d: {  	_ =	shalt  }
0x4e: {  	_ =	shalt  }
0x4f: {  	_ =	shalt  }
0x50: {  	_ =	shalt  }
0x51: {  	_ =	shalt  }
0x52: {  	_ =	shalt  }
0x53: {  	_ =	shalt  }
0x54: {  	_ =	shalt  }
0x55: {  	_ =	shalt  }
0x56: {  	_ =	shalt  }
0x57: {  	_ =	shalt  }
0x58: {  	_ =	shalt  }
0x59: {  	_ =	shalt  }
0x5a: {  	_ =	shalt  }
0x5b: {  	_ =	shalt  }
0x5c: {  	_ =	shalt  }
0x5d: {  	_ =	shalt  }
0x5e: {  	_ =	shalt  }
0x5f: {  	_ =	shalt  }
0x60: {  	_ =	shalt  }
0x61: {  	_ =	shalt  }
0x62: {  	_ =	shalt  }
0x63: {  	_ =	shalt  }
0x64: {  	_ =	shalt  }
0x65: {  	_ =	shalt  }
0x66: {  	_ =	shalt  }
0x67: {  	_ =	shalt  }
0x68: {  	_ =	shalt  }
0x69: {  	_ =	shalt  }
0x6a: {  	_ =	shalt  }
0x6b: {  	_ =	shalt  }
0x6c: {  	_ =	shalt  }
0x6d: {  	_ =	shalt  }
0x6e: {  	_ =	shalt  }
0x6f: {  	_ =	shalt  }
0x70: {  	_ =	shalt  }
0x71: {  	_ =	shalt  }
0x72: {  	_ =	shalt  }
0x73: {  	_ =	shalt  }
0x74: {  	_ =	shalt  }
0x75: {  	_ =	shalt  }
0x76: {  	_ =	shalt  }
0x77: {  	_ =	shalt  }
0x78: {  	_ =	shalt  }
0x79: {  	_ =	shalt  }
0x7a: {  	_ =	shalt  }
0x7b: {  	_ =	shalt  }
0x7c: {  	_ =	shalt  }
0x7d: {  	_ =	shalt  }
0x7e: {  	_ =	shalt  }
0x7f: {  	_ =	shalt  }
0x80: {  	_ =	shalt  }
0x81: {  	_ =	shalt  }
0x82: {  	_ =	shalt  }
0x83: {  	_ =	shalt  }
0x84: {  	_ =	shalt  }
0x85: {  	_ =	shalt  }
0x86: {  	_ =	shalt  }
0x87: {  	_ =	shalt  }
.Lfunc_end0:
.L_simem_size_0:
called_computation.3_lowered:
.L_overlay_start_0:
0x88: {  	s2 =	sld [smem:$0x3FD9]  }
0x89: {  	s3 =	sld [smem:$0x3FFE];
	_ =	sdelay $0x1  }
0x8a: {  	s1 =	srdreg.scid  }
0x8b: {  	s0 =	sand.u32 $0x1, s1  }
0x8c: {  	s16 =	sshll.u32 s0, $0xA;
	s2 =	sadd.s32 s3, s2  }
0x8d: {  	s2 =	sadd.s32 s2, s16  }
0x8e: {  	[smem:$0x3FC0] =	sst s2  }
0x8f: {  	_ = 	snop  }
0x90: {  	(tm) =	ssettm $0x1  }
0x91: {  	s17 =	sld [smem:$0x3FFB];
	_ =	sdelay $0x3  }
0x92: {  	_ =	strace s17  }
0x93: {  	s2 =	sld [smem:$0x3FFC];
	_ =	sdelay $0x3  }
0x94: {  	_ =	strace s2  }
0x95: {  	s2 =	sld [smem:$0x3FFD];
	_ =	sdelay $0x3  }
0x96: {  	_ =	strace s2  }
0x97: {  	_ =	strace $0x8FFFFFFF  }
0x98: {  	s18 =	sld [smem:$0x3FDB];
	_ =	sdelay $0x1  }
0x99: {  	s19 =	simm.s32 $_scs_section_size  }
0x9a: {  	s4 =	simm.s32 $_size__tile_overlayer_lowered;
	s5 =	simm.s32 $_tile_overlayer_lowered  }
0x9b: {  	s22 =	simm.s32 $0x1BFF;
	s21 =	sshll.u32 s5, $0x1;
	s2 =	sadd.s32 s19, s18  }
0x9c: {  	s6 =	simm.s32 $0x0;
	s20 =	sshll.u32 s4, $0x1;
	s4 =	sadd.s32 s21, s2  }
0x9d: {  	[timem:s6], [sflag:s22] =	dma.local [hbm:s4], s20  }
0x9e: {  	_ =	swait.ge [sflag:s22], s20  }
0x9f: {  	s3 =	ssub.s32 $0x0, s20;
	[sflag:s22] =	ssyncset.done $0x0  }
0xa0: {  	[sflag:s22] =	ssyncadd.s32 s3;
	_ =	sdelay $0x1  }
0xa1: {  	s23 =	simm.s32 $0x1B8B  }
0xa2: {  	_ =	swait.ge [sflag:s23], $0x1  }
0xa3: {  	[sflag:s23] =	ssyncset.done $0x0  }
0xa4: {  	s25 =	simm.s32 $0x1B8E;
	s24 =	sld [smem:$0x3FFE];
	[sflag:s23] =	ssyncadd.s32 $0xFFFFFFFF  }
0xa5: {  	s26 =	simm.s32 $execute0_lowered;
	[smem:$0x3FD2] =	sst s25  }
0xa6: {  	s4 =	sshll.u32 s26, $0x1;
	_ =	strace $0x80000046;
	[dreg:$0x1] =	wrdreg $0xFFFFFFFF  }
0xa7: {  	s28 =	simm.s32 $_size_execute0_lowered;
	s2 =	sadd.s32 s2, s4;
	[dreg:$0x0] =	wrdreg $0x0  }
0xa8: {  	s4 =	sshll.u32 s28, $0x1;
	[dreg:$0x2] =	wrdreg s2  }
0xa9: {  	[dreg:$0x3] =	wrdreg s4  }
0xaa: {  	[dreg:$0x4] =	wrdreg $0xC0  }
0xab: {  	_ =	task [dreg:s6], $0x5FFFF  }
0xac: {  	[dreg:$0x1] =	wrdreg $0xFFFFFFFF  }
0xad: {  	[dreg:$0x0] =	wrdreg $0x60  }
0xae: {  	[dreg:$0x2] =	wrdreg s24  }
0xaf: {  	[dreg:$0x3] =	wrdreg $0xC  }
0xb0: {  	_ =	task.clear_ibuf [dreg:s6], $0x4FFFF;
	_ =	strace $0x90000046  }
0xb1: {  	s29 =	simm.s32 $0xC;
	_ =	strace $0x80000048  }
0xb2: {  	_ =	swait.ge [sflag:s29], $0x1  }
0xb3: {  	[sflag:s29] =	ssyncadd.s32 $0xFFFFFFFF  }
0xb4: {  	_ =	strace $0x90000048  }
0xb5: {  	_ =	sfence  }
0xb6: {  	s30 =	sld [smem:$0x0];
	_ =	sdelay $0x2  }
0xb7: {  	s31 =	sshll.u32 s1, $0xD;
	s1 =	sshrl.u32 s1, $0x2  }
0xb8: {  	s3 =	sand.u32 $0x4000, s31;
	s1 =	sadd.s32 s1, s30  }
0xb9: {  	s0 =	sor.u32 s3, s0;
	s1 =	sshll.u32 s1, $0x11  }
0xba: {  	s0 =	sor.u32 s1, s0  }
0xbb: {  	s0 =	sadd.s32 $0x8F2B, s0  }
0xbc: {  	[sflag:s0] =	ssyncadd.remote.s32 $0x1  }
0xbd: {  	_ =	sfence.sel $0xFFFF  }
0xbe: {  	[dreg:$0x0] =	wrdreg $0xFFFFFFFF;
	(pc) =	sbr.abs _section_cstart, $3  }
0xbf: {  	[dreg:$0x1] =	wrdreg $0xFFFFFFFF  }
0xc0: {  	_ =	task.clear_ibuf [dreg:s6], $0x2FFFF;
	_ =	strace $0x9FFFFFFF  }
0xc1: {  	(tm) =	ssettm $0x7FFFFFFF  }
tec
execute0_lowered:
.L_overlay_start_1:
0x0: {  	(tag) =	ssettag $0x1  }
0x1: {  	s0 =	rddreg [dreg:$0x0];
	s2 =	simm.s32 $0x0  }
0x2: {  	s1 =	srdreg.scid;
	s3 =	stileid.u32;
	s18 =	simm.s32 $0x3  }
0x3: {  	s19 =	simm.s32 $0x40;
	s20 =	simm.s32 $0x80;
	s21 =	simm.s32 $0x100  }
0x4: {  	s22 =	simm.s32 $0xC0;
	s23 =	simm.s32 $0x2100;
	s24 =	simm.s32 $0x1  }
0x5: {  	s25 =	simm.s32 $0x1100;
	s26 =	simm.s32 $0x2;
	s28 =	simm.s32 $0x3100  }
0x6: {  	s29 =	simm.s32 $0x0;
	[smem:$0x7FF] =	sst s2;
	s1 =	sand.u32 $0x1, s1  }
0x7: {  	s3 =	sshll.u32 s3, $0x1;
	s4 =	sadd.s32 $0x192600, s0;
	s5 =	sadd.s32 $0xBC00, s0  }
0x8: {  	s13 =	sadd.s32 $0xBC08, s0;
	s8 =	sor.u32 s1, s3;
	s1 =	ssub.s32 $0x2, s1  }
0x9: {  	_ =	strace $0x80000047;
	s14 =	smul.u32 $0x640, s8;
	s6 =	sshrl.u32 s1, $0x1  }
0xa: {  	s3 =	sadd.s32 $0x5800, s0;
	s8 =	smul.u32 $0x32000, s8;
	s1 =	ssub.s32 s1, s6  }
0xb: {  	s6 =	sadd.s32 $0x19000, s14;
	s7 =	sadd.s32 $0x25800, s14;
	s10 =	sshrl.u32 s14, $0x3  }
.Ltmp0:
0xc: {  	s15 =	sshrl.u32 s8, $0x3;
	s14 =	sadd.s32 $0x40, s14;
	(pc) =	sbr.rel .LBB2_1-.Ltmp0, $4  }
0xd: {  	s17 =	smax.u32 s1, $0x1;
	s9 =	sshrl.u32 s6, $0x3;
	s11 =	sshrl.u32 s7, $0x3  }
0xe: {  	s12 =	sadd.s32 s3, s10;
	s31 =	sadd.s32 s5, s15;
	s9 =	sadd.s32 s3, s9  }
0xf: {  	v1 =	vlaneseq.u32;
	s10 =	sadd.s32 s3, s11;
	s11 =	sadd.s32 $0x3208, s12;
	s12 =	sadd.s32 $0x4B08, s12  }
0x10: {  	v0 =	vimm.s32 $0x0;
	v2 =	vimm.f32 $0.0e+00;
	v1 =	vmul.u32 $0x40, v1;
	s15 =	sadd.s32 $0x6000, s31;
	s16 =	sadd.s32 $0x6008, s31;
	[dreg:$0x2] =	wrdreg s9  }
.LBB2_22:
0x11: {  	[hbm4b:s15+s19] =	stream.strided.scatter [tilespmem:s21], [sflag:$0x3], $0x1000, s20, s19, $0x38;
	[tilespmem:$0x4100] =	vst v63  }
0x12: {  	s29 =	sadd.s32 $0x1, s29;
	_ =	swait.ge [sflag:s18], $0x1000  }
0x13: {  	p0 =	sne.s32 s29, s17;
	[sflag:s18] =	ssyncset.done $0x0  }
.Ltmp1:
0x14: {  	[sflag:s18] =	ssyncadd.s32 $0xFFFFF000;
	(pc) =	sbr.rel @!p0 .LBB2_23-.Ltmp1, $4  }
0x15: {  	[hbm4b:s16+s19] =	stream.strided.scatter [tilespmem:s25], [sflag:$0x3], $0x1000, s20, s19, $0x38;
	[tilespmem:$0x4100] =	vst v63  }
0x16: {  	_ =	swait.ge [sflag:s18], $0x1000  }
0x17: {  	[sflag:s18] =	ssyncset.done $0x0  }
0x18: {  	[sflag:s18] =	ssyncadd.s32 $0xFFFFF000  }
.LBB2_1:
0x19: {  	s0 =	rddreg [dreg:$0x2]  }
0x1a: {  	[tilespmem:s2], [sflag:$0x3] =	stream.linear.gather [hbm4b:s0+s2], $0x40, $0x38;
	[tilespmem:$0x4100] =	vst v63  }
0x1b: {  	_ =	swait.ge [sflag:s18], $0x40  }
0x1c: {  	[sflag:s18] =	ssyncset.done $0x0  }
0x1d: {  	[sflag:s18] =	ssyncadd.s32 $0xFFFFFFC0  }
0x1e: {  	[tilespmem:s19], [sflag:$0x3] =	stream.linear.gather [hbm4b:s10+s2], $0x40, $0x38;
	[tilespmem:$0x4100] =	vst v63  }
0x1f: {  	_ =	swait.ge [sflag:s18], $0x40  }
0x20: {  	[sflag:s18] =	ssyncset.done $0x0  }
0x21: {  	[sflag:s18] =	ssyncadd.s32 $0xFFFFFFC0  }
0x22: {  	[tilespmem:s21], [sflag:$0x1] =	stream.indirect.gather [hbm4b:s4+s20], $0x40, s2, s20, $0xb8;
	[tilespmem:$0x4100] =	vst v63  }
0x23: {  	_ = 	snop  }
0x24: {  	[tilespmem:s20], [sflag:$0x3] =	stream.linear.gather [hbm4b:s11+s2], $0x40, $0x38;
	[tilespmem:$0x4100] =	vst v63  }
0x25: {  	_ =	swait.ge [sflag:s18], $0x40  }
0x26: {  	[sflag:s18] =	ssyncset.done $0x0  }
0x27: {  	[sflag:s18] =	ssyncadd.s32 $0xFFFFFFC0  }
0x28: {  	[tilespmem:s22], [sflag:$0x3] =	stream.linear.gather [hbm4b:s12+s2], $0x40, $0x38;
	[tilespmem:$0x4100] =	vst v63  }
0x29: {  	_ =	swait.ge [sflag:s18], $0x40  }
0x2a: {  	[sflag:s18] =	ssyncset.done $0x0  }
0x2b: {  	s30 =	simm.s32 $0x0;
	[sflag:s18] =	ssyncadd.s32 $0xFFFFFFC0  }
0x2c: {  	[tilespmem:s23], [sflag:$0x2] =	stream.indirect.gather [hbm4b:s4+s20], $0x40, s20, s20, $0xb8;
	[tilespmem:$0x4100] =	vst v63  }
.LBB2_2:
.Ltmp2:
0x2d: {  	(pc) =	sbr.rel .LBB2_3-.Ltmp2, $4  }
0x2e: {  	_ = 	snop  }
0x2f: {  	_ =	swait.ge [sflag:s24], $0x2000  }
0x30: {  	[sflag:s24] =	ssyncset.done $0x0  }
0x31: {  	s0 =	simm.s32 $0x0;
	[sflag:s24] =	ssyncadd.s32 $0xFFFFE000  }
.LBB2_6:
0x32: {  	_ =	sdelay $0x4  }
0x33: {  	[tilespmem:v4+s21+$0x0] =	vst.idx.msk vm0, v2  }
.LBB2_7:
0x34: {  	s0 =	sadd.s32 $0x1, s0  }
0x35: {  	p0 =	sne.s32 s0, $0x8  }
.Ltmp3:
0x36: {  	_ = 	snop;
	(pc) =	sbr.rel @!p0 .LBB2_8-.Ltmp3, $1  }
0x37: {  	_ =	sdelay $0x3  }
.LBB2_3:
0x38: {  	s1 =	sshll.u32 s0, $0x4  }
0x39: {  	v3 =	vld [tilespmem:s1+$0x0];
	_ =	sdelay $0x4  }
0x3a: {  	vm0 =	veq.s32 v3, $0x1869F  }
0x3b: {  	v3 =	vsel vm0, $0x1, v0  }
0x3c: {  	v3 =	vor.u32 $0x80000000, v3  }
0x3d: {  	(xrf0) =	vmax.scan.msk.u32 $0xffff, v3;
	_ =	sdelay $0x5  }
0x3e: {  	v3, _, _ =	vpop (xrf0)  }
0x3f: {  	(v2sf) =	vpush v3, $0xF;
	_ =	sdelay $0xe  }
0x40: {  	s31 =	spop (v2sf)  }
0x41: {  	p0 =	slt.u32 s31, $0x80000001  }
.Ltmp4:
0x42: {  	_ = 	snop;
	(pc) =	sbr.rel @p0 .LBB2_7-.Ltmp4, $1  }
0x43: {  	_ =	sdelay $0x3  }
0x44: {  	s31 =	simm.s32 $0x0  }
0x45: {  	v3 =	vmov s31  }
0x46: {  	v4 =	vmov s1;
	v3 =	vand.u32 $0x3F, v3  }
0x47: {  	v4 =	vshll.u32 v4, $0x6;
	v5 =	vbroadcast v3, $0x0  }
0x48: {  	v3 =	vor.u32 v1, v4  }
0x49: {  	s31 =	simm.s32 $0x1;
	v4 =	vor.u32 v3, v5  }
.LBB2_5:
0x4a: {  	p0 =	sne.s32 s31, $0x3F  }
.Ltmp5:
0x4b: {  	v5 =	vmov s31;
	s31 =	sadd.s32 $0x1, s31;
	(pc) =	sbr.rel @p0 .LBB2_5-.Ltmp5, $4  }
0x4c: {  	v5 =	vand.u32 $0x3F, v5  }
0x4d: {  	v5 =	vbroadcast v5, $0x0  }
0x4e: {  	[tilespmem:v4+s21+$0x0] =	vst.idx.msk vm0, v2  }
0x4f: {  	v4 =	vor.u32 v3, v5  }
.Ltmp6:
0x50: {  	_ = 	snop;
	(pc) =	sbr.rel .LBB2_6-.Ltmp6, $1  }
0x51: {  	_ =	sdelay $0x3  }
.LBB2_8:
0x52: {  	s0 =	sshll.u32 s30, $0xE  }
0x53: {  	s0 =	sadd.s32 s8, s0  }
0x54: {  	s0 =	sshrl.u32 s0, $0x3  }
0x55: {  	s1 =	sadd.s32 s5, s0  }
0x56: {  	[hbm4b:s1+s19] =	stream.strided.scatter [tilespmem:s21], [sflag:$0x3], $0x1000, s20, s19, $0x38;
	[tilespmem:$0x4100] =	vst v63  }
0x57: {  	_ =	swait.ge [sflag:s18], $0x1000  }
0x58: {  	s31 =	sshll.u32 s30, $0x7;
	[sflag:s18] =	ssyncset.done $0x0  }
0x59: {  	s0 =	sadd.s32 s0, s13;
	s1 =	sadd.s32 $0x80, s31;
	[sflag:s18] =	ssyncadd.s32 $0xFFFFF000  }
0x5a: {  	[hbm4b:s0+s19] =	stream.strided.scatter [tilespmem:s25], [sflag:$0x3], $0x1000, s20, s19, $0x38;
	[tilespmem:$0x4100] =	vst v63  }
0x5b: {  	s9 =	sadd.s32 s6, s1;
	_ =	swait.ge [sflag:s18], $0x1000  }
0x5c: {  	s0 =	sshrl.u32 s9, $0x3;
	[sflag:s18] =	ssyncset.done $0x0  }
0x5d: {  	s9 =	sadd.s32 s3, s0;
	s0 =	simm.s32 $0x0;
	[sflag:s18] =	ssyncadd.s32 $0xFFFFF000  }
0x5e: {  	[tilespmem:s0], [sflag:$0x3] =	stream.linear.gather [hbm4b:s9+s0], $0x40, $0x38;
	[tilespmem:$0x4100] =	vst v63  }
0x5f: {  	s1 =	sadd.s32 s7, s1;
	_ =	swait.ge [sflag:s18], $0x40  }
0x60: {  	s1 =	sshrl.u32 s1, $0x3;
	[sflag:s18] =	ssyncset.done $0x0  }
0x61: {  	s1 =	sadd.s32 s3, s1;
	[sflag:s18] =	ssyncadd.s32 $0xFFFFFFC0  }
0x62: {  	[tilespmem:s19], [sflag:$0x3] =	stream.linear.gather [hbm4b:s1+s0], $0x40, $0x38;
	[tilespmem:$0x4100] =	vst v63  }
0x63: {  	_ =	swait.ge [sflag:s18], $0x40  }
0x64: {  	[sflag:s18] =	ssyncset.done $0x0  }
.Ltmp7:
0x65: {  	[sflag:s18] =	ssyncadd.s32 $0xFFFFFFC0;
	(pc) =	sbr.rel .LBB2_9-.Ltmp7, $4  }
0x66: {  	[tilespmem:s21], [sflag:$0x1] =	stream.indirect.gather [hbm4b:s4+s20], $0x40, s0, s20, $0xb8;
	[tilespmem:$0x4100] =	vst v63  }
0x67: {  	_ =	swait.ge [sflag:s26], $0x2000  }
0x68: {  	[sflag:s26] =	ssyncset.done $0x0  }
0x69: {  	[sflag:s26] =	ssyncadd.s32 $0xFFFFE000  }
.LBB2_12:
0x6a: {  	_ =	sdelay $0x4  }
0x6b: {  	[tilespmem:v4+s23+$0x0] =	vst.idx.msk vm0, v2  }
.LBB2_13:
0x6c: {  	s0 =	sadd.s32 $0x1, s0  }
0x6d: {  	p0 =	sne.s32 s0, $0x8  }
.Ltmp8:
0x6e: {  	_ = 	snop;
	(pc) =	sbr.rel @!p0 .LBB2_14-.Ltmp8, $1  }
0x6f: {  	_ =	sdelay $0x3  }
.LBB2_9:
0x70: {  	s1 =	sshll.u32 s0, $0x4  }
0x71: {  	v3 =	vld [tilespmem:s1+$0x80];
	_ =	sdelay $0x4  }
0x72: {  	vm0 =	veq.s32 v3, $0x1869F  }
0x73: {  	v3 =	vsel vm0, $0x1, v0  }
0x74: {  	v3 =	vor.u32 $0x80000000, v3  }
0x75: {  	(xrf0) =	vmax.scan.msk.u32 $0xffff, v3;
	_ =	sdelay $0x5  }
0x76: {  	v3, _, _ =	vpop (xrf0)  }
0x77: {  	(v2sf) =	vpush v3, $0xF;
	_ =	sdelay $0xe  }
0x78: {  	s9 =	spop (v2sf)  }
0x79: {  	p0 =	slt.u32 s9, $0x80000001  }
.Ltmp9:
0x7a: {  	_ = 	snop;
	(pc) =	sbr.rel @p0 .LBB2_13-.Ltmp9, $1  }
0x7b: {  	_ =	sdelay $0x3  }
0x7c: {  	s9 =	simm.s32 $0x0  }
0x7d: {  	v3 =	vmov s9  }
0x7e: {  	v4 =	vmov s1;
	v3 =	vand.u32 $0x3F, v3  }
0x7f: {  	v4 =	vshll.u32 v4, $0x6;
	v5 =	vbroadcast v3, $0x0  }
0x80: {  	v3 =	vor.u32 v1, v4  }
0x81: {  	s1 =	simm.s32 $0x1;
	v4 =	vor.u32 v3, v5  }
.LBB2_11:
0x82: {  	p0 =	sne.s32 s1, $0x3F  }
.Ltmp10:
0x83: {  	v5 =	vmov s1;
	s1 =	sadd.s32 $0x1, s1;
	(pc) =	sbr.rel @p0 .LBB2_11-.Ltmp10, $4  }
0x84: {  	v5 =	vand.u32 $0x3F, v5  }
0x85: {  	v5 =	vbroadcast v5, $0x0  }
0x86: {  	[tilespmem:v4+s23+$0x0] =	vst.idx.msk vm0, v2  }
0x87: {  	v4 =	vor.u32 v3, v5  }
.Ltmp11:
0x88: {  	_ = 	snop;
	(pc) =	sbr.rel .LBB2_12-.Ltmp11, $1  }
0x89: {  	_ =	sdelay $0x3  }
.LBB2_14:
0x8a: {  	s0 =	sadd.s32 s31, s14  }
0x8b: {  	s0 =	sshll.u32 s0, $0x4  }
0x8c: {  	s1 =	sadd.s32 s5, s0  }
0x8d: {  	[hbm4b:s1+s19] =	stream.strided.scatter [tilespmem:s23], [sflag:$0x3], $0x1000, s20, s19, $0x38;
	[tilespmem:$0x4100] =	vst v63  }
0x8e: {  	_ =	swait.ge [sflag:s18], $0x1000  }
0x8f: {  	p0 =	seq.s32 s30, $0xB;
	[sflag:s18] =	ssyncset.done $0x0  }
.Ltmp12:
0x90: {  	s0 =	sadd.s32 s0, s13;
	[sflag:s18] =	ssyncadd.s32 $0xFFFFF000;
	(pc) =	sbr.rel @p0 .LBB2_16-.Ltmp12, $4  }
0x91: {  	[hbm4b:s0+s19] =	stream.strided.scatter [tilespmem:s28], [sflag:$0x3], $0x1000, s20, s19, $0x38;
	[tilespmem:$0x4100] =	vst v63  }
0x92: {  	_ =	swait.ge [sflag:s18], $0x1000  }
0x93: {  	[sflag:s18] =	ssyncset.done $0x0  }
0x94: {  	[sflag:s18] =	ssyncadd.s32 $0xFFFFF000  }
0x95: {  	s0 =	sadd.s32 $0xC0, s31  }
0x96: {  	s1 =	sadd.s32 s6, s0  }
0x97: {  	s1 =	sshrl.u32 s1, $0x3  }
0x98: {  	s1 =	sadd.s32 s3, s1  }
0x99: {  	[tilespmem:s20], [sflag:$0x3] =	stream.linear.gather [hbm4b:s1+s2], $0x40, $0x38;
	[tilespmem:$0x4100] =	vst v63  }
0x9a: {  	s0 =	sadd.s32 s7, s0;
	_ =	swait.ge [sflag:s18], $0x40  }
0x9b: {  	s0 =	sshrl.u32 s0, $0x3;
	[sflag:s18] =	ssyncset.done $0x0  }
0x9c: {  	s0 =	sadd.s32 s3, s0;
	[sflag:s18] =	ssyncadd.s32 $0xFFFFFFC0  }
0x9d: {  	[tilespmem:s22], [sflag:$0x3] =	stream.linear.gather [hbm4b:s0+s2], $0x40, $0x38;
	[tilespmem:$0x4100] =	vst v63  }
.Ltmp13:
0x9e: {  	_ = 	snop;
	(pc) =	sbr.rel .LBB2_2-.Ltmp13, $4  }
0x9f: {  	_ =	swait.ge [sflag:s18], $0x40  }
0xa0: {  	[sflag:s18] =	ssyncset.done $0x0  }
0xa1: {  	s30 =	sadd.s32 $0x1, s30;
	[sflag:s18] =	ssyncadd.s32 $0xFFFFFFC0  }
0xa2: {  	[tilespmem:s23], [sflag:$0x2] =	stream.indirect.gather [hbm4b:s4+s20], $0x40, s20, s20, $0xb8;
	[tilespmem:$0x4100] =	vst v63  }
.LBB2_16:
.Ltmp14:
0xa3: {  	(pc) =	sbr.rel .LBB2_17-.Ltmp14, $4  }
0xa4: {  	_ = 	snop  }
0xa5: {  	_ =	swait.ge [sflag:s24], $0x2000  }
0xa6: {  	[sflag:s24] =	ssyncset.done $0x0  }
0xa7: {  	s0 =	simm.s32 $0x0;
	[sflag:s24] =	ssyncadd.s32 $0xFFFFE000  }
.LBB2_21:
0xa8: {  	s0 =	sadd.s32 $0x1, s0  }
0xa9: {  	p0 =	sne.s32 s0, $0x8  }
.Ltmp15:
0xaa: {  	_ = 	snop;
	(pc) =	sbr.rel @!p0 .LBB2_22-.Ltmp15, $1  }
0xab: {  	_ =	sdelay $0x3  }
.LBB2_17:
0xac: {  	s1 =	sshll.u32 s0, $0x4  }
0xad: {  	v3 =	vld [tilespmem:s1+$0x0];
	_ =	sdelay $0x4  }
0xae: {  	vm0 =	veq.s32 v3, $0x1869F  }
0xaf: {  	v3 =	vsel vm0, $0x1, v0  }
0xb0: {  	v3 =	vor.u32 $0x80000000, v3  }
0xb1: {  	(xrf0) =	vmax.scan.msk.u32 $0xffff, v3;
	_ =	sdelay $0x5  }
0xb2: {  	v3, _, _ =	vpop (xrf0)  }
0xb3: {  	(v2sf) =	vpush v3, $0xF;
	_ =	sdelay $0xe  }
0xb4: {  	s9 =	spop (v2sf)  }
0xb5: {  	p0 =	slt.u32 s9, $0x80000001  }
.Ltmp16:
0xb6: {  	_ = 	snop;
	(pc) =	sbr.rel @p0 .LBB2_21-.Ltmp16, $1  }
0xb7: {  	_ =	sdelay $0x3  }
0xb8: {  	s9 =	simm.s32 $0x0  }
0xb9: {  	v3 =	vmov s9  }
0xba: {  	v4 =	vmov s1;
	v3 =	vand.u32 $0x3F, v3  }
0xbb: {  	v4 =	vshll.u32 v4, $0x6;
	v5 =	vbroadcast v3, $0x0  }
0xbc: {  	v3 =	vor.u32 v1, v4  }
0xbd: {  	s1 =	simm.s32 $0x1;
	v4 =	vor.u32 v3, v5  }
.LBB2_19:
0xbe: {  	p0 =	sne.s32 s1, $0x3F  }
.Ltmp17:
0xbf: {  	v5 =	vmov s1;
	s1 =	sadd.s32 $0x1, s1;
	(pc) =	sbr.rel @p0 .LBB2_19-.Ltmp17, $4  }
0xc0: {  	v5 =	vand.u32 $0x3F, v5  }
0xc1: {  	v5 =	vbroadcast v5, $0x0  }
0xc2: {  	[tilespmem:v4+s21+$0x0] =	vst.idx.msk vm0, v2  }
0xc3: {  	v4 =	vor.u32 v3, v5  }
0xc4: {  	_ = 	snop  }
.Ltmp18:
0xc5: {  	_ = 	snop;
	(pc) =	sbr.rel .LBB2_21-.Ltmp18, $2  }
0xc6: {  	_ =	sdelay $0x2  }
0xc7: {  	[tilespmem:v4+s21+$0x0] =	vst.idx.msk vm0, v2  }
.LBB2_23:
0xc8: {  	_ =	sfence.sel $0x180000  }
0xc9: {  	[bflag:$0x0] =	sbarrier.arrive $0xFFFF  }
0xca: {  	_ =	strace $0x90000047  }
0xcb: {  	s0 =	stileid.u32;
	[bflag:$0x2] =	sbarrier.arrive $0xFFFF  }
0xcc: {  	p0 =	sne.s32 s0, $0x0;
	s0 =	rddreg [dreg:$0x1]  }
0xcd: {  	s0 =	sadd.s32 @!p0 $0x100000, s0  }
0xce: {  	[sflag:s0] =	ssyncadd.tile.s32 @!p0 $0x1;
	_ =	shalt  }
.Lfunc_end2:
_tile_overlayer_lowered:
.L_overlay_start_2:
0xcf: {  	(tag) =	ssettag $0x2  }
0xd0: {  	s0 =	rddreg [dreg:$0x0];
	s2 =	stileid.u32  }
0xd1: {  	s1 =	rddreg [dreg:$0x1];
	p0 =	sne.s32 s2, $0x0  }
0xd2: {  	s3 =	rddreg [dreg:$0x2];
	[bflag:$0x3] =	sbarrier.arrive $0xFFFF;
	s2 =	simm.s32 @!p0 $0x1C03  }
0xd3: {  	[timem:s3], [sflag:s2] =	dma.local @!p0 [hbm:s0], s1  }
0xd4: {  	s0 =	simm.s32 @!p0 $0x3  }
0xd5: {  	_ =	swait.ge @!p0 [sflag:s0], s1  }
0xd6: {  	s1 =	ssub.s32 @!p0 $0x0, s1;
	[sflag:s0] =	ssyncset.done @!p0 $0x0  }
0xd7: {  	[sflag:s0] =	ssyncadd.s32 @!p0 s1  }
0xd8: {  	[bflag:$0x3] =	sbarrier.arrive $0xFFFF  }
0xd9: {  	_ =	shalt  }

// kernel: kernel.22.cloned.1.call-start
scs
__scs_entry_jumppad:
0x0: {  	(pc) =	sbr.rel $0x88, $3  }
0x1: {  	(tag) =	ssettag $0x0;
	lr =	simm.s32 $0x1  }
0x2: {  	[smem:$0x3F99] =	sst lr;
	_ =	strace $0xD0000000  }
0x3: {  	_ = 	snop  }
0x4: {  	_ = 	snop  }
0x5: {  	_ = 	snop  }
0x6: {  	_ = 	snop  }
0x7: {  	_ = 	snop  }
__scs_overlays_trampoline_lowered:
0x8: {  	[smem:$0x3FA8] =	sst s0  }
0x9: {  	[smem:$0x3FA9] =	sst s1  }
0xa: {  	[smem:$0x3FAA] =	sst s2  }
0xb: {  	[smem:$0x3FAB] =	sst s3  }
0xc: {  	[smem:$0x3FAC] =	sst s4  }
0xd: {  	[smem:$0x3FAD] =	sst s5  }
0xe: {  	[smem:$0x3FAE] =	sst s6  }
0xf: {  	[smem:$0x3FAF] =	sst s7  }
0x10: {  	[smem:$0x3FB0] =	sst s8  }
0x11: {  	[smem:$0x3FB1] =	sst s9;
	s0 =	simm.s32 @!p0 $0x0  }
0x12: {  	s1 =	sld [smem:$0x3F97];
	s0 =	simm.s32 @p0 $0x1  }
0x13: {  	[smem:$0x3FB2] =	sst s0;
	s0 =	simm.s32 @!p1 $0x0  }
0x14: {  	s2 =	sld [smem:$0x3F96];
	s0 =	simm.s32 @p1 $0x1  }
0x15: {  	[smem:$0x3FB3] =	sst s0;
	s0 =	simm.s32 @!p2 $0x0  }
0x16: {  	s3 =	sld [smem:$0x3FDB];
	s0 =	simm.s32 @p2 $0x1  }
0x17: {  	s4 =	simm.s32 $0x1BF5;
	[smem:$0x3FB5] =	sst s0  }
0x18: {  	s0 =	sld [smem:$0x3F98];
	_ =	swait.ge [sflag:s4], $0x0  }
0x19: {  	s7 =	sld [smem:$0x3F99]  }
0x1a: {  	s8 =	sadd.s32 $0xFFFFE003, lr  }
0x1b: {  	s9 =	sadd.s32 $0xFFFFFEF7, lr;
	s5 =	simm.s32 $0xFFFFFFFF;
	p2 =	slt.u32 s8, $0xFFFFF086  }
0x1c: {  	p1 =	slt.u32 s9, $0xF7A;
	s5 =	simm.s32 @!p2 $0x0  }
0x1d: {  	s5 =	simm.s32 @p1 $0x1;
	p0 =	seq.s32 s7, s2  }
0x1e: {  	s7 =	smul.u32 @!p0 $0xF7A, s2;
	p2 =	seq.s32 @!p0 s5, $0x0  }
0x1f: {  	s9 =	smul.u32 $0xF7A, s1;
	s8 =	simm.s32 @!p0 $0x1BF5;
	p2 =	por !p2, p0  }
0x20: {  	[sflag:s8] =	ssyncset.s32 @!p0 $0xFFFFF086;
	s6 =	sadd.s32 @!p0 s3, s7;
	s7 =	simm.s32 @!p0 $0x108  }
0x21: {  	s3 =	sadd.s32 s3, s9;
	s6 =	sadd.s32 @!p0 $0x88, s6;
	s7 =	simm.s32 @p2 $0x1082  }
0x22: {  	[simem:s7], [sflag:s8] =	dma.local @!p0 [hbm:s6], $0xF7A  }
0x23: {  	s9 =	sor.u32 $0xD0000000, s2;
	s6 =	simm.s32 $0x108;
	_ =	swait.ge @!p0 [sflag:s8], $0x0  }
0x24: {  	s3 =	sadd.s32 $0x88, s3;
	s6 =	simm.s32 @!p1 $0x1082;
	[sflag:s4] =	ssyncset.s32 $0xFFFFF086  }
0x25: {  	[simem:s6], [sflag:s4] =	dma.local [hbm:s3], $0xF7A  }
0x26: {  	[smem:$0x3F99] =	sst s1;
	(tag) =	ssettag s2;
	_ =	strace s9  }
0x27: {  	s1 =	sld [smem:$0x3FA9]  }
0x28: {  	s2 =	sld [smem:$0x3FAA]  }
0x29: {  	s4 =	sld [smem:$0x3FAC]  }
0x2a: {  	p0 =	seq.s32 s5, $0x0;
	s5 =	sld [smem:$0x3FAD]  }
0x2b: {  	s6 =	sld [smem:$0x3FAE]  }
0x2c: {  	s7 =	sld [smem:$0x3FAF]  }
0x2d: {  	s3 =	simm.s32 $0x108;
	s8 =	sld [smem:$0x3FB0]  }
0x2e: {  	s3 =	simm.s32 @!p0 $0x1082;
	s9 =	sld [smem:$0x3FB1]  }
0x2f: {  	lr =	sadd.s32 s0, s3;
	s0 =	sld [smem:$0x3FA8]  }
0x30: {  	s3 =	sld [smem:$0x3FAB]  }
0x31: {  	[smem:$0x3FB4] =	sst s10  }
0x32: {  	s10 =	sld [smem:$0x3FB2];
	_ =	sdelay $0x3  }
0x33: {  	p0 =	seq.s32 s10, $0x1;
	s10 =	sld [smem:$0x3FB4];
	_ =	sdelay $0x3  }
0x34: {  	[smem:$0x3FB4] =	sst s10  }
0x35: {  	s10 =	sld [smem:$0x3FB3];
	_ =	sdelay $0x3  }
0x36: {  	p1 =	seq.s32 s10, $0x1;
	s10 =	sld [smem:$0x3FB4];
	_ =	sdelay $0x3  }
0x37: {  	[smem:$0x3FB4] =	sst s10  }
0x38: {  	s10 =	sld [smem:$0x3FB5]  }
0x39: {  	_ = 	snop;
	(pc) =	sbr.ind lr, $3  }
0x3a: {  	_ = 	snop  }
0x3b: {  	_ = 	snop  }
0x3c: {  	p2 =	seq.s32 s10, $0x1;
	s10 =	sld [smem:$0x3FB4]  }
0x3d: {  	_ =	shalt  }
0x3e: {  	_ =	shalt  }
0x3f: {  	_ =	shalt  }
0x40: {  	_ =	shalt  }
0x41: {  	_ =	shalt  }
0x42: {  	_ =	shalt  }
0x43: {  	_ =	shalt  }
0x44: {  	_ =	shalt  }
0x45: {  	_ =	shalt  }
0x46: {  	_ =	shalt  }
0x47: {  	_ =	shalt  }
0x48: {  	_ =	shalt  }
0x49: {  	_ =	shalt  }
0x4a: {  	_ =	shalt  }
0x4b: {  	_ =	shalt  }
0x4c: {  	_ =	shalt  }
0x4d: {  	_ =	shalt  }
0x4e: {  	_ =	shalt  }
0x4f: {  	_ =	shalt  }
0x50: {  	_ =	shalt  }
0x51: {  	_ =	shalt  }
0x52: {  	_ =	shalt  }
0x53: {  	_ =	shalt  }
0x54: {  	_ =	shalt  }
0x55: {  	_ =	shalt  }
0x56: {  	_ =	shalt  }
0x57: {  	_ =	shalt  }
0x58: {  	_ =	shalt  }
0x59: {  	_ =	shalt  }
0x5a: {  	_ =	shalt  }
0x5b: {  	_ =	shalt  }
0x5c: {  	_ =	shalt  }
0x5d: {  	_ =	shalt  }
0x5e: {  	_ =	shalt  }
0x5f: {  	_ =	shalt  }
0x60: {  	_ =	shalt  }
0x61: {  	_ =	shalt  }
0x62: {  	_ =	shalt  }
0x63: {  	_ =	shalt  }
0x64: {  	_ =	shalt  }
0x65: {  	_ =	shalt  }
0x66: {  	_ =	shalt  }
0x67: {  	_ =	shalt  }
0x68: {  	_ =	shalt  }
0x69: {  	_ =	shalt  }
0x6a: {  	_ =	shalt  }
0x6b: {  	_ =	shalt  }
0x6c: {  	_ =	shalt  }
0x6d: {  	_ =	shalt  }
0x6e: {  	_ =	shalt  }
0x6f: {  	_ =	shalt  }
0x70: {  	_ =	shalt  }
0x71: {  	_ =	shalt  }
0x72: {  	_ =	shalt  }
0x73: {  	_ =	shalt  }
0x74: {  	_ =	shalt  }
0x75: {  	_ =	shalt  }
0x76: {  	_ =	shalt  }
0x77: {  	_ =	shalt  }
0x78: {  	_ =	shalt  }
0x79: {  	_ =	shalt  }
0x7a: {  	_ =	shalt  }
0x7b: {  	_ =	shalt  }
0x7c: {  	_ =	shalt  }
0x7d: {  	_ =	shalt  }
0x7e: {  	_ =	shalt  }
0x7f: {  	_ =	shalt  }
0x80: {  	_ =	shalt  }
0x81: {  	_ =	shalt  }
0x82: {  	_ =	shalt  }
0x83: {  	_ =	shalt  }
0x84: {  	_ =	shalt  }
0x85: {  	_ =	shalt  }
0x86: {  	_ =	shalt  }
0x87: {  	_ =	shalt  }
.Lfunc_end0:
.L_simem_size_0:
called_computation.4_lowered:
.L_overlay_start_0:
0x88: {  	s2 =	sld [smem:$0x3FD9]  }
0x89: {  	s3 =	sld [smem:$0x3FFE];
	_ =	sdelay $0x1  }
0x8a: {  	s1 =	srdreg.scid  }
0x8b: {  	s0 =	sand.u32 $0x1, s1  }
0x8c: {  	s17 =	sshll.u32 s0, $0xA;
	s2 =	sadd.s32 s3, s2  }
0x8d: {  	s2 =	sadd.s32 s2, s17  }
0x8e: {  	[smem:$0x3FC0] =	sst s2  }
0x8f: {  	_ = 	snop  }
0x90: {  	(tm) =	ssettm $0x1  }
0x91: {  	s18 =	sld [smem:$0x3FFB];
	_ =	sdelay $0x3  }
0x92: {  	_ =	strace s18  }
0x93: {  	s2 =	sld [smem:$0x3FFC];
	_ =	sdelay $0x3  }
0x94: {  	_ =	strace s2  }
0x95: {  	s2 =	sld [smem:$0x3FFD];
	_ =	sdelay $0x3  }
0x96: {  	_ =	strace s2  }
0x97: {  	_ =	strace $0x8FFFFFFF  }
0x98: {  	s19 =	sld [smem:$0x3FDB];
	_ =	sdelay $0x1  }
0x99: {  	s20 =	simm.s32 $_scs_section_size  }
0x9a: {  	s4 =	simm.s32 $_size__tile_overlayer_lowered;
	s5 =	simm.s32 $_tile_overlayer_lowered  }
0x9b: {  	s6 =	simm.s32 $0x1BFF;
	s21 =	sshll.u32 s5, $0x1;
	s3 =	sadd.s32 s20, s19  }
0x9c: {  	s22 =	simm.s32 $0x0;
	s4 =	sshll.u32 s4, $0x1;
	s5 =	sadd.s32 s21, s3  }
0x9d: {  	[timem:s22], [sflag:s6] =	dma.local [hbm:s5], s4  }
0x9e: {  	_ =	swait.ge [sflag:s6], s4  }
0x9f: {  	s4 =	ssub.s32 $0x0, s4;
	[sflag:s6] =	ssyncset.done $0x0  }
0xa0: {  	[sflag:s6] =	ssyncadd.s32 s4;
	_ =	sdelay $0x1  }
0xa1: {  	s23 =	simm.s32 $0x1B8B  }
0xa2: {  	_ =	swait.ge [sflag:s23], $0x1  }
0xa3: {  	[sflag:s23] =	ssyncset.done $0x0  }
0xa4: {  	[sflag:s23] =	ssyncadd.s32 $0xFFFFFFFF  }
0xa5: {  	s4 =	sld [smem:$0x0]  }
0xa6: {  	s5 =	sand.u32 $0xFFFFFFFE, s1  }
0xa7: {  	p0 =	sne.s32 s1, s5  }
0xa8: {  	s5 =	sshll.u32 @p0 s5, $0xE  }
0xa9: {  	s5 =	sadd.s32 @p0 $0x11B8D, s5;
	s6 =	sshll.u32 @p0 s4, $0x11  }
0xaa: {  	s5 =	sor.u32 @p0 s6, s5  }
0xab: {  	[sflag:s5] =	ssyncadd.remote.s32 @p0 $0x1;
	_ =	sdelay $0x1  }
0xac: {  	s5 =	simm.s32 @p0 $0x1B8D  }
0xad: {  	_ =	swait.eq @p0 [sflag:s5], $0x1  }
0xae: {  	[sflag:s5] =	ssyncadd.s32 @p0 $0xFFFFFFFF  }
0xaf: {  	s6 =	sshll.u32 @!p0 s1, $0xE  }
0xb0: {  	s6 =	sor.u32 @!p0 $0x4000, s6;
	s5 =	simm.s32 @!p0 $0x1B8D  }
0xb1: {  	s4 =	sshll.u32 @!p0 s4, $0x11;
	s6 =	sadd.s32 @!p0 $0x11B8D, s6;
	_ =	swait.eq @!p0 [sflag:s5], $0x1  }
0xb2: {  	s4 =	sor.u32 @!p0 s4, s6;
	[sflag:s5] =	ssyncadd.s32 @!p0 $0xFFFFFFFF  }
0xb3: {  	s25 =	simm.s32 $0x1B8E;
	s24 =	sld [smem:$0x3FFE];
	[sflag:s4] =	ssyncadd.remote.s32 @!p0 $0x1  }
0xb4: {  	s26 =	simm.s32 $execute0_lowered;
	[smem:$0x3FD2] =	sst s25  }
0xb5: {  	s5 =	sshll.u32 s26, $0x1;
	_ =	strace $0x80000049;
	[dreg:$0x1] =	wrdreg $0xFFFFFFFF  }
0xb6: {  	s28 =	simm.s32 $_size_execute0_lowered;
	s3 =	sadd.s32 s3, s5;
	[dreg:$0x0] =	wrdreg $0x0  }
0xb7: {  	s5 =	sshll.u32 s28, $0x1;
	[dreg:$0x2] =	wrdreg s3  }
0xb8: {  	[dreg:$0x3] =	wrdreg s5  }
0xb9: {  	[dreg:$0x4] =	wrdreg $0xC0  }
0xba: {  	_ =	task [dreg:s22], $0x5FFFF  }
0xbb: {  	[dreg:$0x1] =	wrdreg $0xFFFFFFFF  }
0xbc: {  	[dreg:$0x0] =	wrdreg $0x60  }
0xbd: {  	[dreg:$0x2] =	wrdreg s24  }
0xbe: {  	[dreg:$0x3] =	wrdreg $0xD  }
0xbf: {  	_ =	task.clear_ibuf [dreg:s22], $0x4FFFF;
	_ =	strace $0x90000049  }
0xc0: {  	s29 =	simm.s32 $0xD;
	_ =	strace $0x8000004B  }
0xc1: {  	_ =	swait.ge [sflag:s29], $0x1  }
0xc2: {  	[sflag:s29] =	ssyncadd.s32 $0xFFFFFFFF  }
0xc3: {  	_ =	strace $0x9000004B  }
0xc4: {  	_ =	sfence  }
0xc5: {  	s30 =	sld [smem:$0x0];
	_ =	sdelay $0x2  }
0xc6: {  	s31 =	sshll.u32 s1, $0xD;
	s1 =	sshrl.u32 s1, $0x2  }
0xc7: {  	s4 =	sand.u32 $0x4000, s31;
	s1 =	sadd.s32 s1, s30  }
0xc8: {  	s0 =	sor.u32 s4, s0;
	s1 =	sshll.u32 s1, $0x11  }
0xc9: {  	s0 =	sor.u32 s1, s0  }
0xca: {  	s0 =	sadd.s32 $0x8F2B, s0  }
0xcb: {  	[sflag:s0] =	ssyncadd.remote.s32 $0x1  }
0xcc: {  	_ =	sfence.sel $0xFFFF  }
0xcd: {  	[dreg:$0x0] =	wrdreg $0xFFFFFFFF;
	(pc) =	sbr.abs _section_cstart, $3  }
0xce: {  	[dreg:$0x1] =	wrdreg $0xFFFFFFFF  }
0xcf: {  	_ =	task.clear_ibuf [dreg:s22], $0x2FFFF;
	_ =	strace $0x9FFFFFFF  }
0xd0: {  	(tm) =	ssettm $0x7FFFFFFF  }
0xd1: {  	_ =	shalt  }
tec
execute0_lowered:
.L_overlay_start_1:
0x0: {  	(tag) =	ssettag $0x1  }
0x1: {  	s0 =	rddreg [dreg:$0x0];
	s2 =	simm.s32 $0x0  }
0x2: {  	s1 =	srdreg.scid;
	s3 =	stileid.u32;
	s18 =	simm.s32 $0x3  }
0x3: {  	s19 =	simm.s32 $0x40;
	s20 =	simm.s32 $0x80;
	s21 =	simm.s32 $0x100  }
0x4: {  	s22 =	simm.s32 $0xC0;
	s23 =	simm.s32 $0x2100;
	s24 =	simm.s32 $0x1  }
0x5: {  	s25 =	simm.s32 $0x1100;
	s26 =	simm.s32 $0x2;
	s28 =	simm.s32 $0x3100  }
0x6: {  	s29 =	simm.s32 $0x0;
	[smem:$0x7FF] =	sst s2;
	s1 =	sand.u32 $0x1, s1  }
0x7: {  	s3 =	sshll.u32 s3, $0x1;
	s4 =	sadd.s32 $0x3DC600, s0;
	s5 =	sadd.s32 $0x255C00, s0  }
0x8: {  	s13 =	sadd.s32 $0x255C08, s0;
	s8 =	sor.u32 s1, s3;
	s1 =	ssub.s32 $0x2, s1  }
0x9: {  	_ =	strace $0x8000004A;
	s14 =	smul.u32 $0x640, s8;
	s6 =	sshrl.u32 s1, $0x1  }
0xa: {  	s3 =	sadd.s32 $0xD3C00, s0;
	s8 =	smul.u32 $0x32000, s8;
	s1 =	ssub.s32 s1, s6  }
0xb: {  	s6 =	sadd.s32 $0x19000, s14;
	s7 =	sadd.s32 $0x25800, s14;
	s10 =	sshrl.u32 s14, $0x3  }
.Ltmp0:
0xc: {  	s15 =	sshrl.u32 s8, $0x3;
	s14 =	sadd.s32 $0x40, s14;
	(pc) =	sbr.rel .LBB2_1-.Ltmp0, $4  }
0xd: {  	s17 =	smax.u32 s1, $0x1;
	s9 =	sshrl.u32 s6, $0x3;
	s11 =	sshrl.u32 s7, $0x3  }
0xe: {  	s12 =	sadd.s32 s3, s10;
	s31 =	sadd.s32 s5, s15;
	s9 =	sadd.s32 s3, s9  }
0xf: {  	v1 =	vlaneseq.u32;
	s10 =	sadd.s32 s3, s11;
	s11 =	sadd.s32 $0x3208, s12;
	s12 =	sadd.s32 $0x4B08, s12  }
0x10: {  	v0 =	vimm.s32 $0x0;
	v2 =	vimm.f32 $0.0e+00;
	v1 =	vmul.u32 $0x40, v1;
	s15 =	sadd.s32 $0x6000, s31;
	s16 =	sadd.s32 $0x6008, s31;
	[dreg:$0x2] =	wrdreg s9  }
.LBB2_22:
0x11: {  	[hbm4b:s15+s19] =	stream.strided.scatter [tilespmem:s21], [sflag:$0x3], $0x1000, s20, s19, $0x38;
	[tilespmem:$0x4100] =	vst v63  }
0x12: {  	s29 =	sadd.s32 $0x1, s29;
	_ =	swait.ge [sflag:s18], $0x1000  }
0x13: {  	p0 =	sne.s32 s29, s17;
	[sflag:s18] =	ssyncset.done $0x0  }
.Ltmp1:
0x14: {  	[sflag:s18] =	ssyncadd.s32 $0xFFFFF000;
	(pc) =	sbr.rel @!p0 .LBB2_23-.Ltmp1, $4  }
0x15: {  	[hbm4b:s16+s19] =	stream.strided.scatter [tilespmem:s25], [sflag:$0x3], $0x1000, s20, s19, $0x38;
	[tilespmem:$0x4100] =	vst v63  }
0x16: {  	_ =	swait.ge [sflag:s18], $0x1000  }
0x17: {  	[sflag:s18] =	ssyncset.done $0x0  }
0x18: {  	[sflag:s18] =	ssyncadd.s32 $0xFFFFF000  }
.LBB2_1:
0x19: {  	s0 =	rddreg [dreg:$0x2]  }
0x1a: {  	[tilespmem:s2], [sflag:$0x3] =	stream.linear.gather [hbm4b:s0+s2], $0x40, $0x38;
	[tilespmem:$0x4100] =	vst v63  }
0x1b: {  	_ =	swait.ge [sflag:s18], $0x40  }
0x1c: {  	[sflag:s18] =	ssyncset.done $0x0  }
0x1d: {  	[sflag:s18] =	ssyncadd.s32 $0xFFFFFFC0  }
0x1e: {  	[tilespmem:s19], [sflag:$0x3] =	stream.linear.gather [hbm4b:s10+s2], $0x40, $0x38;
	[tilespmem:$0x4100] =	vst v63  }
0x1f: {  	_ =	swait.ge [sflag:s18], $0x40  }
0x20: {  	[sflag:s18] =	ssyncset.done $0x0  }
0x21: {  	[sflag:s18] =	ssyncadd.s32 $0xFFFFFFC0  }
0x22: {  	[tilespmem:s21], [sflag:$0x1] =	stream.indirect.gather [hbm4b:s4+s20], $0x40, s2, s20, $0xb8;
	[tilespmem:$0x4100] =	vst v63  }
0x23: {  	_ = 	snop  }
0x24: {  	[tilespmem:s20], [sflag:$0x3] =	stream.linear.gather [hbm4b:s11+s2], $0x40, $0x38;
	[tilespmem:$0x4100] =	vst v63  }
0x25: {  	_ =	swait.ge [sflag:s18], $0x40  }
0x26: {  	[sflag:s18] =	ssyncset.done $0x0  }
0x27: {  	[sflag:s18] =	ssyncadd.s32 $0xFFFFFFC0  }
0x28: {  	[tilespmem:s22], [sflag:$0x3] =	stream.linear.gather [hbm4b:s12+s2], $0x40, $0x38;
	[tilespmem:$0x4100] =	vst v63  }
0x29: {  	_ =	swait.ge [sflag:s18], $0x40  }
0x2a: {  	[sflag:s18] =	ssyncset.done $0x0  }
0x2b: {  	s30 =	simm.s32 $0x0;
	[sflag:s18] =	ssyncadd.s32 $0xFFFFFFC0  }
0x2c: {  	[tilespmem:s23], [sflag:$0x2] =	stream.indirect.gather [hbm4b:s4+s20], $0x40, s20, s20, $0xb8;
	[tilespmem:$0x4100] =	vst v63  }
.LBB2_2:
.Ltmp2:
0x2d: {  	(pc) =	sbr.rel .LBB2_3-.Ltmp2, $4  }
0x2e: {  	_ = 	snop  }
0x2f: {  	_ =	swait.ge [sflag:s24], $0x2000  }
0x30: {  	[sflag:s24] =	ssyncset.done $0x0  }
0x31: {  	s0 =	simm.s32 $0x0;
	[sflag:s24] =	ssyncadd.s32 $0xFFFFE000  }
.LBB2_6:
0x32: {  	_ =	sdelay $0x4  }
0x33: {  	[tilespmem:v4+s21+$0x0] =	vst.idx.msk vm0, v2  }
.LBB2_7:
0x34: {  	s0 =	sadd.s32 $0x1, s0  }
0x35: {  	p0 =	sne.s32 s0, $0x8  }
.Ltmp3:
0x36: {  	_ = 	snop;
	(pc) =	sbr.rel @!p0 .LBB2_8-.Ltmp3, $1  }
0x37: {  	_ =	sdelay $0x3  }
.LBB2_3:
0x38: {  	s1 =	sshll.u32 s0, $0x4  }
0x39: {  	v3 =	vld [tilespmem:s1+$0x0];
	_ =	sdelay $0x4  }
0x3a: {  	vm0 =	veq.s32 v3, $0x1869F  }
0x3b: {  	v3 =	vsel vm0, $0x1, v0  }
0x3c: {  	v3 =	vor.u32 $0x80000000, v3  }
0x3d: {  	(xrf0) =	vmax.scan.msk.u32 $0xffff, v3;
	_ =	sdelay $0x5  }
0x3e: {  	v3, _, _ =	vpop (xrf0)  }
0x3f: {  	(v2sf) =	vpush v3, $0xF;
	_ =	sdelay $0xe  }
0x40: {  	s31 =	spop (v2sf)  }
0x41: {  	p0 =	slt.u32 s31, $0x80000001  }
.Ltmp4:
0x42: {  	_ = 	snop;
	(pc) =	sbr.rel @p0 .LBB2_7-.Ltmp4, $1  }
0x43: {  	_ =	sdelay $0x3  }
0x44: {  	s31 =	simm.s32 $0x0  }
0x45: {  	v3 =	vmov s31  }
0x46: {  	v4 =	vmov s1;
	v3 =	vand.u32 $0x3F, v3  }
0x47: {  	v4 =	vshll.u32 v4, $0x6;
	v5 =	vbroadcast v3, $0x0  }
0x48: {  	v3 =	vor.u32 v1, v4  }
0x49: {  	s31 =	simm.s32 $0x1;
	v4 =	vor.u32 v3, v5  }
.LBB2_5:
0x4a: {  	p0 =	sne.s32 s31, $0x3F  }
.Ltmp5:
0x4b: {  	v5 =	vmov s31;
	s31 =	sadd.s32 $0x1, s31;
	(pc) =	sbr.rel @p0 .LBB2_5-.Ltmp5, $4  }
0x4c: {  	v5 =	vand.u32 $0x3F, v5  }
0x4d: {  	v5 =	vbroadcast v5, $0x0  }
0x4e: {  	[tilespmem:v4+s21+$0x0] =	vst.idx.msk vm0, v2  }
0x4f: {  	v4 =	vor.u32 v3, v5  }
.Ltmp6:
0x50: {  	_ = 	snop;
	(pc) =	sbr.rel .LBB2_6-.Ltmp6, $1  }
0x51: {  	_ =	sdelay $0x3  }
.LBB2_8:
0x52: {  	s0 =	sshll.u32 s30, $0xE  }
0x53: {  	s0 =	sadd.s32 s8, s0  }
0x54: {  	s0 =	sshrl.u32 s0, $0x3  }
0x55: {  	s1 =	sadd.s32 s5, s0  }
0x56: {  	[hbm4b:s1+s19] =	stream.strided.scatter [tilespmem:s21], [sflag:$0x3], $0x1000, s20, s19, $0x38;
	[tilespmem:$0x4100] =	vst v63  }
0x57: {  	_ =	swait.ge [sflag:s18], $0x1000  }
0x58: {  	s31 =	sshll.u32 s30, $0x7;
	[sflag:s18] =	ssyncset.done $0x0  }
0x59: {  	s0 =	sadd.s32 s0, s13;
	s1 =	sadd.s32 $0x80, s31;
	[sflag:s18] =	ssyncadd.s32 $0xFFFFF000  }
0x5a: {  	[hbm4b:s0+s19] =	stream.strided.scatter [tilespmem:s25], [sflag:$0x3], $0x1000, s20, s19, $0x38;
	[tilespmem:$0x4100] =	vst v63  }
0x5b: {  	s9 =	sadd.s32 s6, s1;
	_ =	swait.ge [sflag:s18], $0x1000  }
0x5c: {  	s0 =	sshrl.u32 s9, $0x3;
	[sflag:s18] =	ssyncset.done $0x0  }
0x5d: {  	s9 =	sadd.s32 s3, s0;
	s0 =	simm.s32 $0x0;
	[sflag:s18] =	ssyncadd.s32 $0xFFFFF000  }
0x5e: {  	[tilespmem:s0], [sflag:$0x3] =	stream.linear.gather [hbm4b:s9+s0], $0x40, $0x38;
	[tilespmem:$0x4100] =	vst v63  }
0x5f: {  	s1 =	sadd.s32 s7, s1;
	_ =	swait.ge [sflag:s18], $0x40  }
0x60: {  	s1 =	sshrl.u32 s1, $0x3;
	[sflag:s18] =	ssyncset.done $0x0  }
0x61: {  	s1 =	sadd.s32 s3, s1;
	[sflag:s18] =	ssyncadd.s32 $0xFFFFFFC0  }
0x62: {  	[tilespmem:s19], [sflag:$0x3] =	stream.linear.gather [hbm4b:s1+s0], $0x40, $0x38;
	[tilespmem:$0x4100] =	vst v63  }
0x63: {  	_ =	swait.ge [sflag:s18], $0x40  }
0x64: {  	[sflag:s18] =	ssyncset.done $0x0  }
.Ltmp7:
0x65: {  	[sflag:s18] =	ssyncadd.s32 $0xFFFFFFC0;
	(pc) =	sbr.rel .LBB2_9-.Ltmp7, $4  }
0x66: {  	[tilespmem:s21], [sflag:$0x1] =	stream.indirect.gather [hbm4b:s4+s20], $0x40, s0, s20, $0xb8;
	[tilespmem:$0x4100] =	vst v63  }
0x67: {  	_ =	swait.ge [sflag:s26], $0x2000  }
0x68: {  	[sflag:s26] =	ssyncset.done $0x0  }
0x69: {  	[sflag:s26] =	ssyncadd.s32 $0xFFFFE000  }
.LBB2_12:
0x6a: {  	_ =	sdelay $0x4  }
0x6b: {  	[tilespmem:v4+s23+$0x0] =	vst.idx.msk vm0, v2  }
.LBB2_13:
0x6c: {  	s0 =	sadd.s32 $0x1, s0  }
0x6d: {  	p0 =	sne.s32 s0, $0x8  }
.Ltmp8:
0x6e: {  	_ = 	snop;
	(pc) =	sbr.rel @!p0 .LBB2_14-.Ltmp8, $1  }
0x6f: {  	_ =	sdelay $0x3  }
.LBB2_9:
0x70: {  	s1 =	sshll.u32 s0, $0x4  }
0x71: {  	v3 =	vld [tilespmem:s1+$0x80];
	_ =	sdelay $0x4  }
0x72: {  	vm0 =	veq.s32 v3, $0x1869F  }
0x73: {  	v3 =	vsel vm0, $0x1, v0  }
0x74: {  	v3 =	vor.u32 $0x80000000, v3  }
0x75: {  	(xrf0) =	vmax.scan.msk.u32 $0xffff, v3;
	_ =	sdelay $0x5  }
0x76: {  	v3, _, _ =	vpop (xrf0)  }
0x77: {  	(v2sf) =	vpush v3, $0xF;
	_ =	sdelay $0xe  }
0x78: {  	s9 =	spop (v2sf)  }
0x79: {  	p0 =	slt.u32 s9, $0x80000001  }
.Ltmp9:
0x7a: {  	_ = 	snop;
	(pc) =	sbr.rel @p0 .LBB2_13-.Ltmp9, $1  }
0x7b: {  	_ =	sdelay $0x3  }
0x7c: {  	s9 =	simm.s32 $0x0  }
0x7d: {  	v3 =	vmov s9  }
0x7e: {  	v4 =	vmov s1;
	v3 =	vand.u32 $0x3F, v3  }
0x7f: {  	v4 =	vshll.u32 v4, $0x6;
	v5 =	vbroadcast v3, $0x0  }
0x80: {  	v3 =	vor.u32 v1, v4  }
0x81: {  	s1 =	simm.s32 $0x1;
	v4 =	vor.u32 v3, v5  }
.LBB2_11:
0x82: {  	p0 =	sne.s32 s1, $0x3F  }
.Ltmp10:
0x83: {  	v5 =	vmov s1;
	s1 =	sadd.s32 $0x1, s1;
	(pc) =	sbr.rel @p0 .LBB2_11-.Ltmp10, $4  }
0x84: {  	v5 =	vand.u32 $0x3F, v5  }
0x85: {  	v5 =	vbroadcast v5, $0x0  }
0x86: {  	[tilespmem:v4+s23+$0x0] =	vst.idx.msk vm0, v2  }
0x87: {  	v4 =	vor.u32 v3, v5  }
.Ltmp11:
0x88: {  	_ = 	snop;
	(pc) =	sbr.rel .LBB2_12-.Ltmp11, $1  }
0x89: {  	_ =	sdelay $0x3  }
.LBB2_14:
0x8a: {  	s0 =	sadd.s32 s31, s14  }
0x8b: {  	s0 =	sshll.u32 s0, $0x4  }
0x8c: {  	s1 =	sadd.s32 s5, s0  }
0x8d: {  	[hbm4b:s1+s19] =	stream.strided.scatter [tilespmem:s23], [sflag:$0x3], $0x1000, s20, s19, $0x38;
	[tilespmem:$0x4100] =	vst v63  }
0x8e: {  	_ =	swait.ge [sflag:s18], $0x1000  }
0x8f: {  	p0 =	seq.s32 s30, $0xB;
	[sflag:s18] =	ssyncset.done $0x0  }
.Ltmp12:
0x90: {  	s0 =	sadd.s32 s0, s13;
	[sflag:s18] =	ssyncadd.s32 $0xFFFFF000;
	(pc) =	sbr.rel @p0 .LBB2_16-.Ltmp12, $4  }
0x91: {  	[hbm4b:s0+s19] =	stream.strided.scatter [tilespmem:s28], [sflag:$0x3], $0x1000, s20, s19, $0x38;
	[tilespmem:$0x4100] =	vst v63  }
0x92: {  	_ =	swait.ge [sflag:s18], $0x1000  }
0x93: {  	[sflag:s18] =	ssyncset.done $0x0  }
0x94: {  	[sflag:s18] =	ssyncadd.s32 $0xFFFFF000  }
0x95: {  	s0 =	sadd.s32 $0xC0, s31  }
0x96: {  	s1 =	sadd.s32 s6, s0  }
0x97: {  	s1 =	sshrl.u32 s1, $0x3  }
0x98: {  	s1 =	sadd.s32 s3, s1  }
0x99: {  	[tilespmem:s20], [sflag:$0x3] =	stream.linear.gather [hbm4b:s1+s2], $0x40, $0x38;
	[tilespmem:$0x4100] =	vst v63  }
0x9a: {  	s0 =	sadd.s32 s7, s0;
	_ =	swait.ge [sflag:s18], $0x40  }
0x9b: {  	s0 =	sshrl.u32 s0, $0x3;
	[sflag:s18] =	ssyncset.done $0x0  }
0x9c: {  	s0 =	sadd.s32 s3, s0;
	[sflag:s18] =	ssyncadd.s32 $0xFFFFFFC0  }
0x9d: {  	[tilespmem:s22], [sflag:$0x3] =	stream.linear.gather [hbm4b:s0+s2], $0x40, $0x38;
	[tilespmem:$0x4100] =	vst v63  }
.Ltmp13:
0x9e: {  	_ = 	snop;
	(pc) =	sbr.rel .LBB2_2-.Ltmp13, $4  }
0x9f: {  	_ =	swait.ge [sflag:s18], $0x40  }
0xa0: {  	[sflag:s18] =	ssyncset.done $0x0  }
0xa1: {  	s30 =	sadd.s32 $0x1, s30;
	[sflag:s18] =	ssyncadd.s32 $0xFFFFFFC0  }
0xa2: {  	[tilespmem:s23], [sflag:$0x2] =	stream.indirect.gather [hbm4b:s4+s20], $0x40, s20, s20, $0xb8;
	[tilespmem:$0x4100] =	vst v63  }
.LBB2_16:
.Ltmp14:
0xa3: {  	(pc) =	sbr.rel .LBB2_17-.Ltmp14, $4  }
0xa4: {  	_ = 	snop  }
0xa5: {  	_ =	swait.ge [sflag:s24], $0x2000  }
0xa6: {  	[sflag:s24] =	ssyncset.done $0x0  }
0xa7: {  	s0 =	simm.s32 $0x0;
	[sflag:s24] =	ssyncadd.s32 $0xFFFFE000  }
.LBB2_21:
0xa8: {  	s0 =	sadd.s32 $0x1, s0  }
0xa9: {  	p0 =	sne.s32 s0, $0x8  }
.Ltmp15:
0xaa: {  	_ = 	snop;
	(pc) =	sbr.rel @!p0 .LBB2_22-.Ltmp15, $1  }
0xab: {  	_ =	sdelay $0x3  }
.LBB2_17:
0xac: {  	s1 =	sshll.u32 s0, $0x4  }
0xad: {  	v3 =	vld [tilespmem:s1+$0x0];
	_ =	sdelay $0x4  }
0xae: {  	vm0 =	veq.s32 v3, $0x1869F  }
0xaf: {  	v3 =	vsel vm0, $0x1, v0  }
0xb0: {  	v3 =	vor.u32 $0x80000000, v3  }
0xb1: {  	(xrf0) =	vmax.scan.msk.u32 $0xffff, v3;
	_ =	sdelay $0x5  }
0xb2: {  	v3, _, _ =	vpop (xrf0)  }
0xb3: {  	(v2sf) =	vpush v3, $0xF;
	_ =	sdelay $0xe  }
0xb4: {  	s9 =	spop (v2sf)  }
0xb5: {  	p0 =	slt.u32 s9, $0x80000001  }
.Ltmp16:
0xb6: {  	_ = 	snop;
	(pc) =	sbr.rel @p0 .LBB2_21-.Ltmp16, $1  }
0xb7: {  	_ =	sdelay $0x3  }
0xb8: {  	s9 =	simm.s32 $0x0  }
0xb9: {  	v3 =	vmov s9  }
0xba: {  	v4 =	vmov s1;
	v3 =	vand.u32 $0x3F, v3  }
0xbb: {  	v4 =	vshll.u32 v4, $0x6;
	v5 =	vbroadcast v3, $0x0  }
0xbc: {  	v3 =	vor.u32 v1, v4  }
0xbd: {  	s1 =	simm.s32 $0x1;
	v4 =	vor.u32 v3, v5  }
.LBB2_19:
0xbe: {  	p0 =	sne.s32 s1, $0x3F  }
.Ltmp17:
0xbf: {  	v5 =	vmov s1;
	s1 =	sadd.s32 $0x1, s1;
	(pc) =	sbr.rel @p0 .LBB2_19-.Ltmp17, $4  }
0xc0: {  	v5 =	vand.u32 $0x3F, v5  }
0xc1: {  	v5 =	vbroadcast v5, $0x0  }
0xc2: {  	[tilespmem:v4+s21+$0x0] =	vst.idx.msk vm0, v2  }
0xc3: {  	v4 =	vor.u32 v3, v5  }
0xc4: {  	_ = 	snop  }
.Ltmp18:
0xc5: {  	_ = 	snop;
	(pc) =	sbr.rel .LBB2_21-.Ltmp18, $2  }
0xc6: {  	_ =	sdelay $0x2  }
0xc7: {  	[tilespmem:v4+s21+$0x0] =	vst.idx.msk vm0, v2  }
.LBB2_23:
0xc8: {  	_ =	sfence.sel $0x180000  }
0xc9: {  	[bflag:$0x0] =	sbarrier.arrive $0xFFFF  }
0xca: {  	_ =	strace $0x9000004A  }
0xcb: {  	s0 =	stileid.u32;
	[bflag:$0x2] =	sbarrier.arrive $0xFFFF  }
0xcc: {  	p0 =	sne.s32 s0, $0x0;
	s0 =	rddreg [dreg:$0x1]  }
0xcd: {  	s0 =	sadd.s32 @!p0 $0x100000, s0  }
0xce: {  	[sflag:s0] =	ssyncadd.tile.s32 @!p0 $0x1;
	_ =	shalt  }
.Lfunc_end2:
_tile_overlayer_lowered:
.L_overlay_start_2:
0xcf: {  	(tag) =	ssettag $0x2  }
0xd0: {  	s0 =	rddreg [dreg:$0x0];
	s2 =	stileid.u32  }
0xd1: {  	s1 =	rddreg [dreg:$0x1];
	p0 =	sne.s32 s2, $0x0  }
0xd2: {  	s3 =	rddreg [dreg:$0x2];
	[bflag:$0x3] =	sbarrier.arrive $0xFFFF;
	s2 =	simm.s32 @!p0 $0x1C03  }
0xd3: {  	[timem:s3], [sflag:s2] =	dma.local @!p0 [hbm:s0], s1  }
0xd4: {  	s0 =	simm.s32 @!p0 $0x3  }
0xd5: {  	_ =	swait.ge @!p0 [sflag:s0], s1  }
0xd6: {  	s1 =	ssub.s32 @!p0 $0x0, s1;
	[sflag:s0] =	ssyncset.done @!p0 $0x0  }
0xd7: {  	[sflag:s0] =	ssyncadd.s32 @!p0 s1  }
0xd8: {  	[bflag:$0x3] =	sbarrier.arrive $0xFFFF  }
0xd9: {  	_ =	shalt  }

// kernel: kernel.25.cloned.1.call-start
scs
__scs_entry_jumppad:
0x0: {  	(pc) =	sbr.rel $0x88, $3  }
0x1: {  	(tag) =	ssettag $0x0;
	lr =	simm.s32 $0x1  }
0x2: {  	[smem:$0x3F99] =	sst lr;
	_ =	strace $0xD0000000  }
0x3: {  	_ = 	snop  }
0x4: {  	_ = 	snop  }
0x5: {  	_ = 	snop  }
0x6: {  	_ = 	snop  }
0x7: {  	_ = 	snop  }
__scs_overlays_trampoline_lowered:
0x8: {  	[smem:$0x3FA8] =	sst s0  }
0x9: {  	[smem:$0x3FA9] =	sst s1  }
0xa: {  	[smem:$0x3FAA] =	sst s2  }
0xb: {  	[smem:$0x3FAB] =	sst s3  }
0xc: {  	[smem:$0x3FAC] =	sst s4  }
0xd: {  	[smem:$0x3FAD] =	sst s5  }
0xe: {  	[smem:$0x3FAE] =	sst s6  }
0xf: {  	[smem:$0x3FAF] =	sst s7  }
0x10: {  	[smem:$0x3FB0] =	sst s8  }
0x11: {  	[smem:$0x3FB1] =	sst s9;
	s0 =	simm.s32 @!p0 $0x0  }
0x12: {  	s1 =	sld [smem:$0x3F97];
	s0 =	simm.s32 @p0 $0x1  }
0x13: {  	[smem:$0x3FB2] =	sst s0;
	s0 =	simm.s32 @!p1 $0x0  }
0x14: {  	s2 =	sld [smem:$0x3F96];
	s0 =	simm.s32 @p1 $0x1  }
0x15: {  	[smem:$0x3FB3] =	sst s0;
	s0 =	simm.s32 @!p2 $0x0  }
0x16: {  	s3 =	sld [smem:$0x3FDB];
	s0 =	simm.s32 @p2 $0x1  }
0x17: {  	s4 =	simm.s32 $0x1BF5;
	[smem:$0x3FB5] =	sst s0  }
0x18: {  	s0 =	sld [smem:$0x3F98];
	_ =	swait.ge [sflag:s4], $0x0  }
0x19: {  	s7 =	sld [smem:$0x3F99]  }
0x1a: {  	s8 =	sadd.s32 $0xFFFFE003, lr  }
0x1b: {  	s9 =	sadd.s32 $0xFFFFFEF7, lr;
	s5 =	simm.s32 $0xFFFFFFFF;
	p2 =	slt.u32 s8, $0xFFFFF086  }
0x1c: {  	p1 =	slt.u32 s9, $0xF7A;
	s5 =	simm.s32 @!p2 $0x0  }
0x1d: {  	s5 =	simm.s32 @p1 $0x1;
	p0 =	seq.s32 s7, s2  }
0x1e: {  	s7 =	smul.u32 @!p0 $0xF7A, s2;
	p2 =	seq.s32 @!p0 s5, $0x0  }
0x1f: {  	s9 =	smul.u32 $0xF7A, s1;
	s8 =	simm.s32 @!p0 $0x1BF5;
	p2 =	por !p2, p0  }
0x20: {  	[sflag:s8] =	ssyncset.s32 @!p0 $0xFFFFF086;
	s6 =	sadd.s32 @!p0 s3, s7;
	s7 =	simm.s32 @!p0 $0x108  }
0x21: {  	s3 =	sadd.s32 s3, s9;
	s6 =	sadd.s32 @!p0 $0x88, s6;
	s7 =	simm.s32 @p2 $0x1082  }
0x22: {  	[simem:s7], [sflag:s8] =	dma.local @!p0 [hbm:s6], $0xF7A  }
0x23: {  	s9 =	sor.u32 $0xD0000000, s2;
	s6 =	simm.s32 $0x108;
	_ =	swait.ge @!p0 [sflag:s8], $0x0  }
0x24: {  	s3 =	sadd.s32 $0x88, s3;
	s6 =	simm.s32 @!p1 $0x1082;
	[sflag:s4] =	ssyncset.s32 $0xFFFFF086  }
0x25: {  	[simem:s6], [sflag:s4] =	dma.local [hbm:s3], $0xF7A  }
0x26: {  	[smem:$0x3F99] =	sst s1;
	(tag) =	ssettag s2;
	_ =	strace s9  }
0x27: {  	s1 =	sld [smem:$0x3FA9]  }
0x28: {  	s2 =	sld [smem:$0x3FAA]  }
0x29: {  	s4 =	sld [smem:$0x3FAC]  }
0x2a: {  	p0 =	seq.s32 s5, $0x0;
	s5 =	sld [smem:$0x3FAD]  }
0x2b: {  	s6 =	sld [smem:$0x3FAE]  }
0x2c: {  	s7 =	sld [smem:$0x3FAF]  }
0x2d: {  	s3 =	simm.s32 $0x108;
	s8 =	sld [smem:$0x3FB0]  }
0x2e: {  	s3 =	simm.s32 @!p0 $0x1082;
	s9 =	sld [smem:$0x3FB1]  }
0x2f: {  	lr =	sadd.s32 s0, s3;
	s0 =	sld [smem:$0x3FA8]  }
0x30: {  	s3 =	sld [smem:$0x3FAB]  }
0x31: {  	[smem:$0x3FB4] =	sst s10  }
0x32: {  	s10 =	sld [smem:$0x3FB2];
	_ =	sdelay $0x3  }
0x33: {  	p0 =	seq.s32 s10, $0x1;
	s10 =	sld [smem:$0x3FB4];
	_ =	sdelay $0x3  }
0x34: {  	[smem:$0x3FB4] =	sst s10  }
0x35: {  	s10 =	sld [smem:$0x3FB3];
	_ =	sdelay $0x3  }
0x36: {  	p1 =	seq.s32 s10, $0x1;
	s10 =	sld [smem:$0x3FB4];
	_ =	sdelay $0x3  }
0x37: {  	[smem:$0x3FB4] =	sst s10  }
0x38: {  	s10 =	sld [smem:$0x3FB5]  }
0x39: {  	_ = 	snop;
	(pc) =	sbr.ind lr, $3  }
0x3a: {  	_ = 	snop  }
0x3b: {  	_ = 	snop  }
0x3c: {  	p2 =	seq.s32 s10, $0x1;
	s10 =	sld [smem:$0x3FB4]  }
0x3d: {  	_ =	shalt  }
0x3e: {  	_ =	shalt  }
0x3f: {  	_ =	shalt  }
0x40: {  	_ =	shalt  }
0x41: {  	_ =	shalt  }
0x42: {  	_ =	shalt  }
0x43: {  	_ =	shalt  }
0x44: {  	_ =	shalt  }
0x45: {  	_ =	shalt  }
0x46: {  	_ =	shalt  }
0x47: {  	_ =	shalt  }
0x48: {  	_ =	shalt  }
0x49: {  	_ =	shalt  }
0x4a: {  	_ =	shalt  }
0x4b: {  	_ =	shalt  }
0x4c: {  	_ =	shalt  }
0x4d: {  	_ =	shalt  }
0x4e: {  	_ =	shalt  }
0x4f: {  	_ =	shalt  }
0x50: {  	_ =	shalt  }
0x51: {  	_ =	shalt  }
0x52: {  	_ =	shalt  }
0x53: {  	_ =	shalt  }
0x54: {  	_ =	shalt  }
0x55: {  	_ =	shalt  }
0x56: {  	_ =	shalt  }
0x57: {  	_ =	shalt  }
0x58: {  	_ =	shalt  }
0x59: {  	_ =	shalt  }
0x5a: {  	_ =	shalt  }
0x5b: {  	_ =	shalt  }
0x5c: {  	_ =	shalt  }
0x5d: {  	_ =	shalt  }
0x5e: {  	_ =	shalt  }
0x5f: {  	_ =	shalt  }
0x60: {  	_ =	shalt  }
0x61: {  	_ =	shalt  }
0x62: {  	_ =	shalt  }
0x63: {  	_ =	shalt  }
0x64: {  	_ =	shalt  }
0x65: {  	_ =	shalt  }
0x66: {  	_ =	shalt  }
0x67: {  	_ =	shalt  }
0x68: {  	_ =	shalt  }
0x69: {  	_ =	shalt  }
0x6a: {  	_ =	shalt  }
0x6b: {  	_ =	shalt  }
0x6c: {  	_ =	shalt  }
0x6d: {  	_ =	shalt  }
0x6e: {  	_ =	shalt  }
0x6f: {  	_ =	shalt  }
0x70: {  	_ =	shalt  }
0x71: {  	_ =	shalt  }
0x72: {  	_ =	shalt  }
0x73: {  	_ =	shalt  }
0x74: {  	_ =	shalt  }
0x75: {  	_ =	shalt  }
0x76: {  	_ =	shalt  }
0x77: {  	_ =	shalt  }
0x78: {  	_ =	shalt  }
0x79: {  	_ =	shalt  }
0x7a: {  	_ =	shalt  }
0x7b: {  	_ =	shalt  }
0x7c: {  	_ =	shalt  }
0x7d: {  	_ =	shalt  }
0x7e: {  	_ =	shalt  }
0x7f: {  	_ =	shalt  }
0x80: {  	_ =	shalt  }
0x81: {  	_ =	shalt  }
0x82: {  	_ =	shalt  }
0x83: {  	_ =	shalt  }
0x84: {  	_ =	shalt  }
0x85: {  	_ =	shalt  }
0x86: {  	_ =	shalt  }
0x87: {  	_ =	shalt  }
.Lfunc_end0:
.L_simem_size_0:
called_computation.5_lowered:
.L_overlay_start_0:
0x88: {  	s2 =	sld [smem:$0x3FD9]  }
0x89: {  	s3 =	sld [smem:$0x3FFE];
	_ =	sdelay $0x1  }
0x8a: {  	s1 =	srdreg.scid  }
0x8b: {  	s0 =	sand.u32 $0x1, s1  }
0x8c: {  	s17 =	sshll.u32 s0, $0xA;
	s2 =	sadd.s32 s3, s2  }
0x8d: {  	s2 =	sadd.s32 s2, s17  }
0x8e: {  	[smem:$0x3FC0] =	sst s2  }
0x8f: {  	_ = 	snop  }
0x90: {  	s18 =	sld [smem:$0x3FD0];
	(tm) =	ssettm $0x1  }
0x91: {  	s19 =	sld [smem:$0x3FFB];
	_ =	sdelay $0x3  }
0x92: {  	_ =	strace s19  }
0x93: {  	s2 =	sld [smem:$0x3FFC];
	_ =	sdelay $0x3  }
0x94: {  	_ =	strace s2  }
0x95: {  	s2 =	sld [smem:$0x3FFD];
	_ =	sdelay $0x3  }
0x96: {  	_ =	strace s2  }
0x97: {  	_ =	strace $0x8FFFFFFF  }
0x98: {  	s20 =	sld [smem:$0x3FDB];
	_ =	sdelay $0x1  }
0x99: {  	s4 =	simm.s32 $_scs_section_size  }
0x9a: {  	s5 =	simm.s32 $_size__tile_overlayer_lowered;
	s6 =	simm.s32 $_tile_overlayer_lowered  }
0x9b: {  	s7 =	simm.s32 $0x1BFF;
	s21 =	sshll.u32 s6, $0x1;
	s4 =	sadd.s32 s4, s20  }
0x9c: {  	s22 =	simm.s32 $0x0;
	s5 =	sshll.u32 s5, $0x1;
	s6 =	sadd.s32 s21, s4  }
0x9d: {  	[timem:s22], [sflag:s7] =	dma.local [hbm:s6], s5  }
0x9e: {  	_ =	swait.ge [sflag:s7], s5  }
0x9f: {  	s5 =	ssub.s32 $0x0, s5;
	[sflag:s7] =	ssyncset.done $0x0  }
0xa0: {  	[sflag:s7] =	ssyncadd.s32 s5;
	_ =	sdelay $0x1  }
0xa1: {  	s23 =	simm.s32 $0x1B8B  }
0xa2: {  	_ =	swait.ge [sflag:s23], $0x1  }
0xa3: {  	[sflag:s23] =	ssyncset.done $0x0  }
0xa4: {  	[sflag:s23] =	ssyncadd.s32 $0xFFFFFFFF  }
0xa5: {  	s5 =	sld [smem:$0x0]  }
0xa6: {  	s6 =	sand.u32 $0xFFFFFFFE, s1  }
0xa7: {  	p0 =	sne.s32 s1, s6  }
0xa8: {  	s6 =	sshll.u32 @p0 s6, $0xE  }
0xa9: {  	s6 =	sadd.s32 @p0 $0x11B8D, s6;
	s7 =	sshll.u32 @p0 s5, $0x11  }
0xaa: {  	s6 =	sor.u32 @p0 s7, s6  }
0xab: {  	[sflag:s6] =	ssyncadd.remote.s32 @p0 $0x1;
	_ =	sdelay $0x1  }
0xac: {  	s6 =	simm.s32 @p0 $0x1B8D  }
0xad: {  	_ =	swait.eq @p0 [sflag:s6], $0x1  }
0xae: {  	[sflag:s6] =	ssyncadd.s32 @p0 $0xFFFFFFFF  }
0xaf: {  	s7 =	sshll.u32 @!p0 s1, $0xE  }
0xb0: {  	s7 =	sor.u32 @!p0 $0x4000, s7;
	s6 =	simm.s32 @!p0 $0x1B8D  }
0xb1: {  	s5 =	sshll.u32 @!p0 s5, $0x11;
	s7 =	sadd.s32 @!p0 $0x11B8D, s7;
	_ =	swait.eq @!p0 [sflag:s6], $0x1  }
0xb2: {  	s5 =	sor.u32 @!p0 s5, s7;
	[sflag:s6] =	ssyncadd.s32 @!p0 $0xFFFFFFFF  }
0xb3: {  	s25 =	simm.s32 $0x1B8E;
	s24 =	sld [smem:$0x3FFE];
	[sflag:s5] =	ssyncadd.remote.s32 @!p0 $0x1  }
0xb4: {  	s26 =	simm.s32 $execute0_lowered;
	[smem:$0x3FD2] =	sst s25  }
0xb5: {  	s6 =	sshll.u32 s26, $0x1;
	_ =	strace $0x8000004C;
	[dreg:$0x1] =	wrdreg $0xFFFFFFFF  }
0xb6: {  	s28 =	simm.s32 $_size_execute0_lowered;
	s4 =	sadd.s32 s4, s6;
	[dreg:$0x0] =	wrdreg $0x0  }
0xb7: {  	s6 =	sshll.u32 s28, $0x1;
	[dreg:$0x2] =	wrdreg s4  }
0xb8: {  	[dreg:$0x3] =	wrdreg s6  }
0xb9: {  	[dreg:$0x4] =	wrdreg $0xC0  }
0xba: {  	_ =	task [dreg:s22], $0x5FFFF  }
0xbb: {  	[dreg:$0x1] =	wrdreg $0xFFFFFFFF  }
0xbc: {  	[dreg:$0x0] =	wrdreg $0x60  }
0xbd: {  	[dreg:$0x2] =	wrdreg s18  }
0xbe: {  	[dreg:$0x3] =	wrdreg s24  }
0xbf: {  	[dreg:$0x4] =	wrdreg $0xE  }
0xc0: {  	_ =	task.clear_ibuf [dreg:s22], $0x5FFFF;
	_ =	strace $0x9000004C  }
0xc1: {  	s29 =	simm.s32 $0xE;
	_ =	strace $0x8000004E  }
0xc2: {  	_ =	swait.ge [sflag:s29], $0x1  }
0xc3: {  	[sflag:s29] =	ssyncadd.s32 $0xFFFFFFFF  }
0xc4: {  	_ =	strace $0x9000004E  }
0xc5: {  	_ =	sfence  }
0xc6: {  	s30 =	sld [smem:$0x0];
	_ =	sdelay $0x2  }
0xc7: {  	s31 =	sshll.u32 s1, $0xD;
	s1 =	sshrl.u32 s1, $0x2  }
0xc8: {  	s4 =	sand.u32 $0x4000, s31;
	s1 =	sadd.s32 s1, s30  }
0xc9: {  	s0 =	sor.u32 s4, s0;
	s1 =	sshll.u32 s1, $0x11  }
0xca: {  	s0 =	sor.u32 s1, s0  }
0xcb: {  	s0 =	sadd.s32 $0x8F2B, s0  }
0xcc: {  	[sflag:s0] =	ssyncadd.remote.s32 $0x1  }
0xcd: {  	_ =	sfence.sel $0xFFFF  }
0xce: {  	[dreg:$0x0] =	wrdreg $0xFFFFFFFF;
	(pc) =	sbr.abs _section_cstart, $3  }
0xcf: {  	[dreg:$0x1] =	wrdreg $0xFFFFFFFF  }
0xd0: {  	_ =	task.clear_ibuf [dreg:s22], $0x2FFFF;
	_ =	strace $0x9FFFFFFF  }
0xd1: {  	(tm) =	ssettm $0x7FFFFFFF  }
tec
execute0_lowered:
.L_overlay_start_1:
0x0: {  	(tag) =	ssettag $0x1  }
0x1: {  	s2 =	rddreg [dreg:$0x0]  }
0x2: {  	s0 =	rddreg [dreg:$0x1]  }
0x3: {  	s1 =	srdreg.scid;
	s4 =	stileid.u32;
	s3 =	simm.s32 $0x0  }
0x4: {  	s18 =	simm.s32 $0x3;
	s19 =	simm.s32 $0x40;
	s20 =	simm.s32 $0x80  }
0x5: {  	s21 =	simm.s32 $0x100;
	s22 =	simm.s32 $0xC0;
	s23 =	simm.s32 $0x2100  }
0x6: {  	s24 =	simm.s32 $0x1;
	s25 =	simm.s32 $0x1100;
	s26 =	simm.s32 $0x2  }
0x7: {  	s28 =	simm.s32 $0x3100;
	s29 =	simm.s32 $0x0;
	s1 =	sand.u32 $0x1, s1  }
0x8: {  	s4 =	sshll.u32 s4, $0x1;
	[smem:$0x7FF] =	sst s3;
	s5 =	sadd.s32 $0x49FC00, s0  }
0x9: {  	s13 =	sadd.s32 $0x49FC08, s0;
	s8 =	sor.u32 s1, s4;
	s1 =	ssub.s32 $0x2, s1  }
0xa: {  	_ =	strace $0x8000004D;
	s14 =	smul.u32 $0x640, s8;
	s6 =	sshrl.u32 s1, $0x1  }
0xb: {  	s4 =	sadd.s32 $0x626600, s0;
	s8 =	smul.u32 $0x32000, s8;
	s1 =	ssub.s32 s1, s6  }
0xc: {  	s6 =	sadd.s32 $0x19000, s14;
	s7 =	sadd.s32 $0x25800, s14;
	s10 =	sshrl.u32 s14, $0x3  }
.Ltmp0:
0xd: {  	s15 =	sshrl.u32 s8, $0x3;
	s14 =	sadd.s32 $0x40, s14;
	(pc) =	sbr.rel .LBB2_1-.Ltmp0, $4  }
0xe: {  	s17 =	smax.u32 s1, $0x1;
	s9 =	sshrl.u32 s6, $0x3;
	s11 =	sshrl.u32 s7, $0x3  }
0xf: {  	s12 =	sadd.s32 s2, s10;
	s31 =	sadd.s32 s5, s15;
	s9 =	sadd.s32 s2, s9  }
0x10: {  	v1 =	vlaneseq.u32;
	s10 =	sadd.s32 s2, s11;
	s11 =	sadd.s32 $0x3208, s12;
	s12 =	sadd.s32 $0x4B08, s12  }
0x11: {  	v0 =	vimm.s32 $0x0;
	v2 =	vimm.f32 $0.0e+00;
	v1 =	vmul.u32 $0x40, v1;
	s15 =	sadd.s32 $0x6000, s31;
	s16 =	sadd.s32 $0x6008, s31;
	[dreg:$0x3] =	wrdreg s9  }
.LBB2_22:
0x12: {  	[hbm4b:s15+s19] =	stream.strided.scatter [tilespmem:s21], [sflag:$0x3], $0x1000, s20, s19, $0x38;
	[tilespmem:$0x4100] =	vst v63  }
0x13: {  	s29 =	sadd.s32 $0x1, s29;
	_ =	swait.ge [sflag:s18], $0x1000  }
0x14: {  	p0 =	sne.s32 s29, s17;
	[sflag:s18] =	ssyncset.done $0x0  }
.Ltmp1:
0x15: {  	[sflag:s18] =	ssyncadd.s32 $0xFFFFF000;
	(pc) =	sbr.rel @!p0 .LBB2_23-.Ltmp1, $4  }
0x16: {  	[hbm4b:s16+s19] =	stream.strided.scatter [tilespmem:s25], [sflag:$0x3], $0x1000, s20, s19, $0x38;
	[tilespmem:$0x4100] =	vst v63  }
0x17: {  	_ =	swait.ge [sflag:s18], $0x1000  }
0x18: {  	[sflag:s18] =	ssyncset.done $0x0  }
0x19: {  	[sflag:s18] =	ssyncadd.s32 $0xFFFFF000  }
.LBB2_1:
0x1a: {  	s0 =	rddreg [dreg:$0x3]  }
0x1b: {  	[tilespmem:s3], [sflag:$0x3] =	stream.linear.gather [hbm4b:s0+s3], $0x40, $0x38;
	[tilespmem:$0x4100] =	vst v63  }
0x1c: {  	_ =	swait.ge [sflag:s18], $0x40  }
0x1d: {  	[sflag:s18] =	ssyncset.done $0x0  }
0x1e: {  	[sflag:s18] =	ssyncadd.s32 $0xFFFFFFC0  }
0x1f: {  	[tilespmem:s19], [sflag:$0x3] =	stream.linear.gather [hbm4b:s10+s3], $0x40, $0x38;
	[tilespmem:$0x4100] =	vst v63  }
0x20: {  	_ =	swait.ge [sflag:s18], $0x40  }
0x21: {  	[sflag:s18] =	ssyncset.done $0x0  }
0x22: {  	[sflag:s18] =	ssyncadd.s32 $0xFFFFFFC0  }
0x23: {  	[tilespmem:s21], [sflag:$0x1] =	stream.indirect.gather [hbm4b:s4+s20], $0x40, s3, s20, $0xb8;
	[tilespmem:$0x4100] =	vst v63  }
0x24: {  	_ = 	snop  }
0x25: {  	[tilespmem:s20], [sflag:$0x3] =	stream.linear.gather [hbm4b:s11+s3], $0x40, $0x38;
	[tilespmem:$0x4100] =	vst v63  }
0x26: {  	_ =	swait.ge [sflag:s18], $0x40  }
0x27: {  	[sflag:s18] =	ssyncset.done $0x0  }
0x28: {  	[sflag:s18] =	ssyncadd.s32 $0xFFFFFFC0  }
0x29: {  	[tilespmem:s22], [sflag:$0x3] =	stream.linear.gather [hbm4b:s12+s3], $0x40, $0x38;
	[tilespmem:$0x4100] =	vst v63  }
0x2a: {  	_ =	swait.ge [sflag:s18], $0x40  }
0x2b: {  	[sflag:s18] =	ssyncset.done $0x0  }
0x2c: {  	s30 =	simm.s32 $0x0;
	[sflag:s18] =	ssyncadd.s32 $0xFFFFFFC0  }
0x2d: {  	[tilespmem:s23], [sflag:$0x2] =	stream.indirect.gather [hbm4b:s4+s20], $0x40, s20, s20, $0xb8;
	[tilespmem:$0x4100] =	vst v63  }
.LBB2_2:
.Ltmp2:
0x2e: {  	(pc) =	sbr.rel .LBB2_3-.Ltmp2, $4  }
0x2f: {  	_ = 	snop  }
0x30: {  	_ =	swait.ge [sflag:s24], $0x2000  }
0x31: {  	[sflag:s24] =	ssyncset.done $0x0  }
0x32: {  	s0 =	simm.s32 $0x0;
	[sflag:s24] =	ssyncadd.s32 $0xFFFFE000  }
.LBB2_6:
0x33: {  	_ =	sdelay $0x4  }
0x34: {  	[tilespmem:v4+s21+$0x0] =	vst.idx.msk vm0, v2  }
.LBB2_7:
0x35: {  	s0 =	sadd.s32 $0x1, s0  }
0x36: {  	p0 =	sne.s32 s0, $0x8  }
.Ltmp3:
0x37: {  	_ = 	snop;
	(pc) =	sbr.rel @!p0 .LBB2_8-.Ltmp3, $1  }
0x38: {  	_ =	sdelay $0x3  }
.LBB2_3:
0x39: {  	s1 =	sshll.u32 s0, $0x4  }
0x3a: {  	v3 =	vld [tilespmem:s1+$0x0];
	_ =	sdelay $0x4  }
0x3b: {  	vm0 =	veq.s32 v3, $0x1869F  }
0x3c: {  	v3 =	vsel vm0, $0x1, v0  }
0x3d: {  	v3 =	vor.u32 $0x80000000, v3  }
0x3e: {  	(xrf0) =	vmax.scan.msk.u32 $0xffff, v3;
	_ =	sdelay $0x5  }
0x3f: {  	v3, _, _ =	vpop (xrf0)  }
0x40: {  	(v2sf) =	vpush v3, $0xF;
	_ =	sdelay $0xe  }
0x41: {  	s31 =	spop (v2sf)  }
0x42: {  	p0 =	slt.u32 s31, $0x80000001  }
.Ltmp4:
0x43: {  	_ = 	snop;
	(pc) =	sbr.rel @p0 .LBB2_7-.Ltmp4, $1  }
0x44: {  	_ =	sdelay $0x3  }
0x45: {  	s31 =	simm.s32 $0x0  }
0x46: {  	v3 =	vmov s31  }
0x47: {  	v4 =	vmov s1;
	v3 =	vand.u32 $0x3F, v3  }
0x48: {  	v4 =	vshll.u32 v4, $0x6;
	v5 =	vbroadcast v3, $0x0  }
0x49: {  	v3 =	vor.u32 v1, v4  }
0x4a: {  	s31 =	simm.s32 $0x1;
	v4 =	vor.u32 v3, v5  }
.LBB2_5:
0x4b: {  	p0 =	sne.s32 s31, $0x3F  }
.Ltmp5:
0x4c: {  	v5 =	vmov s31;
	s31 =	sadd.s32 $0x1, s31;
	(pc) =	sbr.rel @p0 .LBB2_5-.Ltmp5, $4  }
0x4d: {  	v5 =	vand.u32 $0x3F, v5  }
0x4e: {  	v5 =	vbroadcast v5, $0x0  }
0x4f: {  	[tilespmem:v4+s21+$0x0] =	vst.idx.msk vm0, v2  }
0x50: {  	v4 =	vor.u32 v3, v5  }
.Ltmp6:
0x51: {  	_ = 	snop;
	(pc) =	sbr.rel .LBB2_6-.Ltmp6, $1  }
0x52: {  	_ =	sdelay $0x3  }
.LBB2_8:
0x53: {  	s0 =	sshll.u32 s30, $0xE  }
0x54: {  	s0 =	sadd.s32 s8, s0  }
0x55: {  	s0 =	sshrl.u32 s0, $0x3  }
0x56: {  	s1 =	sadd.s32 s5, s0  }
0x57: {  	[hbm4b:s1+s19] =	stream.strided.scatter [tilespmem:s21], [sflag:$0x3], $0x1000, s20, s19, $0x38;
	[tilespmem:$0x4100] =	vst v63  }
0x58: {  	_ =	swait.ge [sflag:s18], $0x1000  }
0x59: {  	s31 =	sshll.u32 s30, $0x7;
	[sflag:s18] =	ssyncset.done $0x0  }
0x5a: {  	s0 =	sadd.s32 s0, s13;
	s1 =	sadd.s32 $0x80, s31;
	[sflag:s18] =	ssyncadd.s32 $0xFFFFF000  }
0x5b: {  	[hbm4b:s0+s19] =	stream.strided.scatter [tilespmem:s25], [sflag:$0x3], $0x1000, s20, s19, $0x38;
	[tilespmem:$0x4100] =	vst v63  }
0x5c: {  	s9 =	sadd.s32 s6, s1;
	_ =	swait.ge [sflag:s18], $0x1000  }
0x5d: {  	s0 =	sshrl.u32 s9, $0x3;
	[sflag:s18] =	ssyncset.done $0x0  }
0x5e: {  	s9 =	sadd.s32 s2, s0;
	s0 =	simm.s32 $0x0;
	[sflag:s18] =	ssyncadd.s32 $0xFFFFF000  }
0x5f: {  	[tilespmem:s0], [sflag:$0x3] =	stream.linear.gather [hbm4b:s9+s0], $0x40, $0x38;
	[tilespmem:$0x4100] =	vst v63  }
0x60: {  	s1 =	sadd.s32 s7, s1;
	_ =	swait.ge [sflag:s18], $0x40  }
0x61: {  	s1 =	sshrl.u32 s1, $0x3;
	[sflag:s18] =	ssyncset.done $0x0  }
0x62: {  	s1 =	sadd.s32 s2, s1;
	[sflag:s18] =	ssyncadd.s32 $0xFFFFFFC0  }
0x63: {  	[tilespmem:s19], [sflag:$0x3] =	stream.linear.gather [hbm4b:s1+s0], $0x40, $0x38;
	[tilespmem:$0x4100] =	vst v63  }
0x64: {  	_ =	swait.ge [sflag:s18], $0x40  }
0x65: {  	[sflag:s18] =	ssyncset.done $0x0  }
.Ltmp7:
0x66: {  	[sflag:s18] =	ssyncadd.s32 $0xFFFFFFC0;
	(pc) =	sbr.rel .LBB2_9-.Ltmp7, $4  }
0x67: {  	[tilespmem:s21], [sflag:$0x1] =	stream.indirect.gather [hbm4b:s4+s20], $0x40, s0, s20, $0xb8;
	[tilespmem:$0x4100] =	vst v63  }
0x68: {  	_ =	swait.ge [sflag:s26], $0x2000  }
0x69: {  	[sflag:s26] =	ssyncset.done $0x0  }
0x6a: {  	[sflag:s26] =	ssyncadd.s32 $0xFFFFE000  }
.LBB2_12:
0x6b: {  	_ =	sdelay $0x4  }
0x6c: {  	[tilespmem:v4+s23+$0x0] =	vst.idx.msk vm0, v2  }
.LBB2_13:
0x6d: {  	s0 =	sadd.s32 $0x1, s0  }
0x6e: {  	p0 =	sne.s32 s0, $0x8  }
.Ltmp8:
0x6f: {  	_ = 	snop;
	(pc) =	sbr.rel @!p0 .LBB2_14-.Ltmp8, $1  }
0x70: {  	_ =	sdelay $0x3  }
.LBB2_9:
0x71: {  	s1 =	sshll.u32 s0, $0x4  }
0x72: {  	v3 =	vld [tilespmem:s1+$0x80];
	_ =	sdelay $0x4  }
0x73: {  	vm0 =	veq.s32 v3, $0x1869F  }
0x74: {  	v3 =	vsel vm0, $0x1, v0  }
0x75: {  	v3 =	vor.u32 $0x80000000, v3  }
0x76: {  	(xrf0) =	vmax.scan.msk.u32 $0xffff, v3;
	_ =	sdelay $0x5  }
0x77: {  	v3, _, _ =	vpop (xrf0)  }
0x78: {  	(v2sf) =	vpush v3, $0xF;
	_ =	sdelay $0xe  }
0x79: {  	s9 =	spop (v2sf)  }
0x7a: {  	p0 =	slt.u32 s9, $0x80000001  }
.Ltmp9:
0x7b: {  	_ = 	snop;
	(pc) =	sbr.rel @p0 .LBB2_13-.Ltmp9, $1  }
0x7c: {  	_ =	sdelay $0x3  }
0x7d: {  	s9 =	simm.s32 $0x0  }
0x7e: {  	v3 =	vmov s9  }
0x7f: {  	v4 =	vmov s1;
	v3 =	vand.u32 $0x3F, v3  }
0x80: {  	v4 =	vshll.u32 v4, $0x6;
	v5 =	vbroadcast v3, $0x0  }
0x81: {  	v3 =	vor.u32 v1, v4  }
0x82: {  	s1 =	simm.s32 $0x1;
	v4 =	vor.u32 v3, v5  }
.LBB2_11:
0x83: {  	p0 =	sne.s32 s1, $0x3F  }
.Ltmp10:
0x84: {  	v5 =	vmov s1;
	s1 =	sadd.s32 $0x1, s1;
	(pc) =	sbr.rel @p0 .LBB2_11-.Ltmp10, $4  }
0x85: {  	v5 =	vand.u32 $0x3F, v5  }
0x86: {  	v5 =	vbroadcast v5, $0x0  }
0x87: {  	[tilespmem:v4+s23+$0x0] =	vst.idx.msk vm0, v2  }
0x88: {  	v4 =	vor.u32 v3, v5  }
.Ltmp11:
0x89: {  	_ = 	snop;
	(pc) =	sbr.rel .LBB2_12-.Ltmp11, $1  }
0x8a: {  	_ =	sdelay $0x3  }
.LBB2_14:
0x8b: {  	s0 =	sadd.s32 s31, s14  }
0x8c: {  	s0 =	sshll.u32 s0, $0x4  }
0x8d: {  	s1 =	sadd.s32 s5, s0  }
0x8e: {  	[hbm4b:s1+s19] =	stream.strided.scatter [tilespmem:s23], [sflag:$0x3], $0x1000, s20, s19, $0x38;
	[tilespmem:$0x4100] =	vst v63  }
0x8f: {  	_ =	swait.ge [sflag:s18], $0x1000  }
0x90: {  	p0 =	seq.s32 s30, $0xB;
	[sflag:s18] =	ssyncset.done $0x0  }
.Ltmp12:
0x91: {  	s0 =	sadd.s32 s0, s13;
	[sflag:s18] =	ssyncadd.s32 $0xFFFFF000;
	(pc) =	sbr.rel @p0 .LBB2_16-.Ltmp12, $4  }
0x92: {  	[hbm4b:s0+s19] =	stream.strided.scatter [tilespmem:s28], [sflag:$0x3], $0x1000, s20, s19, $0x38;
	[tilespmem:$0x4100] =	vst v63  }
0x93: {  	_ =	swait.ge [sflag:s18], $0x1000  }
0x94: {  	[sflag:s18] =	ssyncset.done $0x0  }
0x95: {  	[sflag:s18] =	ssyncadd.s32 $0xFFFFF000  }
0x96: {  	s0 =	sadd.s32 $0xC0, s31  }
0x97: {  	s1 =	sadd.s32 s6, s0  }
0x98: {  	s1 =	sshrl.u32 s1, $0x3  }
0x99: {  	s1 =	sadd.s32 s2, s1  }
0x9a: {  	[tilespmem:s20], [sflag:$0x3] =	stream.linear.gather [hbm4b:s1+s3], $0x40, $0x38;
	[tilespmem:$0x4100] =	vst v63  }
0x9b: {  	s0 =	sadd.s32 s7, s0;
	_ =	swait.ge [sflag:s18], $0x40  }
0x9c: {  	s0 =	sshrl.u32 s0, $0x3;
	[sflag:s18] =	ssyncset.done $0x0  }
0x9d: {  	s0 =	sadd.s32 s2, s0;
	[sflag:s18] =	ssyncadd.s32 $0xFFFFFFC0  }
0x9e: {  	[tilespmem:s22], [sflag:$0x3] =	stream.linear.gather [hbm4b:s0+s3], $0x40, $0x38;
	[tilespmem:$0x4100] =	vst v63  }
.Ltmp13:
0x9f: {  	_ = 	snop;
	(pc) =	sbr.rel .LBB2_2-.Ltmp13, $4  }
0xa0: {  	_ =	swait.ge [sflag:s18], $0x40  }
0xa1: {  	[sflag:s18] =	ssyncset.done $0x0  }
0xa2: {  	s30 =	sadd.s32 $0x1, s30;
	[sflag:s18] =	ssyncadd.s32 $0xFFFFFFC0  }
0xa3: {  	[tilespmem:s23], [sflag:$0x2] =	stream.indirect.gather [hbm4b:s4+s20], $0x40, s20, s20, $0xb8;
	[tilespmem:$0x4100] =	vst v63  }
.LBB2_16:
.Ltmp14:
0xa4: {  	(pc) =	sbr.rel .LBB2_17-.Ltmp14, $4  }
0xa5: {  	_ = 	snop  }
0xa6: {  	_ =	swait.ge [sflag:s24], $0x2000  }
0xa7: {  	[sflag:s24] =	ssyncset.done $0x0  }
0xa8: {  	s0 =	simm.s32 $0x0;
	[sflag:s24] =	ssyncadd.s32 $0xFFFFE000  }
.LBB2_21:
0xa9: {  	s0 =	sadd.s32 $0x1, s0  }
0xaa: {  	p0 =	sne.s32 s0, $0x8  }
.Ltmp15:
0xab: {  	_ = 	snop;
	(pc) =	sbr.rel @!p0 .LBB2_22-.Ltmp15, $1  }
0xac: {  	_ =	sdelay $0x3  }
.LBB2_17:
0xad: {  	s1 =	sshll.u32 s0, $0x4  }
0xae: {  	v3 =	vld [tilespmem:s1+$0x0];
	_ =	sdelay $0x4  }
0xaf: {  	vm0 =	veq.s32 v3, $0x1869F  }
0xb0: {  	v3 =	vsel vm0, $0x1, v0  }
0xb1: {  	v3 =	vor.u32 $0x80000000, v3  }
0xb2: {  	(xrf0) =	vmax.scan.msk.u32 $0xffff, v3;
	_ =	sdelay $0x5  }
0xb3: {  	v3, _, _ =	vpop (xrf0)  }
0xb4: {  	(v2sf) =	vpush v3, $0xF;
	_ =	sdelay $0xe  }
0xb5: {  	s9 =	spop (v2sf)  }
0xb6: {  	p0 =	slt.u32 s9, $0x80000001  }
.Ltmp16:
0xb7: {  	_ = 	snop;
	(pc) =	sbr.rel @p0 .LBB2_21-.Ltmp16, $1  }
0xb8: {  	_ =	sdelay $0x3  }
0xb9: {  	s9 =	simm.s32 $0x0  }
0xba: {  	v3 =	vmov s9  }
0xbb: {  	v4 =	vmov s1;
	v3 =	vand.u32 $0x3F, v3  }
0xbc: {  	v4 =	vshll.u32 v4, $0x6;
	v5 =	vbroadcast v3, $0x0  }
0xbd: {  	v3 =	vor.u32 v1, v4  }
0xbe: {  	s1 =	simm.s32 $0x1;
	v4 =	vor.u32 v3, v5  }
.LBB2_19:
0xbf: {  	p0 =	sne.s32 s1, $0x3F  }
.Ltmp17:
0xc0: {  	v5 =	vmov s1;
	s1 =	sadd.s32 $0x1, s1;
	(pc) =	sbr.rel @p0 .LBB2_19-.Ltmp17, $4  }
0xc1: {  	v5 =	vand.u32 $0x3F, v5  }
0xc2: {  	v5 =	vbroadcast v5, $0x0  }
0xc3: {  	[tilespmem:v4+s21+$0x0] =	vst.idx.msk vm0, v2  }
0xc4: {  	v4 =	vor.u32 v3, v5  }
0xc5: {  	_ = 	snop  }
.Ltmp18:
0xc6: {  	_ = 	snop;
	(pc) =	sbr.rel .LBB2_21-.Ltmp18, $2  }
0xc7: {  	_ =	sdelay $0x2  }
0xc8: {  	[tilespmem:v4+s21+$0x0] =	vst.idx.msk vm0, v2  }
.LBB2_23:
0xc9: {  	_ =	sfence.sel $0x180000  }
0xca: {  	[bflag:$0x0] =	sbarrier.arrive $0xFFFF  }
0xcb: {  	_ =	strace $0x9000004D  }
0xcc: {  	s0 =	stileid.u32;
	[bflag:$0x2] =	sbarrier.arrive $0xFFFF  }
0xcd: {  	p0 =	sne.s32 s0, $0x0;
	s0 =	rddreg [dreg:$0x2]  }
0xce: {  	s0 =	sadd.s32 @!p0 $0x100000, s0  }
0xcf: {  	[sflag:s0] =	ssyncadd.tile.s32 @!p0 $0x1;
	_ =	shalt  }
.Lfunc_end2:
_tile_overlayer_lowered:
.L_overlay_start_2:
0xd0: {  	(tag) =	ssettag $0x2  }
0xd1: {  	s0 =	rddreg [dreg:$0x0];
	s2 =	stileid.u32  }
0xd2: {  	s1 =	rddreg [dreg:$0x1];
	p0 =	sne.s32 s2, $0x0  }
0xd3: {  	s3 =	rddreg [dreg:$0x2];
	[bflag:$0x3] =	sbarrier.arrive $0xFFFF;
	s2 =	simm.s32 @!p0 $0x1C03  }
0xd4: {  	[timem:s3], [sflag:s2] =	dma.local @!p0 [hbm:s0], s1  }
0xd5: {  	s0 =	simm.s32 @!p0 $0x3  }
0xd6: {  	_ =	swait.ge @!p0 [sflag:s0], s1  }
0xd7: {  	s1 =	ssub.s32 @!p0 $0x0, s1;
	[sflag:s0] =	ssyncset.done @!p0 $0x0  }
0xd8: {  	[sflag:s0] =	ssyncadd.s32 @!p0 s1  }
0xd9: {  	[bflag:$0x3] =	sbarrier.arrive $0xFFFF  }
0xda: {  	_ =	shalt  }

</sc_bundles>
